<compile_context>
chip_gen: v7x
topology: tpu7x:2x2x1
jax: 0.10.2.dev20260603
libtpu: 0.0.44.dev20260713+nightly
codegen_flags: <defaults>
</compile_context>

<pallas_src>
import functools

import jax
import jax.numpy as jnp
from jax import lax
from jax.experimental import pallas as pl
from jax.experimental.pallas import tpu as pltpu
from jax.experimental.pallas import tpu_sc as plsc

D_VOCAB = 1000000
D_EMB = 32
SCALE = float(D_EMB) ** 0.5

_NC = 2
_NS = 16
_NW = _NC * _NS

_B = 4096 * 200
_B_PER_W = _B // _NW
_CHUNK = 512
_N_CHUNKS = _B_PER_W // _CHUNK
_DEPTH = 6

_mesh = plsc.VectorSubcoreMesh(core_axis_name="c", subcore_axis_name="s")


@functools.partial(
    pl.kernel,
    mesh=_mesh,
    compiler_params=pltpu.CompilerParams(use_tc_tiling_on_sc=False),
    out_type=jax.ShapeDtypeStruct((_B, 128), jnp.float32),
    scratch_types=(
        [pltpu.VMEM((_B_PER_W,), jnp.int32)]
        + [pltpu.VMEM((_CHUNK, 32), jnp.float32) for _ in range(_DEPTH)]
        + [pltpu.SemaphoreType.DMA for _ in range(2 * _DEPTH)]
    ),
)
def _embed_sc(idx_hbm, table_hbm, out_hbm, idx_v, *bufs_and_sems):
    rows = bufs_and_sems[:_DEPTH]
    gsem = bufs_and_sems[_DEPTH:2 * _DEPTH]
    ssem = bufs_and_sems[2 * _DEPTH:]
    wid = lax.axis_index("s") * _NC + lax.axis_index("c")
    base = wid * _B_PER_W
    pltpu.sync_copy(idx_hbm.at[pl.ds(base, _B_PER_W)], idx_v)

    def start_gather(c, p):
        return pltpu.async_copy(
            table_hbm.at[idx_v.at[pl.ds(c * _CHUNK, _CHUNK)]], rows[p],
            gsem[p])

    def scale_buf(p):
        def body(i, carry):
            rows[p][i, pl.ds(0, 16)] = rows[p][i, pl.ds(0, 16)] * SCALE
            rows[p][i, pl.ds(16, 16)] = rows[p][i, pl.ds(16, 16)] * SCALE
            return carry

        lax.fori_loop(0, _CHUNK, body, 0)

    gathers = [None] * _DEPTH
    stores = [None] * _DEPTH
    for c in range(_N_CHUNKS + _DEPTH - 1):
        if c < _N_CHUNKS:
            p = c % _DEPTH
            if stores[p] is not None:
                stores[p].wait()
                stores[p] = None
            gathers[p] = start_gather(c, p)
        d = c - (_DEPTH - 1)
        if d >= 0:
            q = d % _DEPTH
            gathers[q].wait()
            scale_buf(q)
            stores[q] = pltpu.async_copy(
                rows[q],
                out_hbm.at[pl.ds(base + d * _CHUNK, _CHUNK), pl.ds(0, 32)],
                ssem[q])
    for q in range(_DEPTH):
        if stores[q] is not None:
            stores[q].wait()


def kernel(tokens, W):
    idx = tokens.reshape(-1).astype(jnp.int32)
    out128 = _embed_sc(idx, W)
    return out128.reshape(4096, 200, 128)[:, :, :D_EMB]

# --- scband reference (transcript-rebuilt; emitter-appended) ---
"""Pipeline reference for scband-embed-18056042513010 (READ-ONLY COPY).

The authoritative reference and input builder live on the scoring server;
editing this copy changes nothing except your own understanding.
"""

import jax, jax.numpy as jnp
import numpy as np

D_VOCAB = 1000000
D_EMB = 32

def setup_inputs(seed: int = 0) -> dict:
    key = jax.random.key(seed)
    k1, k2 = jax.random.split(key)
    tokens = jax.random.randint(k1, (4096, 200), 0, D_VOCAB, dtype=jnp.int64 if jax.config.jax_enable_x64 else jnp.int32)
    W = jax.random.normal(k2, (D_VOCAB, D_EMB), dtype=jnp.float32) * 0.02
    return {"tokens": tokens, "W": W}

def reference(tokens, W):
    # Embed.forward: self.W[tokens] * self.d_embedding ** 0.5
    emb = jnp.take(W, tokens, axis=0)
    return emb * (D_EMB ** 0.5)

if __name__ == "__main__":
    import jax
    _d = setup_inputs()
    print(jax.jit(kernel)(*tuple(_d.values())))

</pallas_src>

<mosaic_0001>
#map = affine_map<(d0, d1) -> (0)>
#map1 = affine_map<(d0, d1) -> (0, 0)>
module attributes {stable_mosaic.version = 14 : i64} {
  func.func @_embed_sc(%arg0: i32, %arg1: i32, %arg2: memref<819200xi32, #tpu.memory_space<hbm>>, %arg3: memref<1000000x32xf32, #tpu.memory_space<hbm>>, %arg4: memref<819200x128xf32, #tpu.memory_space<hbm>>, %arg5: memref<25600xi32, #tpu.memory_space<vmem>>, %arg6: memref<512x32xf32, #tpu.memory_space<vmem>>, %arg7: memref<512x32xf32, #tpu.memory_space<vmem>>, %arg8: memref<512x32xf32, #tpu.memory_space<vmem>>, %arg9: memref<512x32xf32, #tpu.memory_space<vmem>>, %arg10: memref<512x32xf32, #tpu.memory_space<vmem>>, %arg11: memref<512x32xf32, #tpu.memory_space<vmem>>, %arg12: memref<!tpu.dma_semaphore, #tpu.memory_space<semaphore_mem>>, %arg13: memref<!tpu.dma_semaphore, #tpu.memory_space<semaphore_mem>>, %arg14: memref<!tpu.dma_semaphore, #tpu.memory_space<semaphore_mem>>, %arg15: memref<!tpu.dma_semaphore, #tpu.memory_space<semaphore_mem>>, %arg16: memref<!tpu.dma_semaphore, #tpu.memory_space<semaphore_mem>>, %arg17: memref<!tpu.dma_semaphore, #tpu.memory_space<semaphore_mem>>, %arg18: memref<!tpu.dma_semaphore, #tpu.memory_space<semaphore_mem>>, %arg19: memref<!tpu.dma_semaphore, #tpu.memory_space<semaphore_mem>>, %arg20: memref<!tpu.dma_semaphore, #tpu.memory_space<semaphore_mem>>, %arg21: memref<!tpu.dma_semaphore, #tpu.memory_space<semaphore_mem>>, %arg22: memref<!tpu.dma_semaphore, #tpu.memory_space<semaphore_mem>>, %arg23: memref<!tpu.dma_semaphore, #tpu.memory_space<semaphore_mem>>) attributes {dimension_semantics = [#tpu.dimension_semantics<core_parallel>, #tpu.dimension_semantics<subcore_parallel>], iteration_bounds = array<i64: 2, 16>, scalar_prefetch = 0 : i64, scratch_operands = 19 : i64, tpu.core_type = #tpu.core_type<sc_vector_subcore>, window_params = [{transform_indices = #map}, {transform_indices = #map1}, {transform_indices = #map1}]} {
    %mul3A = arith.constant 2 : i32
    %mul3A_0 = arith.muli %arg1, %mul3A : i32
    %add3A = arith.addi %mul3A_0, %arg0 : i32
    %mul3A_1 = arith.constant 25600 : i32
    %mul3A_2 = arith.muli %add3A, %mul3A_1 : i32
    "tpu.region"() ({
      %run_scoped3A = tpu.sem_alloc : memref<!tpu.dma_semaphore, #tpu.memory_space<semaphore_mem>>
      %dma_start3A_1300 = tpu.memref_slice %arg2[%mul3A_2] : memref<819200xi32, #tpu.memory_space<hbm>> -> memref<25600xi32, #tpu.memory_space<hbm>>
      %dma_start3A_1301 = tpu.memref_slice %arg2[%mul3A_2] : memref<819200xi32, #tpu.memory_space<hbm>> -> memref<25600xi32, #tpu.memory_space<hbm>>
      tpu.enqueue_dma source(%dma_start3A_1301 : memref<25600xi32, #tpu.memory_space<hbm>>) target(%arg5 : memref<25600xi32, #tpu.memory_space<vmem>>) target_semaphore(%run_scoped3A : memref<!tpu.dma_semaphore, #tpu.memory_space<semaphore_mem>>)
      %dma_wait3A_1302 = tpu.memref_slice %arg2[%mul3A_2] : memref<819200xi32, #tpu.memory_space<hbm>> -> memref<25600xi32, #tpu.memory_space<hbm>>
      %dma_wait3A_1303 = tpu.memref_slice %arg2[%mul3A_2] : memref<819200xi32, #tpu.memory_space<hbm>> -> memref<25600xi32, #tpu.memory_space<hbm>>
      tpu.wait_dma2 semaphore(%run_scoped3A : memref<!tpu.dma_semaphore, #tpu.memory_space<semaphore_mem>>) src(%dma_wait3A_1303 : memref<25600xi32, #tpu.memory_space<hbm>>) dst(%arg5 : memref<25600xi32, #tpu.memory_space<vmem>>)
      tpu.yield
    }) : () -> ()
    %dma_start3A = arith.constant 0 : i32
    %dma_start3A_3 = tpu.memref_slice %arg5[%dma_start3A] : memref<25600xi32, #tpu.memory_space<vmem>> -> memref<512xi32, #tpu.memory_space<vmem>>
    %dma_start3A_4 = arith.constant 0 : i32
    %dma_start3A_5 = arith.constant 0 : i32
    %dma_start3A_6 = tpu.memref_slice %arg3[%dma_start3A_4, %dma_start3A_5] : memref<1000000x32xf32, #tpu.memory_space<hbm>> -> memref<1000000x32xf32, #tpu.memory_space<hbm>>
    tpu.enqueue_indirect_dma source(%dma_start3A_6 : memref<1000000x32xf32, #tpu.memory_space<hbm>>) target(%arg6 : memref<512x32xf32, #tpu.memory_space<vmem>>) offsets(%dma_start3A_3 : memref<512xi32, #tpu.memory_space<vmem>>) semaphore(%arg12 : memref<!tpu.dma_semaphore, #tpu.memory_space<semaphore_mem>>)
    %dma_start3A_7 = arith.constant 512 : i32
    %dma_start3A_8 = tpu.memref_slice %arg5[%dma_start3A_7] : memref<25600xi32, #tpu.memory_space<vmem>> -> memref<512xi32, #tpu.memory_space<vmem>>
    %dma_start3A_9 = arith.constant 0 : i32
    %dma_start3A_10 = arith.constant 0 : i32
    %dma_start3A_11 = tpu.memref_slice %arg3[%dma_start3A_9, %dma_start3A_10] : memref<1000000x32xf32, #tpu.memory_space<hbm>> -> memref<1000000x32xf32, #tpu.memory_space<hbm>>
    tpu.enqueue_indirect_dma source(%dma_start3A_11 : memref<1000000x32xf32, #tpu.memory_space<hbm>>) target(%arg7 : memref<512x32xf32, #tpu.memory_space<vmem>>) offsets(%dma_start3A_8 : memref<512xi32, #tpu.memory_space<vmem>>) semaphore(%arg13 : memref<!tpu.dma_semaphore, #tpu.memory_space<semaphore_mem>>)
    %dma_start3A_12 = arith.constant 1024 : i32
    %dma_start3A_13 = tpu.memref_slice %arg5[%dma_start3A_12] : memref<25600xi32, #tpu.memory_space<vmem>> -> memref<512xi32, #tpu.memory_space<vmem>>
    %dma_start3A_14 = arith.constant 0 : i32
    %dma_start3A_15 = arith.constant 0 : i32
    %dma_start3A_16 = tpu.memref_slice %arg3[%dma_start3A_14, %dma_start3A_15] : memref<1000000x32xf32, #tpu.memory_space<hbm>> -> memref<1000000x32xf32, #tpu.memory_space<hbm>>
    tpu.enqueue_indirect_dma source(%dma_start3A_16 : memref<1000000x32xf32, #tpu.memory_space<hbm>>) target(%arg8 : memref<512x32xf32, #tpu.memory_space<vmem>>) offsets(%dma_start3A_13 : memref<512xi32, #tpu.memory_space<vmem>>) semaphore(%arg14 : memref<!tpu.dma_semaphore, #tpu.memory_space<semaphore_mem>>)
    %dma_start3A_17 = arith.constant 1536 : i32
    %dma_start3A_18 = tpu.memref_slice %arg5[%dma_start3A_17] : memref<25600xi32, #tpu.memory_space<vmem>> -> memref<512xi32, #tpu.memory_space<vmem>>
    %dma_start3A_19 = arith.constant 0 : i32
    %dma_start3A_20 = arith.constant 0 : i32
    %dma_start3A_21 = tpu.memref_slice %arg3[%dma_start3A_19, %dma_start3A_20] : memref<1000000x32xf32, #tpu.memory_space<hbm>> -> memref<1000000x32xf32, #tpu.memory_space<hbm>>
    tpu.enqueue_indirect_dma source(%dma_start3A_21 : memref<1000000x32xf32, #tpu.memory_space<hbm>>) target(%arg9 : memref<512x32xf32, #tpu.memory_space<vmem>>) offsets(%dma_start3A_18 : memref<512xi32, #tpu.memory_space<vmem>>) semaphore(%arg15 : memref<!tpu.dma_semaphore, #tpu.memory_space<semaphore_mem>>)
    %dma_start3A_22 = arith.constant 2048 : i32
    %dma_start3A_23 = tpu.memref_slice %arg5[%dma_start3A_22] : memref<25600xi32, #tpu.memory_space<vmem>> -> memref<512xi32, #tpu.memory_space<vmem>>
    %dma_start3A_24 = arith.constant 0 : i32
    %dma_start3A_25 = arith.constant 0 : i32
    %dma_start3A_26 = tpu.memref_slice %arg3[%dma_start3A_24, %dma_start3A_25] : memref<1000000x32xf32, #tpu.memory_space<hbm>> -> memref<1000000x32xf32, #tpu.memory_space<hbm>>
    tpu.enqueue_indirect_dma source(%dma_start3A_26 : memref<1000000x32xf32, #tpu.memory_space<hbm>>) target(%arg10 : memref<512x32xf32, #tpu.memory_space<vmem>>) offsets(%dma_start3A_23 : memref<512xi32, #tpu.memory_space<vmem>>) semaphore(%arg16 : memref<!tpu.dma_semaphore, #tpu.memory_space<semaphore_mem>>)
    %dma_start3A_27 = arith.constant 2560 : i32
    %dma_start3A_28 = tpu.memref_slice %arg5[%dma_start3A_27] : memref<25600xi32, #tpu.memory_space<vmem>> -> memref<512xi32, #tpu.memory_space<vmem>>
    %dma_start3A_29 = arith.constant 0 : i32
    %dma_start3A_30 = arith.constant 0 : i32
    %dma_start3A_31 = tpu.memref_slice %arg3[%dma_start3A_29, %dma_start3A_30] : memref<1000000x32xf32, #tpu.memory_space<hbm>> -> memref<1000000x32xf32, #tpu.memory_space<hbm>>
    tpu.enqueue_indirect_dma source(%dma_start3A_31 : memref<1000000x32xf32, #tpu.memory_space<hbm>>) target(%arg11 : memref<512x32xf32, #tpu.memory_space<vmem>>) offsets(%dma_start3A_28 : memref<512xi32, #tpu.memory_space<vmem>>) semaphore(%arg17 : memref<!tpu.dma_semaphore, #tpu.memory_space<semaphore_mem>>)
    %dma_wait3A = arith.constant 0 : i32
    %dma_wait3A_32 = tpu.memref_slice %arg5[%dma_wait3A] : memref<25600xi32, #tpu.memory_space<vmem>> -> memref<512xi32, #tpu.memory_space<vmem>>
    %dma_wait3A_33 = arith.constant 0 : i32
    %dma_wait3A_34 = arith.constant 0 : i32
    %dma_wait3A_35 = tpu.memref_slice %arg3[%dma_wait3A_33, %dma_wait3A_34] : memref<1000000x32xf32, #tpu.memory_space<hbm>> -> memref<1000000x32xf32, #tpu.memory_space<hbm>>
    tpu.wait_indirect_dma semaphore(%arg12 : memref<!tpu.dma_semaphore, #tpu.memory_space<semaphore_mem>>) src(%dma_wait3A_35 : memref<1000000x32xf32, #tpu.memory_space<hbm>>) dst(%arg6 : memref<512x32xf32, #tpu.memory_space<vmem>>)
    %scan3A = arith.constant 0 : i32
    %scan3A_36 = arith.constant 0 : i32
    %scan3A_37 = arith.constant 512 : i32
    %scan3A_38 = arith.addi %scan3A_36, %scan3A_37 : i32
    %scan3A_39 = arith.constant 1 : i32
    scf.for %scan3A_1300 = %scan3A_36 to %scan3A_38 step %scan3A_39  : i32 {
      %get3A = arith.index_cast %scan3A_1300 : i32 to index
      %get3A_1301 = arith.constant 0 : index
      %get3A_1302 = tpu.vector_load %arg6[%get3A, %get3A_1301] {strides = array<i32>} : memref<512x32xf32, #tpu.memory_space<vmem>>, vector<1x16xf32>,
      %get3A_1303 = vector.shape_cast %get3A_1302 : vector<1x16xf32> to vector<16xf32>
      %mul3A_1304 = arith.constant 5.65685415 : f32
      %mul3A_1305 = vector.broadcast %mul3A_1304 : f32 to vector<16xf32>
      %mul3A_1306 = arith.mulf %get3A_1303, %mul3A_1305 : vector<16xf32>
      %swap3A = arith.index_cast %scan3A_1300 : i32 to index
      %swap3A_1307 = arith.constant 0 : index
      %swap3A_1308 = tpu.vector_load %arg6[%swap3A, %swap3A_1307] {strides = array<i32>} : memref<512x32xf32, #tpu.memory_space<vmem>>, vector<1x16xf32>,
      %swap3A_1309 = vector.shape_cast %swap3A_1308 : vector<1x16xf32> to vector<16xf32>
      %swap3A_1310 = vector.shape_cast %mul3A_1306 : vector<16xf32> to vector<1x16xf32>
      tpu.vector_store %arg6[%swap3A, %swap3A_1307], %swap3A_1310 {strides = array<i32>} : memref<512x32xf32, #tpu.memory_space<vmem>>, vector<1x16xf32>,
      %get3A_1311 = arith.index_cast %scan3A_1300 : i32 to index
      %get3A_1312 = arith.constant 16 : index
      %get3A_1313 = tpu.vector_load %arg6[%get3A_1311, %get3A_1312] {strides = array<i32>} : memref<512x32xf32, #tpu.memory_space<vmem>>, vector<1x16xf32>,
      %get3A_1314 = vector.shape_cast %get3A_1313 : vector<1x16xf32> to vector<16xf32>
      %mul3A_1315 = arith.constant 5.65685415 : f32
      %mul3A_1316 = vector.broadcast %mul3A_1315 : f32 to vector<16xf32>
      %mul3A_1317 = arith.mulf %get3A_1314, %mul3A_1316 : vector<16xf32>
      %swap3A_1318 = arith.index_cast %scan3A_1300 : i32 to index
      %swap3A_1319 = arith.constant 16 : index
      %swap3A_1320 = tpu.vector_load %arg6[%swap3A_1318, %swap3A_1319] {strides = array<i32>} : memref<512x32xf32, #tpu.memory_space<vmem>>, vector<1x16xf32>,
      %swap3A_1321 = vector.shape_cast %swap3A_1320 : vector<1x16xf32> to vector<16xf32>
      %swap3A_1322 = vector.shape_cast %mul3A_1317 : vector<16xf32> to vector<1x16xf32>
      tpu.vector_store %arg6[%swap3A_1318, %swap3A_1319], %swap3A_1322 {strides = array<i32>} : memref<512x32xf32, #tpu.memory_space<vmem>>, vector<1x16xf32>,
    }
    %scan3A_40 = arith.constant 512 : i32
    %add3A_41 = arith.constant 0 : i32
    %add3A_42 = arith.addi %mul3A_2, %add3A_41 : i32
    %dma_start3A_43 = arith.constant 0 : i32
    %dma_start3A_44 = tpu.memref_slice %arg4[%add3A_42, %dma_start3A_43] : memref<819200x128xf32, #tpu.memory_space<hbm>> -> memref<512x32xf32, #tpu.memory_space<hbm>>
    %dma_start3A_45 = arith.constant 0 : i32
    %dma_start3A_46 = tpu.memref_slice %arg4[%add3A_42, %dma_start3A_45] : memref<819200x128xf32, #tpu.memory_space<hbm>> -> memref<512x32xf32, #tpu.memory_space<hbm>>
    tpu.enqueue_dma source(%arg6 : memref<512x32xf32, #tpu.memory_space<vmem>>) target(%dma_start3A_46 : memref<512x32xf32, #tpu.memory_space<hbm>>) target_semaphore(%arg18 : memref<!tpu.dma_semaphore, #tpu.memory_space<semaphore_mem>>)
    %dma_wait3A_47 = arith.constant 0 : i32
    %dma_wait3A_48 = tpu.memref_slice %arg4[%add3A_42, %dma_wait3A_47] : memref<819200x128xf32, #tpu.memory_space<hbm>> -> memref<512x32xf32, #tpu.memory_space<hbm>>
    %dma_wait3A_49 = arith.constant 0 : i32
    %dma_wait3A_50 = tpu.memref_slice %arg4[%add3A_42, %dma_wait3A_49] : memref<819200x128xf32, #tpu.memory_space<hbm>> -> memref<512x32xf32, #tpu.memory_space<hbm>>
    tpu.wait_dma2 semaphore(%arg18 : memref<!tpu.dma_semaphore, #tpu.memory_space<semaphore_mem>>) src(%arg6 : memref<512x32xf32, #tpu.memory_space<vmem>>) dst(%dma_wait3A_50 : memref<512x32xf32, #tpu.memory_space<hbm>>)
    %dma_start3A_51 = arith.constant 3072 : i32
    %dma_start3A_52 = tpu.memref_slice %arg5[%dma_start3A_51] : memref<25600xi32, #tpu.memory_space<vmem>> -> memref<512xi32, #tpu.memory_space<vmem>>
    %dma_start3A_53 = arith.constant 0 : i32
    %dma_start3A_54 = arith.constant 0 : i32
    %dma_start3A_55 = tpu.memref_slice %arg3[%dma_start3A_53, %dma_start3A_54] : memref<1000000x32xf32, #tpu.memory_space<hbm>> -> memref<1000000x32xf32, #tpu.memory_space<hbm>>
    tpu.enqueue_indirect_dma source(%dma_start3A_55 : memref<1000000x32xf32, #tpu.memory_space<hbm>>) target(%arg6 : memref<512x32xf32, #tpu.memory_space<vmem>>) offsets(%dma_start3A_52 : memref<512xi32, #tpu.memory_space<vmem>>) semaphore(%arg12 : memref<!tpu.dma_semaphore, #tpu.memory_space<semaphore_mem>>)
    %dma_wait3A_56 = arith.constant 512 : i32
    %dma_wait3A_57 = tpu.memref_slice %arg5[%dma_wait3A_56] : memref<25600xi32, #tpu.memory_space<vmem>> -> memref<512xi32, #tpu.memory_space<vmem>>
    %dma_wait3A_58 = arith.constant 0 : i32
    %dma_wait3A_59 = arith.constant 0 : i32
    %dma_wait3A_60 = tpu.memref_slice %arg3[%dma_wait3A_58, %dma_wait3A_59] : memref<1000000x32xf32, #tpu.memory_space<hbm>> -> memref<1000000x32xf32, #tpu.memory_space<hbm>>
    tpu.wait_indirect_dma semaphore(%arg13 : memref<!tpu.dma_semaphore, #tpu.memory_space<semaphore_mem>>) src(%dma_wait3A_60 : memref<1000000x32xf32, #tpu.memory_space<hbm>>) dst(%arg7 : memref<512x32xf32, #tpu.memory_space<vmem>>)
    %scan3A_61 = arith.constant 0 : i32
    %scan3A_62 = arith.constant 0 : i32
    %scan3A_63 = arith.constant 512 : i32
    %scan3A_64 = arith.addi %scan3A_62, %scan3A_63 : i32
    %scan3A_65 = arith.constant 1 : i32
    scf.for %scan3A_1300 = %scan3A_62 to %scan3A_64 step %scan3A_65  : i32 {
      %get3A = arith.index_cast %scan3A_1300 : i32 to index
      %get3A_1301 = arith.constant 0 : index
      %get3A_1302 = tpu.vector_load %arg7[%get3A, %get3A_1301] {strides = array<i32>} : memref<512x32xf32, #tpu.memory_space<vmem>>, vector<1x16xf32>,
      %get3A_1303 = vector.shape_cast %get3A_1302 : vector<1x16xf32> to vector<16xf32>
      %mul3A_1304 = arith.constant 5.65685415 : f32
      %mul3A_1305 = vector.broadcast %mul3A_1304 : f32 to vector<16xf32>
      %mul3A_1306 = arith.mulf %get3A_1303, %mul3A_1305 : vector<16xf32>
      %swap3A = arith.index_cast %scan3A_1300 : i32 to index
      %swap3A_1307 = arith.constant 0 : index
      %swap3A_1308 = tpu.vector_load %arg7[%swap3A, %swap3A_1307] {strides = array<i32>} : memref<512x32xf32, #tpu.memory_space<vmem>>, vector<1x16xf32>,
      %swap3A_1309 = vector.shape_cast %swap3A_1308 : vector<1x16xf32> to vector<16xf32>
      %swap3A_1310 = vector.shape_cast %mul3A_1306 : vector<16xf32> to vector<1x16xf32>
      tpu.vector_store %arg7[%swap3A, %swap3A_1307], %swap3A_1310 {strides = array<i32>} : memref<512x32xf32, #tpu.memory_space<vmem>>, vector<1x16xf32>,
      %get3A_1311 = arith.index_cast %scan3A_1300 : i32 to index
      %get3A_1312 = arith.constant 16 : index
      %get3A_1313 = tpu.vector_load %arg7[%get3A_1311, %get3A_1312] {strides = array<i32>} : memref<512x32xf32, #tpu.memory_space<vmem>>, vector<1x16xf32>,
      %get3A_1314 = vector.shape_cast %get3A_1313 : vector<1x16xf32> to vector<16xf32>
      %mul3A_1315 = arith.constant 5.65685415 : f32
      %mul3A_1316 = vector.broadcast %mul3A_1315 : f32 to vector<16xf32>
      %mul3A_1317 = arith.mulf %get3A_1314, %mul3A_1316 : vector<16xf32>
      %swap3A_1318 = arith.index_cast %scan3A_1300 : i32 to index
      %swap3A_1319 = arith.constant 16 : index
      %swap3A_1320 = tpu.vector_load %arg7[%swap3A_1318, %swap3A_1319] {strides = array<i32>} : memref<512x32xf32, #tpu.memory_space<vmem>>, vector<1x16xf32>,
      %swap3A_1321 = vector.shape_cast %swap3A_1320 : vector<1x16xf32> to vector<16xf32>
      %swap3A_1322 = vector.shape_cast %mul3A_1317 : vector<16xf32> to vector<1x16xf32>
      tpu.vector_store %arg7[%swap3A_1318, %swap3A_1319], %swap3A_1322 {strides = array<i32>} : memref<512x32xf32, #tpu.memory_space<vmem>>, vector<1x16xf32>,
    }
    %scan3A_66 = arith.constant 512 : i32
    %add3A_67 = arith.constant 512 : i32
    %add3A_68 = arith.addi %mul3A_2, %add3A_67 : i32
    %dma_start3A_69 = arith.constant 0 : i32
    %dma_start3A_70 = tpu.memref_slice %arg4[%add3A_68, %dma_start3A_69] : memref<819200x128xf32, #tpu.memory_space<hbm>> -> memref<512x32xf32, #tpu.memory_space<hbm>>
    %dma_start3A_71 = arith.constant 0 : i32
    %dma_start3A_72 = tpu.memref_slice %arg4[%add3A_68, %dma_start3A_71] : memref<819200x128xf32, #tpu.memory_space<hbm>> -> memref<512x32xf32, #tpu.memory_space<hbm>>
    tpu.enqueue_dma source(%arg7 : memref<512x32xf32, #tpu.memory_space<vmem>>) target(%dma_start3A_72 : memref<512x32xf32, #tpu.memory_space<hbm>>) target_semaphore(%arg19 : memref<!tpu.dma_semaphore, #tpu.memory_space<semaphore_mem>>)
    %dma_wait3A_73 = arith.constant 0 : i32
    %dma_wait3A_74 = tpu.memref_slice %arg4[%add3A_68, %dma_wait3A_73] : memref<819200x128xf32, #tpu.memory_space<hbm>> -> memref<512x32xf32, #tpu.memory_space<hbm>>
    %dma_wait3A_75 = arith.constant 0 : i32
    %dma_wait3A_76 = tpu.memref_slice %arg4[%add3A_68, %dma_wait3A_75] : memref<819200x128xf32, #tpu.memory_space<hbm>> -> memref<512x32xf32, #tpu.memory_space<hbm>>
    tpu.wait_dma2 semaphore(%arg19 : memref<!tpu.dma_semaphore, #tpu.memory_space<semaphore_mem>>) src(%arg7 : memref<512x32xf32, #tpu.memory_space<vmem>>) dst(%dma_wait3A_76 : memref<512x32xf32, #tpu.memory_space<hbm>>)
    %dma_start3A_77 = arith.constant 3584 : i32
    %dma_start3A_78 = tpu.memref_slice %arg5[%dma_start3A_77] : memref<25600xi32, #tpu.memory_space<vmem>> -> memref<512xi32, #tpu.memory_space<vmem>>
    %dma_start3A_79 = arith.constant 0 : i32
    %dma_start3A_80 = arith.constant 0 : i32
    %dma_start3A_81 = tpu.memref_slice %arg3[%dma_start3A_79, %dma_start3A_80] : memref<1000000x32xf32, #tpu.memory_space<hbm>> -> memref<1000000x32xf32, #tpu.memory_space<hbm>>
    tpu.enqueue_indirect_dma source(%dma_start3A_81 : memref<1000000x32xf32, #tpu.memory_space<hbm>>) target(%arg7 : memref<512x32xf32, #tpu.memory_space<vmem>>) offsets(%dma_start3A_78 : memref<512xi32, #tpu.memory_space<vmem>>) semaphore(%arg13 : memref<!tpu.dma_semaphore, #tpu.memory_space<semaphore_mem>>)
    %dma_wait3A_82 = arith.constant 1024 : i32
    %dma_wait3A_83 = tpu.memref_slice %arg5[%dma_wait3A_82] : memref<25600xi32, #tpu.memory_space<vmem>> -> memref<512xi32, #tpu.memory_space<vmem>>
    %dma_wait3A_84 = arith.constant 0 : i32
    %dma_wait3A_85 = arith.constant 0 : i32
    %dma_wait3A_86 = tpu.memref_slice %arg3[%dma_wait3A_84, %dma_wait3A_85] : memref<1000000x32xf32, #tpu.memory_space<hbm>> -> memref<1000000x32xf32, #tpu.memory_space<hbm>>
    tpu.wait_indirect_dma semaphore(%arg14 : memref<!tpu.dma_semaphore, #tpu.memory_space<semaphore_mem>>) src(%dma_wait3A_86 : memref<1000000x32xf32, #tpu.memory_space<hbm>>) dst(%arg8 : memref<512x32xf32, #tpu.memory_space<vmem>>)
    %scan3A_87 = arith.constant 0 : i32
    %scan3A_88 = arith.constant 0 : i32
    %scan3A_89 = arith.constant 512 : i32
    %scan3A_90 = arith.addi %scan3A_88, %scan3A_89 : i32
    %scan3A_91 = arith.constant 1 : i32
    scf.for %scan3A_1300 = %scan3A_88 to %scan3A_90 step %scan3A_91  : i32 {
      %get3A = arith.index_cast %scan3A_1300 : i32 to index
      %get3A_1301 = arith.constant 0 : index
      %get3A_1302 = tpu.vector_load %arg8[%get3A, %get3A_1301] {strides = array<i32>} : memref<512x32xf32, #tpu.memory_space<vmem>>, vector<1x16xf32>,
      %get3A_1303 = vector.shape_cast %get3A_1302 : vector<1x16xf32> to vector<16xf32>
      %mul3A_1304 = arith.constant 5.65685415 : f32
      %mul3A_1305 = vector.broadcast %mul3A_1304 : f32 to vector<16xf32>
      %mul3A_1306 = arith.mulf %get3A_1303, %mul3A_1305 : vector<16xf32>
      %swap3A = arith.index_cast %scan3A_1300 : i32 to index
      %swap3A_1307 = arith.constant 0 : index
      %swap3A_1308 = tpu.vector_load %arg8[%swap3A, %swap3A_1307] {strides = array<i32>} : memref<512x32xf32, #tpu.memory_space<vmem>>, vector<1x16xf32>,
      %swap3A_1309 = vector.shape_cast %swap3A_1308 : vector<1x16xf32> to vector<16xf32>
      %swap3A_1310 = vector.shape_cast %mul3A_1306 : vector<16xf32> to vector<1x16xf32>
      tpu.vector_store %arg8[%swap3A, %swap3A_1307], %swap3A_1310 {strides = array<i32>} : memref<512x32xf32, #tpu.memory_space<vmem>>, vector<1x16xf32>,
      %get3A_1311 = arith.index_cast %scan3A_1300 : i32 to index
      %get3A_1312 = arith.constant 16 : index
      %get3A_1313 = tpu.vector_load %arg8[%get3A_1311, %get3A_1312] {strides = array<i32>} : memref<512x32xf32, #tpu.memory_space<vmem>>, vector<1x16xf32>,
      %get3A_1314 = vector.shape_cast %get3A_1313 : vector<1x16xf32> to vector<16xf32>
      %mul3A_1315 = arith.constant 5.65685415 : f32
      %mul3A_1316 = vector.broadcast %mul3A_1315 : f32 to vector<16xf32>
      %mul3A_1317 = arith.mulf %get3A_1314, %mul3A_1316 : vector<16xf32>
      %swap3A_1318 = arith.index_cast %scan3A_1300 : i32 to index
      %swap3A_1319 = arith.constant 16 : index
      %swap3A_1320 = tpu.vector_load %arg8[%swap3A_1318, %swap3A_1319] {strides = array<i32>} : memref<512x32xf32, #tpu.memory_space<vmem>>, vector<1x16xf32>,
      %swap3A_1321 = vector.shape_cast %swap3A_1320 : vector<1x16xf32> to vector<16xf32>
      %swap3A_1322 = vector.shape_cast %mul3A_1317 : vector<16xf32> to vector<1x16xf32>
      tpu.vector_store %arg8[%swap3A_1318, %swap3A_1319], %swap3A_1322 {strides = array<i32>} : memref<512x32xf32, #tpu.memory_space<vmem>>, vector<1x16xf32>,
    }
    %scan3A_92 = arith.constant 512 : i32
    %add3A_93 = arith.constant 1024 : i32
    %add3A_94 = arith.addi %mul3A_2, %add3A_93 : i32
    %dma_start3A_95 = arith.constant 0 : i32
    %dma_start3A_96 = tpu.memref_slice %arg4[%add3A_94, %dma_start3A_95] : memref<819200x128xf32, #tpu.memory_space<hbm>> -> memref<512x32xf32, #tpu.memory_space<hbm>>
    %dma_start3A_97 = arith.constant 0 : i32
    %dma_start3A_98 = tpu.memref_slice %arg4[%add3A_94, %dma_start3A_97] : memref<819200x128xf32, #tpu.memory_space<hbm>> -> memref<512x32xf32, #tpu.memory_space<hbm>>
    tpu.enqueue_dma source(%arg8 : memref<512x32xf32, #tpu.memory_space<vmem>>) target(%dma_start3A_98 : memref<512x32xf32, #tpu.memory_space<hbm>>) target_semaphore(%arg20 : memref<!tpu.dma_semaphore, #tpu.memory_space<semaphore_mem>>)
    %dma_wait3A_99 = arith.constant 0 : i32
    %dma_wait3A_100 = tpu.memref_slice %arg4[%add3A_94, %dma_wait3A_99] : memref<819200x128xf32, #tpu.memory_space<hbm>> -> memref<512x32xf32, #tpu.memory_space<hbm>>
    %dma_wait3A_101 = arith.constant 0 : i32
    %dma_wait3A_102 = tpu.memref_slice %arg4[%add3A_94, %dma_wait3A_101] : memref<819200x128xf32, #tpu.memory_space<hbm>> -> memref<512x32xf32, #tpu.memory_space<hbm>>
    tpu.wait_dma2 semaphore(%arg20 : memref<!tpu.dma_semaphore, #tpu.memory_space<semaphore_mem>>) src(%arg8 : memref<512x32xf32, #tpu.memory_space<vmem>>) dst(%dma_wait3A_102 : memref<512x32xf32, #tpu.memory_space<hbm>>)
    %dma_start3A_103 = arith.constant 4096 : i32
    %dma_start3A_104 = tpu.memref_slice %arg5[%dma_start3A_103] : memref<25600xi32, #tpu.memory_space<vmem>> -> memref<512xi32, #tpu.memory_space<vmem>>
    %dma_start3A_105 = arith.constant 0 : i32
    %dma_start3A_106 = arith.constant 0 : i32
    %dma_start3A_107 = tpu.memref_slice %arg3[%dma_start3A_105, %dma_start3A_106] : memref<1000000x32xf32, #tpu.memory_space<hbm>> -> memref<1000000x32xf32, #tpu.memory_space<hbm>>
    tpu.enqueue_indirect_dma source(%dma_start3A_107 : memref<1000000x32xf32, #tpu.memory_space<hbm>>) target(%arg8 : memref<512x32xf32, #tpu.memory_space<vmem>>) offsets(%dma_start3A_104 : memref<512xi32, #tpu.memory_space<vmem>>) semaphore(%arg14 : memref<!tpu.dma_semaphore, #tpu.memory_space<semaphore_mem>>)
    %dma_wait3A_108 = arith.constant 1536 : i32
    %dma_wait3A_109 = tpu.memref_slice %arg5[%dma_wait3A_108] : memref<25600xi32, #tpu.memory_space<vmem>> -> memref<512xi32, #tpu.memory_space<vmem>>
    %dma_wait3A_110 = arith.constant 0 : i32
    %dma_wait3A_111 = arith.constant 0 : i32
    %dma_wait3A_112 = tpu.memref_slice %arg3[%dma_wait3A_110, %dma_wait3A_111] : memref<1000000x32xf32, #tpu.memory_space<hbm>> -> memref<1000000x32xf32, #tpu.memory_space<hbm>>
    tpu.wait_indirect_dma semaphore(%arg15 : memref<!tpu.dma_semaphore, #tpu.memory_space<semaphore_mem>>) src(%dma_wait3A_112 : memref<1000000x32xf32, #tpu.memory_space<hbm>>) dst(%arg9 : memref<512x32xf32, #tpu.memory_space<vmem>>)
    %scan3A_113 = arith.constant 0 : i32
    %scan3A_114 = arith.constant 0 : i32
    %scan3A_115 = arith.constant 512 : i32
    %scan3A_116 = arith.addi %scan3A_114, %scan3A_115 : i32
    %scan3A_117 = arith.constant 1 : i32
    scf.for %scan3A_1300 = %scan3A_114 to %scan3A_116 step %scan3A_117  : i32 {
      %get3A = arith.index_cast %scan3A_1300 : i32 to index
      %get3A_1301 = arith.constant 0 : index
      %get3A_1302 = tpu.vector_load %arg9[%get3A, %get3A_1301] {strides = array<i32>} : memref<512x32xf32, #tpu.memory_space<vmem>>, vector<1x16xf32>,
      %get3A_1303 = vector.shape_cast %get3A_1302 : vector<1x16xf32> to vector<16xf32>
      %mul3A_1304 = arith.constant 5.65685415 : f32
      %mul3A_1305 = vector.broadcast %mul3A_1304 : f32 to vector<16xf32>
      %mul3A_1306 = arith.mulf %get3A_1303, %mul3A_1305 : vector<16xf32>
      %swap3A = arith.index_cast %scan3A_1300 : i32 to index
      %swap3A_1307 = arith.constant 0 : index
      %swap3A_1308 = tpu.vector_load %arg9[%swap3A, %swap3A_1307] {strides = array<i32>} : memref<512x32xf32, #tpu.memory_space<vmem>>, vector<1x16xf32>,
      %swap3A_1309 = vector.shape_cast %swap3A_1308 : vector<1x16xf32> to vector<16xf32>
      %swap3A_1310 = vector.shape_cast %mul3A_1306 : vector<16xf32> to vector<1x16xf32>
      tpu.vector_store %arg9[%swap3A, %swap3A_1307], %swap3A_1310 {strides = array<i32>} : memref<512x32xf32, #tpu.memory_space<vmem>>, vector<1x16xf32>,
      %get3A_1311 = arith.index_cast %scan3A_1300 : i32 to index
      %get3A_1312 = arith.constant 16 : index
      %get3A_1313 = tpu.vector_load %arg9[%get3A_1311, %get3A_1312] {strides = array<i32>} : memref<512x32xf32, #tpu.memory_space<vmem>>, vector<1x16xf32>,
      %get3A_1314 = vector.shape_cast %get3A_1313 : vector<1x16xf32> to vector<16xf32>
      %mul3A_1315 = arith.constant 5.65685415 : f32
      %mul3A_1316 = vector.broadcast %mul3A_1315 : f32 to vector<16xf32>
      %mul3A_1317 = arith.mulf %get3A_1314, %mul3A_1316 : vector<16xf32>
      %swap3A_1318 = arith.index_cast %scan3A_1300 : i32 to index
      %swap3A_1319 = arith.constant 16 : index
      %swap3A_1320 = tpu.vector_load %arg9[%swap3A_1318, %swap3A_1319] {strides = array<i32>} : memref<512x32xf32, #tpu.memory_space<vmem>>, vector<1x16xf32>,
      %swap3A_1321 = vector.shape_cast %swap3A_1320 : vector<1x16xf32> to vector<16xf32>
      %swap3A_1322 = vector.shape_cast %mul3A_1317 : vector<16xf32> to vector<1x16xf32>
      tpu.vector_store %arg9[%swap3A_1318, %swap3A_1319], %swap3A_1322 {strides = array<i32>} : memref<512x32xf32, #tpu.memory_space<vmem>>, vector<1x16xf32>,
    }
    %scan3A_118 = arith.constant 512 : i32
    %add3A_119 = arith.constant 1536 : i32
    %add3A_120 = arith.addi %mul3A_2, %add3A_119 : i32
    %dma_start3A_121 = arith.constant 0 : i32
    %dma_start3A_122 = tpu.memref_slice %arg4[%add3A_120, %dma_start3A_121] : memref<819200x128xf32, #tpu.memory_space<hbm>> -> memref<512x32xf32, #tpu.memory_space<hbm>>
    %dma_start3A_123 = arith.constant 0 : i32
    %dma_start3A_124 = tpu.memref_slice %arg4[%add3A_120, %dma_start3A_123] : memref<819200x128xf32, #tpu.memory_space<hbm>> -> memref<512x32xf32, #tpu.memory_space<hbm>>
    tpu.enqueue_dma source(%arg9 : memref<512x32xf32, #tpu.memory_space<vmem>>) target(%dma_start3A_124 : memref<512x32xf32, #tpu.memory_space<hbm>>) target_semaphore(%arg21 : memref<!tpu.dma_semaphore, #tpu.memory_space<semaphore_mem>>)
    %dma_wait3A_125 = arith.constant 0 : i32
    %dma_wait3A_126 = tpu.memref_slice %arg4[%add3A_120, %dma_wait3A_125] : memref<819200x128xf32, #tpu.memory_space<hbm>> -> memref<512x32xf32, #tpu.memory_space<hbm>>
    %dma_wait3A_127 = arith.constant 0 : i32
    %dma_wait3A_128 = tpu.memref_slice %arg4[%add3A_120, %dma_wait3A_127] : memref<819200x128xf32, #tpu.memory_space<hbm>> -> memref<512x32xf32, #tpu.memory_space<hbm>>
    tpu.wait_dma2 semaphore(%arg21 : memref<!tpu.dma_semaphore, #tpu.memory_space<semaphore_mem>>) src(%arg9 : memref<512x32xf32, #tpu.memory_space<vmem>>) dst(%dma_wait3A_128 : memref<512x32xf32, #tpu.memory_space<hbm>>)
    %dma_start3A_129 = arith.constant 4608 : i32
    %dma_start3A_130 = tpu.memref_slice %arg5[%dma_start3A_129] : memref<25600xi32, #tpu.memory_space<vmem>> -> memref<512xi32, #tpu.memory_space<vmem>>
    %dma_start3A_131 = arith.constant 0 : i32
    %dma_start3A_132 = arith.constant 0 : i32
    %dma_start3A_133 = tpu.memref_slice %arg3[%dma_start3A_131, %dma_start3A_132] : memref<1000000x32xf32, #tpu.memory_space<hbm>> -> memref<1000000x32xf32, #tpu.memory_space<hbm>>
    tpu.enqueue_indirect_dma source(%dma_start3A_133 : memref<1000000x32xf32, #tpu.memory_space<hbm>>) target(%arg9 : memref<512x32xf32, #tpu.memory_space<vmem>>) offsets(%dma_start3A_130 : memref<512xi32, #tpu.memory_space<vmem>>) semaphore(%arg15 : memref<!tpu.dma_semaphore, #tpu.memory_space<semaphore_mem>>)
    %dma_wait3A_134 = arith.constant 2048 : i32
    %dma_wait3A_135 = tpu.memref_slice %arg5[%dma_wait3A_134] : memref<25600xi32, #tpu.memory_space<vmem>> -> memref<512xi32, #tpu.memory_space<vmem>>
    %dma_wait3A_136 = arith.constant 0 : i32
    %dma_wait3A_137 = arith.constant 0 : i32
    %dma_wait3A_138 = tpu.memref_slice %arg3[%dma_wait3A_136, %dma_wait3A_137] : memref<1000000x32xf32, #tpu.memory_space<hbm>> -> memref<1000000x32xf32, #tpu.memory_space<hbm>>
    tpu.wait_indirect_dma semaphore(%arg16 : memref<!tpu.dma_semaphore, #tpu.memory_space<semaphore_mem>>) src(%dma_wait3A_138 : memref<1000000x32xf32, #tpu.memory_space<hbm>>) dst(%arg10 : memref<512x32xf32, #tpu.memory_space<vmem>>)
    %scan3A_139 = arith.constant 0 : i32
    %scan3A_140 = arith.constant 0 : i32
    %scan3A_141 = arith.constant 512 : i32
    %scan3A_142 = arith.addi %scan3A_140, %scan3A_141 : i32
    %scan3A_143 = arith.constant 1 : i32
    scf.for %scan3A_1300 = %scan3A_140 to %scan3A_142 step %scan3A_143  : i32 {
      %get3A = arith.index_cast %scan3A_1300 : i32 to index
      %get3A_1301 = arith.constant 0 : index
      %get3A_1302 = tpu.vector_load %arg10[%get3A, %get3A_1301] {strides = array<i32>} : memref<512x32xf32, #tpu.memory_space<vmem>>, vector<1x16xf32>,
      %get3A_1303 = vector.shape_cast %get3A_1302 : vector<1x16xf32> to vector<16xf32>
      %mul3A_1304 = arith.constant 5.65685415 : f32
      %mul3A_1305 = vector.broadcast %mul3A_1304 : f32 to vector<16xf32>
      %mul3A_1306 = arith.mulf %get3A_1303, %mul3A_1305 : vector<16xf32>
      %swap3A = arith.index_cast %scan3A_1300 : i32 to index
      %swap3A_1307 = arith.constant 0 : index
      %swap3A_1308 = tpu.vector_load %arg10[%swap3A, %swap3A_1307] {strides = array<i32>} : memref<512x32xf32, #tpu.memory_space<vmem>>, vector<1x16xf32>,
      %swap3A_1309 = vector.shape_cast %swap3A_1308 : vector<1x16xf32> to vector<16xf32>
      %swap3A_1310 = vector.shape_cast %mul3A_1306 : vector<16xf32> to vector<1x16xf32>
      tpu.vector_store %arg10[%swap3A, %swap3A_1307], %swap3A_1310 {strides = array<i32>} : memref<512x32xf32, #tpu.memory_space<vmem>>, vector<1x16xf32>,
      %get3A_1311 = arith.index_cast %scan3A_1300 : i32 to index
      %get3A_1312 = arith.constant 16 : index
      %get3A_1313 = tpu.vector_load %arg10[%get3A_1311, %get3A_1312] {strides = array<i32>} : memref<512x32xf32, #tpu.memory_space<vmem>>, vector<1x16xf32>,
      %get3A_1314 = vector.shape_cast %get3A_1313 : vector<1x16xf32> to vector<16xf32>
      %mul3A_1315 = arith.constant 5.65685415 : f32
      %mul3A_1316 = vector.broadcast %mul3A_1315 : f32 to vector<16xf32>
      %mul3A_1317 = arith.mulf %get3A_1314, %mul3A_1316 : vector<16xf32>
      %swap3A_1318 = arith.index_cast %scan3A_1300 : i32 to index
      %swap3A_1319 = arith.constant 16 : index
      %swap3A_1320 = tpu.vector_load %arg10[%swap3A_1318, %swap3A_1319] {strides = array<i32>} : memref<512x32xf32, #tpu.memory_space<vmem>>, vector<1x16xf32>,
      %swap3A_1321 = vector.shape_cast %swap3A_1320 : vector<1x16xf32> to vector<16xf32>
      %swap3A_1322 = vector.shape_cast %mul3A_1317 : vector<16xf32> to vector<1x16xf32>
      tpu.vector_store %arg10[%swap3A_1318, %swap3A_1319], %swap3A_1322 {strides = array<i32>} : memref<512x32xf32, #tpu.memory_space<vmem>>, vector<1x16xf32>,
    }
    %scan3A_144 = arith.constant 512 : i32
    %add3A_145 = arith.constant 2048 : i32
    %add3A_146 = arith.addi %mul3A_2, %add3A_145 : i32
    %dma_start3A_147 = arith.constant 0 : i32
    %dma_start3A_148 = tpu.memref_slice %arg4[%add3A_146, %dma_start3A_147] : memref<819200x128xf32, #tpu.memory_space<hbm>> -> memref<512x32xf32, #tpu.memory_space<hbm>>
    %dma_start3A_149 = arith.constant 0 : i32
    %dma_start3A_150 = tpu.memref_slice %arg4[%add3A_146, %dma_start3A_149] : memref<819200x128xf32, #tpu.memory_space<hbm>> -> memref<512x32xf32, #tpu.memory_space<hbm>>
    tpu.enqueue_dma source(%arg10 : memref<512x32xf32, #tpu.memory_space<vmem>>) target(%dma_start3A_150 : memref<512x32xf32, #tpu.memory_space<hbm>>) target_semaphore(%arg22 : memref<!tpu.dma_semaphore, #tpu.memory_space<semaphore_mem>>)
    %dma_wait3A_151 = arith.constant 0 : i32
    %dma_wait3A_152 = tpu.memref_slice %arg4[%add3A_146, %dma_wait3A_151] : memref<819200x128xf32, #tpu.memory_space<hbm>> -> memref<512x32xf32, #tpu.memory_space<hbm>>
    %dma_wait3A_153 = arith.constant 0 : i32
    %dma_wait3A_154 = tpu.memref_slice %arg4[%add3A_146, %dma_wait3A_153] : memref<819200x128xf32, #tpu.memory_space<hbm>> -> memref<512x32xf32, #tpu.memory_space<hbm>>
    tpu.wait_dma2 semaphore(%arg22 : memref<!tpu.dma_semaphore, #tpu.memory_space<semaphore_mem>>) src(%arg10 : memref<512x32xf32, #tpu.memory_space<vmem>>) dst(%dma_wait3A_154 : memref<512x32xf32, #tpu.memory_space<hbm>>)
    %dma_start3A_155 = arith.constant 5120 : i32
    %dma_start3A_156 = tpu.memref_slice %arg5[%dma_start3A_155] : memref<25600xi32, #tpu.memory_space<vmem>> -> memref<512xi32, #tpu.memory_space<vmem>>
    %dma_start3A_157 = arith.constant 0 : i32
    %dma_start3A_158 = arith.constant 0 : i32
    %dma_start3A_159 = tpu.memref_slice %arg3[%dma_start3A_157, %dma_start3A_158] : memref<1000000x32xf32, #tpu.memory_space<hbm>> -> memref<1000000x32xf32, #tpu.memory_space<hbm>>
    tpu.enqueue_indirect_dma source(%dma_start3A_159 : memref<1000000x32xf32, #tpu.memory_space<hbm>>) target(%arg10 : memref<512x32xf32, #tpu.memory_space<vmem>>) offsets(%dma_start3A_156 : memref<512xi32, #tpu.memory_space<vmem>>) semaphore(%arg16 : memref<!tpu.dma_semaphore, #tpu.memory_space<semaphore_mem>>)
    %dma_wait3A_160 = arith.constant 2560 : i32
    %dma_wait3A_161 = tpu.memref_slice %arg5[%dma_wait3A_160] : memref<25600xi32, #tpu.memory_space<vmem>> -> memref<512xi32, #tpu.memory_space<vmem>>
    %dma_wait3A_162 = arith.constant 0 : i32
    %dma_wait3A_163 = arith.constant 0 : i32
    %dma_wait3A_164 = tpu.memref_slice %arg3[%dma_wait3A_162, %dma_wait3A_163] : memref<1000000x32xf32, #tpu.memory_space<hbm>> -> memref<1000000x32xf32, #tpu.memory_space<hbm>>
    tpu.wait_indirect_dma semaphore(%arg17 : memref<!tpu.dma_semaphore, #tpu.memory_space<semaphore_mem>>) src(%dma_wait3A_164 : memref<1000000x32xf32, #tpu.memory_space<hbm>>) dst(%arg11 : memref<512x32xf32, #tpu.memory_space<vmem>>)
    %scan3A_165 = arith.constant 0 : i32
    %scan3A_166 = arith.constant 0 : i32
    %scan3A_167 = arith.constant 512 : i32
    %scan3A_168 = arith.addi %scan3A_166, %scan3A_167 : i32
    %scan3A_169 = arith.constant 1 : i32
    scf.for %scan3A_1300 = %scan3A_166 to %scan3A_168 step %scan3A_169  : i32 {
      %get3A = arith.index_cast %scan3A_1300 : i32 to index
      %get3A_1301 = arith.constant 0 : index
      %get3A_1302 = tpu.vector_load %arg11[%get3A, %get3A_1301] {strides = array<i32>} : memref<512x32xf32, #tpu.memory_space<vmem>>, vector<1x16xf32>,
      %get3A_1303 = vector.shape_cast %get3A_1302 : vector<1x16xf32> to vector<16xf32>
      %mul3A_1304 = arith.constant 5.65685415 : f32
      %mul3A_1305 = vector.broadcast %mul3A_1304 : f32 to vector<16xf32>
      %mul3A_1306 = arith.mulf %get3A_1303, %mul3A_1305 : vector<16xf32>
      %swap3A = arith.index_cast %scan3A_1300 : i32 to index
      %swap3A_1307 = arith.constant 0 : index
      %swap3A_1308 = tpu.vector_load %arg11[%swap3A, %swap3A_1307] {strides = array<i32>} : memref<512x32xf32, #tpu.memory_space<vmem>>, vector<1x16xf32>,
      %swap3A_1309 = vector.shape_cast %swap3A_1308 : vector<1x16xf32> to vector<16xf32>
      %swap3A_1310 = vector.shape_cast %mul3A_1306 : vector<16xf32> to vector<1x16xf32>
      tpu.vector_store %arg11[%swap3A, %swap3A_1307], %swap3A_1310 {strides = array<i32>} : memref<512x32xf32, #tpu.memory_space<vmem>>, vector<1x16xf32>,
      %get3A_1311 = arith.index_cast %scan3A_1300 : i32 to index
      %get3A_1312 = arith.constant 16 : index
      %get3A_1313 = tpu.vector_load %arg11[%get3A_1311, %get3A_1312] {strides = array<i32>} : memref<512x32xf32, #tpu.memory_space<vmem>>, vector<1x16xf32>,
      %get3A_1314 = vector.shape_cast %get3A_1313 : vector<1x16xf32> to vector<16xf32>
      %mul3A_1315 = arith.constant 5.65685415 : f32
      %mul3A_1316 = vector.broadcast %mul3A_1315 : f32 to vector<16xf32>
      %mul3A_1317 = arith.mulf %get3A_1314, %mul3A_1316 : vector<16xf32>
      %swap3A_1318 = arith.index_cast %scan3A_1300 : i32 to index
      %swap3A_1319 = arith.constant 16 : index
      %swap3A_1320 = tpu.vector_load %arg11[%swap3A_1318, %swap3A_1319] {strides = array<i32>} : memref<512x32xf32, #tpu.memory_space<vmem>>, vector<1x16xf32>,
      %swap3A_1321 = vector.shape_cast %swap3A_1320 : vector<1x16xf32> to vector<16xf32>
      %swap3A_1322 = vector.shape_cast %mul3A_1317 : vector<16xf32> to vector<1x16xf32>
      tpu.vector_store %arg11[%swap3A_1318, %swap3A_1319], %swap3A_1322 {strides = array<i32>} : memref<512x32xf32, #tpu.memory_space<vmem>>, vector<1x16xf32>,
    }
    %scan3A_170 = arith.constant 512 : i32
    %add3A_171 = arith.constant 2560 : i32
    %add3A_172 = arith.addi %mul3A_2, %add3A_171 : i32
    %dma_start3A_173 = arith.constant 0 : i32
    %dma_start3A_174 = tpu.memref_slice %arg4[%add3A_172, %dma_start3A_173] : memref<819200x128xf32, #tpu.memory_space<hbm>> -> memref<512x32xf32, #tpu.memory_space<hbm>>
    %dma_start3A_175 = arith.constant 0 : i32
    %dma_start3A_176 = tpu.memref_slice %arg4[%add3A_172, %dma_start3A_175] : memref<819200x128xf32, #tpu.memory_space<hbm>> -> memref<512x32xf32, #tpu.memory_space<hbm>>
    tpu.enqueue_dma source(%arg11 : memref<512x32xf32, #tpu.memory_space<vmem>>) target(%dma_start3A_176 : memref<512x32xf32, #tpu.memory_space<hbm>>) target_semaphore(%arg23 : memref<!tpu.dma_semaphore, #tpu.memory_space<semaphore_mem>>)
    %dma_wait3A_177 = arith.constant 0 : i32
    %dma_wait3A_178 = tpu.memref_slice %arg4[%add3A_172, %dma_wait3A_177] : memref<819200x128xf32, #tpu.memory_space<hbm>> -> memref<512x32xf32, #tpu.memory_space<hbm>>
    %dma_wait3A_179 = arith.constant 0 : i32
    %dma_wait3A_180 = tpu.memref_slice %arg4[%add3A_172, %dma_wait3A_179] : memref<819200x128xf32, #tpu.memory_space<hbm>> -> memref<512x32xf32, #tpu.memory_space<hbm>>
    tpu.wait_dma2 semaphore(%arg23 : memref<!tpu.dma_semaphore, #tpu.memory_space<semaphore_mem>>) src(%arg11 : memref<512x32xf32, #tpu.memory_space<vmem>>) dst(%dma_wait3A_180 : memref<512x32xf32, #tpu.memory_space<hbm>>)
    %dma_start3A_181 = arith.constant 5632 : i32
    %dma_start3A_182 = tpu.memref_slice %arg5[%dma_start3A_181] : memref<25600xi32, #tpu.memory_space<vmem>> -> memref<512xi32, #tpu.memory_space<vmem>>
    %dma_start3A_183 = arith.constant 0 : i32
    %dma_start3A_184 = arith.constant 0 : i32
    %dma_start3A_185 = tpu.memref_slice %arg3[%dma_start3A_183, %dma_start3A_184] : memref<1000000x32xf32, #tpu.memory_space<hbm>> -> memref<1000000x32xf32, #tpu.memory_space<hbm>>
    tpu.enqueue_indirect_dma source(%dma_start3A_185 : memref<1000000x32xf32, #tpu.memory_space<hbm>>) target(%arg11 : memref<512x32xf32, #tpu.memory_space<vmem>>) offsets(%dma_start3A_182 : memref<512xi32, #tpu.memory_space<vmem>>) semaphore(%arg17 : memref<!tpu.dma_semaphore, #tpu.memory_space<semaphore_mem>>)
    %dma_wait3A_186 = arith.constant 3072 : i32
    %dma_wait3A_187 = tpu.memref_slice %arg5[%dma_wait3A_186] : memref<25600xi32, #tpu.memory_space<vmem>> -> memref<512xi32, #tpu.memory_space<vmem>>
    %dma_wait3A_188 = arith.constant 0 : i32
    %dma_wait3A_189 = arith.constant 0 : i32
    %dma_wait3A_190 = tpu.memref_slice %arg3[%dma_wait3A_188, %dma_wait3A_189] : memref<1000000x32xf32, #tpu.memory_space<hbm>> -> memref<1000000x32xf32, #tpu.memory_space<hbm>>
    tpu.wait_indirect_dma semaphore(%arg12 : memref<!tpu.dma_semaphore, #tpu.memory_space<semaphore_mem>>) src(%dma_wait3A_190 : memref<1000000x32xf32, #tpu.memory_space<hbm>>) dst(%arg6 : memref<512x32xf32, #tpu.memory_space<vmem>>)
    %scan3A_191 = arith.constant 0 : i32
    %scan3A_192 = arith.constant 0 : i32
    %scan3A_193 = arith.constant 512 : i32
    %scan3A_194 = arith.addi %scan3A_192, %scan3A_193 : i32
    %scan3A_195 = arith.constant 1 : i32
    scf.for %scan3A_1300 = %scan3A_192 to %scan3A_194 step %scan3A_195  : i32 {
      %get3A = arith.index_cast %scan3A_1300 : i32 to index
      %get3A_1301 = arith.constant 0 : index
      %get3A_1302 = tpu.vector_load %arg6[%get3A, %get3A_1301] {strides = array<i32>} : memref<512x32xf32, #tpu.memory_space<vmem>>, vector<1x16xf32>,
      %get3A_1303 = vector.shape_cast %get3A_1302 : vector<1x16xf32> to vector<16xf32>
      %mul3A_1304 = arith.constant 5.65685415 : f32
      %mul3A_1305 = vector.broadcast %mul3A_1304 : f32 to vector<16xf32>
      %mul3A_1306 = arith.mulf %get3A_1303, %mul3A_1305 : vector<16xf32>
      %swap3A = arith.index_cast %scan3A_1300 : i32 to index
      %swap3A_1307 = arith.constant 0 : index
      %swap3A_1308 = tpu.vector_load %arg6[%swap3A, %swap3A_1307] {strides = array<i32>} : memref<512x32xf32, #tpu.memory_space<vmem>>, vector<1x16xf32>,
      %swap3A_1309 = vector.shape_cast %swap3A_1308 : vector<1x16xf32> to vector<16xf32>
      %swap3A_1310 = vector.shape_cast %mul3A_1306 : vector<16xf32> to vector<1x16xf32>
      tpu.vector_store %arg6[%swap3A, %swap3A_1307], %swap3A_1310 {strides = array<i32>} : memref<512x32xf32, #tpu.memory_space<vmem>>, vector<1x16xf32>,
      %get3A_1311 = arith.index_cast %scan3A_1300 : i32 to index
      %get3A_1312 = arith.constant 16 : index
      %get3A_1313 = tpu.vector_load %arg6[%get3A_1311, %get3A_1312] {strides = array<i32>} : memref<512x32xf32, #tpu.memory_space<vmem>>, vector<1x16xf32>,
      %get3A_1314 = vector.shape_cast %get3A_1313 : vector<1x16xf32> to vector<16xf32>
      %mul3A_1315 = arith.constant 5.65685415 : f32
      %mul3A_1316 = vector.broadcast %mul3A_1315 : f32 to vector<16xf32>
      %mul3A_1317 = arith.mulf %get3A_1314, %mul3A_1316 : vector<16xf32>
      %swap3A_1318 = arith.index_cast %scan3A_1300 : i32 to index
      %swap3A_1319 = arith.constant 16 : index
      %swap3A_1320 = tpu.vector_load %arg6[%swap3A_1318, %swap3A_1319] {strides = array<i32>} : memref<512x32xf32, #tpu.memory_space<vmem>>, vector<1x16xf32>,
      %swap3A_1321 = vector.shape_cast %swap3A_1320 : vector<1x16xf32> to vector<16xf32>
      %swap3A_1322 = vector.shape_cast %mul3A_1317 : vector<16xf32> to vector<1x16xf32>
      tpu.vector_store %arg6[%swap3A_1318, %swap3A_1319], %swap3A_1322 {strides = array<i32>} : memref<512x32xf32, #tpu.memory_space<vmem>>, vector<1x16xf32>,
    }
    %scan3A_196 = arith.constant 512 : i32
    %add3A_197 = arith.constant 3072 : i32
    %add3A_198 = arith.addi %mul3A_2, %add3A_197 : i32
    %dma_start3A_199 = arith.constant 0 : i32
    %dma_start3A_200 = tpu.memref_slice %arg4[%add3A_198, %dma_start3A_199] : memref<819200x128xf32, #tpu.memory_space<hbm>> -> memref<512x32xf32, #tpu.memory_space<hbm>>
    %dma_start3A_201 = arith.constant 0 : i32
    %dma_start3A_202 = tpu.memref_slice %arg4[%add3A_198, %dma_start3A_201] : memref<819200x128xf32, #tpu.memory_space<hbm>> -> memref<512x32xf32, #tpu.memory_space<hbm>>
    tpu.enqueue_dma source(%arg6 : memref<512x32xf32, #tpu.memory_space<vmem>>) target(%dma_start3A_202 : memref<512x32xf32, #tpu.memory_space<hbm>>) target_semaphore(%arg18 : memref<!tpu.dma_semaphore, #tpu.memory_space<semaphore_mem>>)
    %dma_wait3A_203 = arith.constant 0 : i32
    %dma_wait3A_204 = tpu.memref_slice %arg4[%add3A_198, %dma_wait3A_203] : memref<819200x128xf32, #tpu.memory_space<hbm>> -> memref<512x32xf32, #tpu.memory_space<hbm>>
    %dma_wait3A_205 = arith.constant 0 : i32
    %dma_wait3A_206 = tpu.memref_slice %arg4[%add3A_198, %dma_wait3A_205] : memref<819200x128xf32, #tpu.memory_space<hbm>> -> memref<512x32xf32, #tpu.memory_space<hbm>>
    tpu.wait_dma2 semaphore(%arg18 : memref<!tpu.dma_semaphore, #tpu.memory_space<semaphore_mem>>) src(%arg6 : memref<512x32xf32, #tpu.memory_space<vmem>>) dst(%dma_wait3A_206 : memref<512x32xf32, #tpu.memory_space<hbm>>)
    %dma_start3A_207 = arith.constant 6144 : i32
    %dma_start3A_208 = tpu.memref_slice %arg5[%dma_start3A_207] : memref<25600xi32, #tpu.memory_space<vmem>> -> memref<512xi32, #tpu.memory_space<vmem>>
    %dma_start3A_209 = arith.constant 0 : i32
    %dma_start3A_210 = arith.constant 0 : i32
    %dma_start3A_211 = tpu.memref_slice %arg3[%dma_start3A_209, %dma_start3A_210] : memref<1000000x32xf32, #tpu.memory_space<hbm>> -> memref<1000000x32xf32, #tpu.memory_space<hbm>>
    tpu.enqueue_indirect_dma source(%dma_start3A_211 : memref<1000000x32xf32, #tpu.memory_space<hbm>>) target(%arg6 : memref<512x32xf32, #tpu.memory_space<vmem>>) offsets(%dma_start3A_208 : memref<512xi32, #tpu.memory_space<vmem>>) semaphore(%arg12 : memref<!tpu.dma_semaphore, #tpu.memory_space<semaphore_mem>>)
    %dma_wait3A_212 = arith.constant 3584 : i32
    %dma_wait3A_213 = tpu.memref_slice %arg5[%dma_wait3A_212] : memref<25600xi32, #tpu.memory_space<vmem>> -> memref<512xi32, #tpu.memory_space<vmem>>
    %dma_wait3A_214 = arith.constant 0 : i32
    %dma_wait3A_215 = arith.constant 0 : i32
    %dma_wait3A_216 = tpu.memref_slice %arg3[%dma_wait3A_214, %dma_wait3A_215] : memref<1000000x32xf32, #tpu.memory_space<hbm>> -> memref<1000000x32xf32, #tpu.memory_space<hbm>>
    tpu.wait_indirect_dma semaphore(%arg13 : memref<!tpu.dma_semaphore, #tpu.memory_space<semaphore_mem>>) src(%dma_wait3A_216 : memref<1000000x32xf32, #tpu.memory_space<hbm>>) dst(%arg7 : memref<512x32xf32, #tpu.memory_space<vmem>>)
    %scan3A_217 = arith.constant 0 : i32
    %scan3A_218 = arith.constant 0 : i32
    %scan3A_219 = arith.constant 512 : i32
    %scan3A_220 = arith.addi %scan3A_218, %scan3A_219 : i32
    %scan3A_221 = arith.constant 1 : i32
    scf.for %scan3A_1300 = %scan3A_218 to %scan3A_220 step %scan3A_221  : i32 {
      %get3A = arith.index_cast %scan3A_1300 : i32 to index
      %get3A_1301 = arith.constant 0 : index
      %get3A_1302 = tpu.vector_load %arg7[%get3A, %get3A_1301] {strides = array<i32>} : memref<512x32xf32, #tpu.memory_space<vmem>>, vector<1x16xf32>,
      %get3A_1303 = vector.shape_cast %get3A_1302 : vector<1x16xf32> to vector<16xf32>
      %mul3A_1304 = arith.constant 5.65685415 : f32
      %mul3A_1305 = vector.broadcast %mul3A_1304 : f32 to vector<16xf32>
      %mul3A_1306 = arith.mulf %get3A_1303, %mul3A_1305 : vector<16xf32>
      %swap3A = arith.index_cast %scan3A_1300 : i32 to index
      %swap3A_1307 = arith.constant 0 : index
      %swap3A_1308 = tpu.vector_load %arg7[%swap3A, %swap3A_1307] {strides = array<i32>} : memref<512x32xf32, #tpu.memory_space<vmem>>, vector<1x16xf32>,
      %swap3A_1309 = vector.shape_cast %swap3A_1308 : vector<1x16xf32> to vector<16xf32>
      %swap3A_1310 = vector.shape_cast %mul3A_1306 : vector<16xf32> to vector<1x16xf32>
      tpu.vector_store %arg7[%swap3A, %swap3A_1307], %swap3A_1310 {strides = array<i32>} : memref<512x32xf32, #tpu.memory_space<vmem>>, vector<1x16xf32>,
      %get3A_1311 = arith.index_cast %scan3A_1300 : i32 to index
      %get3A_1312 = arith.constant 16 : index
      %get3A_1313 = tpu.vector_load %arg7[%get3A_1311, %get3A_1312] {strides = array<i32>} : memref<512x32xf32, #tpu.memory_space<vmem>>, vector<1x16xf32>,
      %get3A_1314 = vector.shape_cast %get3A_1313 : vector<1x16xf32> to vector<16xf32>
      %mul3A_1315 = arith.constant 5.65685415 : f32
      %mul3A_1316 = vector.broadcast %mul3A_1315 : f32 to vector<16xf32>
      %mul3A_1317 = arith.mulf %get3A_1314, %mul3A_1316 : vector<16xf32>
      %swap3A_1318 = arith.index_cast %scan3A_1300 : i32 to index
      %swap3A_1319 = arith.constant 16 : index
      %swap3A_1320 = tpu.vector_load %arg7[%swap3A_1318, %swap3A_1319] {strides = array<i32>} : memref<512x32xf32, #tpu.memory_space<vmem>>, vector<1x16xf32>,
      %swap3A_1321 = vector.shape_cast %swap3A_1320 : vector<1x16xf32> to vector<16xf32>
      %swap3A_1322 = vector.shape_cast %mul3A_1317 : vector<16xf32> to vector<1x16xf32>
      tpu.vector_store %arg7[%swap3A_1318, %swap3A_1319], %swap3A_1322 {strides = array<i32>} : memref<512x32xf32, #tpu.memory_space<vmem>>, vector<1x16xf32>,
    }
    %scan3A_222 = arith.constant 512 : i32
    %add3A_223 = arith.constant 3584 : i32
    %add3A_224 = arith.addi %mul3A_2, %add3A_223 : i32
    %dma_start3A_225 = arith.constant 0 : i32
    %dma_start3A_226 = tpu.memref_slice %arg4[%add3A_224, %dma_start3A_225] : memref<819200x128xf32, #tpu.memory_space<hbm>> -> memref<512x32xf32, #tpu.memory_space<hbm>>
    %dma_start3A_227 = arith.constant 0 : i32
    %dma_start3A_228 = tpu.memref_slice %arg4[%add3A_224, %dma_start3A_227] : memref<819200x128xf32, #tpu.memory_space<hbm>> -> memref<512x32xf32, #tpu.memory_space<hbm>>
    tpu.enqueue_dma source(%arg7 : memref<512x32xf32, #tpu.memory_space<vmem>>) target(%dma_start3A_228 : memref<512x32xf32, #tpu.memory_space<hbm>>) target_semaphore(%arg19 : memref<!tpu.dma_semaphore, #tpu.memory_space<semaphore_mem>>)
    %dma_wait3A_229 = arith.constant 0 : i32
    %dma_wait3A_230 = tpu.memref_slice %arg4[%add3A_224, %dma_wait3A_229] : memref<819200x128xf32, #tpu.memory_space<hbm>> -> memref<512x32xf32, #tpu.memory_space<hbm>>
    %dma_wait3A_231 = arith.constant 0 : i32
    %dma_wait3A_232 = tpu.memref_slice %arg4[%add3A_224, %dma_wait3A_231] : memref<819200x128xf32, #tpu.memory_space<hbm>> -> memref<512x32xf32, #tpu.memory_space<hbm>>
    tpu.wait_dma2 semaphore(%arg19 : memref<!tpu.dma_semaphore, #tpu.memory_space<semaphore_mem>>) src(%arg7 : memref<512x32xf32, #tpu.memory_space<vmem>>) dst(%dma_wait3A_232 : memref<512x32xf32, #tpu.memory_space<hbm>>)
    %dma_start3A_233 = arith.constant 6656 : i32
    %dma_start3A_234 = tpu.memref_slice %arg5[%dma_start3A_233] : memref<25600xi32, #tpu.memory_space<vmem>> -> memref<512xi32, #tpu.memory_space<vmem>>
    %dma_start3A_235 = arith.constant 0 : i32
    %dma_start3A_236 = arith.constant 0 : i32
    %dma_start3A_237 = tpu.memref_slice %arg3[%dma_start3A_235, %dma_start3A_236] : memref<1000000x32xf32, #tpu.memory_space<hbm>> -> memref<1000000x32xf32, #tpu.memory_space<hbm>>
    tpu.enqueue_indirect_dma source(%dma_start3A_237 : memref<1000000x32xf32, #tpu.memory_space<hbm>>) target(%arg7 : memref<512x32xf32, #tpu.memory_space<vmem>>) offsets(%dma_start3A_234 : memref<512xi32, #tpu.memory_space<vmem>>) semaphore(%arg13 : memref<!tpu.dma_semaphore, #tpu.memory_space<semaphore_mem>>)
    %dma_wait3A_238 = arith.constant 4096 : i32
    %dma_wait3A_239 = tpu.memref_slice %arg5[%dma_wait3A_238] : memref<25600xi32, #tpu.memory_space<vmem>> -> memref<512xi32, #tpu.memory_space<vmem>>
    %dma_wait3A_240 = arith.constant 0 : i32
    %dma_wait3A_241 = arith.constant 0 : i32
    %dma_wait3A_242 = tpu.memref_slice %arg3[%dma_wait3A_240, %dma_wait3A_241] : memref<1000000x32xf32, #tpu.memory_space<hbm>> -> memref<1000000x32xf32, #tpu.memory_space<hbm>>
    tpu.wait_indirect_dma semaphore(%arg14 : memref<!tpu.dma_semaphore, #tpu.memory_space<semaphore_mem>>) src(%dma_wait3A_242 : memref<1000000x32xf32, #tpu.memory_space<hbm>>) dst(%arg8 : memref<512x32xf32, #tpu.memory_space<vmem>>)
    %scan3A_243 = arith.constant 0 : i32
    %scan3A_244 = arith.constant 0 : i32
    %scan3A_245 = arith.constant 512 : i32
    %scan3A_246 = arith.addi %scan3A_244, %scan3A_245 : i32
    %scan3A_247 = arith.constant 1 : i32
    scf.for %scan3A_1300 = %scan3A_244 to %scan3A_246 step %scan3A_247  : i32 {
      %get3A = arith.index_cast %scan3A_1300 : i32 to index
      %get3A_1301 = arith.constant 0 : index
      %get3A_1302 = tpu.vector_load %arg8[%get3A, %get3A_1301] {strides = array<i32>} : memref<512x32xf32, #tpu.memory_space<vmem>>, vector<1x16xf32>,
      %get3A_1303 = vector.shape_cast %get3A_1302 : vector<1x16xf32> to vector<16xf32>
      %mul3A_1304 = arith.constant 5.65685415 : f32
      %mul3A_1305 = vector.broadcast %mul3A_1304 : f32 to vector<16xf32>
      %mul3A_1306 = arith.mulf %get3A_1303, %mul3A_1305 : vector<16xf32>
      %swap3A = arith.index_cast %scan3A_1300 : i32 to index
      %swap3A_1307 = arith.constant 0 : index
      %swap3A_1308 = tpu.vector_load %arg8[%swap3A, %swap3A_1307] {strides = array<i32>} : memref<512x32xf32, #tpu.memory_space<vmem>>, vector<1x16xf32>,
      %swap3A_1309 = vector.shape_cast %swap3A_1308 : vector<1x16xf32> to vector<16xf32>
      %swap3A_1310 = vector.shape_cast %mul3A_1306 : vector<16xf32> to vector<1x16xf32>
      tpu.vector_store %arg8[%swap3A, %swap3A_1307], %swap3A_1310 {strides = array<i32>} : memref<512x32xf32, #tpu.memory_space<vmem>>, vector<1x16xf32>,
      %get3A_1311 = arith.index_cast %scan3A_1300 : i32 to index
      %get3A_1312 = arith.constant 16 : index
      %get3A_1313 = tpu.vector_load %arg8[%get3A_1311, %get3A_1312] {strides = array<i32>} : memref<512x32xf32, #tpu.memory_space<vmem>>, vector<1x16xf32>,
      %get3A_1314 = vector.shape_cast %get3A_1313 : vector<1x16xf32> to vector<16xf32>
      %mul3A_1315 = arith.constant 5.65685415 : f32
      %mul3A_1316 = vector.broadcast %mul3A_1315 : f32 to vector<16xf32>
      %mul3A_1317 = arith.mulf %get3A_1314, %mul3A_1316 : vector<16xf32>
      %swap3A_1318 = arith.index_cast %scan3A_1300 : i32 to index
      %swap3A_1319 = arith.constant 16 : index
      %swap3A_1320 = tpu.vector_load %arg8[%swap3A_1318, %swap3A_1319] {strides = array<i32>} : memref<512x32xf32, #tpu.memory_space<vmem>>, vector<1x16xf32>,
      %swap3A_1321 = vector.shape_cast %swap3A_1320 : vector<1x16xf32> to vector<16xf32>
      %swap3A_1322 = vector.shape_cast %mul3A_1317 : vector<16xf32> to vector<1x16xf32>
      tpu.vector_store %arg8[%swap3A_1318, %swap3A_1319], %swap3A_1322 {strides = array<i32>} : memref<512x32xf32, #tpu.memory_space<vmem>>, vector<1x16xf32>,
    }
    %scan3A_248 = arith.constant 512 : i32
    %add3A_249 = arith.constant 4096 : i32
    %add3A_250 = arith.addi %mul3A_2, %add3A_249 : i32
    %dma_start3A_251 = arith.constant 0 : i32
    %dma_start3A_252 = tpu.memref_slice %arg4[%add3A_250, %dma_start3A_251] : memref<819200x128xf32, #tpu.memory_space<hbm>> -> memref<512x32xf32, #tpu.memory_space<hbm>>
    %dma_start3A_253 = arith.constant 0 : i32
    %dma_start3A_254 = tpu.memref_slice %arg4[%add3A_250, %dma_start3A_253] : memref<819200x128xf32, #tpu.memory_space<hbm>> -> memref<512x32xf32, #tpu.memory_space<hbm>>
    tpu.enqueue_dma source(%arg8 : memref<512x32xf32, #tpu.memory_space<vmem>>) target(%dma_start3A_254 : memref<512x32xf32, #tpu.memory_space<hbm>>) target_semaphore(%arg20 : memref<!tpu.dma_semaphore, #tpu.memory_space<semaphore_mem>>)
    %dma_wait3A_255 = arith.constant 0 : i32
    %dma_wait3A_256 = tpu.memref_slice %arg4[%add3A_250, %dma_wait3A_255] : memref<819200x128xf32, #tpu.memory_space<hbm>> -> memref<512x32xf32, #tpu.memory_space<hbm>>
    %dma_wait3A_257 = arith.constant 0 : i32
    %dma_wait3A_258 = tpu.memref_slice %arg4[%add3A_250, %dma_wait3A_257] : memref<819200x128xf32, #tpu.memory_space<hbm>> -> memref<512x32xf32, #tpu.memory_space<hbm>>
    tpu.wait_dma2 semaphore(%arg20 : memref<!tpu.dma_semaphore, #tpu.memory_space<semaphore_mem>>) src(%arg8 : memref<512x32xf32, #tpu.memory_space<vmem>>) dst(%dma_wait3A_258 : memref<512x32xf32, #tpu.memory_space<hbm>>)
    %dma_start3A_259 = arith.constant 7168 : i32
    %dma_start3A_260 = tpu.memref_slice %arg5[%dma_start3A_259] : memref<25600xi32, #tpu.memory_space<vmem>> -> memref<512xi32, #tpu.memory_space<vmem>>
    %dma_start3A_261 = arith.constant 0 : i32
    %dma_start3A_262 = arith.constant 0 : i32
    %dma_start3A_263 = tpu.memref_slice %arg3[%dma_start3A_261, %dma_start3A_262] : memref<1000000x32xf32, #tpu.memory_space<hbm>> -> memref<1000000x32xf32, #tpu.memory_space<hbm>>
    tpu.enqueue_indirect_dma source(%dma_start3A_263 : memref<1000000x32xf32, #tpu.memory_space<hbm>>) target(%arg8 : memref<512x32xf32, #tpu.memory_space<vmem>>) offsets(%dma_start3A_260 : memref<512xi32, #tpu.memory_space<vmem>>) semaphore(%arg14 : memref<!tpu.dma_semaphore, #tpu.memory_space<semaphore_mem>>)
    %dma_wait3A_264 = arith.constant 4608 : i32
    %dma_wait3A_265 = tpu.memref_slice %arg5[%dma_wait3A_264] : memref<25600xi32, #tpu.memory_space<vmem>> -> memref<512xi32, #tpu.memory_space<vmem>>
    %dma_wait3A_266 = arith.constant 0 : i32
    %dma_wait3A_267 = arith.constant 0 : i32
    %dma_wait3A_268 = tpu.memref_slice %arg3[%dma_wait3A_266, %dma_wait3A_267] : memref<1000000x32xf32, #tpu.memory_space<hbm>> -> memref<1000000x32xf32, #tpu.memory_space<hbm>>
    tpu.wait_indirect_dma semaphore(%arg15 : memref<!tpu.dma_semaphore, #tpu.memory_space<semaphore_mem>>) src(%dma_wait3A_268 : memref<1000000x32xf32, #tpu.memory_space<hbm>>) dst(%arg9 : memref<512x32xf32, #tpu.memory_space<vmem>>)
    %scan3A_269 = arith.constant 0 : i32
    %scan3A_270 = arith.constant 0 : i32
    %scan3A_271 = arith.constant 512 : i32
    %scan3A_272 = arith.addi %scan3A_270, %scan3A_271 : i32
    %scan3A_273 = arith.constant 1 : i32
    scf.for %scan3A_1300 = %scan3A_270 to %scan3A_272 step %scan3A_273  : i32 {
      %get3A = arith.index_cast %scan3A_1300 : i32 to index
      %get3A_1301 = arith.constant 0 : index
      %get3A_1302 = tpu.vector_load %arg9[%get3A, %get3A_1301] {strides = array<i32>} : memref<512x32xf32, #tpu.memory_space<vmem>>, vector<1x16xf32>,
      %get3A_1303 = vector.shape_cast %get3A_1302 : vector<1x16xf32> to vector<16xf32>
      %mul3A_1304 = arith.constant 5.65685415 : f32
      %mul3A_1305 = vector.broadcast %mul3A_1304 : f32 to vector<16xf32>
      %mul3A_1306 = arith.mulf %get3A_1303, %mul3A_1305 : vector<16xf32>
      %swap3A = arith.index_cast %scan3A_1300 : i32 to index
      %swap3A_1307 = arith.constant 0 : index
      %swap3A_1308 = tpu.vector_load %arg9[%swap3A, %swap3A_1307] {strides = array<i32>} : memref<512x32xf32, #tpu.memory_space<vmem>>, vector<1x16xf32>,
      %swap3A_1309 = vector.shape_cast %swap3A_1308 : vector<1x16xf32> to vector<16xf32>
      %swap3A_1310 = vector.shape_cast %mul3A_1306 : vector<16xf32> to vector<1x16xf32>
      tpu.vector_store %arg9[%swap3A, %swap3A_1307], %swap3A_1310 {strides = array<i32>} : memref<512x32xf32, #tpu.memory_space<vmem>>, vector<1x16xf32>,
      %get3A_1311 = arith.index_cast %scan3A_1300 : i32 to index
      %get3A_1312 = arith.constant 16 : index
      %get3A_1313 = tpu.vector_load %arg9[%get3A_1311, %get3A_1312] {strides = array<i32>} : memref<512x32xf32, #tpu.memory_space<vmem>>, vector<1x16xf32>,
      %get3A_1314 = vector.shape_cast %get3A_1313 : vector<1x16xf32> to vector<16xf32>
      %mul3A_1315 = arith.constant 5.65685415 : f32
      %mul3A_1316 = vector.broadcast %mul3A_1315 : f32 to vector<16xf32>
      %mul3A_1317 = arith.mulf %get3A_1314, %mul3A_1316 : vector<16xf32>
      %swap3A_1318 = arith.index_cast %scan3A_1300 : i32 to index
      %swap3A_1319 = arith.constant 16 : index
      %swap3A_1320 = tpu.vector_load %arg9[%swap3A_1318, %swap3A_1319] {strides = array<i32>} : memref<512x32xf32, #tpu.memory_space<vmem>>, vector<1x16xf32>,
      %swap3A_1321 = vector.shape_cast %swap3A_1320 : vector<1x16xf32> to vector<16xf32>
      %swap3A_1322 = vector.shape_cast %mul3A_1317 : vector<16xf32> to vector<1x16xf32>
      tpu.vector_store %arg9[%swap3A_1318, %swap3A_1319], %swap3A_1322 {strides = array<i32>} : memref<512x32xf32, #tpu.memory_space<vmem>>, vector<1x16xf32>,
    }
    %scan3A_274 = arith.constant 512 : i32
    %add3A_275 = arith.constant 4608 : i32
    %add3A_276 = arith.addi %mul3A_2, %add3A_275 : i32
    %dma_start3A_277 = arith.constant 0 : i32
    %dma_start3A_278 = tpu.memref_slice %arg4[%add3A_276, %dma_start3A_277] : memref<819200x128xf32, #tpu.memory_space<hbm>> -> memref<512x32xf32, #tpu.memory_space<hbm>>
    %dma_start3A_279 = arith.constant 0 : i32
    %dma_start3A_280 = tpu.memref_slice %arg4[%add3A_276, %dma_start3A_279] : memref<819200x128xf32, #tpu.memory_space<hbm>> -> memref<512x32xf32, #tpu.memory_space<hbm>>
    tpu.enqueue_dma source(%arg9 : memref<512x32xf32, #tpu.memory_space<vmem>>) target(%dma_start3A_280 : memref<512x32xf32, #tpu.memory_space<hbm>>) target_semaphore(%arg21 : memref<!tpu.dma_semaphore, #tpu.memory_space<semaphore_mem>>)
    %dma_wait3A_281 = arith.constant 0 : i32
    %dma_wait3A_282 = tpu.memref_slice %arg4[%add3A_276, %dma_wait3A_281] : memref<819200x128xf32, #tpu.memory_space<hbm>> -> memref<512x32xf32, #tpu.memory_space<hbm>>
    %dma_wait3A_283 = arith.constant 0 : i32
    %dma_wait3A_284 = tpu.memref_slice %arg4[%add3A_276, %dma_wait3A_283] : memref<819200x128xf32, #tpu.memory_space<hbm>> -> memref<512x32xf32, #tpu.memory_space<hbm>>
    tpu.wait_dma2 semaphore(%arg21 : memref<!tpu.dma_semaphore, #tpu.memory_space<semaphore_mem>>) src(%arg9 : memref<512x32xf32, #tpu.memory_space<vmem>>) dst(%dma_wait3A_284 : memref<512x32xf32, #tpu.memory_space<hbm>>)
    %dma_start3A_285 = arith.constant 7680 : i32
    %dma_start3A_286 = tpu.memref_slice %arg5[%dma_start3A_285] : memref<25600xi32, #tpu.memory_space<vmem>> -> memref<512xi32, #tpu.memory_space<vmem>>
    %dma_start3A_287 = arith.constant 0 : i32
    %dma_start3A_288 = arith.constant 0 : i32
    %dma_start3A_289 = tpu.memref_slice %arg3[%dma_start3A_287, %dma_start3A_288] : memref<1000000x32xf32, #tpu.memory_space<hbm>> -> memref<1000000x32xf32, #tpu.memory_space<hbm>>
    tpu.enqueue_indirect_dma source(%dma_start3A_289 : memref<1000000x32xf32, #tpu.memory_space<hbm>>) target(%arg9 : memref<512x32xf32, #tpu.memory_space<vmem>>) offsets(%dma_start3A_286 : memref<512xi32, #tpu.memory_space<vmem>>) semaphore(%arg15 : memref<!tpu.dma_semaphore, #tpu.memory_space<semaphore_mem>>)
    %dma_wait3A_290 = arith.constant 5120 : i32
    %dma_wait3A_291 = tpu.memref_slice %arg5[%dma_wait3A_290] : memref<25600xi32, #tpu.memory_space<vmem>> -> memref<512xi32, #tpu.memory_space<vmem>>
    %dma_wait3A_292 = arith.constant 0 : i32
    %dma_wait3A_293 = arith.constant 0 : i32
    %dma_wait3A_294 = tpu.memref_slice %arg3[%dma_wait3A_292, %dma_wait3A_293] : memref<1000000x32xf32, #tpu.memory_space<hbm>> -> memref<1000000x32xf32, #tpu.memory_space<hbm>>
    tpu.wait_indirect_dma semaphore(%arg16 : memref<!tpu.dma_semaphore, #tpu.memory_space<semaphore_mem>>) src(%dma_wait3A_294 : memref<1000000x32xf32, #tpu.memory_space<hbm>>) dst(%arg10 : memref<512x32xf32, #tpu.memory_space<vmem>>)
    %scan3A_295 = arith.constant 0 : i32
    %scan3A_296 = arith.constant 0 : i32
    %scan3A_297 = arith.constant 512 : i32
    %scan3A_298 = arith.addi %scan3A_296, %scan3A_297 : i32
    %scan3A_299 = arith.constant 1 : i32
    scf.for %scan3A_1300 = %scan3A_296 to %scan3A_298 step %scan3A_299  : i32 {
      %get3A = arith.index_cast %scan3A_1300 : i32 to index
      %get3A_1301 = arith.constant 0 : index
      %get3A_1302 = tpu.vector_load %arg10[%get3A, %get3A_1301] {strides = array<i32>} : memref<512x32xf32, #tpu.memory_space<vmem>>, vector<1x16xf32>,
      %get3A_1303 = vector.shape_cast %get3A_1302 : vector<1x16xf32> to vector<16xf32>
      %mul3A_1304 = arith.constant 5.65685415 : f32
      %mul3A_1305 = vector.broadcast %mul3A_1304 : f32 to vector<16xf32>
      %mul3A_1306 = arith.mulf %get3A_1303, %mul3A_1305 : vector<16xf32>
      %swap3A = arith.index_cast %scan3A_1300 : i32 to index
      %swap3A_1307 = arith.constant 0 : index
      %swap3A_1308 = tpu.vector_load %arg10[%swap3A, %swap3A_1307] {strides = array<i32>} : memref<512x32xf32, #tpu.memory_space<vmem>>, vector<1x16xf32>,
      %swap3A_1309 = vector.shape_cast %swap3A_1308 : vector<1x16xf32> to vector<16xf32>
      %swap3A_1310 = vector.shape_cast %mul3A_1306 : vector<16xf32> to vector<1x16xf32>
      tpu.vector_store %arg10[%swap3A, %swap3A_1307], %swap3A_1310 {strides = array<i32>} : memref<512x32xf32, #tpu.memory_space<vmem>>, vector<1x16xf32>,
      %get3A_1311 = arith.index_cast %scan3A_1300 : i32 to index
      %get3A_1312 = arith.constant 16 : index
      %get3A_1313 = tpu.vector_load %arg10[%get3A_1311, %get3A_1312] {strides = array<i32>} : memref<512x32xf32, #tpu.memory_space<vmem>>, vector<1x16xf32>,
      %get3A_1314 = vector.shape_cast %get3A_1313 : vector<1x16xf32> to vector<16xf32>
      %mul3A_1315 = arith.constant 5.65685415 : f32
      %mul3A_1316 = vector.broadcast %mul3A_1315 : f32 to vector<16xf32>
      %mul3A_1317 = arith.mulf %get3A_1314, %mul3A_1316 : vector<16xf32>
      %swap3A_1318 = arith.index_cast %scan3A_1300 : i32 to index
      %swap3A_1319 = arith.constant 16 : index
      %swap3A_1320 = tpu.vector_load %arg10[%swap3A_1318, %swap3A_1319] {strides = array<i32>} : memref<512x32xf32, #tpu.memory_space<vmem>>, vector<1x16xf32>,
      %swap3A_1321 = vector.shape_cast %swap3A_1320 : vector<1x16xf32> to vector<16xf32>
      %swap3A_1322 = vector.shape_cast %mul3A_1317 : vector<16xf32> to vector<1x16xf32>
      tpu.vector_store %arg10[%swap3A_1318, %swap3A_1319], %swap3A_1322 {strides = array<i32>} : memref<512x32xf32, #tpu.memory_space<vmem>>, vector<1x16xf32>,
    }
    %scan3A_300 = arith.constant 512 : i32
    %add3A_301 = arith.constant 5120 : i32
    %add3A_302 = arith.addi %mul3A_2, %add3A_301 : i32
    %dma_start3A_303 = arith.constant 0 : i32
    %dma_start3A_304 = tpu.memref_slice %arg4[%add3A_302, %dma_start3A_303] : memref<819200x128xf32, #tpu.memory_space<hbm>> -> memref<512x32xf32, #tpu.memory_space<hbm>>
    %dma_start3A_305 = arith.constant 0 : i32
    %dma_start3A_306 = tpu.memref_slice %arg4[%add3A_302, %dma_start3A_305] : memref<819200x128xf32, #tpu.memory_space<hbm>> -> memref<512x32xf32, #tpu.memory_space<hbm>>
    tpu.enqueue_dma source(%arg10 : memref<512x32xf32, #tpu.memory_space<vmem>>) target(%dma_start3A_306 : memref<512x32xf32, #tpu.memory_space<hbm>>) target_semaphore(%arg22 : memref<!tpu.dma_semaphore, #tpu.memory_space<semaphore_mem>>)
    %dma_wait3A_307 = arith.constant 0 : i32
    %dma_wait3A_308 = tpu.memref_slice %arg4[%add3A_302, %dma_wait3A_307] : memref<819200x128xf32, #tpu.memory_space<hbm>> -> memref<512x32xf32, #tpu.memory_space<hbm>>
    %dma_wait3A_309 = arith.constant 0 : i32
    %dma_wait3A_310 = tpu.memref_slice %arg4[%add3A_302, %dma_wait3A_309] : memref<819200x128xf32, #tpu.memory_space<hbm>> -> memref<512x32xf32, #tpu.memory_space<hbm>>
    tpu.wait_dma2 semaphore(%arg22 : memref<!tpu.dma_semaphore, #tpu.memory_space<semaphore_mem>>) src(%arg10 : memref<512x32xf32, #tpu.memory_space<vmem>>) dst(%dma_wait3A_310 : memref<512x32xf32, #tpu.memory_space<hbm>>)
    %dma_start3A_311 = arith.constant 8192 : i32
    %dma_start3A_312 = tpu.memref_slice %arg5[%dma_start3A_311] : memref<25600xi32, #tpu.memory_space<vmem>> -> memref<512xi32, #tpu.memory_space<vmem>>
    %dma_start3A_313 = arith.constant 0 : i32
    %dma_start3A_314 = arith.constant 0 : i32
    %dma_start3A_315 = tpu.memref_slice %arg3[%dma_start3A_313, %dma_start3A_314] : memref<1000000x32xf32, #tpu.memory_space<hbm>> -> memref<1000000x32xf32, #tpu.memory_space<hbm>>
    tpu.enqueue_indirect_dma source(%dma_start3A_315 : memref<1000000x32xf32, #tpu.memory_space<hbm>>) target(%arg10 : memref<512x32xf32, #tpu.memory_space<vmem>>) offsets(%dma_start3A_312 : memref<512xi32, #tpu.memory_space<vmem>>) semaphore(%arg16 : memref<!tpu.dma_semaphore, #tpu.memory_space<semaphore_mem>>)
    %dma_wait3A_316 = arith.constant 5632 : i32
    %dma_wait3A_317 = tpu.memref_slice %arg5[%dma_wait3A_316] : memref<25600xi32, #tpu.memory_space<vmem>> -> memref<512xi32, #tpu.memory_space<vmem>>
    %dma_wait3A_318 = arith.constant 0 : i32
    %dma_wait3A_319 = arith.constant 0 : i32
    %dma_wait3A_320 = tpu.memref_slice %arg3[%dma_wait3A_318, %dma_wait3A_319] : memref<1000000x32xf32, #tpu.memory_space<hbm>> -> memref<1000000x32xf32, #tpu.memory_space<hbm>>
    tpu.wait_indirect_dma semaphore(%arg17 : memref<!tpu.dma_semaphore, #tpu.memory_space<semaphore_mem>>) src(%dma_wait3A_320 : memref<1000000x32xf32, #tpu.memory_space<hbm>>) dst(%arg11 : memref<512x32xf32, #tpu.memory_space<vmem>>)
    %scan3A_321 = arith.constant 0 : i32
    %scan3A_322 = arith.constant 0 : i32
    %scan3A_323 = arith.constant 512 : i32
    %scan3A_324 = arith.addi %scan3A_322, %scan3A_323 : i32
    %scan3A_325 = arith.constant 1 : i32
    scf.for %scan3A_1300 = %scan3A_322 to %scan3A_324 step %scan3A_325  : i32 {
      %get3A = arith.index_cast %scan3A_1300 : i32 to index
      %get3A_1301 = arith.constant 0 : index
      %get3A_1302 = tpu.vector_load %arg11[%get3A, %get3A_1301] {strides = array<i32>} : memref<512x32xf32, #tpu.memory_space<vmem>>, vector<1x16xf32>,
      %get3A_1303 = vector.shape_cast %get3A_1302 : vector<1x16xf32> to vector<16xf32>
      %mul3A_1304 = arith.constant 5.65685415 : f32
      %mul3A_1305 = vector.broadcast %mul3A_1304 : f32 to vector<16xf32>
      %mul3A_1306 = arith.mulf %get3A_1303, %mul3A_1305 : vector<16xf32>
      %swap3A = arith.index_cast %scan3A_1300 : i32 to index
      %swap3A_1307 = arith.constant 0 : index
      %swap3A_1308 = tpu.vector_load %arg11[%swap3A, %swap3A_1307] {strides = array<i32>} : memref<512x32xf32, #tpu.memory_space<vmem>>, vector<1x16xf32>,
      %swap3A_1309 = vector.shape_cast %swap3A_1308 : vector<1x16xf32> to vector<16xf32>
      %swap3A_1310 = vector.shape_cast %mul3A_1306 : vector<16xf32> to vector<1x16xf32>
      tpu.vector_store %arg11[%swap3A, %swap3A_1307], %swap3A_1310 {strides = array<i32>} : memref<512x32xf32, #tpu.memory_space<vmem>>, vector<1x16xf32>,
      %get3A_1311 = arith.index_cast %scan3A_1300 : i32 to index
      %get3A_1312 = arith.constant 16 : index
      %get3A_1313 = tpu.vector_load %arg11[%get3A_1311, %get3A_1312] {strides = array<i32>} : memref<512x32xf32, #tpu.memory_space<vmem>>, vector<1x16xf32>,
      %get3A_1314 = vector.shape_cast %get3A_1313 : vector<1x16xf32> to vector<16xf32>
      %mul3A_1315 = arith.constant 5.65685415 : f32
      %mul3A_1316 = vector.broadcast %mul3A_1315 : f32 to vector<16xf32>
      %mul3A_1317 = arith.mulf %get3A_1314, %mul3A_1316 : vector<16xf32>
      %swap3A_1318 = arith.index_cast %scan3A_1300 : i32 to index
      %swap3A_1319 = arith.constant 16 : index
      %swap3A_1320 = tpu.vector_load %arg11[%swap3A_1318, %swap3A_1319] {strides = array<i32>} : memref<512x32xf32, #tpu.memory_space<vmem>>, vector<1x16xf32>,
      %swap3A_1321 = vector.shape_cast %swap3A_1320 : vector<1x16xf32> to vector<16xf32>
      %swap3A_1322 = vector.shape_cast %mul3A_1317 : vector<16xf32> to vector<1x16xf32>
      tpu.vector_store %arg11[%swap3A_1318, %swap3A_1319], %swap3A_1322 {strides = array<i32>} : memref<512x32xf32, #tpu.memory_space<vmem>>, vector<1x16xf32>,
    }
    %scan3A_326 = arith.constant 512 : i32
    %add3A_327 = arith.constant 5632 : i32
    %add3A_328 = arith.addi %mul3A_2, %add3A_327 : i32
    %dma_start3A_329 = arith.constant 0 : i32
    %dma_start3A_330 = tpu.memref_slice %arg4[%add3A_328, %dma_start3A_329] : memref<819200x128xf32, #tpu.memory_space<hbm>> -> memref<512x32xf32, #tpu.memory_space<hbm>>
    %dma_start3A_331 = arith.constant 0 : i32
    %dma_start3A_332 = tpu.memref_slice %arg4[%add3A_328, %dma_start3A_331] : memref<819200x128xf32, #tpu.memory_space<hbm>> -> memref<512x32xf32, #tpu.memory_space<hbm>>
    tpu.enqueue_dma source(%arg11 : memref<512x32xf32, #tpu.memory_space<vmem>>) target(%dma_start3A_332 : memref<512x32xf32, #tpu.memory_space<hbm>>) target_semaphore(%arg23 : memref<!tpu.dma_semaphore, #tpu.memory_space<semaphore_mem>>)
    %dma_wait3A_333 = arith.constant 0 : i32
    %dma_wait3A_334 = tpu.memref_slice %arg4[%add3A_328, %dma_wait3A_333] : memref<819200x128xf32, #tpu.memory_space<hbm>> -> memref<512x32xf32, #tpu.memory_space<hbm>>
    %dma_wait3A_335 = arith.constant 0 : i32
    %dma_wait3A_336 = tpu.memref_slice %arg4[%add3A_328, %dma_wait3A_335] : memref<819200x128xf32, #tpu.memory_space<hbm>> -> memref<512x32xf32, #tpu.memory_space<hbm>>
    tpu.wait_dma2 semaphore(%arg23 : memref<!tpu.dma_semaphore, #tpu.memory_space<semaphore_mem>>) src(%arg11 : memref<512x32xf32, #tpu.memory_space<vmem>>) dst(%dma_wait3A_336 : memref<512x32xf32, #tpu.memory_space<hbm>>)
    %dma_start3A_337 = arith.constant 8704 : i32
    %dma_start3A_338 = tpu.memref_slice %arg5[%dma_start3A_337] : memref<25600xi32, #tpu.memory_space<vmem>> -> memref<512xi32, #tpu.memory_space<vmem>>
    %dma_start3A_339 = arith.constant 0 : i32
    %dma_start3A_340 = arith.constant 0 : i32
    %dma_start3A_341 = tpu.memref_slice %arg3[%dma_start3A_339, %dma_start3A_340] : memref<1000000x32xf32, #tpu.memory_space<hbm>> -> memref<1000000x32xf32, #tpu.memory_space<hbm>>
    tpu.enqueue_indirect_dma source(%dma_start3A_341 : memref<1000000x32xf32, #tpu.memory_space<hbm>>) target(%arg11 : memref<512x32xf32, #tpu.memory_space<vmem>>) offsets(%dma_start3A_338 : memref<512xi32, #tpu.memory_space<vmem>>) semaphore(%arg17 : memref<!tpu.dma_semaphore, #tpu.memory_space<semaphore_mem>>)
    %dma_wait3A_342 = arith.constant 6144 : i32
    %dma_wait3A_343 = tpu.memref_slice %arg5[%dma_wait3A_342] : memref<25600xi32, #tpu.memory_space<vmem>> -> memref<512xi32, #tpu.memory_space<vmem>>
    %dma_wait3A_344 = arith.constant 0 : i32
    %dma_wait3A_345 = arith.constant 0 : i32
    %dma_wait3A_346 = tpu.memref_slice %arg3[%dma_wait3A_344, %dma_wait3A_345] : memref<1000000x32xf32, #tpu.memory_space<hbm>> -> memref<1000000x32xf32, #tpu.memory_space<hbm>>
    tpu.wait_indirect_dma semaphore(%arg12 : memref<!tpu.dma_semaphore, #tpu.memory_space<semaphore_mem>>) src(%dma_wait3A_346 : memref<1000000x32xf32, #tpu.memory_space<hbm>>) dst(%arg6 : memref<512x32xf32, #tpu.memory_space<vmem>>)
    %scan3A_347 = arith.constant 0 : i32
    %scan3A_348 = arith.constant 0 : i32
    %scan3A_349 = arith.constant 512 : i32
    %scan3A_350 = arith.addi %scan3A_348, %scan3A_349 : i32
    %scan3A_351 = arith.constant 1 : i32
    scf.for %scan3A_1300 = %scan3A_348 to %scan3A_350 step %scan3A_351  : i32 {
      %get3A = arith.index_cast %scan3A_1300 : i32 to index
      %get3A_1301 = arith.constant 0 : index
      %get3A_1302 = tpu.vector_load %arg6[%get3A, %get3A_1301] {strides = array<i32>} : memref<512x32xf32, #tpu.memory_space<vmem>>, vector<1x16xf32>,
      %get3A_1303 = vector.shape_cast %get3A_1302 : vector<1x16xf32> to vector<16xf32>
      %mul3A_1304 = arith.constant 5.65685415 : f32
      %mul3A_1305 = vector.broadcast %mul3A_1304 : f32 to vector<16xf32>
      %mul3A_1306 = arith.mulf %get3A_1303, %mul3A_1305 : vector<16xf32>
      %swap3A = arith.index_cast %scan3A_1300 : i32 to index
      %swap3A_1307 = arith.constant 0 : index
      %swap3A_1308 = tpu.vector_load %arg6[%swap3A, %swap3A_1307] {strides = array<i32>} : memref<512x32xf32, #tpu.memory_space<vmem>>, vector<1x16xf32>,
      %swap3A_1309 = vector.shape_cast %swap3A_1308 : vector<1x16xf32> to vector<16xf32>
      %swap3A_1310 = vector.shape_cast %mul3A_1306 : vector<16xf32> to vector<1x16xf32>
      tpu.vector_store %arg6[%swap3A, %swap3A_1307], %swap3A_1310 {strides = array<i32>} : memref<512x32xf32, #tpu.memory_space<vmem>>, vector<1x16xf32>,
      %get3A_1311 = arith.index_cast %scan3A_1300 : i32 to index
      %get3A_1312 = arith.constant 16 : index
      %get3A_1313 = tpu.vector_load %arg6[%get3A_1311, %get3A_1312] {strides = array<i32>} : memref<512x32xf32, #tpu.memory_space<vmem>>, vector<1x16xf32>,
      %get3A_1314 = vector.shape_cast %get3A_1313 : vector<1x16xf32> to vector<16xf32>
      %mul3A_1315 = arith.constant 5.65685415 : f32
      %mul3A_1316 = vector.broadcast %mul3A_1315 : f32 to vector<16xf32>
      %mul3A_1317 = arith.mulf %get3A_1314, %mul3A_1316 : vector<16xf32>
      %swap3A_1318 = arith.index_cast %scan3A_1300 : i32 to index
      %swap3A_1319 = arith.constant 16 : index
      %swap3A_1320 = tpu.vector_load %arg6[%swap3A_1318, %swap3A_1319] {strides = array<i32>} : memref<512x32xf32, #tpu.memory_space<vmem>>, vector<1x16xf32>,
      %swap3A_1321 = vector.shape_cast %swap3A_1320 : vector<1x16xf32> to vector<16xf32>
      %swap3A_1322 = vector.shape_cast %mul3A_1317 : vector<16xf32> to vector<1x16xf32>
      tpu.vector_store %arg6[%swap3A_1318, %swap3A_1319], %swap3A_1322 {strides = array<i32>} : memref<512x32xf32, #tpu.memory_space<vmem>>, vector<1x16xf32>,
    }
    %scan3A_352 = arith.constant 512 : i32
    %add3A_353 = arith.constant 6144 : i32
    %add3A_354 = arith.addi %mul3A_2, %add3A_353 : i32
    %dma_start3A_355 = arith.constant 0 : i32
    %dma_start3A_356 = tpu.memref_slice %arg4[%add3A_354, %dma_start3A_355] : memref<819200x128xf32, #tpu.memory_space<hbm>> -> memref<512x32xf32, #tpu.memory_space<hbm>>
    %dma_start3A_357 = arith.constant 0 : i32
    %dma_start3A_358 = tpu.memref_slice %arg4[%add3A_354, %dma_start3A_357] : memref<819200x128xf32, #tpu.memory_space<hbm>> -> memref<512x32xf32, #tpu.memory_space<hbm>>
    tpu.enqueue_dma source(%arg6 : memref<512x32xf32, #tpu.memory_space<vmem>>) target(%dma_start3A_358 : memref<512x32xf32, #tpu.memory_space<hbm>>) target_semaphore(%arg18 : memref<!tpu.dma_semaphore, #tpu.memory_space<semaphore_mem>>)
    %dma_wait3A_359 = arith.constant 0 : i32
    %dma_wait3A_360 = tpu.memref_slice %arg4[%add3A_354, %dma_wait3A_359] : memref<819200x128xf32, #tpu.memory_space<hbm>> -> memref<512x32xf32, #tpu.memory_space<hbm>>
    %dma_wait3A_361 = arith.constant 0 : i32
    %dma_wait3A_362 = tpu.memref_slice %arg4[%add3A_354, %dma_wait3A_361] : memref<819200x128xf32, #tpu.memory_space<hbm>> -> memref<512x32xf32, #tpu.memory_space<hbm>>
    tpu.wait_dma2 semaphore(%arg18 : memref<!tpu.dma_semaphore, #tpu.memory_space<semaphore_mem>>) src(%arg6 : memref<512x32xf32, #tpu.memory_space<vmem>>) dst(%dma_wait3A_362 : memref<512x32xf32, #tpu.memory_space<hbm>>)
    %dma_start3A_363 = arith.constant 9216 : i32
    %dma_start3A_364 = tpu.memref_slice %arg5[%dma_start3A_363] : memref<25600xi32, #tpu.memory_space<vmem>> -> memref<512xi32, #tpu.memory_space<vmem>>
    %dma_start3A_365 = arith.constant 0 : i32
    %dma_start3A_366 = arith.constant 0 : i32
    %dma_start3A_367 = tpu.memref_slice %arg3[%dma_start3A_365, %dma_start3A_366] : memref<1000000x32xf32, #tpu.memory_space<hbm>> -> memref<1000000x32xf32, #tpu.memory_space<hbm>>
    tpu.enqueue_indirect_dma source(%dma_start3A_367 : memref<1000000x32xf32, #tpu.memory_space<hbm>>) target(%arg6 : memref<512x32xf32, #tpu.memory_space<vmem>>) offsets(%dma_start3A_364 : memref<512xi32, #tpu.memory_space<vmem>>) semaphore(%arg12 : memref<!tpu.dma_semaphore, #tpu.memory_space<semaphore_mem>>)
    %dma_wait3A_368 = arith.constant 6656 : i32
    %dma_wait3A_369 = tpu.memref_slice %arg5[%dma_wait3A_368] : memref<25600xi32, #tpu.memory_space<vmem>> -> memref<512xi32, #tpu.memory_space<vmem>>
    %dma_wait3A_370 = arith.constant 0 : i32
    %dma_wait3A_371 = arith.constant 0 : i32
    %dma_wait3A_372 = tpu.memref_slice %arg3[%dma_wait3A_370, %dma_wait3A_371] : memref<1000000x32xf32, #tpu.memory_space<hbm>> -> memref<1000000x32xf32, #tpu.memory_space<hbm>>
    tpu.wait_indirect_dma semaphore(%arg13 : memref<!tpu.dma_semaphore, #tpu.memory_space<semaphore_mem>>) src(%dma_wait3A_372 : memref<1000000x32xf32, #tpu.memory_space<hbm>>) dst(%arg7 : memref<512x32xf32, #tpu.memory_space<vmem>>)
    %scan3A_373 = arith.constant 0 : i32
    %scan3A_374 = arith.constant 0 : i32
    %scan3A_375 = arith.constant 512 : i32
    %scan3A_376 = arith.addi %scan3A_374, %scan3A_375 : i32
    %scan3A_377 = arith.constant 1 : i32
    scf.for %scan3A_1300 = %scan3A_374 to %scan3A_376 step %scan3A_377  : i32 {
      %get3A = arith.index_cast %scan3A_1300 : i32 to index
      %get3A_1301 = arith.constant 0 : index
      %get3A_1302 = tpu.vector_load %arg7[%get3A, %get3A_1301] {strides = array<i32>} : memref<512x32xf32, #tpu.memory_space<vmem>>, vector<1x16xf32>,
      %get3A_1303 = vector.shape_cast %get3A_1302 : vector<1x16xf32> to vector<16xf32>
      %mul3A_1304 = arith.constant 5.65685415 : f32
      %mul3A_1305 = vector.broadcast %mul3A_1304 : f32 to vector<16xf32>
      %mul3A_1306 = arith.mulf %get3A_1303, %mul3A_1305 : vector<16xf32>
      %swap3A = arith.index_cast %scan3A_1300 : i32 to index
      %swap3A_1307 = arith.constant 0 : index
      %swap3A_1308 = tpu.vector_load %arg7[%swap3A, %swap3A_1307] {strides = array<i32>} : memref<512x32xf32, #tpu.memory_space<vmem>>, vector<1x16xf32>,
      %swap3A_1309 = vector.shape_cast %swap3A_1308 : vector<1x16xf32> to vector<16xf32>
      %swap3A_1310 = vector.shape_cast %mul3A_1306 : vector<16xf32> to vector<1x16xf32>
      tpu.vector_store %arg7[%swap3A, %swap3A_1307], %swap3A_1310 {strides = array<i32>} : memref<512x32xf32, #tpu.memory_space<vmem>>, vector<1x16xf32>,
      %get3A_1311 = arith.index_cast %scan3A_1300 : i32 to index
      %get3A_1312 = arith.constant 16 : index
      %get3A_1313 = tpu.vector_load %arg7[%get3A_1311, %get3A_1312] {strides = array<i32>} : memref<512x32xf32, #tpu.memory_space<vmem>>, vector<1x16xf32>,
      %get3A_1314 = vector.shape_cast %get3A_1313 : vector<1x16xf32> to vector<16xf32>
      %mul3A_1315 = arith.constant 5.65685415 : f32
      %mul3A_1316 = vector.broadcast %mul3A_1315 : f32 to vector<16xf32>
      %mul3A_1317 = arith.mulf %get3A_1314, %mul3A_1316 : vector<16xf32>
      %swap3A_1318 = arith.index_cast %scan3A_1300 : i32 to index
      %swap3A_1319 = arith.constant 16 : index
      %swap3A_1320 = tpu.vector_load %arg7[%swap3A_1318, %swap3A_1319] {strides = array<i32>} : memref<512x32xf32, #tpu.memory_space<vmem>>, vector<1x16xf32>,
      %swap3A_1321 = vector.shape_cast %swap3A_1320 : vector<1x16xf32> to vector<16xf32>
      %swap3A_1322 = vector.shape_cast %mul3A_1317 : vector<16xf32> to vector<1x16xf32>
      tpu.vector_store %arg7[%swap3A_1318, %swap3A_1319], %swap3A_1322 {strides = array<i32>} : memref<512x32xf32, #tpu.memory_space<vmem>>, vector<1x16xf32>,
    }
    %scan3A_378 = arith.constant 512 : i32
    %add3A_379 = arith.constant 6656 : i32
    %add3A_380 = arith.addi %mul3A_2, %add3A_379 : i32
    %dma_start3A_381 = arith.constant 0 : i32
    %dma_start3A_382 = tpu.memref_slice %arg4[%add3A_380, %dma_start3A_381] : memref<819200x128xf32, #tpu.memory_space<hbm>> -> memref<512x32xf32, #tpu.memory_space<hbm>>
    %dma_start3A_383 = arith.constant 0 : i32
    %dma_start3A_384 = tpu.memref_slice %arg4[%add3A_380, %dma_start3A_383] : memref<819200x128xf32, #tpu.memory_space<hbm>> -> memref<512x32xf32, #tpu.memory_space<hbm>>
    tpu.enqueue_dma source(%arg7 : memref<512x32xf32, #tpu.memory_space<vmem>>) target(%dma_start3A_384 : memref<512x32xf32, #tpu.memory_space<hbm>>) target_semaphore(%arg19 : memref<!tpu.dma_semaphore, #tpu.memory_space<semaphore_mem>>)
    %dma_wait3A_385 = arith.constant 0 : i32
    %dma_wait3A_386 = tpu.memref_slice %arg4[%add3A_380, %dma_wait3A_385] : memref<819200x128xf32, #tpu.memory_space<hbm>> -> memref<512x32xf32, #tpu.memory_space<hbm>>
    %dma_wait3A_387 = arith.constant 0 : i32
    %dma_wait3A_388 = tpu.memref_slice %arg4[%add3A_380, %dma_wait3A_387] : memref<819200x128xf32, #tpu.memory_space<hbm>> -> memref<512x32xf32, #tpu.memory_space<hbm>>
    tpu.wait_dma2 semaphore(%arg19 : memref<!tpu.dma_semaphore, #tpu.memory_space<semaphore_mem>>) src(%arg7 : memref<512x32xf32, #tpu.memory_space<vmem>>) dst(%dma_wait3A_388 : memref<512x32xf32, #tpu.memory_space<hbm>>)
    %dma_start3A_389 = arith.constant 9728 : i32
    %dma_start3A_390 = tpu.memref_slice %arg5[%dma_start3A_389] : memref<25600xi32, #tpu.memory_space<vmem>> -> memref<512xi32, #tpu.memory_space<vmem>>
    %dma_start3A_391 = arith.constant 0 : i32
    %dma_start3A_392 = arith.constant 0 : i32
    %dma_start3A_393 = tpu.memref_slice %arg3[%dma_start3A_391, %dma_start3A_392] : memref<1000000x32xf32, #tpu.memory_space<hbm>> -> memref<1000000x32xf32, #tpu.memory_space<hbm>>
    tpu.enqueue_indirect_dma source(%dma_start3A_393 : memref<1000000x32xf32, #tpu.memory_space<hbm>>) target(%arg7 : memref<512x32xf32, #tpu.memory_space<vmem>>) offsets(%dma_start3A_390 : memref<512xi32, #tpu.memory_space<vmem>>) semaphore(%arg13 : memref<!tpu.dma_semaphore, #tpu.memory_space<semaphore_mem>>)
    %dma_wait3A_394 = arith.constant 7168 : i32
    %dma_wait3A_395 = tpu.memref_slice %arg5[%dma_wait3A_394] : memref<25600xi32, #tpu.memory_space<vmem>> -> memref<512xi32, #tpu.memory_space<vmem>>
    %dma_wait3A_396 = arith.constant 0 : i32
    %dma_wait3A_397 = arith.constant 0 : i32
    %dma_wait3A_398 = tpu.memref_slice %arg3[%dma_wait3A_396, %dma_wait3A_397] : memref<1000000x32xf32, #tpu.memory_space<hbm>> -> memref<1000000x32xf32, #tpu.memory_space<hbm>>
    tpu.wait_indirect_dma semaphore(%arg14 : memref<!tpu.dma_semaphore, #tpu.memory_space<semaphore_mem>>) src(%dma_wait3A_398 : memref<1000000x32xf32, #tpu.memory_space<hbm>>) dst(%arg8 : memref<512x32xf32, #tpu.memory_space<vmem>>)
    %scan3A_399 = arith.constant 0 : i32
    %scan3A_400 = arith.constant 0 : i32
    %scan3A_401 = arith.constant 512 : i32
    %scan3A_402 = arith.addi %scan3A_400, %scan3A_401 : i32
    %scan3A_403 = arith.constant 1 : i32
    scf.for %scan3A_1300 = %scan3A_400 to %scan3A_402 step %scan3A_403  : i32 {
      %get3A = arith.index_cast %scan3A_1300 : i32 to index
      %get3A_1301 = arith.constant 0 : index
      %get3A_1302 = tpu.vector_load %arg8[%get3A, %get3A_1301] {strides = array<i32>} : memref<512x32xf32, #tpu.memory_space<vmem>>, vector<1x16xf32>,
      %get3A_1303 = vector.shape_cast %get3A_1302 : vector<1x16xf32> to vector<16xf32>
      %mul3A_1304 = arith.constant 5.65685415 : f32
      %mul3A_1305 = vector.broadcast %mul3A_1304 : f32 to vector<16xf32>
      %mul3A_1306 = arith.mulf %get3A_1303, %mul3A_1305 : vector<16xf32>
      %swap3A = arith.index_cast %scan3A_1300 : i32 to index
      %swap3A_1307 = arith.constant 0 : index
      %swap3A_1308 = tpu.vector_load %arg8[%swap3A, %swap3A_1307] {strides = array<i32>} : memref<512x32xf32, #tpu.memory_space<vmem>>, vector<1x16xf32>,
      %swap3A_1309 = vector.shape_cast %swap3A_1308 : vector<1x16xf32> to vector<16xf32>
      %swap3A_1310 = vector.shape_cast %mul3A_1306 : vector<16xf32> to vector<1x16xf32>
      tpu.vector_store %arg8[%swap3A, %swap3A_1307], %swap3A_1310 {strides = array<i32>} : memref<512x32xf32, #tpu.memory_space<vmem>>, vector<1x16xf32>,
      %get3A_1311 = arith.index_cast %scan3A_1300 : i32 to index
      %get3A_1312 = arith.constant 16 : index
      %get3A_1313 = tpu.vector_load %arg8[%get3A_1311, %get3A_1312] {strides = array<i32>} : memref<512x32xf32, #tpu.memory_space<vmem>>, vector<1x16xf32>,
      %get3A_1314 = vector.shape_cast %get3A_1313 : vector<1x16xf32> to vector<16xf32>
      %mul3A_1315 = arith.constant 5.65685415 : f32
      %mul3A_1316 = vector.broadcast %mul3A_1315 : f32 to vector<16xf32>
      %mul3A_1317 = arith.mulf %get3A_1314, %mul3A_1316 : vector<16xf32>
      %swap3A_1318 = arith.index_cast %scan3A_1300 : i32 to index
      %swap3A_1319 = arith.constant 16 : index
      %swap3A_1320 = tpu.vector_load %arg8[%swap3A_1318, %swap3A_1319] {strides = array<i32>} : memref<512x32xf32, #tpu.memory_space<vmem>>, vector<1x16xf32>,
      %swap3A_1321 = vector.shape_cast %swap3A_1320 : vector<1x16xf32> to vector<16xf32>
      %swap3A_1322 = vector.shape_cast %mul3A_1317 : vector<16xf32> to vector<1x16xf32>
      tpu.vector_store %arg8[%swap3A_1318, %swap3A_1319], %swap3A_1322 {strides = array<i32>} : memref<512x32xf32, #tpu.memory_space<vmem>>, vector<1x16xf32>,
    }
    %scan3A_404 = arith.constant 512 : i32
    %add3A_405 = arith.constant 7168 : i32
    %add3A_406 = arith.addi %mul3A_2, %add3A_405 : i32
    %dma_start3A_407 = arith.constant 0 : i32
    %dma_start3A_408 = tpu.memref_slice %arg4[%add3A_406, %dma_start3A_407] : memref<819200x128xf32, #tpu.memory_space<hbm>> -> memref<512x32xf32, #tpu.memory_space<hbm>>
    %dma_start3A_409 = arith.constant 0 : i32
    %dma_start3A_410 = tpu.memref_slice %arg4[%add3A_406, %dma_start3A_409] : memref<819200x128xf32, #tpu.memory_space<hbm>> -> memref<512x32xf32, #tpu.memory_space<hbm>>
    tpu.enqueue_dma source(%arg8 : memref<512x32xf32, #tpu.memory_space<vmem>>) target(%dma_start3A_410 : memref<512x32xf32, #tpu.memory_space<hbm>>) target_semaphore(%arg20 : memref<!tpu.dma_semaphore, #tpu.memory_space<semaphore_mem>>)
    %dma_wait3A_411 = arith.constant 0 : i32
    %dma_wait3A_412 = tpu.memref_slice %arg4[%add3A_406, %dma_wait3A_411] : memref<819200x128xf32, #tpu.memory_space<hbm>> -> memref<512x32xf32, #tpu.memory_space<hbm>>
    %dma_wait3A_413 = arith.constant 0 : i32
    %dma_wait3A_414 = tpu.memref_slice %arg4[%add3A_406, %dma_wait3A_413] : memref<819200x128xf32, #tpu.memory_space<hbm>> -> memref<512x32xf32, #tpu.memory_space<hbm>>
    tpu.wait_dma2 semaphore(%arg20 : memref<!tpu.dma_semaphore, #tpu.memory_space<semaphore_mem>>) src(%arg8 : memref<512x32xf32, #tpu.memory_space<vmem>>) dst(%dma_wait3A_414 : memref<512x32xf32, #tpu.memory_space<hbm>>)
    %dma_start3A_415 = arith.constant 10240 : i32
    %dma_start3A_416 = tpu.memref_slice %arg5[%dma_start3A_415] : memref<25600xi32, #tpu.memory_space<vmem>> -> memref<512xi32, #tpu.memory_space<vmem>>
    %dma_start3A_417 = arith.constant 0 : i32
    %dma_start3A_418 = arith.constant 0 : i32
    %dma_start3A_419 = tpu.memref_slice %arg3[%dma_start3A_417, %dma_start3A_418] : memref<1000000x32xf32, #tpu.memory_space<hbm>> -> memref<1000000x32xf32, #tpu.memory_space<hbm>>
    tpu.enqueue_indirect_dma source(%dma_start3A_419 : memref<1000000x32xf32, #tpu.memory_space<hbm>>) target(%arg8 : memref<512x32xf32, #tpu.memory_space<vmem>>) offsets(%dma_start3A_416 : memref<512xi32, #tpu.memory_space<vmem>>) semaphore(%arg14 : memref<!tpu.dma_semaphore, #tpu.memory_space<semaphore_mem>>)
    %dma_wait3A_420 = arith.constant 7680 : i32
    %dma_wait3A_421 = tpu.memref_slice %arg5[%dma_wait3A_420] : memref<25600xi32, #tpu.memory_space<vmem>> -> memref<512xi32, #tpu.memory_space<vmem>>
    %dma_wait3A_422 = arith.constant 0 : i32
    %dma_wait3A_423 = arith.constant 0 : i32
    %dma_wait3A_424 = tpu.memref_slice %arg3[%dma_wait3A_422, %dma_wait3A_423] : memref<1000000x32xf32, #tpu.memory_space<hbm>> -> memref<1000000x32xf32, #tpu.memory_space<hbm>>
    tpu.wait_indirect_dma semaphore(%arg15 : memref<!tpu.dma_semaphore, #tpu.memory_space<semaphore_mem>>) src(%dma_wait3A_424 : memref<1000000x32xf32, #tpu.memory_space<hbm>>) dst(%arg9 : memref<512x32xf32, #tpu.memory_space<vmem>>)
    %scan3A_425 = arith.constant 0 : i32
    %scan3A_426 = arith.constant 0 : i32
    %scan3A_427 = arith.constant 512 : i32
    %scan3A_428 = arith.addi %scan3A_426, %scan3A_427 : i32
    %scan3A_429 = arith.constant 1 : i32
    scf.for %scan3A_1300 = %scan3A_426 to %scan3A_428 step %scan3A_429  : i32 {
      %get3A = arith.index_cast %scan3A_1300 : i32 to index
      %get3A_1301 = arith.constant 0 : index
      %get3A_1302 = tpu.vector_load %arg9[%get3A, %get3A_1301] {strides = array<i32>} : memref<512x32xf32, #tpu.memory_space<vmem>>, vector<1x16xf32>,
      %get3A_1303 = vector.shape_cast %get3A_1302 : vector<1x16xf32> to vector<16xf32>
      %mul3A_1304 = arith.constant 5.65685415 : f32
      %mul3A_1305 = vector.broadcast %mul3A_1304 : f32 to vector<16xf32>
      %mul3A_1306 = arith.mulf %get3A_1303, %mul3A_1305 : vector<16xf32>
      %swap3A = arith.index_cast %scan3A_1300 : i32 to index
      %swap3A_1307 = arith.constant 0 : index
      %swap3A_1308 = tpu.vector_load %arg9[%swap3A, %swap3A_1307] {strides = array<i32>} : memref<512x32xf32, #tpu.memory_space<vmem>>, vector<1x16xf32>,
      %swap3A_1309 = vector.shape_cast %swap3A_1308 : vector<1x16xf32> to vector<16xf32>
      %swap3A_1310 = vector.shape_cast %mul3A_1306 : vector<16xf32> to vector<1x16xf32>
      tpu.vector_store %arg9[%swap3A, %swap3A_1307], %swap3A_1310 {strides = array<i32>} : memref<512x32xf32, #tpu.memory_space<vmem>>, vector<1x16xf32>,
      %get3A_1311 = arith.index_cast %scan3A_1300 : i32 to index
      %get3A_1312 = arith.constant 16 : index
      %get3A_1313 = tpu.vector_load %arg9[%get3A_1311, %get3A_1312] {strides = array<i32>} : memref<512x32xf32, #tpu.memory_space<vmem>>, vector<1x16xf32>,
      %get3A_1314 = vector.shape_cast %get3A_1313 : vector<1x16xf32> to vector<16xf32>
      %mul3A_1315 = arith.constant 5.65685415 : f32
      %mul3A_1316 = vector.broadcast %mul3A_1315 : f32 to vector<16xf32>
      %mul3A_1317 = arith.mulf %get3A_1314, %mul3A_1316 : vector<16xf32>
      %swap3A_1318 = arith.index_cast %scan3A_1300 : i32 to index
      %swap3A_1319 = arith.constant 16 : index
      %swap3A_1320 = tpu.vector_load %arg9[%swap3A_1318, %swap3A_1319] {strides = array<i32>} : memref<512x32xf32, #tpu.memory_space<vmem>>, vector<1x16xf32>,
      %swap3A_1321 = vector.shape_cast %swap3A_1320 : vector<1x16xf32> to vector<16xf32>
      %swap3A_1322 = vector.shape_cast %mul3A_1317 : vector<16xf32> to vector<1x16xf32>
      tpu.vector_store %arg9[%swap3A_1318, %swap3A_1319], %swap3A_1322 {strides = array<i32>} : memref<512x32xf32, #tpu.memory_space<vmem>>, vector<1x16xf32>,
    }
    %scan3A_430 = arith.constant 512 : i32
    %add3A_431 = arith.constant 7680 : i32
    %add3A_432 = arith.addi %mul3A_2, %add3A_431 : i32
    %dma_start3A_433 = arith.constant 0 : i32
    %dma_start3A_434 = tpu.memref_slice %arg4[%add3A_432, %dma_start3A_433] : memref<819200x128xf32, #tpu.memory_space<hbm>> -> memref<512x32xf32, #tpu.memory_space<hbm>>
    %dma_start3A_435 = arith.constant 0 : i32
    %dma_start3A_436 = tpu.memref_slice %arg4[%add3A_432, %dma_start3A_435] : memref<819200x128xf32, #tpu.memory_space<hbm>> -> memref<512x32xf32, #tpu.memory_space<hbm>>
    tpu.enqueue_dma source(%arg9 : memref<512x32xf32, #tpu.memory_space<vmem>>) target(%dma_start3A_436 : memref<512x32xf32, #tpu.memory_space<hbm>>) target_semaphore(%arg21 : memref<!tpu.dma_semaphore, #tpu.memory_space<semaphore_mem>>)
    %dma_wait3A_437 = arith.constant 0 : i32
    %dma_wait3A_438 = tpu.memref_slice %arg4[%add3A_432, %dma_wait3A_437] : memref<819200x128xf32, #tpu.memory_space<hbm>> -> memref<512x32xf32, #tpu.memory_space<hbm>>
    %dma_wait3A_439 = arith.constant 0 : i32
    %dma_wait3A_440 = tpu.memref_slice %arg4[%add3A_432, %dma_wait3A_439] : memref<819200x128xf32, #tpu.memory_space<hbm>> -> memref<512x32xf32, #tpu.memory_space<hbm>>
    tpu.wait_dma2 semaphore(%arg21 : memref<!tpu.dma_semaphore, #tpu.memory_space<semaphore_mem>>) src(%arg9 : memref<512x32xf32, #tpu.memory_space<vmem>>) dst(%dma_wait3A_440 : memref<512x32xf32, #tpu.memory_space<hbm>>)
    %dma_start3A_441 = arith.constant 10752 : i32
    %dma_start3A_442 = tpu.memref_slice %arg5[%dma_start3A_441] : memref<25600xi32, #tpu.memory_space<vmem>> -> memref<512xi32, #tpu.memory_space<vmem>>
    %dma_start3A_443 = arith.constant 0 : i32
    %dma_start3A_444 = arith.constant 0 : i32
    %dma_start3A_445 = tpu.memref_slice %arg3[%dma_start3A_443, %dma_start3A_444] : memref<1000000x32xf32, #tpu.memory_space<hbm>> -> memref<1000000x32xf32, #tpu.memory_space<hbm>>
    tpu.enqueue_indirect_dma source(%dma_start3A_445 : memref<1000000x32xf32, #tpu.memory_space<hbm>>) target(%arg9 : memref<512x32xf32, #tpu.memory_space<vmem>>) offsets(%dma_start3A_442 : memref<512xi32, #tpu.memory_space<vmem>>) semaphore(%arg15 : memref<!tpu.dma_semaphore, #tpu.memory_space<semaphore_mem>>)
    %dma_wait3A_446 = arith.constant 8192 : i32
    %dma_wait3A_447 = tpu.memref_slice %arg5[%dma_wait3A_446] : memref<25600xi32, #tpu.memory_space<vmem>> -> memref<512xi32, #tpu.memory_space<vmem>>
    %dma_wait3A_448 = arith.constant 0 : i32
    %dma_wait3A_449 = arith.constant 0 : i32
    %dma_wait3A_450 = tpu.memref_slice %arg3[%dma_wait3A_448, %dma_wait3A_449] : memref<1000000x32xf32, #tpu.memory_space<hbm>> -> memref<1000000x32xf32, #tpu.memory_space<hbm>>
    tpu.wait_indirect_dma semaphore(%arg16 : memref<!tpu.dma_semaphore, #tpu.memory_space<semaphore_mem>>) src(%dma_wait3A_450 : memref<1000000x32xf32, #tpu.memory_space<hbm>>) dst(%arg10 : memref<512x32xf32, #tpu.memory_space<vmem>>)
    %scan3A_451 = arith.constant 0 : i32
    %scan3A_452 = arith.constant 0 : i32
    %scan3A_453 = arith.constant 512 : i32
    %scan3A_454 = arith.addi %scan3A_452, %scan3A_453 : i32
    %scan3A_455 = arith.constant 1 : i32
    scf.for %scan3A_1300 = %scan3A_452 to %scan3A_454 step %scan3A_455  : i32 {
      %get3A = arith.index_cast %scan3A_1300 : i32 to index
      %get3A_1301 = arith.constant 0 : index
      %get3A_1302 = tpu.vector_load %arg10[%get3A, %get3A_1301] {strides = array<i32>} : memref<512x32xf32, #tpu.memory_space<vmem>>, vector<1x16xf32>,
      %get3A_1303 = vector.shape_cast %get3A_1302 : vector<1x16xf32> to vector<16xf32>
      %mul3A_1304 = arith.constant 5.65685415 : f32
      %mul3A_1305 = vector.broadcast %mul3A_1304 : f32 to vector<16xf32>
      %mul3A_1306 = arith.mulf %get3A_1303, %mul3A_1305 : vector<16xf32>
      %swap3A = arith.index_cast %scan3A_1300 : i32 to index
      %swap3A_1307 = arith.constant 0 : index
      %swap3A_1308 = tpu.vector_load %arg10[%swap3A, %swap3A_1307] {strides = array<i32>} : memref<512x32xf32, #tpu.memory_space<vmem>>, vector<1x16xf32>,
      %swap3A_1309 = vector.shape_cast %swap3A_1308 : vector<1x16xf32> to vector<16xf32>
      %swap3A_1310 = vector.shape_cast %mul3A_1306 : vector<16xf32> to vector<1x16xf32>
      tpu.vector_store %arg10[%swap3A, %swap3A_1307], %swap3A_1310 {strides = array<i32>} : memref<512x32xf32, #tpu.memory_space<vmem>>, vector<1x16xf32>,
      %get3A_1311 = arith.index_cast %scan3A_1300 : i32 to index
      %get3A_1312 = arith.constant 16 : index
      %get3A_1313 = tpu.vector_load %arg10[%get3A_1311, %get3A_1312] {strides = array<i32>} : memref<512x32xf32, #tpu.memory_space<vmem>>, vector<1x16xf32>,
      %get3A_1314 = vector.shape_cast %get3A_1313 : vector<1x16xf32> to vector<16xf32>
      %mul3A_1315 = arith.constant 5.65685415 : f32
      %mul3A_1316 = vector.broadcast %mul3A_1315 : f32 to vector<16xf32>
      %mul3A_1317 = arith.mulf %get3A_1314, %mul3A_1316 : vector<16xf32>
      %swap3A_1318 = arith.index_cast %scan3A_1300 : i32 to index
      %swap3A_1319 = arith.constant 16 : index
      %swap3A_1320 = tpu.vector_load %arg10[%swap3A_1318, %swap3A_1319] {strides = array<i32>} : memref<512x32xf32, #tpu.memory_space<vmem>>, vector<1x16xf32>,
      %swap3A_1321 = vector.shape_cast %swap3A_1320 : vector<1x16xf32> to vector<16xf32>
      %swap3A_1322 = vector.shape_cast %mul3A_1317 : vector<16xf32> to vector<1x16xf32>
      tpu.vector_store %arg10[%swap3A_1318, %swap3A_1319], %swap3A_1322 {strides = array<i32>} : memref<512x32xf32, #tpu.memory_space<vmem>>, vector<1x16xf32>,
    }
    %scan3A_456 = arith.constant 512 : i32
    %add3A_457 = arith.constant 8192 : i32
    %add3A_458 = arith.addi %mul3A_2, %add3A_457 : i32
    %dma_start3A_459 = arith.constant 0 : i32
    %dma_start3A_460 = tpu.memref_slice %arg4[%add3A_458, %dma_start3A_459] : memref<819200x128xf32, #tpu.memory_space<hbm>> -> memref<512x32xf32, #tpu.memory_space<hbm>>
    %dma_start3A_461 = arith.constant 0 : i32
    %dma_start3A_462 = tpu.memref_slice %arg4[%add3A_458, %dma_start3A_461] : memref<819200x128xf32, #tpu.memory_space<hbm>> -> memref<512x32xf32, #tpu.memory_space<hbm>>
    tpu.enqueue_dma source(%arg10 : memref<512x32xf32, #tpu.memory_space<vmem>>) target(%dma_start3A_462 : memref<512x32xf32, #tpu.memory_space<hbm>>) target_semaphore(%arg22 : memref<!tpu.dma_semaphore, #tpu.memory_space<semaphore_mem>>)
    %dma_wait3A_463 = arith.constant 0 : i32
    %dma_wait3A_464 = tpu.memref_slice %arg4[%add3A_458, %dma_wait3A_463] : memref<819200x128xf32, #tpu.memory_space<hbm>> -> memref<512x32xf32, #tpu.memory_space<hbm>>
    %dma_wait3A_465 = arith.constant 0 : i32
    %dma_wait3A_466 = tpu.memref_slice %arg4[%add3A_458, %dma_wait3A_465] : memref<819200x128xf32, #tpu.memory_space<hbm>> -> memref<512x32xf32, #tpu.memory_space<hbm>>
    tpu.wait_dma2 semaphore(%arg22 : memref<!tpu.dma_semaphore, #tpu.memory_space<semaphore_mem>>) src(%arg10 : memref<512x32xf32, #tpu.memory_space<vmem>>) dst(%dma_wait3A_466 : memref<512x32xf32, #tpu.memory_space<hbm>>)
    %dma_start3A_467 = arith.constant 11264 : i32
    %dma_start3A_468 = tpu.memref_slice %arg5[%dma_start3A_467] : memref<25600xi32, #tpu.memory_space<vmem>> -> memref<512xi32, #tpu.memory_space<vmem>>
    %dma_start3A_469 = arith.constant 0 : i32
    %dma_start3A_470 = arith.constant 0 : i32
    %dma_start3A_471 = tpu.memref_slice %arg3[%dma_start3A_469, %dma_start3A_470] : memref<1000000x32xf32, #tpu.memory_space<hbm>> -> memref<1000000x32xf32, #tpu.memory_space<hbm>>
    tpu.enqueue_indirect_dma source(%dma_start3A_471 : memref<1000000x32xf32, #tpu.memory_space<hbm>>) target(%arg10 : memref<512x32xf32, #tpu.memory_space<vmem>>) offsets(%dma_start3A_468 : memref<512xi32, #tpu.memory_space<vmem>>) semaphore(%arg16 : memref<!tpu.dma_semaphore, #tpu.memory_space<semaphore_mem>>)
    %dma_wait3A_472 = arith.constant 8704 : i32
    %dma_wait3A_473 = tpu.memref_slice %arg5[%dma_wait3A_472] : memref<25600xi32, #tpu.memory_space<vmem>> -> memref<512xi32, #tpu.memory_space<vmem>>
    %dma_wait3A_474 = arith.constant 0 : i32
    %dma_wait3A_475 = arith.constant 0 : i32
    %dma_wait3A_476 = tpu.memref_slice %arg3[%dma_wait3A_474, %dma_wait3A_475] : memref<1000000x32xf32, #tpu.memory_space<hbm>> -> memref<1000000x32xf32, #tpu.memory_space<hbm>>
    tpu.wait_indirect_dma semaphore(%arg17 : memref<!tpu.dma_semaphore, #tpu.memory_space<semaphore_mem>>) src(%dma_wait3A_476 : memref<1000000x32xf32, #tpu.memory_space<hbm>>) dst(%arg11 : memref<512x32xf32, #tpu.memory_space<vmem>>)
    %scan3A_477 = arith.constant 0 : i32
    %scan3A_478 = arith.constant 0 : i32
    %scan3A_479 = arith.constant 512 : i32
    %scan3A_480 = arith.addi %scan3A_478, %scan3A_479 : i32
    %scan3A_481 = arith.constant 1 : i32
    scf.for %scan3A_1300 = %scan3A_478 to %scan3A_480 step %scan3A_481  : i32 {
      %get3A = arith.index_cast %scan3A_1300 : i32 to index
      %get3A_1301 = arith.constant 0 : index
      %get3A_1302 = tpu.vector_load %arg11[%get3A, %get3A_1301] {strides = array<i32>} : memref<512x32xf32, #tpu.memory_space<vmem>>, vector<1x16xf32>,
      %get3A_1303 = vector.shape_cast %get3A_1302 : vector<1x16xf32> to vector<16xf32>
      %mul3A_1304 = arith.constant 5.65685415 : f32
      %mul3A_1305 = vector.broadcast %mul3A_1304 : f32 to vector<16xf32>
      %mul3A_1306 = arith.mulf %get3A_1303, %mul3A_1305 : vector<16xf32>
      %swap3A = arith.index_cast %scan3A_1300 : i32 to index
      %swap3A_1307 = arith.constant 0 : index
      %swap3A_1308 = tpu.vector_load %arg11[%swap3A, %swap3A_1307] {strides = array<i32>} : memref<512x32xf32, #tpu.memory_space<vmem>>, vector<1x16xf32>,
      %swap3A_1309 = vector.shape_cast %swap3A_1308 : vector<1x16xf32> to vector<16xf32>
      %swap3A_1310 = vector.shape_cast %mul3A_1306 : vector<16xf32> to vector<1x16xf32>
      tpu.vector_store %arg11[%swap3A, %swap3A_1307], %swap3A_1310 {strides = array<i32>} : memref<512x32xf32, #tpu.memory_space<vmem>>, vector<1x16xf32>,
      %get3A_1311 = arith.index_cast %scan3A_1300 : i32 to index
      %get3A_1312 = arith.constant 16 : index
      %get3A_1313 = tpu.vector_load %arg11[%get3A_1311, %get3A_1312] {strides = array<i32>} : memref<512x32xf32, #tpu.memory_space<vmem>>, vector<1x16xf32>,
      %get3A_1314 = vector.shape_cast %get3A_1313 : vector<1x16xf32> to vector<16xf32>
      %mul3A_1315 = arith.constant 5.65685415 : f32
      %mul3A_1316 = vector.broadcast %mul3A_1315 : f32 to vector<16xf32>
      %mul3A_1317 = arith.mulf %get3A_1314, %mul3A_1316 : vector<16xf32>
      %swap3A_1318 = arith.index_cast %scan3A_1300 : i32 to index
      %swap3A_1319 = arith.constant 16 : index
      %swap3A_1320 = tpu.vector_load %arg11[%swap3A_1318, %swap3A_1319] {strides = array<i32>} : memref<512x32xf32, #tpu.memory_space<vmem>>, vector<1x16xf32>,
      %swap3A_1321 = vector.shape_cast %swap3A_1320 : vector<1x16xf32> to vector<16xf32>
      %swap3A_1322 = vector.shape_cast %mul3A_1317 : vector<16xf32> to vector<1x16xf32>
      tpu.vector_store %arg11[%swap3A_1318, %swap3A_1319], %swap3A_1322 {strides = array<i32>} : memref<512x32xf32, #tpu.memory_space<vmem>>, vector<1x16xf32>,
    }
    %scan3A_482 = arith.constant 512 : i32
    %add3A_483 = arith.constant 8704 : i32
    %add3A_484 = arith.addi %mul3A_2, %add3A_483 : i32
    %dma_start3A_485 = arith.constant 0 : i32
    %dma_start3A_486 = tpu.memref_slice %arg4[%add3A_484, %dma_start3A_485] : memref<819200x128xf32, #tpu.memory_space<hbm>> -> memref<512x32xf32, #tpu.memory_space<hbm>>
    %dma_start3A_487 = arith.constant 0 : i32
    %dma_start3A_488 = tpu.memref_slice %arg4[%add3A_484, %dma_start3A_487] : memref<819200x128xf32, #tpu.memory_space<hbm>> -> memref<512x32xf32, #tpu.memory_space<hbm>>
    tpu.enqueue_dma source(%arg11 : memref<512x32xf32, #tpu.memory_space<vmem>>) target(%dma_start3A_488 : memref<512x32xf32, #tpu.memory_space<hbm>>) target_semaphore(%arg23 : memref<!tpu.dma_semaphore, #tpu.memory_space<semaphore_mem>>)
    %dma_wait3A_489 = arith.constant 0 : i32
    %dma_wait3A_490 = tpu.memref_slice %arg4[%add3A_484, %dma_wait3A_489] : memref<819200x128xf32, #tpu.memory_space<hbm>> -> memref<512x32xf32, #tpu.memory_space<hbm>>
    %dma_wait3A_491 = arith.constant 0 : i32
    %dma_wait3A_492 = tpu.memref_slice %arg4[%add3A_484, %dma_wait3A_491] : memref<819200x128xf32, #tpu.memory_space<hbm>> -> memref<512x32xf32, #tpu.memory_space<hbm>>
    tpu.wait_dma2 semaphore(%arg23 : memref<!tpu.dma_semaphore, #tpu.memory_space<semaphore_mem>>) src(%arg11 : memref<512x32xf32, #tpu.memory_space<vmem>>) dst(%dma_wait3A_492 : memref<512x32xf32, #tpu.memory_space<hbm>>)
    %dma_start3A_493 = arith.constant 11776 : i32
    %dma_start3A_494 = tpu.memref_slice %arg5[%dma_start3A_493] : memref<25600xi32, #tpu.memory_space<vmem>> -> memref<512xi32, #tpu.memory_space<vmem>>
    %dma_start3A_495 = arith.constant 0 : i32
    %dma_start3A_496 = arith.constant 0 : i32
    %dma_start3A_497 = tpu.memref_slice %arg3[%dma_start3A_495, %dma_start3A_496] : memref<1000000x32xf32, #tpu.memory_space<hbm>> -> memref<1000000x32xf32, #tpu.memory_space<hbm>>
    tpu.enqueue_indirect_dma source(%dma_start3A_497 : memref<1000000x32xf32, #tpu.memory_space<hbm>>) target(%arg11 : memref<512x32xf32, #tpu.memory_space<vmem>>) offsets(%dma_start3A_494 : memref<512xi32, #tpu.memory_space<vmem>>) semaphore(%arg17 : memref<!tpu.dma_semaphore, #tpu.memory_space<semaphore_mem>>)
    %dma_wait3A_498 = arith.constant 9216 : i32
    %dma_wait3A_499 = tpu.memref_slice %arg5[%dma_wait3A_498] : memref<25600xi32, #tpu.memory_space<vmem>> -> memref<512xi32, #tpu.memory_space<vmem>>
    %dma_wait3A_500 = arith.constant 0 : i32
    %dma_wait3A_501 = arith.constant 0 : i32
    %dma_wait3A_502 = tpu.memref_slice %arg3[%dma_wait3A_500, %dma_wait3A_501] : memref<1000000x32xf32, #tpu.memory_space<hbm>> -> memref<1000000x32xf32, #tpu.memory_space<hbm>>
    tpu.wait_indirect_dma semaphore(%arg12 : memref<!tpu.dma_semaphore, #tpu.memory_space<semaphore_mem>>) src(%dma_wait3A_502 : memref<1000000x32xf32, #tpu.memory_space<hbm>>) dst(%arg6 : memref<512x32xf32, #tpu.memory_space<vmem>>)
    %scan3A_503 = arith.constant 0 : i32
    %scan3A_504 = arith.constant 0 : i32
    %scan3A_505 = arith.constant 512 : i32
    %scan3A_506 = arith.addi %scan3A_504, %scan3A_505 : i32
    %scan3A_507 = arith.constant 1 : i32
    scf.for %scan3A_1300 = %scan3A_504 to %scan3A_506 step %scan3A_507  : i32 {
      %get3A = arith.index_cast %scan3A_1300 : i32 to index
      %get3A_1301 = arith.constant 0 : index
      %get3A_1302 = tpu.vector_load %arg6[%get3A, %get3A_1301] {strides = array<i32>} : memref<512x32xf32, #tpu.memory_space<vmem>>, vector<1x16xf32>,
      %get3A_1303 = vector.shape_cast %get3A_1302 : vector<1x16xf32> to vector<16xf32>
      %mul3A_1304 = arith.constant 5.65685415 : f32
      %mul3A_1305 = vector.broadcast %mul3A_1304 : f32 to vector<16xf32>
      %mul3A_1306 = arith.mulf %get3A_1303, %mul3A_1305 : vector<16xf32>
      %swap3A = arith.index_cast %scan3A_1300 : i32 to index
      %swap3A_1307 = arith.constant 0 : index
      %swap3A_1308 = tpu.vector_load %arg6[%swap3A, %swap3A_1307] {strides = array<i32>} : memref<512x32xf32, #tpu.memory_space<vmem>>, vector<1x16xf32>,
      %swap3A_1309 = vector.shape_cast %swap3A_1308 : vector<1x16xf32> to vector<16xf32>
      %swap3A_1310 = vector.shape_cast %mul3A_1306 : vector<16xf32> to vector<1x16xf32>
      tpu.vector_store %arg6[%swap3A, %swap3A_1307], %swap3A_1310 {strides = array<i32>} : memref<512x32xf32, #tpu.memory_space<vmem>>, vector<1x16xf32>,
      %get3A_1311 = arith.index_cast %scan3A_1300 : i32 to index
      %get3A_1312 = arith.constant 16 : index
      %get3A_1313 = tpu.vector_load %arg6[%get3A_1311, %get3A_1312] {strides = array<i32>} : memref<512x32xf32, #tpu.memory_space<vmem>>, vector<1x16xf32>,
      %get3A_1314 = vector.shape_cast %get3A_1313 : vector<1x16xf32> to vector<16xf32>
      %mul3A_1315 = arith.constant 5.65685415 : f32
      %mul3A_1316 = vector.broadcast %mul3A_1315 : f32 to vector<16xf32>
      %mul3A_1317 = arith.mulf %get3A_1314, %mul3A_1316 : vector<16xf32>
      %swap3A_1318 = arith.index_cast %scan3A_1300 : i32 to index
      %swap3A_1319 = arith.constant 16 : index
      %swap3A_1320 = tpu.vector_load %arg6[%swap3A_1318, %swap3A_1319] {strides = array<i32>} : memref<512x32xf32, #tpu.memory_space<vmem>>, vector<1x16xf32>,
      %swap3A_1321 = vector.shape_cast %swap3A_1320 : vector<1x16xf32> to vector<16xf32>
      %swap3A_1322 = vector.shape_cast %mul3A_1317 : vector<16xf32> to vector<1x16xf32>
      tpu.vector_store %arg6[%swap3A_1318, %swap3A_1319], %swap3A_1322 {strides = array<i32>} : memref<512x32xf32, #tpu.memory_space<vmem>>, vector<1x16xf32>,
    }
    %scan3A_508 = arith.constant 512 : i32
    %add3A_509 = arith.constant 9216 : i32
    %add3A_510 = arith.addi %mul3A_2, %add3A_509 : i32
    %dma_start3A_511 = arith.constant 0 : i32
    %dma_start3A_512 = tpu.memref_slice %arg4[%add3A_510, %dma_start3A_511] : memref<819200x128xf32, #tpu.memory_space<hbm>> -> memref<512x32xf32, #tpu.memory_space<hbm>>
    %dma_start3A_513 = arith.constant 0 : i32
    %dma_start3A_514 = tpu.memref_slice %arg4[%add3A_510, %dma_start3A_513] : memref<819200x128xf32, #tpu.memory_space<hbm>> -> memref<512x32xf32, #tpu.memory_space<hbm>>
    tpu.enqueue_dma source(%arg6 : memref<512x32xf32, #tpu.memory_space<vmem>>) target(%dma_start3A_514 : memref<512x32xf32, #tpu.memory_space<hbm>>) target_semaphore(%arg18 : memref<!tpu.dma_semaphore, #tpu.memory_space<semaphore_mem>>)
    %dma_wait3A_515 = arith.constant 0 : i32
    %dma_wait3A_516 = tpu.memref_slice %arg4[%add3A_510, %dma_wait3A_515] : memref<819200x128xf32, #tpu.memory_space<hbm>> -> memref<512x32xf32, #tpu.memory_space<hbm>>
    %dma_wait3A_517 = arith.constant 0 : i32
    %dma_wait3A_518 = tpu.memref_slice %arg4[%add3A_510, %dma_wait3A_517] : memref<819200x128xf32, #tpu.memory_space<hbm>> -> memref<512x32xf32, #tpu.memory_space<hbm>>
    tpu.wait_dma2 semaphore(%arg18 : memref<!tpu.dma_semaphore, #tpu.memory_space<semaphore_mem>>) src(%arg6 : memref<512x32xf32, #tpu.memory_space<vmem>>) dst(%dma_wait3A_518 : memref<512x32xf32, #tpu.memory_space<hbm>>)
    %dma_start3A_519 = arith.constant 12288 : i32
    %dma_start3A_520 = tpu.memref_slice %arg5[%dma_start3A_519] : memref<25600xi32, #tpu.memory_space<vmem>> -> memref<512xi32, #tpu.memory_space<vmem>>
    %dma_start3A_521 = arith.constant 0 : i32
    %dma_start3A_522 = arith.constant 0 : i32
    %dma_start3A_523 = tpu.memref_slice %arg3[%dma_start3A_521, %dma_start3A_522] : memref<1000000x32xf32, #tpu.memory_space<hbm>> -> memref<1000000x32xf32, #tpu.memory_space<hbm>>
    tpu.enqueue_indirect_dma source(%dma_start3A_523 : memref<1000000x32xf32, #tpu.memory_space<hbm>>) target(%arg6 : memref<512x32xf32, #tpu.memory_space<vmem>>) offsets(%dma_start3A_520 : memref<512xi32, #tpu.memory_space<vmem>>) semaphore(%arg12 : memref<!tpu.dma_semaphore, #tpu.memory_space<semaphore_mem>>)
    %dma_wait3A_524 = arith.constant 9728 : i32
    %dma_wait3A_525 = tpu.memref_slice %arg5[%dma_wait3A_524] : memref<25600xi32, #tpu.memory_space<vmem>> -> memref<512xi32, #tpu.memory_space<vmem>>
    %dma_wait3A_526 = arith.constant 0 : i32
    %dma_wait3A_527 = arith.constant 0 : i32
    %dma_wait3A_528 = tpu.memref_slice %arg3[%dma_wait3A_526, %dma_wait3A_527] : memref<1000000x32xf32, #tpu.memory_space<hbm>> -> memref<1000000x32xf32, #tpu.memory_space<hbm>>
    tpu.wait_indirect_dma semaphore(%arg13 : memref<!tpu.dma_semaphore, #tpu.memory_space<semaphore_mem>>) src(%dma_wait3A_528 : memref<1000000x32xf32, #tpu.memory_space<hbm>>) dst(%arg7 : memref<512x32xf32, #tpu.memory_space<vmem>>)
    %scan3A_529 = arith.constant 0 : i32
    %scan3A_530 = arith.constant 0 : i32
    %scan3A_531 = arith.constant 512 : i32
    %scan3A_532 = arith.addi %scan3A_530, %scan3A_531 : i32
    %scan3A_533 = arith.constant 1 : i32
    scf.for %scan3A_1300 = %scan3A_530 to %scan3A_532 step %scan3A_533  : i32 {
      %get3A = arith.index_cast %scan3A_1300 : i32 to index
      %get3A_1301 = arith.constant 0 : index
      %get3A_1302 = tpu.vector_load %arg7[%get3A, %get3A_1301] {strides = array<i32>} : memref<512x32xf32, #tpu.memory_space<vmem>>, vector<1x16xf32>,
      %get3A_1303 = vector.shape_cast %get3A_1302 : vector<1x16xf32> to vector<16xf32>
      %mul3A_1304 = arith.constant 5.65685415 : f32
      %mul3A_1305 = vector.broadcast %mul3A_1304 : f32 to vector<16xf32>
      %mul3A_1306 = arith.mulf %get3A_1303, %mul3A_1305 : vector<16xf32>
      %swap3A = arith.index_cast %scan3A_1300 : i32 to index
      %swap3A_1307 = arith.constant 0 : index
      %swap3A_1308 = tpu.vector_load %arg7[%swap3A, %swap3A_1307] {strides = array<i32>} : memref<512x32xf32, #tpu.memory_space<vmem>>, vector<1x16xf32>,
      %swap3A_1309 = vector.shape_cast %swap3A_1308 : vector<1x16xf32> to vector<16xf32>
      %swap3A_1310 = vector.shape_cast %mul3A_1306 : vector<16xf32> to vector<1x16xf32>
      tpu.vector_store %arg7[%swap3A, %swap3A_1307], %swap3A_1310 {strides = array<i32>} : memref<512x32xf32, #tpu.memory_space<vmem>>, vector<1x16xf32>,
      %get3A_1311 = arith.index_cast %scan3A_1300 : i32 to index
      %get3A_1312 = arith.constant 16 : index
      %get3A_1313 = tpu.vector_load %arg7[%get3A_1311, %get3A_1312] {strides = array<i32>} : memref<512x32xf32, #tpu.memory_space<vmem>>, vector<1x16xf32>,
      %get3A_1314 = vector.shape_cast %get3A_1313 : vector<1x16xf32> to vector<16xf32>
      %mul3A_1315 = arith.constant 5.65685415 : f32
      %mul3A_1316 = vector.broadcast %mul3A_1315 : f32 to vector<16xf32>
      %mul3A_1317 = arith.mulf %get3A_1314, %mul3A_1316 : vector<16xf32>
      %swap3A_1318 = arith.index_cast %scan3A_1300 : i32 to index
      %swap3A_1319 = arith.constant 16 : index
      %swap3A_1320 = tpu.vector_load %arg7[%swap3A_1318, %swap3A_1319] {strides = array<i32>} : memref<512x32xf32, #tpu.memory_space<vmem>>, vector<1x16xf32>,
      %swap3A_1321 = vector.shape_cast %swap3A_1320 : vector<1x16xf32> to vector<16xf32>
      %swap3A_1322 = vector.shape_cast %mul3A_1317 : vector<16xf32> to vector<1x16xf32>
      tpu.vector_store %arg7[%swap3A_1318, %swap3A_1319], %swap3A_1322 {strides = array<i32>} : memref<512x32xf32, #tpu.memory_space<vmem>>, vector<1x16xf32>,
    }
    %scan3A_534 = arith.constant 512 : i32
    %add3A_535 = arith.constant 9728 : i32
    %add3A_536 = arith.addi %mul3A_2, %add3A_535 : i32
    %dma_start3A_537 = arith.constant 0 : i32
    %dma_start3A_538 = tpu.memref_slice %arg4[%add3A_536, %dma_start3A_537] : memref<819200x128xf32, #tpu.memory_space<hbm>> -> memref<512x32xf32, #tpu.memory_space<hbm>>
    %dma_start3A_539 = arith.constant 0 : i32
    %dma_start3A_540 = tpu.memref_slice %arg4[%add3A_536, %dma_start3A_539] : memref<819200x128xf32, #tpu.memory_space<hbm>> -> memref<512x32xf32, #tpu.memory_space<hbm>>
    tpu.enqueue_dma source(%arg7 : memref<512x32xf32, #tpu.memory_space<vmem>>) target(%dma_start3A_540 : memref<512x32xf32, #tpu.memory_space<hbm>>) target_semaphore(%arg19 : memref<!tpu.dma_semaphore, #tpu.memory_space<semaphore_mem>>)
    %dma_wait3A_541 = arith.constant 0 : i32
    %dma_wait3A_542 = tpu.memref_slice %arg4[%add3A_536, %dma_wait3A_541] : memref<819200x128xf32, #tpu.memory_space<hbm>> -> memref<512x32xf32, #tpu.memory_space<hbm>>
    %dma_wait3A_543 = arith.constant 0 : i32
    %dma_wait3A_544 = tpu.memref_slice %arg4[%add3A_536, %dma_wait3A_543] : memref<819200x128xf32, #tpu.memory_space<hbm>> -> memref<512x32xf32, #tpu.memory_space<hbm>>
    tpu.wait_dma2 semaphore(%arg19 : memref<!tpu.dma_semaphore, #tpu.memory_space<semaphore_mem>>) src(%arg7 : memref<512x32xf32, #tpu.memory_space<vmem>>) dst(%dma_wait3A_544 : memref<512x32xf32, #tpu.memory_space<hbm>>)
    %dma_start3A_545 = arith.constant 12800 : i32
    %dma_start3A_546 = tpu.memref_slice %arg5[%dma_start3A_545] : memref<25600xi32, #tpu.memory_space<vmem>> -> memref<512xi32, #tpu.memory_space<vmem>>
    %dma_start3A_547 = arith.constant 0 : i32
    %dma_start3A_548 = arith.constant 0 : i32
    %dma_start3A_549 = tpu.memref_slice %arg3[%dma_start3A_547, %dma_start3A_548] : memref<1000000x32xf32, #tpu.memory_space<hbm>> -> memref<1000000x32xf32, #tpu.memory_space<hbm>>
    tpu.enqueue_indirect_dma source(%dma_start3A_549 : memref<1000000x32xf32, #tpu.memory_space<hbm>>) target(%arg7 : memref<512x32xf32, #tpu.memory_space<vmem>>) offsets(%dma_start3A_546 : memref<512xi32, #tpu.memory_space<vmem>>) semaphore(%arg13 : memref<!tpu.dma_semaphore, #tpu.memory_space<semaphore_mem>>)
    %dma_wait3A_550 = arith.constant 10240 : i32
    %dma_wait3A_551 = tpu.memref_slice %arg5[%dma_wait3A_550] : memref<25600xi32, #tpu.memory_space<vmem>> -> memref<512xi32, #tpu.memory_space<vmem>>
    %dma_wait3A_552 = arith.constant 0 : i32
    %dma_wait3A_553 = arith.constant 0 : i32
    %dma_wait3A_554 = tpu.memref_slice %arg3[%dma_wait3A_552, %dma_wait3A_553] : memref<1000000x32xf32, #tpu.memory_space<hbm>> -> memref<1000000x32xf32, #tpu.memory_space<hbm>>
    tpu.wait_indirect_dma semaphore(%arg14 : memref<!tpu.dma_semaphore, #tpu.memory_space<semaphore_mem>>) src(%dma_wait3A_554 : memref<1000000x32xf32, #tpu.memory_space<hbm>>) dst(%arg8 : memref<512x32xf32, #tpu.memory_space<vmem>>)
    %scan3A_555 = arith.constant 0 : i32
    %scan3A_556 = arith.constant 0 : i32
    %scan3A_557 = arith.constant 512 : i32
    %scan3A_558 = arith.addi %scan3A_556, %scan3A_557 : i32
    %scan3A_559 = arith.constant 1 : i32
    scf.for %scan3A_1300 = %scan3A_556 to %scan3A_558 step %scan3A_559  : i32 {
      %get3A = arith.index_cast %scan3A_1300 : i32 to index
      %get3A_1301 = arith.constant 0 : index
      %get3A_1302 = tpu.vector_load %arg8[%get3A, %get3A_1301] {strides = array<i32>} : memref<512x32xf32, #tpu.memory_space<vmem>>, vector<1x16xf32>,
      %get3A_1303 = vector.shape_cast %get3A_1302 : vector<1x16xf32> to vector<16xf32>
      %mul3A_1304 = arith.constant 5.65685415 : f32
      %mul3A_1305 = vector.broadcast %mul3A_1304 : f32 to vector<16xf32>
      %mul3A_1306 = arith.mulf %get3A_1303, %mul3A_1305 : vector<16xf32>
      %swap3A = arith.index_cast %scan3A_1300 : i32 to index
      %swap3A_1307 = arith.constant 0 : index
      %swap3A_1308 = tpu.vector_load %arg8[%swap3A, %swap3A_1307] {strides = array<i32>} : memref<512x32xf32, #tpu.memory_space<vmem>>, vector<1x16xf32>,
      %swap3A_1309 = vector.shape_cast %swap3A_1308 : vector<1x16xf32> to vector<16xf32>
      %swap3A_1310 = vector.shape_cast %mul3A_1306 : vector<16xf32> to vector<1x16xf32>
      tpu.vector_store %arg8[%swap3A, %swap3A_1307], %swap3A_1310 {strides = array<i32>} : memref<512x32xf32, #tpu.memory_space<vmem>>, vector<1x16xf32>,
      %get3A_1311 = arith.index_cast %scan3A_1300 : i32 to index
      %get3A_1312 = arith.constant 16 : index
      %get3A_1313 = tpu.vector_load %arg8[%get3A_1311, %get3A_1312] {strides = array<i32>} : memref<512x32xf32, #tpu.memory_space<vmem>>, vector<1x16xf32>,
      %get3A_1314 = vector.shape_cast %get3A_1313 : vector<1x16xf32> to vector<16xf32>
      %mul3A_1315 = arith.constant 5.65685415 : f32
      %mul3A_1316 = vector.broadcast %mul3A_1315 : f32 to vector<16xf32>
      %mul3A_1317 = arith.mulf %get3A_1314, %mul3A_1316 : vector<16xf32>
      %swap3A_1318 = arith.index_cast %scan3A_1300 : i32 to index
      %swap3A_1319 = arith.constant 16 : index
      %swap3A_1320 = tpu.vector_load %arg8[%swap3A_1318, %swap3A_1319] {strides = array<i32>} : memref<512x32xf32, #tpu.memory_space<vmem>>, vector<1x16xf32>,
      %swap3A_1321 = vector.shape_cast %swap3A_1320 : vector<1x16xf32> to vector<16xf32>
      %swap3A_1322 = vector.shape_cast %mul3A_1317 : vector<16xf32> to vector<1x16xf32>
      tpu.vector_store %arg8[%swap3A_1318, %swap3A_1319], %swap3A_1322 {strides = array<i32>} : memref<512x32xf32, #tpu.memory_space<vmem>>, vector<1x16xf32>,
    }
    %scan3A_560 = arith.constant 512 : i32
    %add3A_561 = arith.constant 10240 : i32
    %add3A_562 = arith.addi %mul3A_2, %add3A_561 : i32
    %dma_start3A_563 = arith.constant 0 : i32
    %dma_start3A_564 = tpu.memref_slice %arg4[%add3A_562, %dma_start3A_563] : memref<819200x128xf32, #tpu.memory_space<hbm>> -> memref<512x32xf32, #tpu.memory_space<hbm>>
    %dma_start3A_565 = arith.constant 0 : i32
    %dma_start3A_566 = tpu.memref_slice %arg4[%add3A_562, %dma_start3A_565] : memref<819200x128xf32, #tpu.memory_space<hbm>> -> memref<512x32xf32, #tpu.memory_space<hbm>>
    tpu.enqueue_dma source(%arg8 : memref<512x32xf32, #tpu.memory_space<vmem>>) target(%dma_start3A_566 : memref<512x32xf32, #tpu.memory_space<hbm>>) target_semaphore(%arg20 : memref<!tpu.dma_semaphore, #tpu.memory_space<semaphore_mem>>)
    %dma_wait3A_567 = arith.constant 0 : i32
    %dma_wait3A_568 = tpu.memref_slice %arg4[%add3A_562, %dma_wait3A_567] : memref<819200x128xf32, #tpu.memory_space<hbm>> -> memref<512x32xf32, #tpu.memory_space<hbm>>
    %dma_wait3A_569 = arith.constant 0 : i32
    %dma_wait3A_570 = tpu.memref_slice %arg4[%add3A_562, %dma_wait3A_569] : memref<819200x128xf32, #tpu.memory_space<hbm>> -> memref<512x32xf32, #tpu.memory_space<hbm>>
    tpu.wait_dma2 semaphore(%arg20 : memref<!tpu.dma_semaphore, #tpu.memory_space<semaphore_mem>>) src(%arg8 : memref<512x32xf32, #tpu.memory_space<vmem>>) dst(%dma_wait3A_570 : memref<512x32xf32, #tpu.memory_space<hbm>>)
    %dma_start3A_571 = arith.constant 13312 : i32
    %dma_start3A_572 = tpu.memref_slice %arg5[%dma_start3A_571] : memref<25600xi32, #tpu.memory_space<vmem>> -> memref<512xi32, #tpu.memory_space<vmem>>
    %dma_start3A_573 = arith.constant 0 : i32
    %dma_start3A_574 = arith.constant 0 : i32
    %dma_start3A_575 = tpu.memref_slice %arg3[%dma_start3A_573, %dma_start3A_574] : memref<1000000x32xf32, #tpu.memory_space<hbm>> -> memref<1000000x32xf32, #tpu.memory_space<hbm>>
    tpu.enqueue_indirect_dma source(%dma_start3A_575 : memref<1000000x32xf32, #tpu.memory_space<hbm>>) target(%arg8 : memref<512x32xf32, #tpu.memory_space<vmem>>) offsets(%dma_start3A_572 : memref<512xi32, #tpu.memory_space<vmem>>) semaphore(%arg14 : memref<!tpu.dma_semaphore, #tpu.memory_space<semaphore_mem>>)
    %dma_wait3A_576 = arith.constant 10752 : i32
    %dma_wait3A_577 = tpu.memref_slice %arg5[%dma_wait3A_576] : memref<25600xi32, #tpu.memory_space<vmem>> -> memref<512xi32, #tpu.memory_space<vmem>>
    %dma_wait3A_578 = arith.constant 0 : i32
    %dma_wait3A_579 = arith.constant 0 : i32
    %dma_wait3A_580 = tpu.memref_slice %arg3[%dma_wait3A_578, %dma_wait3A_579] : memref<1000000x32xf32, #tpu.memory_space<hbm>> -> memref<1000000x32xf32, #tpu.memory_space<hbm>>
    tpu.wait_indirect_dma semaphore(%arg15 : memref<!tpu.dma_semaphore, #tpu.memory_space<semaphore_mem>>) src(%dma_wait3A_580 : memref<1000000x32xf32, #tpu.memory_space<hbm>>) dst(%arg9 : memref<512x32xf32, #tpu.memory_space<vmem>>)
    %scan3A_581 = arith.constant 0 : i32
    %scan3A_582 = arith.constant 0 : i32
    %scan3A_583 = arith.constant 512 : i32
    %scan3A_584 = arith.addi %scan3A_582, %scan3A_583 : i32
    %scan3A_585 = arith.constant 1 : i32
    scf.for %scan3A_1300 = %scan3A_582 to %scan3A_584 step %scan3A_585  : i32 {
      %get3A = arith.index_cast %scan3A_1300 : i32 to index
      %get3A_1301 = arith.constant 0 : index
      %get3A_1302 = tpu.vector_load %arg9[%get3A, %get3A_1301] {strides = array<i32>} : memref<512x32xf32, #tpu.memory_space<vmem>>, vector<1x16xf32>,
      %get3A_1303 = vector.shape_cast %get3A_1302 : vector<1x16xf32> to vector<16xf32>
      %mul3A_1304 = arith.constant 5.65685415 : f32
      %mul3A_1305 = vector.broadcast %mul3A_1304 : f32 to vector<16xf32>
      %mul3A_1306 = arith.mulf %get3A_1303, %mul3A_1305 : vector<16xf32>
      %swap3A = arith.index_cast %scan3A_1300 : i32 to index
      %swap3A_1307 = arith.constant 0 : index
      %swap3A_1308 = tpu.vector_load %arg9[%swap3A, %swap3A_1307] {strides = array<i32>} : memref<512x32xf32, #tpu.memory_space<vmem>>, vector<1x16xf32>,
      %swap3A_1309 = vector.shape_cast %swap3A_1308 : vector<1x16xf32> to vector<16xf32>
      %swap3A_1310 = vector.shape_cast %mul3A_1306 : vector<16xf32> to vector<1x16xf32>
      tpu.vector_store %arg9[%swap3A, %swap3A_1307], %swap3A_1310 {strides = array<i32>} : memref<512x32xf32, #tpu.memory_space<vmem>>, vector<1x16xf32>,
      %get3A_1311 = arith.index_cast %scan3A_1300 : i32 to index
      %get3A_1312 = arith.constant 16 : index
      %get3A_1313 = tpu.vector_load %arg9[%get3A_1311, %get3A_1312] {strides = array<i32>} : memref<512x32xf32, #tpu.memory_space<vmem>>, vector<1x16xf32>,
      %get3A_1314 = vector.shape_cast %get3A_1313 : vector<1x16xf32> to vector<16xf32>
      %mul3A_1315 = arith.constant 5.65685415 : f32
      %mul3A_1316 = vector.broadcast %mul3A_1315 : f32 to vector<16xf32>
      %mul3A_1317 = arith.mulf %get3A_1314, %mul3A_1316 : vector<16xf32>
      %swap3A_1318 = arith.index_cast %scan3A_1300 : i32 to index
      %swap3A_1319 = arith.constant 16 : index
      %swap3A_1320 = tpu.vector_load %arg9[%swap3A_1318, %swap3A_1319] {strides = array<i32>} : memref<512x32xf32, #tpu.memory_space<vmem>>, vector<1x16xf32>,
      %swap3A_1321 = vector.shape_cast %swap3A_1320 : vector<1x16xf32> to vector<16xf32>
      %swap3A_1322 = vector.shape_cast %mul3A_1317 : vector<16xf32> to vector<1x16xf32>
      tpu.vector_store %arg9[%swap3A_1318, %swap3A_1319], %swap3A_1322 {strides = array<i32>} : memref<512x32xf32, #tpu.memory_space<vmem>>, vector<1x16xf32>,
    }
    %scan3A_586 = arith.constant 512 : i32
    %add3A_587 = arith.constant 10752 : i32
    %add3A_588 = arith.addi %mul3A_2, %add3A_587 : i32
    %dma_start3A_589 = arith.constant 0 : i32
    %dma_start3A_590 = tpu.memref_slice %arg4[%add3A_588, %dma_start3A_589] : memref<819200x128xf32, #tpu.memory_space<hbm>> -> memref<512x32xf32, #tpu.memory_space<hbm>>
    %dma_start3A_591 = arith.constant 0 : i32
    %dma_start3A_592 = tpu.memref_slice %arg4[%add3A_588, %dma_start3A_591] : memref<819200x128xf32, #tpu.memory_space<hbm>> -> memref<512x32xf32, #tpu.memory_space<hbm>>
    tpu.enqueue_dma source(%arg9 : memref<512x32xf32, #tpu.memory_space<vmem>>) target(%dma_start3A_592 : memref<512x32xf32, #tpu.memory_space<hbm>>) target_semaphore(%arg21 : memref<!tpu.dma_semaphore, #tpu.memory_space<semaphore_mem>>)
    %dma_wait3A_593 = arith.constant 0 : i32
    %dma_wait3A_594 = tpu.memref_slice %arg4[%add3A_588, %dma_wait3A_593] : memref<819200x128xf32, #tpu.memory_space<hbm>> -> memref<512x32xf32, #tpu.memory_space<hbm>>
    %dma_wait3A_595 = arith.constant 0 : i32
    %dma_wait3A_596 = tpu.memref_slice %arg4[%add3A_588, %dma_wait3A_595] : memref<819200x128xf32, #tpu.memory_space<hbm>> -> memref<512x32xf32, #tpu.memory_space<hbm>>
    tpu.wait_dma2 semaphore(%arg21 : memref<!tpu.dma_semaphore, #tpu.memory_space<semaphore_mem>>) src(%arg9 : memref<512x32xf32, #tpu.memory_space<vmem>>) dst(%dma_wait3A_596 : memref<512x32xf32, #tpu.memory_space<hbm>>)
    %dma_start3A_597 = arith.constant 13824 : i32
    %dma_start3A_598 = tpu.memref_slice %arg5[%dma_start3A_597] : memref<25600xi32, #tpu.memory_space<vmem>> -> memref<512xi32, #tpu.memory_space<vmem>>
    %dma_start3A_599 = arith.constant 0 : i32
    %dma_start3A_600 = arith.constant 0 : i32
    %dma_start3A_601 = tpu.memref_slice %arg3[%dma_start3A_599, %dma_start3A_600] : memref<1000000x32xf32, #tpu.memory_space<hbm>> -> memref<1000000x32xf32, #tpu.memory_space<hbm>>
    tpu.enqueue_indirect_dma source(%dma_start3A_601 : memref<1000000x32xf32, #tpu.memory_space<hbm>>) target(%arg9 : memref<512x32xf32, #tpu.memory_space<vmem>>) offsets(%dma_start3A_598 : memref<512xi32, #tpu.memory_space<vmem>>) semaphore(%arg15 : memref<!tpu.dma_semaphore, #tpu.memory_space<semaphore_mem>>)
    %dma_wait3A_602 = arith.constant 11264 : i32
    %dma_wait3A_603 = tpu.memref_slice %arg5[%dma_wait3A_602] : memref<25600xi32, #tpu.memory_space<vmem>> -> memref<512xi32, #tpu.memory_space<vmem>>
    %dma_wait3A_604 = arith.constant 0 : i32
    %dma_wait3A_605 = arith.constant 0 : i32
    %dma_wait3A_606 = tpu.memref_slice %arg3[%dma_wait3A_604, %dma_wait3A_605] : memref<1000000x32xf32, #tpu.memory_space<hbm>> -> memref<1000000x32xf32, #tpu.memory_space<hbm>>
    tpu.wait_indirect_dma semaphore(%arg16 : memref<!tpu.dma_semaphore, #tpu.memory_space<semaphore_mem>>) src(%dma_wait3A_606 : memref<1000000x32xf32, #tpu.memory_space<hbm>>) dst(%arg10 : memref<512x32xf32, #tpu.memory_space<vmem>>)
    %scan3A_607 = arith.constant 0 : i32
    %scan3A_608 = arith.constant 0 : i32
    %scan3A_609 = arith.constant 512 : i32
    %scan3A_610 = arith.addi %scan3A_608, %scan3A_609 : i32
    %scan3A_611 = arith.constant 1 : i32
    scf.for %scan3A_1300 = %scan3A_608 to %scan3A_610 step %scan3A_611  : i32 {
      %get3A = arith.index_cast %scan3A_1300 : i32 to index
      %get3A_1301 = arith.constant 0 : index
      %get3A_1302 = tpu.vector_load %arg10[%get3A, %get3A_1301] {strides = array<i32>} : memref<512x32xf32, #tpu.memory_space<vmem>>, vector<1x16xf32>,
      %get3A_1303 = vector.shape_cast %get3A_1302 : vector<1x16xf32> to vector<16xf32>
      %mul3A_1304 = arith.constant 5.65685415 : f32
      %mul3A_1305 = vector.broadcast %mul3A_1304 : f32 to vector<16xf32>
      %mul3A_1306 = arith.mulf %get3A_1303, %mul3A_1305 : vector<16xf32>
      %swap3A = arith.index_cast %scan3A_1300 : i32 to index
      %swap3A_1307 = arith.constant 0 : index
      %swap3A_1308 = tpu.vector_load %arg10[%swap3A, %swap3A_1307] {strides = array<i32>} : memref<512x32xf32, #tpu.memory_space<vmem>>, vector<1x16xf32>,
      %swap3A_1309 = vector.shape_cast %swap3A_1308 : vector<1x16xf32> to vector<16xf32>
      %swap3A_1310 = vector.shape_cast %mul3A_1306 : vector<16xf32> to vector<1x16xf32>
      tpu.vector_store %arg10[%swap3A, %swap3A_1307], %swap3A_1310 {strides = array<i32>} : memref<512x32xf32, #tpu.memory_space<vmem>>, vector<1x16xf32>,
      %get3A_1311 = arith.index_cast %scan3A_1300 : i32 to index
      %get3A_1312 = arith.constant 16 : index
      %get3A_1313 = tpu.vector_load %arg10[%get3A_1311, %get3A_1312] {strides = array<i32>} : memref<512x32xf32, #tpu.memory_space<vmem>>, vector<1x16xf32>,
      %get3A_1314 = vector.shape_cast %get3A_1313 : vector<1x16xf32> to vector<16xf32>
      %mul3A_1315 = arith.constant 5.65685415 : f32
      %mul3A_1316 = vector.broadcast %mul3A_1315 : f32 to vector<16xf32>
      %mul3A_1317 = arith.mulf %get3A_1314, %mul3A_1316 : vector<16xf32>
      %swap3A_1318 = arith.index_cast %scan3A_1300 : i32 to index
      %swap3A_1319 = arith.constant 16 : index
      %swap3A_1320 = tpu.vector_load %arg10[%swap3A_1318, %swap3A_1319] {strides = array<i32>} : memref<512x32xf32, #tpu.memory_space<vmem>>, vector<1x16xf32>,
      %swap3A_1321 = vector.shape_cast %swap3A_1320 : vector<1x16xf32> to vector<16xf32>
      %swap3A_1322 = vector.shape_cast %mul3A_1317 : vector<16xf32> to vector<1x16xf32>
      tpu.vector_store %arg10[%swap3A_1318, %swap3A_1319], %swap3A_1322 {strides = array<i32>} : memref<512x32xf32, #tpu.memory_space<vmem>>, vector<1x16xf32>,
    }
    %scan3A_612 = arith.constant 512 : i32
    %add3A_613 = arith.constant 11264 : i32
    %add3A_614 = arith.addi %mul3A_2, %add3A_613 : i32
    %dma_start3A_615 = arith.constant 0 : i32
    %dma_start3A_616 = tpu.memref_slice %arg4[%add3A_614, %dma_start3A_615] : memref<819200x128xf32, #tpu.memory_space<hbm>> -> memref<512x32xf32, #tpu.memory_space<hbm>>
    %dma_start3A_617 = arith.constant 0 : i32
    %dma_start3A_618 = tpu.memref_slice %arg4[%add3A_614, %dma_start3A_617] : memref<819200x128xf32, #tpu.memory_space<hbm>> -> memref<512x32xf32, #tpu.memory_space<hbm>>
    tpu.enqueue_dma source(%arg10 : memref<512x32xf32, #tpu.memory_space<vmem>>) target(%dma_start3A_618 : memref<512x32xf32, #tpu.memory_space<hbm>>) target_semaphore(%arg22 : memref<!tpu.dma_semaphore, #tpu.memory_space<semaphore_mem>>)
    %dma_wait3A_619 = arith.constant 0 : i32
    %dma_wait3A_620 = tpu.memref_slice %arg4[%add3A_614, %dma_wait3A_619] : memref<819200x128xf32, #tpu.memory_space<hbm>> -> memref<512x32xf32, #tpu.memory_space<hbm>>
    %dma_wait3A_621 = arith.constant 0 : i32
    %dma_wait3A_622 = tpu.memref_slice %arg4[%add3A_614, %dma_wait3A_621] : memref<819200x128xf32, #tpu.memory_space<hbm>> -> memref<512x32xf32, #tpu.memory_space<hbm>>
    tpu.wait_dma2 semaphore(%arg22 : memref<!tpu.dma_semaphore, #tpu.memory_space<semaphore_mem>>) src(%arg10 : memref<512x32xf32, #tpu.memory_space<vmem>>) dst(%dma_wait3A_622 : memref<512x32xf32, #tpu.memory_space<hbm>>)
    %dma_start3A_623 = arith.constant 14336 : i32
    %dma_start3A_624 = tpu.memref_slice %arg5[%dma_start3A_623] : memref<25600xi32, #tpu.memory_space<vmem>> -> memref<512xi32, #tpu.memory_space<vmem>>
    %dma_start3A_625 = arith.constant 0 : i32
    %dma_start3A_626 = arith.constant 0 : i32
    %dma_start3A_627 = tpu.memref_slice %arg3[%dma_start3A_625, %dma_start3A_626] : memref<1000000x32xf32, #tpu.memory_space<hbm>> -> memref<1000000x32xf32, #tpu.memory_space<hbm>>
    tpu.enqueue_indirect_dma source(%dma_start3A_627 : memref<1000000x32xf32, #tpu.memory_space<hbm>>) target(%arg10 : memref<512x32xf32, #tpu.memory_space<vmem>>) offsets(%dma_start3A_624 : memref<512xi32, #tpu.memory_space<vmem>>) semaphore(%arg16 : memref<!tpu.dma_semaphore, #tpu.memory_space<semaphore_mem>>)
    %dma_wait3A_628 = arith.constant 11776 : i32
    %dma_wait3A_629 = tpu.memref_slice %arg5[%dma_wait3A_628] : memref<25600xi32, #tpu.memory_space<vmem>> -> memref<512xi32, #tpu.memory_space<vmem>>
    %dma_wait3A_630 = arith.constant 0 : i32
    %dma_wait3A_631 = arith.constant 0 : i32
    %dma_wait3A_632 = tpu.memref_slice %arg3[%dma_wait3A_630, %dma_wait3A_631] : memref<1000000x32xf32, #tpu.memory_space<hbm>> -> memref<1000000x32xf32, #tpu.memory_space<hbm>>
    tpu.wait_indirect_dma semaphore(%arg17 : memref<!tpu.dma_semaphore, #tpu.memory_space<semaphore_mem>>) src(%dma_wait3A_632 : memref<1000000x32xf32, #tpu.memory_space<hbm>>) dst(%arg11 : memref<512x32xf32, #tpu.memory_space<vmem>>)
    %scan3A_633 = arith.constant 0 : i32
    %scan3A_634 = arith.constant 0 : i32
    %scan3A_635 = arith.constant 512 : i32
    %scan3A_636 = arith.addi %scan3A_634, %scan3A_635 : i32
    %scan3A_637 = arith.constant 1 : i32
    scf.for %scan3A_1300 = %scan3A_634 to %scan3A_636 step %scan3A_637  : i32 {
      %get3A = arith.index_cast %scan3A_1300 : i32 to index
      %get3A_1301 = arith.constant 0 : index
      %get3A_1302 = tpu.vector_load %arg11[%get3A, %get3A_1301] {strides = array<i32>} : memref<512x32xf32, #tpu.memory_space<vmem>>, vector<1x16xf32>,
      %get3A_1303 = vector.shape_cast %get3A_1302 : vector<1x16xf32> to vector<16xf32>
      %mul3A_1304 = arith.constant 5.65685415 : f32
      %mul3A_1305 = vector.broadcast %mul3A_1304 : f32 to vector<16xf32>
      %mul3A_1306 = arith.mulf %get3A_1303, %mul3A_1305 : vector<16xf32>
      %swap3A = arith.index_cast %scan3A_1300 : i32 to index
      %swap3A_1307 = arith.constant 0 : index
      %swap3A_1308 = tpu.vector_load %arg11[%swap3A, %swap3A_1307] {strides = array<i32>} : memref<512x32xf32, #tpu.memory_space<vmem>>, vector<1x16xf32>,
      %swap3A_1309 = vector.shape_cast %swap3A_1308 : vector<1x16xf32> to vector<16xf32>
      %swap3A_1310 = vector.shape_cast %mul3A_1306 : vector<16xf32> to vector<1x16xf32>
      tpu.vector_store %arg11[%swap3A, %swap3A_1307], %swap3A_1310 {strides = array<i32>} : memref<512x32xf32, #tpu.memory_space<vmem>>, vector<1x16xf32>,
      %get3A_1311 = arith.index_cast %scan3A_1300 : i32 to index
      %get3A_1312 = arith.constant 16 : index
      %get3A_1313 = tpu.vector_load %arg11[%get3A_1311, %get3A_1312] {strides = array<i32>} : memref<512x32xf32, #tpu.memory_space<vmem>>, vector<1x16xf32>,
      %get3A_1314 = vector.shape_cast %get3A_1313 : vector<1x16xf32> to vector<16xf32>
      %mul3A_1315 = arith.constant 5.65685415 : f32
      %mul3A_1316 = vector.broadcast %mul3A_1315 : f32 to vector<16xf32>
      %mul3A_1317 = arith.mulf %get3A_1314, %mul3A_1316 : vector<16xf32>
      %swap3A_1318 = arith.index_cast %scan3A_1300 : i32 to index
      %swap3A_1319 = arith.constant 16 : index
      %swap3A_1320 = tpu.vector_load %arg11[%swap3A_1318, %swap3A_1319] {strides = array<i32>} : memref<512x32xf32, #tpu.memory_space<vmem>>, vector<1x16xf32>,
      %swap3A_1321 = vector.shape_cast %swap3A_1320 : vector<1x16xf32> to vector<16xf32>
      %swap3A_1322 = vector.shape_cast %mul3A_1317 : vector<16xf32> to vector<1x16xf32>
      tpu.vector_store %arg11[%swap3A_1318, %swap3A_1319], %swap3A_1322 {strides = array<i32>} : memref<512x32xf32, #tpu.memory_space<vmem>>, vector<1x16xf32>,
    }
    %scan3A_638 = arith.constant 512 : i32
    %add3A_639 = arith.constant 11776 : i32
    %add3A_640 = arith.addi %mul3A_2, %add3A_639 : i32
    %dma_start3A_641 = arith.constant 0 : i32
    %dma_start3A_642 = tpu.memref_slice %arg4[%add3A_640, %dma_start3A_641] : memref<819200x128xf32, #tpu.memory_space<hbm>> -> memref<512x32xf32, #tpu.memory_space<hbm>>
    %dma_start3A_643 = arith.constant 0 : i32
    %dma_start3A_644 = tpu.memref_slice %arg4[%add3A_640, %dma_start3A_643] : memref<819200x128xf32, #tpu.memory_space<hbm>> -> memref<512x32xf32, #tpu.memory_space<hbm>>
    tpu.enqueue_dma source(%arg11 : memref<512x32xf32, #tpu.memory_space<vmem>>) target(%dma_start3A_644 : memref<512x32xf32, #tpu.memory_space<hbm>>) target_semaphore(%arg23 : memref<!tpu.dma_semaphore, #tpu.memory_space<semaphore_mem>>)
    %dma_wait3A_645 = arith.constant 0 : i32
    %dma_wait3A_646 = tpu.memref_slice %arg4[%add3A_640, %dma_wait3A_645] : memref<819200x128xf32, #tpu.memory_space<hbm>> -> memref<512x32xf32, #tpu.memory_space<hbm>>
    %dma_wait3A_647 = arith.constant 0 : i32
    %dma_wait3A_648 = tpu.memref_slice %arg4[%add3A_640, %dma_wait3A_647] : memref<819200x128xf32, #tpu.memory_space<hbm>> -> memref<512x32xf32, #tpu.memory_space<hbm>>
    tpu.wait_dma2 semaphore(%arg23 : memref<!tpu.dma_semaphore, #tpu.memory_space<semaphore_mem>>) src(%arg11 : memref<512x32xf32, #tpu.memory_space<vmem>>) dst(%dma_wait3A_648 : memref<512x32xf32, #tpu.memory_space<hbm>>)
    %dma_start3A_649 = arith.constant 14848 : i32
    %dma_start3A_650 = tpu.memref_slice %arg5[%dma_start3A_649] : memref<25600xi32, #tpu.memory_space<vmem>> -> memref<512xi32, #tpu.memory_space<vmem>>
    %dma_start3A_651 = arith.constant 0 : i32
    %dma_start3A_652 = arith.constant 0 : i32
    %dma_start3A_653 = tpu.memref_slice %arg3[%dma_start3A_651, %dma_start3A_652] : memref<1000000x32xf32, #tpu.memory_space<hbm>> -> memref<1000000x32xf32, #tpu.memory_space<hbm>>
    tpu.enqueue_indirect_dma source(%dma_start3A_653 : memref<1000000x32xf32, #tpu.memory_space<hbm>>) target(%arg11 : memref<512x32xf32, #tpu.memory_space<vmem>>) offsets(%dma_start3A_650 : memref<512xi32, #tpu.memory_space<vmem>>) semaphore(%arg17 : memref<!tpu.dma_semaphore, #tpu.memory_space<semaphore_mem>>)
    %dma_wait3A_654 = arith.constant 12288 : i32
    %dma_wait3A_655 = tpu.memref_slice %arg5[%dma_wait3A_654] : memref<25600xi32, #tpu.memory_space<vmem>> -> memref<512xi32, #tpu.memory_space<vmem>>
    %dma_wait3A_656 = arith.constant 0 : i32
    %dma_wait3A_657 = arith.constant 0 : i32
    %dma_wait3A_658 = tpu.memref_slice %arg3[%dma_wait3A_656, %dma_wait3A_657] : memref<1000000x32xf32, #tpu.memory_space<hbm>> -> memref<1000000x32xf32, #tpu.memory_space<hbm>>
    tpu.wait_indirect_dma semaphore(%arg12 : memref<!tpu.dma_semaphore, #tpu.memory_space<semaphore_mem>>) src(%dma_wait3A_658 : memref<1000000x32xf32, #tpu.memory_space<hbm>>) dst(%arg6 : memref<512x32xf32, #tpu.memory_space<vmem>>)
    %scan3A_659 = arith.constant 0 : i32
    %scan3A_660 = arith.constant 0 : i32
    %scan3A_661 = arith.constant 512 : i32
    %scan3A_662 = arith.addi %scan3A_660, %scan3A_661 : i32
    %scan3A_663 = arith.constant 1 : i32
    scf.for %scan3A_1300 = %scan3A_660 to %scan3A_662 step %scan3A_663  : i32 {
      %get3A = arith.index_cast %scan3A_1300 : i32 to index
      %get3A_1301 = arith.constant 0 : index
      %get3A_1302 = tpu.vector_load %arg6[%get3A, %get3A_1301] {strides = array<i32>} : memref<512x32xf32, #tpu.memory_space<vmem>>, vector<1x16xf32>,
      %get3A_1303 = vector.shape_cast %get3A_1302 : vector<1x16xf32> to vector<16xf32>
      %mul3A_1304 = arith.constant 5.65685415 : f32
      %mul3A_1305 = vector.broadcast %mul3A_1304 : f32 to vector<16xf32>
      %mul3A_1306 = arith.mulf %get3A_1303, %mul3A_1305 : vector<16xf32>
      %swap3A = arith.index_cast %scan3A_1300 : i32 to index
      %swap3A_1307 = arith.constant 0 : index
      %swap3A_1308 = tpu.vector_load %arg6[%swap3A, %swap3A_1307] {strides = array<i32>} : memref<512x32xf32, #tpu.memory_space<vmem>>, vector<1x16xf32>,
      %swap3A_1309 = vector.shape_cast %swap3A_1308 : vector<1x16xf32> to vector<16xf32>
      %swap3A_1310 = vector.shape_cast %mul3A_1306 : vector<16xf32> to vector<1x16xf32>
      tpu.vector_store %arg6[%swap3A, %swap3A_1307], %swap3A_1310 {strides = array<i32>} : memref<512x32xf32, #tpu.memory_space<vmem>>, vector<1x16xf32>,
      %get3A_1311 = arith.index_cast %scan3A_1300 : i32 to index
      %get3A_1312 = arith.constant 16 : index
      %get3A_1313 = tpu.vector_load %arg6[%get3A_1311, %get3A_1312] {strides = array<i32>} : memref<512x32xf32, #tpu.memory_space<vmem>>, vector<1x16xf32>,
      %get3A_1314 = vector.shape_cast %get3A_1313 : vector<1x16xf32> to vector<16xf32>
      %mul3A_1315 = arith.constant 5.65685415 : f32
      %mul3A_1316 = vector.broadcast %mul3A_1315 : f32 to vector<16xf32>
      %mul3A_1317 = arith.mulf %get3A_1314, %mul3A_1316 : vector<16xf32>
      %swap3A_1318 = arith.index_cast %scan3A_1300 : i32 to index
      %swap3A_1319 = arith.constant 16 : index
      %swap3A_1320 = tpu.vector_load %arg6[%swap3A_1318, %swap3A_1319] {strides = array<i32>} : memref<512x32xf32, #tpu.memory_space<vmem>>, vector<1x16xf32>,
      %swap3A_1321 = vector.shape_cast %swap3A_1320 : vector<1x16xf32> to vector<16xf32>
      %swap3A_1322 = vector.shape_cast %mul3A_1317 : vector<16xf32> to vector<1x16xf32>
      tpu.vector_store %arg6[%swap3A_1318, %swap3A_1319], %swap3A_1322 {strides = array<i32>} : memref<512x32xf32, #tpu.memory_space<vmem>>, vector<1x16xf32>,
    }
    %scan3A_664 = arith.constant 512 : i32
    %add3A_665 = arith.constant 12288 : i32
    %add3A_666 = arith.addi %mul3A_2, %add3A_665 : i32
    %dma_start3A_667 = arith.constant 0 : i32
    %dma_start3A_668 = tpu.memref_slice %arg4[%add3A_666, %dma_start3A_667] : memref<819200x128xf32, #tpu.memory_space<hbm>> -> memref<512x32xf32, #tpu.memory_space<hbm>>
    %dma_start3A_669 = arith.constant 0 : i32
    %dma_start3A_670 = tpu.memref_slice %arg4[%add3A_666, %dma_start3A_669] : memref<819200x128xf32, #tpu.memory_space<hbm>> -> memref<512x32xf32, #tpu.memory_space<hbm>>
    tpu.enqueue_dma source(%arg6 : memref<512x32xf32, #tpu.memory_space<vmem>>) target(%dma_start3A_670 : memref<512x32xf32, #tpu.memory_space<hbm>>) target_semaphore(%arg18 : memref<!tpu.dma_semaphore, #tpu.memory_space<semaphore_mem>>)
    %dma_wait3A_671 = arith.constant 0 : i32
    %dma_wait3A_672 = tpu.memref_slice %arg4[%add3A_666, %dma_wait3A_671] : memref<819200x128xf32, #tpu.memory_space<hbm>> -> memref<512x32xf32, #tpu.memory_space<hbm>>
    %dma_wait3A_673 = arith.constant 0 : i32
    %dma_wait3A_674 = tpu.memref_slice %arg4[%add3A_666, %dma_wait3A_673] : memref<819200x128xf32, #tpu.memory_space<hbm>> -> memref<512x32xf32, #tpu.memory_space<hbm>>
    tpu.wait_dma2 semaphore(%arg18 : memref<!tpu.dma_semaphore, #tpu.memory_space<semaphore_mem>>) src(%arg6 : memref<512x32xf32, #tpu.memory_space<vmem>>) dst(%dma_wait3A_674 : memref<512x32xf32, #tpu.memory_space<hbm>>)
    %dma_start3A_675 = arith.constant 15360 : i32
    %dma_start3A_676 = tpu.memref_slice %arg5[%dma_start3A_675] : memref<25600xi32, #tpu.memory_space<vmem>> -> memref<512xi32, #tpu.memory_space<vmem>>
    %dma_start3A_677 = arith.constant 0 : i32
    %dma_start3A_678 = arith.constant 0 : i32
    %dma_start3A_679 = tpu.memref_slice %arg3[%dma_start3A_677, %dma_start3A_678] : memref<1000000x32xf32, #tpu.memory_space<hbm>> -> memref<1000000x32xf32, #tpu.memory_space<hbm>>
    tpu.enqueue_indirect_dma source(%dma_start3A_679 : memref<1000000x32xf32, #tpu.memory_space<hbm>>) target(%arg6 : memref<512x32xf32, #tpu.memory_space<vmem>>) offsets(%dma_start3A_676 : memref<512xi32, #tpu.memory_space<vmem>>) semaphore(%arg12 : memref<!tpu.dma_semaphore, #tpu.memory_space<semaphore_mem>>)
    %dma_wait3A_680 = arith.constant 12800 : i32
    %dma_wait3A_681 = tpu.memref_slice %arg5[%dma_wait3A_680] : memref<25600xi32, #tpu.memory_space<vmem>> -> memref<512xi32, #tpu.memory_space<vmem>>
    %dma_wait3A_682 = arith.constant 0 : i32
    %dma_wait3A_683 = arith.constant 0 : i32
    %dma_wait3A_684 = tpu.memref_slice %arg3[%dma_wait3A_682, %dma_wait3A_683] : memref<1000000x32xf32, #tpu.memory_space<hbm>> -> memref<1000000x32xf32, #tpu.memory_space<hbm>>
    tpu.wait_indirect_dma semaphore(%arg13 : memref<!tpu.dma_semaphore, #tpu.memory_space<semaphore_mem>>) src(%dma_wait3A_684 : memref<1000000x32xf32, #tpu.memory_space<hbm>>) dst(%arg7 : memref<512x32xf32, #tpu.memory_space<vmem>>)
    %scan3A_685 = arith.constant 0 : i32
    %scan3A_686 = arith.constant 0 : i32
    %scan3A_687 = arith.constant 512 : i32
    %scan3A_688 = arith.addi %scan3A_686, %scan3A_687 : i32
    %scan3A_689 = arith.constant 1 : i32
    scf.for %scan3A_1300 = %scan3A_686 to %scan3A_688 step %scan3A_689  : i32 {
      %get3A = arith.index_cast %scan3A_1300 : i32 to index
      %get3A_1301 = arith.constant 0 : index
      %get3A_1302 = tpu.vector_load %arg7[%get3A, %get3A_1301] {strides = array<i32>} : memref<512x32xf32, #tpu.memory_space<vmem>>, vector<1x16xf32>,
      %get3A_1303 = vector.shape_cast %get3A_1302 : vector<1x16xf32> to vector<16xf32>
      %mul3A_1304 = arith.constant 5.65685415 : f32
      %mul3A_1305 = vector.broadcast %mul3A_1304 : f32 to vector<16xf32>
      %mul3A_1306 = arith.mulf %get3A_1303, %mul3A_1305 : vector<16xf32>
      %swap3A = arith.index_cast %scan3A_1300 : i32 to index
      %swap3A_1307 = arith.constant 0 : index
      %swap3A_1308 = tpu.vector_load %arg7[%swap3A, %swap3A_1307] {strides = array<i32>} : memref<512x32xf32, #tpu.memory_space<vmem>>, vector<1x16xf32>,
      %swap3A_1309 = vector.shape_cast %swap3A_1308 : vector<1x16xf32> to vector<16xf32>
      %swap3A_1310 = vector.shape_cast %mul3A_1306 : vector<16xf32> to vector<1x16xf32>
      tpu.vector_store %arg7[%swap3A, %swap3A_1307], %swap3A_1310 {strides = array<i32>} : memref<512x32xf32, #tpu.memory_space<vmem>>, vector<1x16xf32>,
      %get3A_1311 = arith.index_cast %scan3A_1300 : i32 to index
      %get3A_1312 = arith.constant 16 : index
      %get3A_1313 = tpu.vector_load %arg7[%get3A_1311, %get3A_1312] {strides = array<i32>} : memref<512x32xf32, #tpu.memory_space<vmem>>, vector<1x16xf32>,
      %get3A_1314 = vector.shape_cast %get3A_1313 : vector<1x16xf32> to vector<16xf32>
      %mul3A_1315 = arith.constant 5.65685415 : f32
      %mul3A_1316 = vector.broadcast %mul3A_1315 : f32 to vector<16xf32>
      %mul3A_1317 = arith.mulf %get3A_1314, %mul3A_1316 : vector<16xf32>
      %swap3A_1318 = arith.index_cast %scan3A_1300 : i32 to index
      %swap3A_1319 = arith.constant 16 : index
      %swap3A_1320 = tpu.vector_load %arg7[%swap3A_1318, %swap3A_1319] {strides = array<i32>} : memref<512x32xf32, #tpu.memory_space<vmem>>, vector<1x16xf32>,
      %swap3A_1321 = vector.shape_cast %swap3A_1320 : vector<1x16xf32> to vector<16xf32>
      %swap3A_1322 = vector.shape_cast %mul3A_1317 : vector<16xf32> to vector<1x16xf32>
      tpu.vector_store %arg7[%swap3A_1318, %swap3A_1319], %swap3A_1322 {strides = array<i32>} : memref<512x32xf32, #tpu.memory_space<vmem>>, vector<1x16xf32>,
    }
    %scan3A_690 = arith.constant 512 : i32
    %add3A_691 = arith.constant 12800 : i32
    %add3A_692 = arith.addi %mul3A_2, %add3A_691 : i32
    %dma_start3A_693 = arith.constant 0 : i32
    %dma_start3A_694 = tpu.memref_slice %arg4[%add3A_692, %dma_start3A_693] : memref<819200x128xf32, #tpu.memory_space<hbm>> -> memref<512x32xf32, #tpu.memory_space<hbm>>
    %dma_start3A_695 = arith.constant 0 : i32
    %dma_start3A_696 = tpu.memref_slice %arg4[%add3A_692, %dma_start3A_695] : memref<819200x128xf32, #tpu.memory_space<hbm>> -> memref<512x32xf32, #tpu.memory_space<hbm>>
    tpu.enqueue_dma source(%arg7 : memref<512x32xf32, #tpu.memory_space<vmem>>) target(%dma_start3A_696 : memref<512x32xf32, #tpu.memory_space<hbm>>) target_semaphore(%arg19 : memref<!tpu.dma_semaphore, #tpu.memory_space<semaphore_mem>>)
    %dma_wait3A_697 = arith.constant 0 : i32
    %dma_wait3A_698 = tpu.memref_slice %arg4[%add3A_692, %dma_wait3A_697] : memref<819200x128xf32, #tpu.memory_space<hbm>> -> memref<512x32xf32, #tpu.memory_space<hbm>>
    %dma_wait3A_699 = arith.constant 0 : i32
    %dma_wait3A_700 = tpu.memref_slice %arg4[%add3A_692, %dma_wait3A_699] : memref<819200x128xf32, #tpu.memory_space<hbm>> -> memref<512x32xf32, #tpu.memory_space<hbm>>
    tpu.wait_dma2 semaphore(%arg19 : memref<!tpu.dma_semaphore, #tpu.memory_space<semaphore_mem>>) src(%arg7 : memref<512x32xf32, #tpu.memory_space<vmem>>) dst(%dma_wait3A_700 : memref<512x32xf32, #tpu.memory_space<hbm>>)
    %dma_start3A_701 = arith.constant 15872 : i32
    %dma_start3A_702 = tpu.memref_slice %arg5[%dma_start3A_701] : memref<25600xi32, #tpu.memory_space<vmem>> -> memref<512xi32, #tpu.memory_space<vmem>>
    %dma_start3A_703 = arith.constant 0 : i32
    %dma_start3A_704 = arith.constant 0 : i32
    %dma_start3A_705 = tpu.memref_slice %arg3[%dma_start3A_703, %dma_start3A_704] : memref<1000000x32xf32, #tpu.memory_space<hbm>> -> memref<1000000x32xf32, #tpu.memory_space<hbm>>
    tpu.enqueue_indirect_dma source(%dma_start3A_705 : memref<1000000x32xf32, #tpu.memory_space<hbm>>) target(%arg7 : memref<512x32xf32, #tpu.memory_space<vmem>>) offsets(%dma_start3A_702 : memref<512xi32, #tpu.memory_space<vmem>>) semaphore(%arg13 : memref<!tpu.dma_semaphore, #tpu.memory_space<semaphore_mem>>)
    %dma_wait3A_706 = arith.constant 13312 : i32
    %dma_wait3A_707 = tpu.memref_slice %arg5[%dma_wait3A_706] : memref<25600xi32, #tpu.memory_space<vmem>> -> memref<512xi32, #tpu.memory_space<vmem>>
    %dma_wait3A_708 = arith.constant 0 : i32
    %dma_wait3A_709 = arith.constant 0 : i32
    %dma_wait3A_710 = tpu.memref_slice %arg3[%dma_wait3A_708, %dma_wait3A_709] : memref<1000000x32xf32, #tpu.memory_space<hbm>> -> memref<1000000x32xf32, #tpu.memory_space<hbm>>
    tpu.wait_indirect_dma semaphore(%arg14 : memref<!tpu.dma_semaphore, #tpu.memory_space<semaphore_mem>>) src(%dma_wait3A_710 : memref<1000000x32xf32, #tpu.memory_space<hbm>>) dst(%arg8 : memref<512x32xf32, #tpu.memory_space<vmem>>)
    %scan3A_711 = arith.constant 0 : i32
    %scan3A_712 = arith.constant 0 : i32
    %scan3A_713 = arith.constant 512 : i32
    %scan3A_714 = arith.addi %scan3A_712, %scan3A_713 : i32
    %scan3A_715 = arith.constant 1 : i32
    scf.for %scan3A_1300 = %scan3A_712 to %scan3A_714 step %scan3A_715  : i32 {
      %get3A = arith.index_cast %scan3A_1300 : i32 to index
      %get3A_1301 = arith.constant 0 : index
      %get3A_1302 = tpu.vector_load %arg8[%get3A, %get3A_1301] {strides = array<i32>} : memref<512x32xf32, #tpu.memory_space<vmem>>, vector<1x16xf32>,
      %get3A_1303 = vector.shape_cast %get3A_1302 : vector<1x16xf32> to vector<16xf32>
      %mul3A_1304 = arith.constant 5.65685415 : f32
      %mul3A_1305 = vector.broadcast %mul3A_1304 : f32 to vector<16xf32>
      %mul3A_1306 = arith.mulf %get3A_1303, %mul3A_1305 : vector<16xf32>
      %swap3A = arith.index_cast %scan3A_1300 : i32 to index
      %swap3A_1307 = arith.constant 0 : index
      %swap3A_1308 = tpu.vector_load %arg8[%swap3A, %swap3A_1307] {strides = array<i32>} : memref<512x32xf32, #tpu.memory_space<vmem>>, vector<1x16xf32>,
      %swap3A_1309 = vector.shape_cast %swap3A_1308 : vector<1x16xf32> to vector<16xf32>
      %swap3A_1310 = vector.shape_cast %mul3A_1306 : vector<16xf32> to vector<1x16xf32>
      tpu.vector_store %arg8[%swap3A, %swap3A_1307], %swap3A_1310 {strides = array<i32>} : memref<512x32xf32, #tpu.memory_space<vmem>>, vector<1x16xf32>,
      %get3A_1311 = arith.index_cast %scan3A_1300 : i32 to index
      %get3A_1312 = arith.constant 16 : index
      %get3A_1313 = tpu.vector_load %arg8[%get3A_1311, %get3A_1312] {strides = array<i32>} : memref<512x32xf32, #tpu.memory_space<vmem>>, vector<1x16xf32>,
      %get3A_1314 = vector.shape_cast %get3A_1313 : vector<1x16xf32> to vector<16xf32>
      %mul3A_1315 = arith.constant 5.65685415 : f32
      %mul3A_1316 = vector.broadcast %mul3A_1315 : f32 to vector<16xf32>
      %mul3A_1317 = arith.mulf %get3A_1314, %mul3A_1316 : vector<16xf32>
      %swap3A_1318 = arith.index_cast %scan3A_1300 : i32 to index
      %swap3A_1319 = arith.constant 16 : index
      %swap3A_1320 = tpu.vector_load %arg8[%swap3A_1318, %swap3A_1319] {strides = array<i32>} : memref<512x32xf32, #tpu.memory_space<vmem>>, vector<1x16xf32>,
      %swap3A_1321 = vector.shape_cast %swap3A_1320 : vector<1x16xf32> to vector<16xf32>
      %swap3A_1322 = vector.shape_cast %mul3A_1317 : vector<16xf32> to vector<1x16xf32>
      tpu.vector_store %arg8[%swap3A_1318, %swap3A_1319], %swap3A_1322 {strides = array<i32>} : memref<512x32xf32, #tpu.memory_space<vmem>>, vector<1x16xf32>,
    }
    %scan3A_716 = arith.constant 512 : i32
    %add3A_717 = arith.constant 13312 : i32
    %add3A_718 = arith.addi %mul3A_2, %add3A_717 : i32
    %dma_start3A_719 = arith.constant 0 : i32
    %dma_start3A_720 = tpu.memref_slice %arg4[%add3A_718, %dma_start3A_719] : memref<819200x128xf32, #tpu.memory_space<hbm>> -> memref<512x32xf32, #tpu.memory_space<hbm>>
    %dma_start3A_721 = arith.constant 0 : i32
    %dma_start3A_722 = tpu.memref_slice %arg4[%add3A_718, %dma_start3A_721] : memref<819200x128xf32, #tpu.memory_space<hbm>> -> memref<512x32xf32, #tpu.memory_space<hbm>>
    tpu.enqueue_dma source(%arg8 : memref<512x32xf32, #tpu.memory_space<vmem>>) target(%dma_start3A_722 : memref<512x32xf32, #tpu.memory_space<hbm>>) target_semaphore(%arg20 : memref<!tpu.dma_semaphore, #tpu.memory_space<semaphore_mem>>)
    %dma_wait3A_723 = arith.constant 0 : i32
    %dma_wait3A_724 = tpu.memref_slice %arg4[%add3A_718, %dma_wait3A_723] : memref<819200x128xf32, #tpu.memory_space<hbm>> -> memref<512x32xf32, #tpu.memory_space<hbm>>
    %dma_wait3A_725 = arith.constant 0 : i32
    %dma_wait3A_726 = tpu.memref_slice %arg4[%add3A_718, %dma_wait3A_725] : memref<819200x128xf32, #tpu.memory_space<hbm>> -> memref<512x32xf32, #tpu.memory_space<hbm>>
    tpu.wait_dma2 semaphore(%arg20 : memref<!tpu.dma_semaphore, #tpu.memory_space<semaphore_mem>>) src(%arg8 : memref<512x32xf32, #tpu.memory_space<vmem>>) dst(%dma_wait3A_726 : memref<512x32xf32, #tpu.memory_space<hbm>>)
    %dma_start3A_727 = arith.constant 16384 : i32
    %dma_start3A_728 = tpu.memref_slice %arg5[%dma_start3A_727] : memref<25600xi32, #tpu.memory_space<vmem>> -> memref<512xi32, #tpu.memory_space<vmem>>
    %dma_start3A_729 = arith.constant 0 : i32
    %dma_start3A_730 = arith.constant 0 : i32
    %dma_start3A_731 = tpu.memref_slice %arg3[%dma_start3A_729, %dma_start3A_730] : memref<1000000x32xf32, #tpu.memory_space<hbm>> -> memref<1000000x32xf32, #tpu.memory_space<hbm>>
    tpu.enqueue_indirect_dma source(%dma_start3A_731 : memref<1000000x32xf32, #tpu.memory_space<hbm>>) target(%arg8 : memref<512x32xf32, #tpu.memory_space<vmem>>) offsets(%dma_start3A_728 : memref<512xi32, #tpu.memory_space<vmem>>) semaphore(%arg14 : memref<!tpu.dma_semaphore, #tpu.memory_space<semaphore_mem>>)
    %dma_wait3A_732 = arith.constant 13824 : i32
    %dma_wait3A_733 = tpu.memref_slice %arg5[%dma_wait3A_732] : memref<25600xi32, #tpu.memory_space<vmem>> -> memref<512xi32, #tpu.memory_space<vmem>>
    %dma_wait3A_734 = arith.constant 0 : i32
    %dma_wait3A_735 = arith.constant 0 : i32
    %dma_wait3A_736 = tpu.memref_slice %arg3[%dma_wait3A_734, %dma_wait3A_735] : memref<1000000x32xf32, #tpu.memory_space<hbm>> -> memref<1000000x32xf32, #tpu.memory_space<hbm>>
    tpu.wait_indirect_dma semaphore(%arg15 : memref<!tpu.dma_semaphore, #tpu.memory_space<semaphore_mem>>) src(%dma_wait3A_736 : memref<1000000x32xf32, #tpu.memory_space<hbm>>) dst(%arg9 : memref<512x32xf32, #tpu.memory_space<vmem>>)
    %scan3A_737 = arith.constant 0 : i32
    %scan3A_738 = arith.constant 0 : i32
    %scan3A_739 = arith.constant 512 : i32
    %scan3A_740 = arith.addi %scan3A_738, %scan3A_739 : i32
    %scan3A_741 = arith.constant 1 : i32
    scf.for %scan3A_1300 = %scan3A_738 to %scan3A_740 step %scan3A_741  : i32 {
      %get3A = arith.index_cast %scan3A_1300 : i32 to index
      %get3A_1301 = arith.constant 0 : index
      %get3A_1302 = tpu.vector_load %arg9[%get3A, %get3A_1301] {strides = array<i32>} : memref<512x32xf32, #tpu.memory_space<vmem>>, vector<1x16xf32>,
      %get3A_1303 = vector.shape_cast %get3A_1302 : vector<1x16xf32> to vector<16xf32>
      %mul3A_1304 = arith.constant 5.65685415 : f32
      %mul3A_1305 = vector.broadcast %mul3A_1304 : f32 to vector<16xf32>
      %mul3A_1306 = arith.mulf %get3A_1303, %mul3A_1305 : vector<16xf32>
      %swap3A = arith.index_cast %scan3A_1300 : i32 to index
      %swap3A_1307 = arith.constant 0 : index
      %swap3A_1308 = tpu.vector_load %arg9[%swap3A, %swap3A_1307] {strides = array<i32>} : memref<512x32xf32, #tpu.memory_space<vmem>>, vector<1x16xf32>,
      %swap3A_1309 = vector.shape_cast %swap3A_1308 : vector<1x16xf32> to vector<16xf32>
      %swap3A_1310 = vector.shape_cast %mul3A_1306 : vector<16xf32> to vector<1x16xf32>
      tpu.vector_store %arg9[%swap3A, %swap3A_1307], %swap3A_1310 {strides = array<i32>} : memref<512x32xf32, #tpu.memory_space<vmem>>, vector<1x16xf32>,
      %get3A_1311 = arith.index_cast %scan3A_1300 : i32 to index
      %get3A_1312 = arith.constant 16 : index
      %get3A_1313 = tpu.vector_load %arg9[%get3A_1311, %get3A_1312] {strides = array<i32>} : memref<512x32xf32, #tpu.memory_space<vmem>>, vector<1x16xf32>,
      %get3A_1314 = vector.shape_cast %get3A_1313 : vector<1x16xf32> to vector<16xf32>
      %mul3A_1315 = arith.constant 5.65685415 : f32
      %mul3A_1316 = vector.broadcast %mul3A_1315 : f32 to vector<16xf32>
      %mul3A_1317 = arith.mulf %get3A_1314, %mul3A_1316 : vector<16xf32>
      %swap3A_1318 = arith.index_cast %scan3A_1300 : i32 to index
      %swap3A_1319 = arith.constant 16 : index
      %swap3A_1320 = tpu.vector_load %arg9[%swap3A_1318, %swap3A_1319] {strides = array<i32>} : memref<512x32xf32, #tpu.memory_space<vmem>>, vector<1x16xf32>,
      %swap3A_1321 = vector.shape_cast %swap3A_1320 : vector<1x16xf32> to vector<16xf32>
      %swap3A_1322 = vector.shape_cast %mul3A_1317 : vector<16xf32> to vector<1x16xf32>
      tpu.vector_store %arg9[%swap3A_1318, %swap3A_1319], %swap3A_1322 {strides = array<i32>} : memref<512x32xf32, #tpu.memory_space<vmem>>, vector<1x16xf32>,
    }
    %scan3A_742 = arith.constant 512 : i32
    %add3A_743 = arith.constant 13824 : i32
    %add3A_744 = arith.addi %mul3A_2, %add3A_743 : i32
    %dma_start3A_745 = arith.constant 0 : i32
    %dma_start3A_746 = tpu.memref_slice %arg4[%add3A_744, %dma_start3A_745] : memref<819200x128xf32, #tpu.memory_space<hbm>> -> memref<512x32xf32, #tpu.memory_space<hbm>>
    %dma_start3A_747 = arith.constant 0 : i32
    %dma_start3A_748 = tpu.memref_slice %arg4[%add3A_744, %dma_start3A_747] : memref<819200x128xf32, #tpu.memory_space<hbm>> -> memref<512x32xf32, #tpu.memory_space<hbm>>
    tpu.enqueue_dma source(%arg9 : memref<512x32xf32, #tpu.memory_space<vmem>>) target(%dma_start3A_748 : memref<512x32xf32, #tpu.memory_space<hbm>>) target_semaphore(%arg21 : memref<!tpu.dma_semaphore, #tpu.memory_space<semaphore_mem>>)
    %dma_wait3A_749 = arith.constant 0 : i32
    %dma_wait3A_750 = tpu.memref_slice %arg4[%add3A_744, %dma_wait3A_749] : memref<819200x128xf32, #tpu.memory_space<hbm>> -> memref<512x32xf32, #tpu.memory_space<hbm>>
    %dma_wait3A_751 = arith.constant 0 : i32
    %dma_wait3A_752 = tpu.memref_slice %arg4[%add3A_744, %dma_wait3A_751] : memref<819200x128xf32, #tpu.memory_space<hbm>> -> memref<512x32xf32, #tpu.memory_space<hbm>>
    tpu.wait_dma2 semaphore(%arg21 : memref<!tpu.dma_semaphore, #tpu.memory_space<semaphore_mem>>) src(%arg9 : memref<512x32xf32, #tpu.memory_space<vmem>>) dst(%dma_wait3A_752 : memref<512x32xf32, #tpu.memory_space<hbm>>)
    %dma_start3A_753 = arith.constant 16896 : i32
    %dma_start3A_754 = tpu.memref_slice %arg5[%dma_start3A_753] : memref<25600xi32, #tpu.memory_space<vmem>> -> memref<512xi32, #tpu.memory_space<vmem>>
    %dma_start3A_755 = arith.constant 0 : i32
    %dma_start3A_756 = arith.constant 0 : i32
    %dma_start3A_757 = tpu.memref_slice %arg3[%dma_start3A_755, %dma_start3A_756] : memref<1000000x32xf32, #tpu.memory_space<hbm>> -> memref<1000000x32xf32, #tpu.memory_space<hbm>>
    tpu.enqueue_indirect_dma source(%dma_start3A_757 : memref<1000000x32xf32, #tpu.memory_space<hbm>>) target(%arg9 : memref<512x32xf32, #tpu.memory_space<vmem>>) offsets(%dma_start3A_754 : memref<512xi32, #tpu.memory_space<vmem>>) semaphore(%arg15 : memref<!tpu.dma_semaphore, #tpu.memory_space<semaphore_mem>>)
    %dma_wait3A_758 = arith.constant 14336 : i32
    %dma_wait3A_759 = tpu.memref_slice %arg5[%dma_wait3A_758] : memref<25600xi32, #tpu.memory_space<vmem>> -> memref<512xi32, #tpu.memory_space<vmem>>
    %dma_wait3A_760 = arith.constant 0 : i32
    %dma_wait3A_761 = arith.constant 0 : i32
    %dma_wait3A_762 = tpu.memref_slice %arg3[%dma_wait3A_760, %dma_wait3A_761] : memref<1000000x32xf32, #tpu.memory_space<hbm>> -> memref<1000000x32xf32, #tpu.memory_space<hbm>>
    tpu.wait_indirect_dma semaphore(%arg16 : memref<!tpu.dma_semaphore, #tpu.memory_space<semaphore_mem>>) src(%dma_wait3A_762 : memref<1000000x32xf32, #tpu.memory_space<hbm>>) dst(%arg10 : memref<512x32xf32, #tpu.memory_space<vmem>>)
    %scan3A_763 = arith.constant 0 : i32
    %scan3A_764 = arith.constant 0 : i32
    %scan3A_765 = arith.constant 512 : i32
    %scan3A_766 = arith.addi %scan3A_764, %scan3A_765 : i32
    %scan3A_767 = arith.constant 1 : i32
    scf.for %scan3A_1300 = %scan3A_764 to %scan3A_766 step %scan3A_767  : i32 {
      %get3A = arith.index_cast %scan3A_1300 : i32 to index
      %get3A_1301 = arith.constant 0 : index
      %get3A_1302 = tpu.vector_load %arg10[%get3A, %get3A_1301] {strides = array<i32>} : memref<512x32xf32, #tpu.memory_space<vmem>>, vector<1x16xf32>,
      %get3A_1303 = vector.shape_cast %get3A_1302 : vector<1x16xf32> to vector<16xf32>
      %mul3A_1304 = arith.constant 5.65685415 : f32
      %mul3A_1305 = vector.broadcast %mul3A_1304 : f32 to vector<16xf32>
      %mul3A_1306 = arith.mulf %get3A_1303, %mul3A_1305 : vector<16xf32>
      %swap3A = arith.index_cast %scan3A_1300 : i32 to index
      %swap3A_1307 = arith.constant 0 : index
      %swap3A_1308 = tpu.vector_load %arg10[%swap3A, %swap3A_1307] {strides = array<i32>} : memref<512x32xf32, #tpu.memory_space<vmem>>, vector<1x16xf32>,
      %swap3A_1309 = vector.shape_cast %swap3A_1308 : vector<1x16xf32> to vector<16xf32>
      %swap3A_1310 = vector.shape_cast %mul3A_1306 : vector<16xf32> to vector<1x16xf32>
      tpu.vector_store %arg10[%swap3A, %swap3A_1307], %swap3A_1310 {strides = array<i32>} : memref<512x32xf32, #tpu.memory_space<vmem>>, vector<1x16xf32>,
      %get3A_1311 = arith.index_cast %scan3A_1300 : i32 to index
      %get3A_1312 = arith.constant 16 : index
      %get3A_1313 = tpu.vector_load %arg10[%get3A_1311, %get3A_1312] {strides = array<i32>} : memref<512x32xf32, #tpu.memory_space<vmem>>, vector<1x16xf32>,
      %get3A_1314 = vector.shape_cast %get3A_1313 : vector<1x16xf32> to vector<16xf32>
      %mul3A_1315 = arith.constant 5.65685415 : f32
      %mul3A_1316 = vector.broadcast %mul3A_1315 : f32 to vector<16xf32>
      %mul3A_1317 = arith.mulf %get3A_1314, %mul3A_1316 : vector<16xf32>
      %swap3A_1318 = arith.index_cast %scan3A_1300 : i32 to index
      %swap3A_1319 = arith.constant 16 : index
      %swap3A_1320 = tpu.vector_load %arg10[%swap3A_1318, %swap3A_1319] {strides = array<i32>} : memref<512x32xf32, #tpu.memory_space<vmem>>, vector<1x16xf32>,
      %swap3A_1321 = vector.shape_cast %swap3A_1320 : vector<1x16xf32> to vector<16xf32>
      %swap3A_1322 = vector.shape_cast %mul3A_1317 : vector<16xf32> to vector<1x16xf32>
      tpu.vector_store %arg10[%swap3A_1318, %swap3A_1319], %swap3A_1322 {strides = array<i32>} : memref<512x32xf32, #tpu.memory_space<vmem>>, vector<1x16xf32>,
    }
    %scan3A_768 = arith.constant 512 : i32
    %add3A_769 = arith.constant 14336 : i32
    %add3A_770 = arith.addi %mul3A_2, %add3A_769 : i32
    %dma_start3A_771 = arith.constant 0 : i32
    %dma_start3A_772 = tpu.memref_slice %arg4[%add3A_770, %dma_start3A_771] : memref<819200x128xf32, #tpu.memory_space<hbm>> -> memref<512x32xf32, #tpu.memory_space<hbm>>
    %dma_start3A_773 = arith.constant 0 : i32
    %dma_start3A_774 = tpu.memref_slice %arg4[%add3A_770, %dma_start3A_773] : memref<819200x128xf32, #tpu.memory_space<hbm>> -> memref<512x32xf32, #tpu.memory_space<hbm>>
    tpu.enqueue_dma source(%arg10 : memref<512x32xf32, #tpu.memory_space<vmem>>) target(%dma_start3A_774 : memref<512x32xf32, #tpu.memory_space<hbm>>) target_semaphore(%arg22 : memref<!tpu.dma_semaphore, #tpu.memory_space<semaphore_mem>>)
    %dma_wait3A_775 = arith.constant 0 : i32
    %dma_wait3A_776 = tpu.memref_slice %arg4[%add3A_770, %dma_wait3A_775] : memref<819200x128xf32, #tpu.memory_space<hbm>> -> memref<512x32xf32, #tpu.memory_space<hbm>>
    %dma_wait3A_777 = arith.constant 0 : i32
    %dma_wait3A_778 = tpu.memref_slice %arg4[%add3A_770, %dma_wait3A_777] : memref<819200x128xf32, #tpu.memory_space<hbm>> -> memref<512x32xf32, #tpu.memory_space<hbm>>
    tpu.wait_dma2 semaphore(%arg22 : memref<!tpu.dma_semaphore, #tpu.memory_space<semaphore_mem>>) src(%arg10 : memref<512x32xf32, #tpu.memory_space<vmem>>) dst(%dma_wait3A_778 : memref<512x32xf32, #tpu.memory_space<hbm>>)
    %dma_start3A_779 = arith.constant 17408 : i32
    %dma_start3A_780 = tpu.memref_slice %arg5[%dma_start3A_779] : memref<25600xi32, #tpu.memory_space<vmem>> -> memref<512xi32, #tpu.memory_space<vmem>>
    %dma_start3A_781 = arith.constant 0 : i32
    %dma_start3A_782 = arith.constant 0 : i32
    %dma_start3A_783 = tpu.memref_slice %arg3[%dma_start3A_781, %dma_start3A_782] : memref<1000000x32xf32, #tpu.memory_space<hbm>> -> memref<1000000x32xf32, #tpu.memory_space<hbm>>
    tpu.enqueue_indirect_dma source(%dma_start3A_783 : memref<1000000x32xf32, #tpu.memory_space<hbm>>) target(%arg10 : memref<512x32xf32, #tpu.memory_space<vmem>>) offsets(%dma_start3A_780 : memref<512xi32, #tpu.memory_space<vmem>>) semaphore(%arg16 : memref<!tpu.dma_semaphore, #tpu.memory_space<semaphore_mem>>)
    %dma_wait3A_784 = arith.constant 14848 : i32
    %dma_wait3A_785 = tpu.memref_slice %arg5[%dma_wait3A_784] : memref<25600xi32, #tpu.memory_space<vmem>> -> memref<512xi32, #tpu.memory_space<vmem>>
    %dma_wait3A_786 = arith.constant 0 : i32
    %dma_wait3A_787 = arith.constant 0 : i32
    %dma_wait3A_788 = tpu.memref_slice %arg3[%dma_wait3A_786, %dma_wait3A_787] : memref<1000000x32xf32, #tpu.memory_space<hbm>> -> memref<1000000x32xf32, #tpu.memory_space<hbm>>
    tpu.wait_indirect_dma semaphore(%arg17 : memref<!tpu.dma_semaphore, #tpu.memory_space<semaphore_mem>>) src(%dma_wait3A_788 : memref<1000000x32xf32, #tpu.memory_space<hbm>>) dst(%arg11 : memref<512x32xf32, #tpu.memory_space<vmem>>)
    %scan3A_789 = arith.constant 0 : i32
    %scan3A_790 = arith.constant 0 : i32
    %scan3A_791 = arith.constant 512 : i32
    %scan3A_792 = arith.addi %scan3A_790, %scan3A_791 : i32
    %scan3A_793 = arith.constant 1 : i32
    scf.for %scan3A_1300 = %scan3A_790 to %scan3A_792 step %scan3A_793  : i32 {
      %get3A = arith.index_cast %scan3A_1300 : i32 to index
      %get3A_1301 = arith.constant 0 : index
      %get3A_1302 = tpu.vector_load %arg11[%get3A, %get3A_1301] {strides = array<i32>} : memref<512x32xf32, #tpu.memory_space<vmem>>, vector<1x16xf32>,
      %get3A_1303 = vector.shape_cast %get3A_1302 : vector<1x16xf32> to vector<16xf32>
      %mul3A_1304 = arith.constant 5.65685415 : f32
      %mul3A_1305 = vector.broadcast %mul3A_1304 : f32 to vector<16xf32>
      %mul3A_1306 = arith.mulf %get3A_1303, %mul3A_1305 : vector<16xf32>
      %swap3A = arith.index_cast %scan3A_1300 : i32 to index
      %swap3A_1307 = arith.constant 0 : index
      %swap3A_1308 = tpu.vector_load %arg11[%swap3A, %swap3A_1307] {strides = array<i32>} : memref<512x32xf32, #tpu.memory_space<vmem>>, vector<1x16xf32>,
      %swap3A_1309 = vector.shape_cast %swap3A_1308 : vector<1x16xf32> to vector<16xf32>
      %swap3A_1310 = vector.shape_cast %mul3A_1306 : vector<16xf32> to vector<1x16xf32>
      tpu.vector_store %arg11[%swap3A, %swap3A_1307], %swap3A_1310 {strides = array<i32>} : memref<512x32xf32, #tpu.memory_space<vmem>>, vector<1x16xf32>,
      %get3A_1311 = arith.index_cast %scan3A_1300 : i32 to index
      %get3A_1312 = arith.constant 16 : index
      %get3A_1313 = tpu.vector_load %arg11[%get3A_1311, %get3A_1312] {strides = array<i32>} : memref<512x32xf32, #tpu.memory_space<vmem>>, vector<1x16xf32>,
      %get3A_1314 = vector.shape_cast %get3A_1313 : vector<1x16xf32> to vector<16xf32>
      %mul3A_1315 = arith.constant 5.65685415 : f32
      %mul3A_1316 = vector.broadcast %mul3A_1315 : f32 to vector<16xf32>
      %mul3A_1317 = arith.mulf %get3A_1314, %mul3A_1316 : vector<16xf32>
      %swap3A_1318 = arith.index_cast %scan3A_1300 : i32 to index
      %swap3A_1319 = arith.constant 16 : index
      %swap3A_1320 = tpu.vector_load %arg11[%swap3A_1318, %swap3A_1319] {strides = array<i32>} : memref<512x32xf32, #tpu.memory_space<vmem>>, vector<1x16xf32>,
      %swap3A_1321 = vector.shape_cast %swap3A_1320 : vector<1x16xf32> to vector<16xf32>
      %swap3A_1322 = vector.shape_cast %mul3A_1317 : vector<16xf32> to vector<1x16xf32>
      tpu.vector_store %arg11[%swap3A_1318, %swap3A_1319], %swap3A_1322 {strides = array<i32>} : memref<512x32xf32, #tpu.memory_space<vmem>>, vector<1x16xf32>,
    }
    %scan3A_794 = arith.constant 512 : i32
    %add3A_795 = arith.constant 14848 : i32
    %add3A_796 = arith.addi %mul3A_2, %add3A_795 : i32
    %dma_start3A_797 = arith.constant 0 : i32
    %dma_start3A_798 = tpu.memref_slice %arg4[%add3A_796, %dma_start3A_797] : memref<819200x128xf32, #tpu.memory_space<hbm>> -> memref<512x32xf32, #tpu.memory_space<hbm>>
    %dma_start3A_799 = arith.constant 0 : i32
    %dma_start3A_800 = tpu.memref_slice %arg4[%add3A_796, %dma_start3A_799] : memref<819200x128xf32, #tpu.memory_space<hbm>> -> memref<512x32xf32, #tpu.memory_space<hbm>>
    tpu.enqueue_dma source(%arg11 : memref<512x32xf32, #tpu.memory_space<vmem>>) target(%dma_start3A_800 : memref<512x32xf32, #tpu.memory_space<hbm>>) target_semaphore(%arg23 : memref<!tpu.dma_semaphore, #tpu.memory_space<semaphore_mem>>)
    %dma_wait3A_801 = arith.constant 0 : i32
    %dma_wait3A_802 = tpu.memref_slice %arg4[%add3A_796, %dma_wait3A_801] : memref<819200x128xf32, #tpu.memory_space<hbm>> -> memref<512x32xf32, #tpu.memory_space<hbm>>
    %dma_wait3A_803 = arith.constant 0 : i32
    %dma_wait3A_804 = tpu.memref_slice %arg4[%add3A_796, %dma_wait3A_803] : memref<819200x128xf32, #tpu.memory_space<hbm>> -> memref<512x32xf32, #tpu.memory_space<hbm>>
    tpu.wait_dma2 semaphore(%arg23 : memref<!tpu.dma_semaphore, #tpu.memory_space<semaphore_mem>>) src(%arg11 : memref<512x32xf32, #tpu.memory_space<vmem>>) dst(%dma_wait3A_804 : memref<512x32xf32, #tpu.memory_space<hbm>>)
    %dma_start3A_805 = arith.constant 17920 : i32
    %dma_start3A_806 = tpu.memref_slice %arg5[%dma_start3A_805] : memref<25600xi32, #tpu.memory_space<vmem>> -> memref<512xi32, #tpu.memory_space<vmem>>
    %dma_start3A_807 = arith.constant 0 : i32
    %dma_start3A_808 = arith.constant 0 : i32
    %dma_start3A_809 = tpu.memref_slice %arg3[%dma_start3A_807, %dma_start3A_808] : memref<1000000x32xf32, #tpu.memory_space<hbm>> -> memref<1000000x32xf32, #tpu.memory_space<hbm>>
    tpu.enqueue_indirect_dma source(%dma_start3A_809 : memref<1000000x32xf32, #tpu.memory_space<hbm>>) target(%arg11 : memref<512x32xf32, #tpu.memory_space<vmem>>) offsets(%dma_start3A_806 : memref<512xi32, #tpu.memory_space<vmem>>) semaphore(%arg17 : memref<!tpu.dma_semaphore, #tpu.memory_space<semaphore_mem>>)
    %dma_wait3A_810 = arith.constant 15360 : i32
    %dma_wait3A_811 = tpu.memref_slice %arg5[%dma_wait3A_810] : memref<25600xi32, #tpu.memory_space<vmem>> -> memref<512xi32, #tpu.memory_space<vmem>>
    %dma_wait3A_812 = arith.constant 0 : i32
    %dma_wait3A_813 = arith.constant 0 : i32
    %dma_wait3A_814 = tpu.memref_slice %arg3[%dma_wait3A_812, %dma_wait3A_813] : memref<1000000x32xf32, #tpu.memory_space<hbm>> -> memref<1000000x32xf32, #tpu.memory_space<hbm>>
    tpu.wait_indirect_dma semaphore(%arg12 : memref<!tpu.dma_semaphore, #tpu.memory_space<semaphore_mem>>) src(%dma_wait3A_814 : memref<1000000x32xf32, #tpu.memory_space<hbm>>) dst(%arg6 : memref<512x32xf32, #tpu.memory_space<vmem>>)
    %scan3A_815 = arith.constant 0 : i32
    %scan3A_816 = arith.constant 0 : i32
    %scan3A_817 = arith.constant 512 : i32
    %scan3A_818 = arith.addi %scan3A_816, %scan3A_817 : i32
    %scan3A_819 = arith.constant 1 : i32
    scf.for %scan3A_1300 = %scan3A_816 to %scan3A_818 step %scan3A_819  : i32 {
      %get3A = arith.index_cast %scan3A_1300 : i32 to index
      %get3A_1301 = arith.constant 0 : index
      %get3A_1302 = tpu.vector_load %arg6[%get3A, %get3A_1301] {strides = array<i32>} : memref<512x32xf32, #tpu.memory_space<vmem>>, vector<1x16xf32>,
      %get3A_1303 = vector.shape_cast %get3A_1302 : vector<1x16xf32> to vector<16xf32>
      %mul3A_1304 = arith.constant 5.65685415 : f32
      %mul3A_1305 = vector.broadcast %mul3A_1304 : f32 to vector<16xf32>
      %mul3A_1306 = arith.mulf %get3A_1303, %mul3A_1305 : vector<16xf32>
      %swap3A = arith.index_cast %scan3A_1300 : i32 to index
      %swap3A_1307 = arith.constant 0 : index
      %swap3A_1308 = tpu.vector_load %arg6[%swap3A, %swap3A_1307] {strides = array<i32>} : memref<512x32xf32, #tpu.memory_space<vmem>>, vector<1x16xf32>,
      %swap3A_1309 = vector.shape_cast %swap3A_1308 : vector<1x16xf32> to vector<16xf32>
      %swap3A_1310 = vector.shape_cast %mul3A_1306 : vector<16xf32> to vector<1x16xf32>
      tpu.vector_store %arg6[%swap3A, %swap3A_1307], %swap3A_1310 {strides = array<i32>} : memref<512x32xf32, #tpu.memory_space<vmem>>, vector<1x16xf32>,
      %get3A_1311 = arith.index_cast %scan3A_1300 : i32 to index
      %get3A_1312 = arith.constant 16 : index
      %get3A_1313 = tpu.vector_load %arg6[%get3A_1311, %get3A_1312] {strides = array<i32>} : memref<512x32xf32, #tpu.memory_space<vmem>>, vector<1x16xf32>,
      %get3A_1314 = vector.shape_cast %get3A_1313 : vector<1x16xf32> to vector<16xf32>
      %mul3A_1315 = arith.constant 5.65685415 : f32
      %mul3A_1316 = vector.broadcast %mul3A_1315 : f32 to vector<16xf32>
      %mul3A_1317 = arith.mulf %get3A_1314, %mul3A_1316 : vector<16xf32>
      %swap3A_1318 = arith.index_cast %scan3A_1300 : i32 to index
      %swap3A_1319 = arith.constant 16 : index
      %swap3A_1320 = tpu.vector_load %arg6[%swap3A_1318, %swap3A_1319] {strides = array<i32>} : memref<512x32xf32, #tpu.memory_space<vmem>>, vector<1x16xf32>,
      %swap3A_1321 = vector.shape_cast %swap3A_1320 : vector<1x16xf32> to vector<16xf32>
      %swap3A_1322 = vector.shape_cast %mul3A_1317 : vector<16xf32> to vector<1x16xf32>
      tpu.vector_store %arg6[%swap3A_1318, %swap3A_1319], %swap3A_1322 {strides = array<i32>} : memref<512x32xf32, #tpu.memory_space<vmem>>, vector<1x16xf32>,
    }
    %scan3A_820 = arith.constant 512 : i32
    %add3A_821 = arith.constant 15360 : i32
    %add3A_822 = arith.addi %mul3A_2, %add3A_821 : i32
    %dma_start3A_823 = arith.constant 0 : i32
    %dma_start3A_824 = tpu.memref_slice %arg4[%add3A_822, %dma_start3A_823] : memref<819200x128xf32, #tpu.memory_space<hbm>> -> memref<512x32xf32, #tpu.memory_space<hbm>>
    %dma_start3A_825 = arith.constant 0 : i32
    %dma_start3A_826 = tpu.memref_slice %arg4[%add3A_822, %dma_start3A_825] : memref<819200x128xf32, #tpu.memory_space<hbm>> -> memref<512x32xf32, #tpu.memory_space<hbm>>
    tpu.enqueue_dma source(%arg6 : memref<512x32xf32, #tpu.memory_space<vmem>>) target(%dma_start3A_826 : memref<512x32xf32, #tpu.memory_space<hbm>>) target_semaphore(%arg18 : memref<!tpu.dma_semaphore, #tpu.memory_space<semaphore_mem>>)
    %dma_wait3A_827 = arith.constant 0 : i32
    %dma_wait3A_828 = tpu.memref_slice %arg4[%add3A_822, %dma_wait3A_827] : memref<819200x128xf32, #tpu.memory_space<hbm>> -> memref<512x32xf32, #tpu.memory_space<hbm>>
    %dma_wait3A_829 = arith.constant 0 : i32
    %dma_wait3A_830 = tpu.memref_slice %arg4[%add3A_822, %dma_wait3A_829] : memref<819200x128xf32, #tpu.memory_space<hbm>> -> memref<512x32xf32, #tpu.memory_space<hbm>>
    tpu.wait_dma2 semaphore(%arg18 : memref<!tpu.dma_semaphore, #tpu.memory_space<semaphore_mem>>) src(%arg6 : memref<512x32xf32, #tpu.memory_space<vmem>>) dst(%dma_wait3A_830 : memref<512x32xf32, #tpu.memory_space<hbm>>)
    %dma_start3A_831 = arith.constant 18432 : i32
    %dma_start3A_832 = tpu.memref_slice %arg5[%dma_start3A_831] : memref<25600xi32, #tpu.memory_space<vmem>> -> memref<512xi32, #tpu.memory_space<vmem>>
    %dma_start3A_833 = arith.constant 0 : i32
    %dma_start3A_834 = arith.constant 0 : i32
    %dma_start3A_835 = tpu.memref_slice %arg3[%dma_start3A_833, %dma_start3A_834] : memref<1000000x32xf32, #tpu.memory_space<hbm>> -> memref<1000000x32xf32, #tpu.memory_space<hbm>>
    tpu.enqueue_indirect_dma source(%dma_start3A_835 : memref<1000000x32xf32, #tpu.memory_space<hbm>>) target(%arg6 : memref<512x32xf32, #tpu.memory_space<vmem>>) offsets(%dma_start3A_832 : memref<512xi32, #tpu.memory_space<vmem>>) semaphore(%arg12 : memref<!tpu.dma_semaphore, #tpu.memory_space<semaphore_mem>>)
    %dma_wait3A_836 = arith.constant 15872 : i32
    %dma_wait3A_837 = tpu.memref_slice %arg5[%dma_wait3A_836] : memref<25600xi32, #tpu.memory_space<vmem>> -> memref<512xi32, #tpu.memory_space<vmem>>
    %dma_wait3A_838 = arith.constant 0 : i32
    %dma_wait3A_839 = arith.constant 0 : i32
    %dma_wait3A_840 = tpu.memref_slice %arg3[%dma_wait3A_838, %dma_wait3A_839] : memref<1000000x32xf32, #tpu.memory_space<hbm>> -> memref<1000000x32xf32, #tpu.memory_space<hbm>>
    tpu.wait_indirect_dma semaphore(%arg13 : memref<!tpu.dma_semaphore, #tpu.memory_space<semaphore_mem>>) src(%dma_wait3A_840 : memref<1000000x32xf32, #tpu.memory_space<hbm>>) dst(%arg7 : memref<512x32xf32, #tpu.memory_space<vmem>>)
    %scan3A_841 = arith.constant 0 : i32
    %scan3A_842 = arith.constant 0 : i32
    %scan3A_843 = arith.constant 512 : i32
    %scan3A_844 = arith.addi %scan3A_842, %scan3A_843 : i32
    %scan3A_845 = arith.constant 1 : i32
    scf.for %scan3A_1300 = %scan3A_842 to %scan3A_844 step %scan3A_845  : i32 {
      %get3A = arith.index_cast %scan3A_1300 : i32 to index
      %get3A_1301 = arith.constant 0 : index
      %get3A_1302 = tpu.vector_load %arg7[%get3A, %get3A_1301] {strides = array<i32>} : memref<512x32xf32, #tpu.memory_space<vmem>>, vector<1x16xf32>,
      %get3A_1303 = vector.shape_cast %get3A_1302 : vector<1x16xf32> to vector<16xf32>
      %mul3A_1304 = arith.constant 5.65685415 : f32
      %mul3A_1305 = vector.broadcast %mul3A_1304 : f32 to vector<16xf32>
      %mul3A_1306 = arith.mulf %get3A_1303, %mul3A_1305 : vector<16xf32>
      %swap3A = arith.index_cast %scan3A_1300 : i32 to index
      %swap3A_1307 = arith.constant 0 : index
      %swap3A_1308 = tpu.vector_load %arg7[%swap3A, %swap3A_1307] {strides = array<i32>} : memref<512x32xf32, #tpu.memory_space<vmem>>, vector<1x16xf32>,
      %swap3A_1309 = vector.shape_cast %swap3A_1308 : vector<1x16xf32> to vector<16xf32>
      %swap3A_1310 = vector.shape_cast %mul3A_1306 : vector<16xf32> to vector<1x16xf32>
      tpu.vector_store %arg7[%swap3A, %swap3A_1307], %swap3A_1310 {strides = array<i32>} : memref<512x32xf32, #tpu.memory_space<vmem>>, vector<1x16xf32>,
      %get3A_1311 = arith.index_cast %scan3A_1300 : i32 to index
      %get3A_1312 = arith.constant 16 : index
      %get3A_1313 = tpu.vector_load %arg7[%get3A_1311, %get3A_1312] {strides = array<i32>} : memref<512x32xf32, #tpu.memory_space<vmem>>, vector<1x16xf32>,
      %get3A_1314 = vector.shape_cast %get3A_1313 : vector<1x16xf32> to vector<16xf32>
      %mul3A_1315 = arith.constant 5.65685415 : f32
      %mul3A_1316 = vector.broadcast %mul3A_1315 : f32 to vector<16xf32>
      %mul3A_1317 = arith.mulf %get3A_1314, %mul3A_1316 : vector<16xf32>
      %swap3A_1318 = arith.index_cast %scan3A_1300 : i32 to index
      %swap3A_1319 = arith.constant 16 : index
      %swap3A_1320 = tpu.vector_load %arg7[%swap3A_1318, %swap3A_1319] {strides = array<i32>} : memref<512x32xf32, #tpu.memory_space<vmem>>, vector<1x16xf32>,
      %swap3A_1321 = vector.shape_cast %swap3A_1320 : vector<1x16xf32> to vector<16xf32>
      %swap3A_1322 = vector.shape_cast %mul3A_1317 : vector<16xf32> to vector<1x16xf32>
      tpu.vector_store %arg7[%swap3A_1318, %swap3A_1319], %swap3A_1322 {strides = array<i32>} : memref<512x32xf32, #tpu.memory_space<vmem>>, vector<1x16xf32>,
    }
    %scan3A_846 = arith.constant 512 : i32
    %add3A_847 = arith.constant 15872 : i32
    %add3A_848 = arith.addi %mul3A_2, %add3A_847 : i32
    %dma_start3A_849 = arith.constant 0 : i32
    %dma_start3A_850 = tpu.memref_slice %arg4[%add3A_848, %dma_start3A_849] : memref<819200x128xf32, #tpu.memory_space<hbm>> -> memref<512x32xf32, #tpu.memory_space<hbm>>
    %dma_start3A_851 = arith.constant 0 : i32
    %dma_start3A_852 = tpu.memref_slice %arg4[%add3A_848, %dma_start3A_851] : memref<819200x128xf32, #tpu.memory_space<hbm>> -> memref<512x32xf32, #tpu.memory_space<hbm>>
    tpu.enqueue_dma source(%arg7 : memref<512x32xf32, #tpu.memory_space<vmem>>) target(%dma_start3A_852 : memref<512x32xf32, #tpu.memory_space<hbm>>) target_semaphore(%arg19 : memref<!tpu.dma_semaphore, #tpu.memory_space<semaphore_mem>>)
    %dma_wait3A_853 = arith.constant 0 : i32
    %dma_wait3A_854 = tpu.memref_slice %arg4[%add3A_848, %dma_wait3A_853] : memref<819200x128xf32, #tpu.memory_space<hbm>> -> memref<512x32xf32, #tpu.memory_space<hbm>>
    %dma_wait3A_855 = arith.constant 0 : i32
    %dma_wait3A_856 = tpu.memref_slice %arg4[%add3A_848, %dma_wait3A_855] : memref<819200x128xf32, #tpu.memory_space<hbm>> -> memref<512x32xf32, #tpu.memory_space<hbm>>
    tpu.wait_dma2 semaphore(%arg19 : memref<!tpu.dma_semaphore, #tpu.memory_space<semaphore_mem>>) src(%arg7 : memref<512x32xf32, #tpu.memory_space<vmem>>) dst(%dma_wait3A_856 : memref<512x32xf32, #tpu.memory_space<hbm>>)
    %dma_start3A_857 = arith.constant 18944 : i32
    %dma_start3A_858 = tpu.memref_slice %arg5[%dma_start3A_857] : memref<25600xi32, #tpu.memory_space<vmem>> -> memref<512xi32, #tpu.memory_space<vmem>>
    %dma_start3A_859 = arith.constant 0 : i32
    %dma_start3A_860 = arith.constant 0 : i32
    %dma_start3A_861 = tpu.memref_slice %arg3[%dma_start3A_859, %dma_start3A_860] : memref<1000000x32xf32, #tpu.memory_space<hbm>> -> memref<1000000x32xf32, #tpu.memory_space<hbm>>
    tpu.enqueue_indirect_dma source(%dma_start3A_861 : memref<1000000x32xf32, #tpu.memory_space<hbm>>) target(%arg7 : memref<512x32xf32, #tpu.memory_space<vmem>>) offsets(%dma_start3A_858 : memref<512xi32, #tpu.memory_space<vmem>>) semaphore(%arg13 : memref<!tpu.dma_semaphore, #tpu.memory_space<semaphore_mem>>)
    %dma_wait3A_862 = arith.constant 16384 : i32
    %dma_wait3A_863 = tpu.memref_slice %arg5[%dma_wait3A_862] : memref<25600xi32, #tpu.memory_space<vmem>> -> memref<512xi32, #tpu.memory_space<vmem>>
    %dma_wait3A_864 = arith.constant 0 : i32
    %dma_wait3A_865 = arith.constant 0 : i32
    %dma_wait3A_866 = tpu.memref_slice %arg3[%dma_wait3A_864, %dma_wait3A_865] : memref<1000000x32xf32, #tpu.memory_space<hbm>> -> memref<1000000x32xf32, #tpu.memory_space<hbm>>
    tpu.wait_indirect_dma semaphore(%arg14 : memref<!tpu.dma_semaphore, #tpu.memory_space<semaphore_mem>>) src(%dma_wait3A_866 : memref<1000000x32xf32, #tpu.memory_space<hbm>>) dst(%arg8 : memref<512x32xf32, #tpu.memory_space<vmem>>)
    %scan3A_867 = arith.constant 0 : i32
    %scan3A_868 = arith.constant 0 : i32
    %scan3A_869 = arith.constant 512 : i32
    %scan3A_870 = arith.addi %scan3A_868, %scan3A_869 : i32
    %scan3A_871 = arith.constant 1 : i32
    scf.for %scan3A_1300 = %scan3A_868 to %scan3A_870 step %scan3A_871  : i32 {
      %get3A = arith.index_cast %scan3A_1300 : i32 to index
      %get3A_1301 = arith.constant 0 : index
      %get3A_1302 = tpu.vector_load %arg8[%get3A, %get3A_1301] {strides = array<i32>} : memref<512x32xf32, #tpu.memory_space<vmem>>, vector<1x16xf32>,
      %get3A_1303 = vector.shape_cast %get3A_1302 : vector<1x16xf32> to vector<16xf32>
      %mul3A_1304 = arith.constant 5.65685415 : f32
      %mul3A_1305 = vector.broadcast %mul3A_1304 : f32 to vector<16xf32>
      %mul3A_1306 = arith.mulf %get3A_1303, %mul3A_1305 : vector<16xf32>
      %swap3A = arith.index_cast %scan3A_1300 : i32 to index
      %swap3A_1307 = arith.constant 0 : index
      %swap3A_1308 = tpu.vector_load %arg8[%swap3A, %swap3A_1307] {strides = array<i32>} : memref<512x32xf32, #tpu.memory_space<vmem>>, vector<1x16xf32>,
      %swap3A_1309 = vector.shape_cast %swap3A_1308 : vector<1x16xf32> to vector<16xf32>
      %swap3A_1310 = vector.shape_cast %mul3A_1306 : vector<16xf32> to vector<1x16xf32>
      tpu.vector_store %arg8[%swap3A, %swap3A_1307], %swap3A_1310 {strides = array<i32>} : memref<512x32xf32, #tpu.memory_space<vmem>>, vector<1x16xf32>,
      %get3A_1311 = arith.index_cast %scan3A_1300 : i32 to index
      %get3A_1312 = arith.constant 16 : index
      %get3A_1313 = tpu.vector_load %arg8[%get3A_1311, %get3A_1312] {strides = array<i32>} : memref<512x32xf32, #tpu.memory_space<vmem>>, vector<1x16xf32>,
      %get3A_1314 = vector.shape_cast %get3A_1313 : vector<1x16xf32> to vector<16xf32>
      %mul3A_1315 = arith.constant 5.65685415 : f32
      %mul3A_1316 = vector.broadcast %mul3A_1315 : f32 to vector<16xf32>
      %mul3A_1317 = arith.mulf %get3A_1314, %mul3A_1316 : vector<16xf32>
      %swap3A_1318 = arith.index_cast %scan3A_1300 : i32 to index
      %swap3A_1319 = arith.constant 16 : index
      %swap3A_1320 = tpu.vector_load %arg8[%swap3A_1318, %swap3A_1319] {strides = array<i32>} : memref<512x32xf32, #tpu.memory_space<vmem>>, vector<1x16xf32>,
      %swap3A_1321 = vector.shape_cast %swap3A_1320 : vector<1x16xf32> to vector<16xf32>
      %swap3A_1322 = vector.shape_cast %mul3A_1317 : vector<16xf32> to vector<1x16xf32>
      tpu.vector_store %arg8[%swap3A_1318, %swap3A_1319], %swap3A_1322 {strides = array<i32>} : memref<512x32xf32, #tpu.memory_space<vmem>>, vector<1x16xf32>,
    }
    %scan3A_872 = arith.constant 512 : i32
    %add3A_873 = arith.constant 16384 : i32
    %add3A_874 = arith.addi %mul3A_2, %add3A_873 : i32
    %dma_start3A_875 = arith.constant 0 : i32
    %dma_start3A_876 = tpu.memref_slice %arg4[%add3A_874, %dma_start3A_875] : memref<819200x128xf32, #tpu.memory_space<hbm>> -> memref<512x32xf32, #tpu.memory_space<hbm>>
    %dma_start3A_877 = arith.constant 0 : i32
    %dma_start3A_878 = tpu.memref_slice %arg4[%add3A_874, %dma_start3A_877] : memref<819200x128xf32, #tpu.memory_space<hbm>> -> memref<512x32xf32, #tpu.memory_space<hbm>>
    tpu.enqueue_dma source(%arg8 : memref<512x32xf32, #tpu.memory_space<vmem>>) target(%dma_start3A_878 : memref<512x32xf32, #tpu.memory_space<hbm>>) target_semaphore(%arg20 : memref<!tpu.dma_semaphore, #tpu.memory_space<semaphore_mem>>)
    %dma_wait3A_879 = arith.constant 0 : i32
    %dma_wait3A_880 = tpu.memref_slice %arg4[%add3A_874, %dma_wait3A_879] : memref<819200x128xf32, #tpu.memory_space<hbm>> -> memref<512x32xf32, #tpu.memory_space<hbm>>
    %dma_wait3A_881 = arith.constant 0 : i32
    %dma_wait3A_882 = tpu.memref_slice %arg4[%add3A_874, %dma_wait3A_881] : memref<819200x128xf32, #tpu.memory_space<hbm>> -> memref<512x32xf32, #tpu.memory_space<hbm>>
    tpu.wait_dma2 semaphore(%arg20 : memref<!tpu.dma_semaphore, #tpu.memory_space<semaphore_mem>>) src(%arg8 : memref<512x32xf32, #tpu.memory_space<vmem>>) dst(%dma_wait3A_882 : memref<512x32xf32, #tpu.memory_space<hbm>>)
    %dma_start3A_883 = arith.constant 19456 : i32
    %dma_start3A_884 = tpu.memref_slice %arg5[%dma_start3A_883] : memref<25600xi32, #tpu.memory_space<vmem>> -> memref<512xi32, #tpu.memory_space<vmem>>
    %dma_start3A_885 = arith.constant 0 : i32
    %dma_start3A_886 = arith.constant 0 : i32
    %dma_start3A_887 = tpu.memref_slice %arg3[%dma_start3A_885, %dma_start3A_886] : memref<1000000x32xf32, #tpu.memory_space<hbm>> -> memref<1000000x32xf32, #tpu.memory_space<hbm>>
    tpu.enqueue_indirect_dma source(%dma_start3A_887 : memref<1000000x32xf32, #tpu.memory_space<hbm>>) target(%arg8 : memref<512x32xf32, #tpu.memory_space<vmem>>) offsets(%dma_start3A_884 : memref<512xi32, #tpu.memory_space<vmem>>) semaphore(%arg14 : memref<!tpu.dma_semaphore, #tpu.memory_space<semaphore_mem>>)
    %dma_wait3A_888 = arith.constant 16896 : i32
    %dma_wait3A_889 = tpu.memref_slice %arg5[%dma_wait3A_888] : memref<25600xi32, #tpu.memory_space<vmem>> -> memref<512xi32, #tpu.memory_space<vmem>>
    %dma_wait3A_890 = arith.constant 0 : i32
    %dma_wait3A_891 = arith.constant 0 : i32
    %dma_wait3A_892 = tpu.memref_slice %arg3[%dma_wait3A_890, %dma_wait3A_891] : memref<1000000x32xf32, #tpu.memory_space<hbm>> -> memref<1000000x32xf32, #tpu.memory_space<hbm>>
    tpu.wait_indirect_dma semaphore(%arg15 : memref<!tpu.dma_semaphore, #tpu.memory_space<semaphore_mem>>) src(%dma_wait3A_892 : memref<1000000x32xf32, #tpu.memory_space<hbm>>) dst(%arg9 : memref<512x32xf32, #tpu.memory_space<vmem>>)
    %scan3A_893 = arith.constant 0 : i32
    %scan3A_894 = arith.constant 0 : i32
    %scan3A_895 = arith.constant 512 : i32
    %scan3A_896 = arith.addi %scan3A_894, %scan3A_895 : i32
    %scan3A_897 = arith.constant 1 : i32
    scf.for %scan3A_1300 = %scan3A_894 to %scan3A_896 step %scan3A_897  : i32 {
      %get3A = arith.index_cast %scan3A_1300 : i32 to index
      %get3A_1301 = arith.constant 0 : index
      %get3A_1302 = tpu.vector_load %arg9[%get3A, %get3A_1301] {strides = array<i32>} : memref<512x32xf32, #tpu.memory_space<vmem>>, vector<1x16xf32>,
      %get3A_1303 = vector.shape_cast %get3A_1302 : vector<1x16xf32> to vector<16xf32>
      %mul3A_1304 = arith.constant 5.65685415 : f32
      %mul3A_1305 = vector.broadcast %mul3A_1304 : f32 to vector<16xf32>
      %mul3A_1306 = arith.mulf %get3A_1303, %mul3A_1305 : vector<16xf32>
      %swap3A = arith.index_cast %scan3A_1300 : i32 to index
      %swap3A_1307 = arith.constant 0 : index
      %swap3A_1308 = tpu.vector_load %arg9[%swap3A, %swap3A_1307] {strides = array<i32>} : memref<512x32xf32, #tpu.memory_space<vmem>>, vector<1x16xf32>,
      %swap3A_1309 = vector.shape_cast %swap3A_1308 : vector<1x16xf32> to vector<16xf32>
      %swap3A_1310 = vector.shape_cast %mul3A_1306 : vector<16xf32> to vector<1x16xf32>
      tpu.vector_store %arg9[%swap3A, %swap3A_1307], %swap3A_1310 {strides = array<i32>} : memref<512x32xf32, #tpu.memory_space<vmem>>, vector<1x16xf32>,
      %get3A_1311 = arith.index_cast %scan3A_1300 : i32 to index
      %get3A_1312 = arith.constant 16 : index
      %get3A_1313 = tpu.vector_load %arg9[%get3A_1311, %get3A_1312] {strides = array<i32>} : memref<512x32xf32, #tpu.memory_space<vmem>>, vector<1x16xf32>,
      %get3A_1314 = vector.shape_cast %get3A_1313 : vector<1x16xf32> to vector<16xf32>
      %mul3A_1315 = arith.constant 5.65685415 : f32
      %mul3A_1316 = vector.broadcast %mul3A_1315 : f32 to vector<16xf32>
      %mul3A_1317 = arith.mulf %get3A_1314, %mul3A_1316 : vector<16xf32>
      %swap3A_1318 = arith.index_cast %scan3A_1300 : i32 to index
      %swap3A_1319 = arith.constant 16 : index
      %swap3A_1320 = tpu.vector_load %arg9[%swap3A_1318, %swap3A_1319] {strides = array<i32>} : memref<512x32xf32, #tpu.memory_space<vmem>>, vector<1x16xf32>,
      %swap3A_1321 = vector.shape_cast %swap3A_1320 : vector<1x16xf32> to vector<16xf32>
      %swap3A_1322 = vector.shape_cast %mul3A_1317 : vector<16xf32> to vector<1x16xf32>
      tpu.vector_store %arg9[%swap3A_1318, %swap3A_1319], %swap3A_1322 {strides = array<i32>} : memref<512x32xf32, #tpu.memory_space<vmem>>, vector<1x16xf32>,
    }
    %scan3A_898 = arith.constant 512 : i32
    %add3A_899 = arith.constant 16896 : i32
    %add3A_900 = arith.addi %mul3A_2, %add3A_899 : i32
    %dma_start3A_901 = arith.constant 0 : i32
    %dma_start3A_902 = tpu.memref_slice %arg4[%add3A_900, %dma_start3A_901] : memref<819200x128xf32, #tpu.memory_space<hbm>> -> memref<512x32xf32, #tpu.memory_space<hbm>>
    %dma_start3A_903 = arith.constant 0 : i32
    %dma_start3A_904 = tpu.memref_slice %arg4[%add3A_900, %dma_start3A_903] : memref<819200x128xf32, #tpu.memory_space<hbm>> -> memref<512x32xf32, #tpu.memory_space<hbm>>
    tpu.enqueue_dma source(%arg9 : memref<512x32xf32, #tpu.memory_space<vmem>>) target(%dma_start3A_904 : memref<512x32xf32, #tpu.memory_space<hbm>>) target_semaphore(%arg21 : memref<!tpu.dma_semaphore, #tpu.memory_space<semaphore_mem>>)
    %dma_wait3A_905 = arith.constant 0 : i32
    %dma_wait3A_906 = tpu.memref_slice %arg4[%add3A_900, %dma_wait3A_905] : memref<819200x128xf32, #tpu.memory_space<hbm>> -> memref<512x32xf32, #tpu.memory_space<hbm>>
    %dma_wait3A_907 = arith.constant 0 : i32
    %dma_wait3A_908 = tpu.memref_slice %arg4[%add3A_900, %dma_wait3A_907] : memref<819200x128xf32, #tpu.memory_space<hbm>> -> memref<512x32xf32, #tpu.memory_space<hbm>>
    tpu.wait_dma2 semaphore(%arg21 : memref<!tpu.dma_semaphore, #tpu.memory_space<semaphore_mem>>) src(%arg9 : memref<512x32xf32, #tpu.memory_space<vmem>>) dst(%dma_wait3A_908 : memref<512x32xf32, #tpu.memory_space<hbm>>)
    %dma_start3A_909 = arith.constant 19968 : i32
    %dma_start3A_910 = tpu.memref_slice %arg5[%dma_start3A_909] : memref<25600xi32, #tpu.memory_space<vmem>> -> memref<512xi32, #tpu.memory_space<vmem>>
    %dma_start3A_911 = arith.constant 0 : i32
    %dma_start3A_912 = arith.constant 0 : i32
    %dma_start3A_913 = tpu.memref_slice %arg3[%dma_start3A_911, %dma_start3A_912] : memref<1000000x32xf32, #tpu.memory_space<hbm>> -> memref<1000000x32xf32, #tpu.memory_space<hbm>>
    tpu.enqueue_indirect_dma source(%dma_start3A_913 : memref<1000000x32xf32, #tpu.memory_space<hbm>>) target(%arg9 : memref<512x32xf32, #tpu.memory_space<vmem>>) offsets(%dma_start3A_910 : memref<512xi32, #tpu.memory_space<vmem>>) semaphore(%arg15 : memref<!tpu.dma_semaphore, #tpu.memory_space<semaphore_mem>>)
    %dma_wait3A_914 = arith.constant 17408 : i32
    %dma_wait3A_915 = tpu.memref_slice %arg5[%dma_wait3A_914] : memref<25600xi32, #tpu.memory_space<vmem>> -> memref<512xi32, #tpu.memory_space<vmem>>
    %dma_wait3A_916 = arith.constant 0 : i32
    %dma_wait3A_917 = arith.constant 0 : i32
    %dma_wait3A_918 = tpu.memref_slice %arg3[%dma_wait3A_916, %dma_wait3A_917] : memref<1000000x32xf32, #tpu.memory_space<hbm>> -> memref<1000000x32xf32, #tpu.memory_space<hbm>>
    tpu.wait_indirect_dma semaphore(%arg16 : memref<!tpu.dma_semaphore, #tpu.memory_space<semaphore_mem>>) src(%dma_wait3A_918 : memref<1000000x32xf32, #tpu.memory_space<hbm>>) dst(%arg10 : memref<512x32xf32, #tpu.memory_space<vmem>>)
    %scan3A_919 = arith.constant 0 : i32
    %scan3A_920 = arith.constant 0 : i32
    %scan3A_921 = arith.constant 512 : i32
    %scan3A_922 = arith.addi %scan3A_920, %scan3A_921 : i32
    %scan3A_923 = arith.constant 1 : i32
    scf.for %scan3A_1300 = %scan3A_920 to %scan3A_922 step %scan3A_923  : i32 {
      %get3A = arith.index_cast %scan3A_1300 : i32 to index
      %get3A_1301 = arith.constant 0 : index
      %get3A_1302 = tpu.vector_load %arg10[%get3A, %get3A_1301] {strides = array<i32>} : memref<512x32xf32, #tpu.memory_space<vmem>>, vector<1x16xf32>,
      %get3A_1303 = vector.shape_cast %get3A_1302 : vector<1x16xf32> to vector<16xf32>
      %mul3A_1304 = arith.constant 5.65685415 : f32
      %mul3A_1305 = vector.broadcast %mul3A_1304 : f32 to vector<16xf32>
      %mul3A_1306 = arith.mulf %get3A_1303, %mul3A_1305 : vector<16xf32>
      %swap3A = arith.index_cast %scan3A_1300 : i32 to index
      %swap3A_1307 = arith.constant 0 : index
      %swap3A_1308 = tpu.vector_load %arg10[%swap3A, %swap3A_1307] {strides = array<i32>} : memref<512x32xf32, #tpu.memory_space<vmem>>, vector<1x16xf32>,
      %swap3A_1309 = vector.shape_cast %swap3A_1308 : vector<1x16xf32> to vector<16xf32>
      %swap3A_1310 = vector.shape_cast %mul3A_1306 : vector<16xf32> to vector<1x16xf32>
      tpu.vector_store %arg10[%swap3A, %swap3A_1307], %swap3A_1310 {strides = array<i32>} : memref<512x32xf32, #tpu.memory_space<vmem>>, vector<1x16xf32>,
      %get3A_1311 = arith.index_cast %scan3A_1300 : i32 to index
      %get3A_1312 = arith.constant 16 : index
      %get3A_1313 = tpu.vector_load %arg10[%get3A_1311, %get3A_1312] {strides = array<i32>} : memref<512x32xf32, #tpu.memory_space<vmem>>, vector<1x16xf32>,
      %get3A_1314 = vector.shape_cast %get3A_1313 : vector<1x16xf32> to vector<16xf32>
      %mul3A_1315 = arith.constant 5.65685415 : f32
      %mul3A_1316 = vector.broadcast %mul3A_1315 : f32 to vector<16xf32>
      %mul3A_1317 = arith.mulf %get3A_1314, %mul3A_1316 : vector<16xf32>
      %swap3A_1318 = arith.index_cast %scan3A_1300 : i32 to index
      %swap3A_1319 = arith.constant 16 : index
      %swap3A_1320 = tpu.vector_load %arg10[%swap3A_1318, %swap3A_1319] {strides = array<i32>} : memref<512x32xf32, #tpu.memory_space<vmem>>, vector<1x16xf32>,
      %swap3A_1321 = vector.shape_cast %swap3A_1320 : vector<1x16xf32> to vector<16xf32>
      %swap3A_1322 = vector.shape_cast %mul3A_1317 : vector<16xf32> to vector<1x16xf32>
      tpu.vector_store %arg10[%swap3A_1318, %swap3A_1319], %swap3A_1322 {strides = array<i32>} : memref<512x32xf32, #tpu.memory_space<vmem>>, vector<1x16xf32>,
    }
    %scan3A_924 = arith.constant 512 : i32
    %add3A_925 = arith.constant 17408 : i32
    %add3A_926 = arith.addi %mul3A_2, %add3A_925 : i32
    %dma_start3A_927 = arith.constant 0 : i32
    %dma_start3A_928 = tpu.memref_slice %arg4[%add3A_926, %dma_start3A_927] : memref<819200x128xf32, #tpu.memory_space<hbm>> -> memref<512x32xf32, #tpu.memory_space<hbm>>
    %dma_start3A_929 = arith.constant 0 : i32
    %dma_start3A_930 = tpu.memref_slice %arg4[%add3A_926, %dma_start3A_929] : memref<819200x128xf32, #tpu.memory_space<hbm>> -> memref<512x32xf32, #tpu.memory_space<hbm>>
    tpu.enqueue_dma source(%arg10 : memref<512x32xf32, #tpu.memory_space<vmem>>) target(%dma_start3A_930 : memref<512x32xf32, #tpu.memory_space<hbm>>) target_semaphore(%arg22 : memref<!tpu.dma_semaphore, #tpu.memory_space<semaphore_mem>>)
    %dma_wait3A_931 = arith.constant 0 : i32
    %dma_wait3A_932 = tpu.memref_slice %arg4[%add3A_926, %dma_wait3A_931] : memref<819200x128xf32, #tpu.memory_space<hbm>> -> memref<512x32xf32, #tpu.memory_space<hbm>>
    %dma_wait3A_933 = arith.constant 0 : i32
    %dma_wait3A_934 = tpu.memref_slice %arg4[%add3A_926, %dma_wait3A_933] : memref<819200x128xf32, #tpu.memory_space<hbm>> -> memref<512x32xf32, #tpu.memory_space<hbm>>
    tpu.wait_dma2 semaphore(%arg22 : memref<!tpu.dma_semaphore, #tpu.memory_space<semaphore_mem>>) src(%arg10 : memref<512x32xf32, #tpu.memory_space<vmem>>) dst(%dma_wait3A_934 : memref<512x32xf32, #tpu.memory_space<hbm>>)
    %dma_start3A_935 = arith.constant 20480 : i32
    %dma_start3A_936 = tpu.memref_slice %arg5[%dma_start3A_935] : memref<25600xi32, #tpu.memory_space<vmem>> -> memref<512xi32, #tpu.memory_space<vmem>>
    %dma_start3A_937 = arith.constant 0 : i32
    %dma_start3A_938 = arith.constant 0 : i32
    %dma_start3A_939 = tpu.memref_slice %arg3[%dma_start3A_937, %dma_start3A_938] : memref<1000000x32xf32, #tpu.memory_space<hbm>> -> memref<1000000x32xf32, #tpu.memory_space<hbm>>
    tpu.enqueue_indirect_dma source(%dma_start3A_939 : memref<1000000x32xf32, #tpu.memory_space<hbm>>) target(%arg10 : memref<512x32xf32, #tpu.memory_space<vmem>>) offsets(%dma_start3A_936 : memref<512xi32, #tpu.memory_space<vmem>>) semaphore(%arg16 : memref<!tpu.dma_semaphore, #tpu.memory_space<semaphore_mem>>)
    %dma_wait3A_940 = arith.constant 17920 : i32
    %dma_wait3A_941 = tpu.memref_slice %arg5[%dma_wait3A_940] : memref<25600xi32, #tpu.memory_space<vmem>> -> memref<512xi32, #tpu.memory_space<vmem>>
    %dma_wait3A_942 = arith.constant 0 : i32
    %dma_wait3A_943 = arith.constant 0 : i32
    %dma_wait3A_944 = tpu.memref_slice %arg3[%dma_wait3A_942, %dma_wait3A_943] : memref<1000000x32xf32, #tpu.memory_space<hbm>> -> memref<1000000x32xf32, #tpu.memory_space<hbm>>
    tpu.wait_indirect_dma semaphore(%arg17 : memref<!tpu.dma_semaphore, #tpu.memory_space<semaphore_mem>>) src(%dma_wait3A_944 : memref<1000000x32xf32, #tpu.memory_space<hbm>>) dst(%arg11 : memref<512x32xf32, #tpu.memory_space<vmem>>)
    %scan3A_945 = arith.constant 0 : i32
    %scan3A_946 = arith.constant 0 : i32
    %scan3A_947 = arith.constant 512 : i32
    %scan3A_948 = arith.addi %scan3A_946, %scan3A_947 : i32
    %scan3A_949 = arith.constant 1 : i32
    scf.for %scan3A_1300 = %scan3A_946 to %scan3A_948 step %scan3A_949  : i32 {
      %get3A = arith.index_cast %scan3A_1300 : i32 to index
      %get3A_1301 = arith.constant 0 : index
      %get3A_1302 = tpu.vector_load %arg11[%get3A, %get3A_1301] {strides = array<i32>} : memref<512x32xf32, #tpu.memory_space<vmem>>, vector<1x16xf32>,
      %get3A_1303 = vector.shape_cast %get3A_1302 : vector<1x16xf32> to vector<16xf32>
      %mul3A_1304 = arith.constant 5.65685415 : f32
      %mul3A_1305 = vector.broadcast %mul3A_1304 : f32 to vector<16xf32>
      %mul3A_1306 = arith.mulf %get3A_1303, %mul3A_1305 : vector<16xf32>
      %swap3A = arith.index_cast %scan3A_1300 : i32 to index
      %swap3A_1307 = arith.constant 0 : index
      %swap3A_1308 = tpu.vector_load %arg11[%swap3A, %swap3A_1307] {strides = array<i32>} : memref<512x32xf32, #tpu.memory_space<vmem>>, vector<1x16xf32>,
      %swap3A_1309 = vector.shape_cast %swap3A_1308 : vector<1x16xf32> to vector<16xf32>
      %swap3A_1310 = vector.shape_cast %mul3A_1306 : vector<16xf32> to vector<1x16xf32>
      tpu.vector_store %arg11[%swap3A, %swap3A_1307], %swap3A_1310 {strides = array<i32>} : memref<512x32xf32, #tpu.memory_space<vmem>>, vector<1x16xf32>,
      %get3A_1311 = arith.index_cast %scan3A_1300 : i32 to index
      %get3A_1312 = arith.constant 16 : index
      %get3A_1313 = tpu.vector_load %arg11[%get3A_1311, %get3A_1312] {strides = array<i32>} : memref<512x32xf32, #tpu.memory_space<vmem>>, vector<1x16xf32>,
      %get3A_1314 = vector.shape_cast %get3A_1313 : vector<1x16xf32> to vector<16xf32>
      %mul3A_1315 = arith.constant 5.65685415 : f32
      %mul3A_1316 = vector.broadcast %mul3A_1315 : f32 to vector<16xf32>
      %mul3A_1317 = arith.mulf %get3A_1314, %mul3A_1316 : vector<16xf32>
      %swap3A_1318 = arith.index_cast %scan3A_1300 : i32 to index
      %swap3A_1319 = arith.constant 16 : index
      %swap3A_1320 = tpu.vector_load %arg11[%swap3A_1318, %swap3A_1319] {strides = array<i32>} : memref<512x32xf32, #tpu.memory_space<vmem>>, vector<1x16xf32>,
      %swap3A_1321 = vector.shape_cast %swap3A_1320 : vector<1x16xf32> to vector<16xf32>
      %swap3A_1322 = vector.shape_cast %mul3A_1317 : vector<16xf32> to vector<1x16xf32>
      tpu.vector_store %arg11[%swap3A_1318, %swap3A_1319], %swap3A_1322 {strides = array<i32>} : memref<512x32xf32, #tpu.memory_space<vmem>>, vector<1x16xf32>,
    }
    %scan3A_950 = arith.constant 512 : i32
    %add3A_951 = arith.constant 17920 : i32
    %add3A_952 = arith.addi %mul3A_2, %add3A_951 : i32
    %dma_start3A_953 = arith.constant 0 : i32
    %dma_start3A_954 = tpu.memref_slice %arg4[%add3A_952, %dma_start3A_953] : memref<819200x128xf32, #tpu.memory_space<hbm>> -> memref<512x32xf32, #tpu.memory_space<hbm>>
    %dma_start3A_955 = arith.constant 0 : i32
    %dma_start3A_956 = tpu.memref_slice %arg4[%add3A_952, %dma_start3A_955] : memref<819200x128xf32, #tpu.memory_space<hbm>> -> memref<512x32xf32, #tpu.memory_space<hbm>>
    tpu.enqueue_dma source(%arg11 : memref<512x32xf32, #tpu.memory_space<vmem>>) target(%dma_start3A_956 : memref<512x32xf32, #tpu.memory_space<hbm>>) target_semaphore(%arg23 : memref<!tpu.dma_semaphore, #tpu.memory_space<semaphore_mem>>)
    %dma_wait3A_957 = arith.constant 0 : i32
    %dma_wait3A_958 = tpu.memref_slice %arg4[%add3A_952, %dma_wait3A_957] : memref<819200x128xf32, #tpu.memory_space<hbm>> -> memref<512x32xf32, #tpu.memory_space<hbm>>
    %dma_wait3A_959 = arith.constant 0 : i32
    %dma_wait3A_960 = tpu.memref_slice %arg4[%add3A_952, %dma_wait3A_959] : memref<819200x128xf32, #tpu.memory_space<hbm>> -> memref<512x32xf32, #tpu.memory_space<hbm>>
    tpu.wait_dma2 semaphore(%arg23 : memref<!tpu.dma_semaphore, #tpu.memory_space<semaphore_mem>>) src(%arg11 : memref<512x32xf32, #tpu.memory_space<vmem>>) dst(%dma_wait3A_960 : memref<512x32xf32, #tpu.memory_space<hbm>>)
    %dma_start3A_961 = arith.constant 20992 : i32
    %dma_start3A_962 = tpu.memref_slice %arg5[%dma_start3A_961] : memref<25600xi32, #tpu.memory_space<vmem>> -> memref<512xi32, #tpu.memory_space<vmem>>
    %dma_start3A_963 = arith.constant 0 : i32
    %dma_start3A_964 = arith.constant 0 : i32
    %dma_start3A_965 = tpu.memref_slice %arg3[%dma_start3A_963, %dma_start3A_964] : memref<1000000x32xf32, #tpu.memory_space<hbm>> -> memref<1000000x32xf32, #tpu.memory_space<hbm>>
    tpu.enqueue_indirect_dma source(%dma_start3A_965 : memref<1000000x32xf32, #tpu.memory_space<hbm>>) target(%arg11 : memref<512x32xf32, #tpu.memory_space<vmem>>) offsets(%dma_start3A_962 : memref<512xi32, #tpu.memory_space<vmem>>) semaphore(%arg17 : memref<!tpu.dma_semaphore, #tpu.memory_space<semaphore_mem>>)
    %dma_wait3A_966 = arith.constant 18432 : i32
    %dma_wait3A_967 = tpu.memref_slice %arg5[%dma_wait3A_966] : memref<25600xi32, #tpu.memory_space<vmem>> -> memref<512xi32, #tpu.memory_space<vmem>>
    %dma_wait3A_968 = arith.constant 0 : i32
    %dma_wait3A_969 = arith.constant 0 : i32
    %dma_wait3A_970 = tpu.memref_slice %arg3[%dma_wait3A_968, %dma_wait3A_969] : memref<1000000x32xf32, #tpu.memory_space<hbm>> -> memref<1000000x32xf32, #tpu.memory_space<hbm>>
    tpu.wait_indirect_dma semaphore(%arg12 : memref<!tpu.dma_semaphore, #tpu.memory_space<semaphore_mem>>) src(%dma_wait3A_970 : memref<1000000x32xf32, #tpu.memory_space<hbm>>) dst(%arg6 : memref<512x32xf32, #tpu.memory_space<vmem>>)
    %scan3A_971 = arith.constant 0 : i32
    %scan3A_972 = arith.constant 0 : i32
    %scan3A_973 = arith.constant 512 : i32
    %scan3A_974 = arith.addi %scan3A_972, %scan3A_973 : i32
    %scan3A_975 = arith.constant 1 : i32
    scf.for %scan3A_1300 = %scan3A_972 to %scan3A_974 step %scan3A_975  : i32 {
      %get3A = arith.index_cast %scan3A_1300 : i32 to index
      %get3A_1301 = arith.constant 0 : index
      %get3A_1302 = tpu.vector_load %arg6[%get3A, %get3A_1301] {strides = array<i32>} : memref<512x32xf32, #tpu.memory_space<vmem>>, vector<1x16xf32>,
      %get3A_1303 = vector.shape_cast %get3A_1302 : vector<1x16xf32> to vector<16xf32>
      %mul3A_1304 = arith.constant 5.65685415 : f32
      %mul3A_1305 = vector.broadcast %mul3A_1304 : f32 to vector<16xf32>
      %mul3A_1306 = arith.mulf %get3A_1303, %mul3A_1305 : vector<16xf32>
      %swap3A = arith.index_cast %scan3A_1300 : i32 to index
      %swap3A_1307 = arith.constant 0 : index
      %swap3A_1308 = tpu.vector_load %arg6[%swap3A, %swap3A_1307] {strides = array<i32>} : memref<512x32xf32, #tpu.memory_space<vmem>>, vector<1x16xf32>,
      %swap3A_1309 = vector.shape_cast %swap3A_1308 : vector<1x16xf32> to vector<16xf32>
      %swap3A_1310 = vector.shape_cast %mul3A_1306 : vector<16xf32> to vector<1x16xf32>
      tpu.vector_store %arg6[%swap3A, %swap3A_1307], %swap3A_1310 {strides = array<i32>} : memref<512x32xf32, #tpu.memory_space<vmem>>, vector<1x16xf32>,
      %get3A_1311 = arith.index_cast %scan3A_1300 : i32 to index
      %get3A_1312 = arith.constant 16 : index
      %get3A_1313 = tpu.vector_load %arg6[%get3A_1311, %get3A_1312] {strides = array<i32>} : memref<512x32xf32, #tpu.memory_space<vmem>>, vector<1x16xf32>,
      %get3A_1314 = vector.shape_cast %get3A_1313 : vector<1x16xf32> to vector<16xf32>
      %mul3A_1315 = arith.constant 5.65685415 : f32
      %mul3A_1316 = vector.broadcast %mul3A_1315 : f32 to vector<16xf32>
      %mul3A_1317 = arith.mulf %get3A_1314, %mul3A_1316 : vector<16xf32>
      %swap3A_1318 = arith.index_cast %scan3A_1300 : i32 to index
      %swap3A_1319 = arith.constant 16 : index
      %swap3A_1320 = tpu.vector_load %arg6[%swap3A_1318, %swap3A_1319] {strides = array<i32>} : memref<512x32xf32, #tpu.memory_space<vmem>>, vector<1x16xf32>,
      %swap3A_1321 = vector.shape_cast %swap3A_1320 : vector<1x16xf32> to vector<16xf32>
      %swap3A_1322 = vector.shape_cast %mul3A_1317 : vector<16xf32> to vector<1x16xf32>
      tpu.vector_store %arg6[%swap3A_1318, %swap3A_1319], %swap3A_1322 {strides = array<i32>} : memref<512x32xf32, #tpu.memory_space<vmem>>, vector<1x16xf32>,
    }
    %scan3A_976 = arith.constant 512 : i32
    %add3A_977 = arith.constant 18432 : i32
    %add3A_978 = arith.addi %mul3A_2, %add3A_977 : i32
    %dma_start3A_979 = arith.constant 0 : i32
    %dma_start3A_980 = tpu.memref_slice %arg4[%add3A_978, %dma_start3A_979] : memref<819200x128xf32, #tpu.memory_space<hbm>> -> memref<512x32xf32, #tpu.memory_space<hbm>>
    %dma_start3A_981 = arith.constant 0 : i32
    %dma_start3A_982 = tpu.memref_slice %arg4[%add3A_978, %dma_start3A_981] : memref<819200x128xf32, #tpu.memory_space<hbm>> -> memref<512x32xf32, #tpu.memory_space<hbm>>
    tpu.enqueue_dma source(%arg6 : memref<512x32xf32, #tpu.memory_space<vmem>>) target(%dma_start3A_982 : memref<512x32xf32, #tpu.memory_space<hbm>>) target_semaphore(%arg18 : memref<!tpu.dma_semaphore, #tpu.memory_space<semaphore_mem>>)
    %dma_wait3A_983 = arith.constant 0 : i32
    %dma_wait3A_984 = tpu.memref_slice %arg4[%add3A_978, %dma_wait3A_983] : memref<819200x128xf32, #tpu.memory_space<hbm>> -> memref<512x32xf32, #tpu.memory_space<hbm>>
    %dma_wait3A_985 = arith.constant 0 : i32
    %dma_wait3A_986 = tpu.memref_slice %arg4[%add3A_978, %dma_wait3A_985] : memref<819200x128xf32, #tpu.memory_space<hbm>> -> memref<512x32xf32, #tpu.memory_space<hbm>>
    tpu.wait_dma2 semaphore(%arg18 : memref<!tpu.dma_semaphore, #tpu.memory_space<semaphore_mem>>) src(%arg6 : memref<512x32xf32, #tpu.memory_space<vmem>>) dst(%dma_wait3A_986 : memref<512x32xf32, #tpu.memory_space<hbm>>)
    %dma_start3A_987 = arith.constant 21504 : i32
    %dma_start3A_988 = tpu.memref_slice %arg5[%dma_start3A_987] : memref<25600xi32, #tpu.memory_space<vmem>> -> memref<512xi32, #tpu.memory_space<vmem>>
    %dma_start3A_989 = arith.constant 0 : i32
    %dma_start3A_990 = arith.constant 0 : i32
    %dma_start3A_991 = tpu.memref_slice %arg3[%dma_start3A_989, %dma_start3A_990] : memref<1000000x32xf32, #tpu.memory_space<hbm>> -> memref<1000000x32xf32, #tpu.memory_space<hbm>>
    tpu.enqueue_indirect_dma source(%dma_start3A_991 : memref<1000000x32xf32, #tpu.memory_space<hbm>>) target(%arg6 : memref<512x32xf32, #tpu.memory_space<vmem>>) offsets(%dma_start3A_988 : memref<512xi32, #tpu.memory_space<vmem>>) semaphore(%arg12 : memref<!tpu.dma_semaphore, #tpu.memory_space<semaphore_mem>>)
    %dma_wait3A_992 = arith.constant 18944 : i32
    %dma_wait3A_993 = tpu.memref_slice %arg5[%dma_wait3A_992] : memref<25600xi32, #tpu.memory_space<vmem>> -> memref<512xi32, #tpu.memory_space<vmem>>
    %dma_wait3A_994 = arith.constant 0 : i32
    %dma_wait3A_995 = arith.constant 0 : i32
    %dma_wait3A_996 = tpu.memref_slice %arg3[%dma_wait3A_994, %dma_wait3A_995] : memref<1000000x32xf32, #tpu.memory_space<hbm>> -> memref<1000000x32xf32, #tpu.memory_space<hbm>>
    tpu.wait_indirect_dma semaphore(%arg13 : memref<!tpu.dma_semaphore, #tpu.memory_space<semaphore_mem>>) src(%dma_wait3A_996 : memref<1000000x32xf32, #tpu.memory_space<hbm>>) dst(%arg7 : memref<512x32xf32, #tpu.memory_space<vmem>>)
    %scan3A_997 = arith.constant 0 : i32
    %scan3A_998 = arith.constant 0 : i32
    %scan3A_999 = arith.constant 512 : i32
    %scan3A_1000 = arith.addi %scan3A_998, %scan3A_999 : i32
    %scan3A_1001 = arith.constant 1 : i32
    scf.for %scan3A_1300 = %scan3A_998 to %scan3A_1000 step %scan3A_1001  : i32 {
      %get3A = arith.index_cast %scan3A_1300 : i32 to index
      %get3A_1301 = arith.constant 0 : index
      %get3A_1302 = tpu.vector_load %arg7[%get3A, %get3A_1301] {strides = array<i32>} : memref<512x32xf32, #tpu.memory_space<vmem>>, vector<1x16xf32>,
      %get3A_1303 = vector.shape_cast %get3A_1302 : vector<1x16xf32> to vector<16xf32>
      %mul3A_1304 = arith.constant 5.65685415 : f32
      %mul3A_1305 = vector.broadcast %mul3A_1304 : f32 to vector<16xf32>
      %mul3A_1306 = arith.mulf %get3A_1303, %mul3A_1305 : vector<16xf32>
      %swap3A = arith.index_cast %scan3A_1300 : i32 to index
      %swap3A_1307 = arith.constant 0 : index
      %swap3A_1308 = tpu.vector_load %arg7[%swap3A, %swap3A_1307] {strides = array<i32>} : memref<512x32xf32, #tpu.memory_space<vmem>>, vector<1x16xf32>,
      %swap3A_1309 = vector.shape_cast %swap3A_1308 : vector<1x16xf32> to vector<16xf32>
      %swap3A_1310 = vector.shape_cast %mul3A_1306 : vector<16xf32> to vector<1x16xf32>
      tpu.vector_store %arg7[%swap3A, %swap3A_1307], %swap3A_1310 {strides = array<i32>} : memref<512x32xf32, #tpu.memory_space<vmem>>, vector<1x16xf32>,
      %get3A_1311 = arith.index_cast %scan3A_1300 : i32 to index
      %get3A_1312 = arith.constant 16 : index
      %get3A_1313 = tpu.vector_load %arg7[%get3A_1311, %get3A_1312] {strides = array<i32>} : memref<512x32xf32, #tpu.memory_space<vmem>>, vector<1x16xf32>,
      %get3A_1314 = vector.shape_cast %get3A_1313 : vector<1x16xf32> to vector<16xf32>
      %mul3A_1315 = arith.constant 5.65685415 : f32
      %mul3A_1316 = vector.broadcast %mul3A_1315 : f32 to vector<16xf32>
      %mul3A_1317 = arith.mulf %get3A_1314, %mul3A_1316 : vector<16xf32>
      %swap3A_1318 = arith.index_cast %scan3A_1300 : i32 to index
      %swap3A_1319 = arith.constant 16 : index
      %swap3A_1320 = tpu.vector_load %arg7[%swap3A_1318, %swap3A_1319] {strides = array<i32>} : memref<512x32xf32, #tpu.memory_space<vmem>>, vector<1x16xf32>,
      %swap3A_1321 = vector.shape_cast %swap3A_1320 : vector<1x16xf32> to vector<16xf32>
      %swap3A_1322 = vector.shape_cast %mul3A_1317 : vector<16xf32> to vector<1x16xf32>
      tpu.vector_store %arg7[%swap3A_1318, %swap3A_1319], %swap3A_1322 {strides = array<i32>} : memref<512x32xf32, #tpu.memory_space<vmem>>, vector<1x16xf32>,
    }
    %scan3A_1002 = arith.constant 512 : i32
    %add3A_1003 = arith.constant 18944 : i32
    %add3A_1004 = arith.addi %mul3A_2, %add3A_1003 : i32
    %dma_start3A_1005 = arith.constant 0 : i32
    %dma_start3A_1006 = tpu.memref_slice %arg4[%add3A_1004, %dma_start3A_1005] : memref<819200x128xf32, #tpu.memory_space<hbm>> -> memref<512x32xf32, #tpu.memory_space<hbm>>
    %dma_start3A_1007 = arith.constant 0 : i32
    %dma_start3A_1008 = tpu.memref_slice %arg4[%add3A_1004, %dma_start3A_1007] : memref<819200x128xf32, #tpu.memory_space<hbm>> -> memref<512x32xf32, #tpu.memory_space<hbm>>
    tpu.enqueue_dma source(%arg7 : memref<512x32xf32, #tpu.memory_space<vmem>>) target(%dma_start3A_1008 : memref<512x32xf32, #tpu.memory_space<hbm>>) target_semaphore(%arg19 : memref<!tpu.dma_semaphore, #tpu.memory_space<semaphore_mem>>)
    %dma_wait3A_1009 = arith.constant 0 : i32
    %dma_wait3A_1010 = tpu.memref_slice %arg4[%add3A_1004, %dma_wait3A_1009] : memref<819200x128xf32, #tpu.memory_space<hbm>> -> memref<512x32xf32, #tpu.memory_space<hbm>>
    %dma_wait3A_1011 = arith.constant 0 : i32
    %dma_wait3A_1012 = tpu.memref_slice %arg4[%add3A_1004, %dma_wait3A_1011] : memref<819200x128xf32, #tpu.memory_space<hbm>> -> memref<512x32xf32, #tpu.memory_space<hbm>>
    tpu.wait_dma2 semaphore(%arg19 : memref<!tpu.dma_semaphore, #tpu.memory_space<semaphore_mem>>) src(%arg7 : memref<512x32xf32, #tpu.memory_space<vmem>>) dst(%dma_wait3A_1012 : memref<512x32xf32, #tpu.memory_space<hbm>>)
    %dma_start3A_1013 = arith.constant 22016 : i32
    %dma_start3A_1014 = tpu.memref_slice %arg5[%dma_start3A_1013] : memref<25600xi32, #tpu.memory_space<vmem>> -> memref<512xi32, #tpu.memory_space<vmem>>
    %dma_start3A_1015 = arith.constant 0 : i32
    %dma_start3A_1016 = arith.constant 0 : i32
    %dma_start3A_1017 = tpu.memref_slice %arg3[%dma_start3A_1015, %dma_start3A_1016] : memref<1000000x32xf32, #tpu.memory_space<hbm>> -> memref<1000000x32xf32, #tpu.memory_space<hbm>>
    tpu.enqueue_indirect_dma source(%dma_start3A_1017 : memref<1000000x32xf32, #tpu.memory_space<hbm>>) target(%arg7 : memref<512x32xf32, #tpu.memory_space<vmem>>) offsets(%dma_start3A_1014 : memref<512xi32, #tpu.memory_space<vmem>>) semaphore(%arg13 : memref<!tpu.dma_semaphore, #tpu.memory_space<semaphore_mem>>)
    %dma_wait3A_1018 = arith.constant 19456 : i32
    %dma_wait3A_1019 = tpu.memref_slice %arg5[%dma_wait3A_1018] : memref<25600xi32, #tpu.memory_space<vmem>> -> memref<512xi32, #tpu.memory_space<vmem>>
    %dma_wait3A_1020 = arith.constant 0 : i32
    %dma_wait3A_1021 = arith.constant 0 : i32
    %dma_wait3A_1022 = tpu.memref_slice %arg3[%dma_wait3A_1020, %dma_wait3A_1021] : memref<1000000x32xf32, #tpu.memory_space<hbm>> -> memref<1000000x32xf32, #tpu.memory_space<hbm>>
    tpu.wait_indirect_dma semaphore(%arg14 : memref<!tpu.dma_semaphore, #tpu.memory_space<semaphore_mem>>) src(%dma_wait3A_1022 : memref<1000000x32xf32, #tpu.memory_space<hbm>>) dst(%arg8 : memref<512x32xf32, #tpu.memory_space<vmem>>)
    %scan3A_1023 = arith.constant 0 : i32
    %scan3A_1024 = arith.constant 0 : i32
    %scan3A_1025 = arith.constant 512 : i32
    %scan3A_1026 = arith.addi %scan3A_1024, %scan3A_1025 : i32
    %scan3A_1027 = arith.constant 1 : i32
    scf.for %scan3A_1300 = %scan3A_1024 to %scan3A_1026 step %scan3A_1027  : i32 {
      %get3A = arith.index_cast %scan3A_1300 : i32 to index
      %get3A_1301 = arith.constant 0 : index
      %get3A_1302 = tpu.vector_load %arg8[%get3A, %get3A_1301] {strides = array<i32>} : memref<512x32xf32, #tpu.memory_space<vmem>>, vector<1x16xf32>,
      %get3A_1303 = vector.shape_cast %get3A_1302 : vector<1x16xf32> to vector<16xf32>
      %mul3A_1304 = arith.constant 5.65685415 : f32
      %mul3A_1305 = vector.broadcast %mul3A_1304 : f32 to vector<16xf32>
      %mul3A_1306 = arith.mulf %get3A_1303, %mul3A_1305 : vector<16xf32>
      %swap3A = arith.index_cast %scan3A_1300 : i32 to index
      %swap3A_1307 = arith.constant 0 : index
      %swap3A_1308 = tpu.vector_load %arg8[%swap3A, %swap3A_1307] {strides = array<i32>} : memref<512x32xf32, #tpu.memory_space<vmem>>, vector<1x16xf32>,
      %swap3A_1309 = vector.shape_cast %swap3A_1308 : vector<1x16xf32> to vector<16xf32>
      %swap3A_1310 = vector.shape_cast %mul3A_1306 : vector<16xf32> to vector<1x16xf32>
      tpu.vector_store %arg8[%swap3A, %swap3A_1307], %swap3A_1310 {strides = array<i32>} : memref<512x32xf32, #tpu.memory_space<vmem>>, vector<1x16xf32>,
      %get3A_1311 = arith.index_cast %scan3A_1300 : i32 to index
      %get3A_1312 = arith.constant 16 : index
      %get3A_1313 = tpu.vector_load %arg8[%get3A_1311, %get3A_1312] {strides = array<i32>} : memref<512x32xf32, #tpu.memory_space<vmem>>, vector<1x16xf32>,
      %get3A_1314 = vector.shape_cast %get3A_1313 : vector<1x16xf32> to vector<16xf32>
      %mul3A_1315 = arith.constant 5.65685415 : f32
      %mul3A_1316 = vector.broadcast %mul3A_1315 : f32 to vector<16xf32>
      %mul3A_1317 = arith.mulf %get3A_1314, %mul3A_1316 : vector<16xf32>
      %swap3A_1318 = arith.index_cast %scan3A_1300 : i32 to index
      %swap3A_1319 = arith.constant 16 : index
      %swap3A_1320 = tpu.vector_load %arg8[%swap3A_1318, %swap3A_1319] {strides = array<i32>} : memref<512x32xf32, #tpu.memory_space<vmem>>, vector<1x16xf32>,
      %swap3A_1321 = vector.shape_cast %swap3A_1320 : vector<1x16xf32> to vector<16xf32>
      %swap3A_1322 = vector.shape_cast %mul3A_1317 : vector<16xf32> to vector<1x16xf32>
      tpu.vector_store %arg8[%swap3A_1318, %swap3A_1319], %swap3A_1322 {strides = array<i32>} : memref<512x32xf32, #tpu.memory_space<vmem>>, vector<1x16xf32>,
    }
    %scan3A_1028 = arith.constant 512 : i32
    %add3A_1029 = arith.constant 19456 : i32
    %add3A_1030 = arith.addi %mul3A_2, %add3A_1029 : i32
    %dma_start3A_1031 = arith.constant 0 : i32
    %dma_start3A_1032 = tpu.memref_slice %arg4[%add3A_1030, %dma_start3A_1031] : memref<819200x128xf32, #tpu.memory_space<hbm>> -> memref<512x32xf32, #tpu.memory_space<hbm>>
    %dma_start3A_1033 = arith.constant 0 : i32
    %dma_start3A_1034 = tpu.memref_slice %arg4[%add3A_1030, %dma_start3A_1033] : memref<819200x128xf32, #tpu.memory_space<hbm>> -> memref<512x32xf32, #tpu.memory_space<hbm>>
    tpu.enqueue_dma source(%arg8 : memref<512x32xf32, #tpu.memory_space<vmem>>) target(%dma_start3A_1034 : memref<512x32xf32, #tpu.memory_space<hbm>>) target_semaphore(%arg20 : memref<!tpu.dma_semaphore, #tpu.memory_space<semaphore_mem>>)
    %dma_wait3A_1035 = arith.constant 0 : i32
    %dma_wait3A_1036 = tpu.memref_slice %arg4[%add3A_1030, %dma_wait3A_1035] : memref<819200x128xf32, #tpu.memory_space<hbm>> -> memref<512x32xf32, #tpu.memory_space<hbm>>
    %dma_wait3A_1037 = arith.constant 0 : i32
    %dma_wait3A_1038 = tpu.memref_slice %arg4[%add3A_1030, %dma_wait3A_1037] : memref<819200x128xf32, #tpu.memory_space<hbm>> -> memref<512x32xf32, #tpu.memory_space<hbm>>
    tpu.wait_dma2 semaphore(%arg20 : memref<!tpu.dma_semaphore, #tpu.memory_space<semaphore_mem>>) src(%arg8 : memref<512x32xf32, #tpu.memory_space<vmem>>) dst(%dma_wait3A_1038 : memref<512x32xf32, #tpu.memory_space<hbm>>)
    %dma_start3A_1039 = arith.constant 22528 : i32
    %dma_start3A_1040 = tpu.memref_slice %arg5[%dma_start3A_1039] : memref<25600xi32, #tpu.memory_space<vmem>> -> memref<512xi32, #tpu.memory_space<vmem>>
    %dma_start3A_1041 = arith.constant 0 : i32
    %dma_start3A_1042 = arith.constant 0 : i32
    %dma_start3A_1043 = tpu.memref_slice %arg3[%dma_start3A_1041, %dma_start3A_1042] : memref<1000000x32xf32, #tpu.memory_space<hbm>> -> memref<1000000x32xf32, #tpu.memory_space<hbm>>
    tpu.enqueue_indirect_dma source(%dma_start3A_1043 : memref<1000000x32xf32, #tpu.memory_space<hbm>>) target(%arg8 : memref<512x32xf32, #tpu.memory_space<vmem>>) offsets(%dma_start3A_1040 : memref<512xi32, #tpu.memory_space<vmem>>) semaphore(%arg14 : memref<!tpu.dma_semaphore, #tpu.memory_space<semaphore_mem>>)
    %dma_wait3A_1044 = arith.constant 19968 : i32
    %dma_wait3A_1045 = tpu.memref_slice %arg5[%dma_wait3A_1044] : memref<25600xi32, #tpu.memory_space<vmem>> -> memref<512xi32, #tpu.memory_space<vmem>>
    %dma_wait3A_1046 = arith.constant 0 : i32
    %dma_wait3A_1047 = arith.constant 0 : i32
    %dma_wait3A_1048 = tpu.memref_slice %arg3[%dma_wait3A_1046, %dma_wait3A_1047] : memref<1000000x32xf32, #tpu.memory_space<hbm>> -> memref<1000000x32xf32, #tpu.memory_space<hbm>>
    tpu.wait_indirect_dma semaphore(%arg15 : memref<!tpu.dma_semaphore, #tpu.memory_space<semaphore_mem>>) src(%dma_wait3A_1048 : memref<1000000x32xf32, #tpu.memory_space<hbm>>) dst(%arg9 : memref<512x32xf32, #tpu.memory_space<vmem>>)
    %scan3A_1049 = arith.constant 0 : i32
    %scan3A_1050 = arith.constant 0 : i32
    %scan3A_1051 = arith.constant 512 : i32
    %scan3A_1052 = arith.addi %scan3A_1050, %scan3A_1051 : i32
    %scan3A_1053 = arith.constant 1 : i32
    scf.for %scan3A_1300 = %scan3A_1050 to %scan3A_1052 step %scan3A_1053  : i32 {
      %get3A = arith.index_cast %scan3A_1300 : i32 to index
      %get3A_1301 = arith.constant 0 : index
      %get3A_1302 = tpu.vector_load %arg9[%get3A, %get3A_1301] {strides = array<i32>} : memref<512x32xf32, #tpu.memory_space<vmem>>, vector<1x16xf32>,
      %get3A_1303 = vector.shape_cast %get3A_1302 : vector<1x16xf32> to vector<16xf32>
      %mul3A_1304 = arith.constant 5.65685415 : f32
      %mul3A_1305 = vector.broadcast %mul3A_1304 : f32 to vector<16xf32>
      %mul3A_1306 = arith.mulf %get3A_1303, %mul3A_1305 : vector<16xf32>
      %swap3A = arith.index_cast %scan3A_1300 : i32 to index
      %swap3A_1307 = arith.constant 0 : index
      %swap3A_1308 = tpu.vector_load %arg9[%swap3A, %swap3A_1307] {strides = array<i32>} : memref<512x32xf32, #tpu.memory_space<vmem>>, vector<1x16xf32>,
      %swap3A_1309 = vector.shape_cast %swap3A_1308 : vector<1x16xf32> to vector<16xf32>
      %swap3A_1310 = vector.shape_cast %mul3A_1306 : vector<16xf32> to vector<1x16xf32>
      tpu.vector_store %arg9[%swap3A, %swap3A_1307], %swap3A_1310 {strides = array<i32>} : memref<512x32xf32, #tpu.memory_space<vmem>>, vector<1x16xf32>,
      %get3A_1311 = arith.index_cast %scan3A_1300 : i32 to index
      %get3A_1312 = arith.constant 16 : index
      %get3A_1313 = tpu.vector_load %arg9[%get3A_1311, %get3A_1312] {strides = array<i32>} : memref<512x32xf32, #tpu.memory_space<vmem>>, vector<1x16xf32>,
      %get3A_1314 = vector.shape_cast %get3A_1313 : vector<1x16xf32> to vector<16xf32>
      %mul3A_1315 = arith.constant 5.65685415 : f32
      %mul3A_1316 = vector.broadcast %mul3A_1315 : f32 to vector<16xf32>
      %mul3A_1317 = arith.mulf %get3A_1314, %mul3A_1316 : vector<16xf32>
      %swap3A_1318 = arith.index_cast %scan3A_1300 : i32 to index
      %swap3A_1319 = arith.constant 16 : index
      %swap3A_1320 = tpu.vector_load %arg9[%swap3A_1318, %swap3A_1319] {strides = array<i32>} : memref<512x32xf32, #tpu.memory_space<vmem>>, vector<1x16xf32>,
      %swap3A_1321 = vector.shape_cast %swap3A_1320 : vector<1x16xf32> to vector<16xf32>
      %swap3A_1322 = vector.shape_cast %mul3A_1317 : vector<16xf32> to vector<1x16xf32>
      tpu.vector_store %arg9[%swap3A_1318, %swap3A_1319], %swap3A_1322 {strides = array<i32>} : memref<512x32xf32, #tpu.memory_space<vmem>>, vector<1x16xf32>,
    }
    %scan3A_1054 = arith.constant 512 : i32
    %add3A_1055 = arith.constant 19968 : i32
    %add3A_1056 = arith.addi %mul3A_2, %add3A_1055 : i32
    %dma_start3A_1057 = arith.constant 0 : i32
    %dma_start3A_1058 = tpu.memref_slice %arg4[%add3A_1056, %dma_start3A_1057] : memref<819200x128xf32, #tpu.memory_space<hbm>> -> memref<512x32xf32, #tpu.memory_space<hbm>>
    %dma_start3A_1059 = arith.constant 0 : i32
    %dma_start3A_1060 = tpu.memref_slice %arg4[%add3A_1056, %dma_start3A_1059] : memref<819200x128xf32, #tpu.memory_space<hbm>> -> memref<512x32xf32, #tpu.memory_space<hbm>>
    tpu.enqueue_dma source(%arg9 : memref<512x32xf32, #tpu.memory_space<vmem>>) target(%dma_start3A_1060 : memref<512x32xf32, #tpu.memory_space<hbm>>) target_semaphore(%arg21 : memref<!tpu.dma_semaphore, #tpu.memory_space<semaphore_mem>>)
    %dma_wait3A_1061 = arith.constant 0 : i32
    %dma_wait3A_1062 = tpu.memref_slice %arg4[%add3A_1056, %dma_wait3A_1061] : memref<819200x128xf32, #tpu.memory_space<hbm>> -> memref<512x32xf32, #tpu.memory_space<hbm>>
    %dma_wait3A_1063 = arith.constant 0 : i32
    %dma_wait3A_1064 = tpu.memref_slice %arg4[%add3A_1056, %dma_wait3A_1063] : memref<819200x128xf32, #tpu.memory_space<hbm>> -> memref<512x32xf32, #tpu.memory_space<hbm>>
    tpu.wait_dma2 semaphore(%arg21 : memref<!tpu.dma_semaphore, #tpu.memory_space<semaphore_mem>>) src(%arg9 : memref<512x32xf32, #tpu.memory_space<vmem>>) dst(%dma_wait3A_1064 : memref<512x32xf32, #tpu.memory_space<hbm>>)
    %dma_start3A_1065 = arith.constant 23040 : i32
    %dma_start3A_1066 = tpu.memref_slice %arg5[%dma_start3A_1065] : memref<25600xi32, #tpu.memory_space<vmem>> -> memref<512xi32, #tpu.memory_space<vmem>>
    %dma_start3A_1067 = arith.constant 0 : i32
    %dma_start3A_1068 = arith.constant 0 : i32
    %dma_start3A_1069 = tpu.memref_slice %arg3[%dma_start3A_1067, %dma_start3A_1068] : memref<1000000x32xf32, #tpu.memory_space<hbm>> -> memref<1000000x32xf32, #tpu.memory_space<hbm>>
    tpu.enqueue_indirect_dma source(%dma_start3A_1069 : memref<1000000x32xf32, #tpu.memory_space<hbm>>) target(%arg9 : memref<512x32xf32, #tpu.memory_space<vmem>>) offsets(%dma_start3A_1066 : memref<512xi32, #tpu.memory_space<vmem>>) semaphore(%arg15 : memref<!tpu.dma_semaphore, #tpu.memory_space<semaphore_mem>>)
    %dma_wait3A_1070 = arith.constant 20480 : i32
    %dma_wait3A_1071 = tpu.memref_slice %arg5[%dma_wait3A_1070] : memref<25600xi32, #tpu.memory_space<vmem>> -> memref<512xi32, #tpu.memory_space<vmem>>
    %dma_wait3A_1072 = arith.constant 0 : i32
    %dma_wait3A_1073 = arith.constant 0 : i32
    %dma_wait3A_1074 = tpu.memref_slice %arg3[%dma_wait3A_1072, %dma_wait3A_1073] : memref<1000000x32xf32, #tpu.memory_space<hbm>> -> memref<1000000x32xf32, #tpu.memory_space<hbm>>
    tpu.wait_indirect_dma semaphore(%arg16 : memref<!tpu.dma_semaphore, #tpu.memory_space<semaphore_mem>>) src(%dma_wait3A_1074 : memref<1000000x32xf32, #tpu.memory_space<hbm>>) dst(%arg10 : memref<512x32xf32, #tpu.memory_space<vmem>>)
    %scan3A_1075 = arith.constant 0 : i32
    %scan3A_1076 = arith.constant 0 : i32
    %scan3A_1077 = arith.constant 512 : i32
    %scan3A_1078 = arith.addi %scan3A_1076, %scan3A_1077 : i32
    %scan3A_1079 = arith.constant 1 : i32
    scf.for %scan3A_1300 = %scan3A_1076 to %scan3A_1078 step %scan3A_1079  : i32 {
      %get3A = arith.index_cast %scan3A_1300 : i32 to index
      %get3A_1301 = arith.constant 0 : index
      %get3A_1302 = tpu.vector_load %arg10[%get3A, %get3A_1301] {strides = array<i32>} : memref<512x32xf32, #tpu.memory_space<vmem>>, vector<1x16xf32>,
      %get3A_1303 = vector.shape_cast %get3A_1302 : vector<1x16xf32> to vector<16xf32>
      %mul3A_1304 = arith.constant 5.65685415 : f32
      %mul3A_1305 = vector.broadcast %mul3A_1304 : f32 to vector<16xf32>
      %mul3A_1306 = arith.mulf %get3A_1303, %mul3A_1305 : vector<16xf32>
      %swap3A = arith.index_cast %scan3A_1300 : i32 to index
      %swap3A_1307 = arith.constant 0 : index
      %swap3A_1308 = tpu.vector_load %arg10[%swap3A, %swap3A_1307] {strides = array<i32>} : memref<512x32xf32, #tpu.memory_space<vmem>>, vector<1x16xf32>,
      %swap3A_1309 = vector.shape_cast %swap3A_1308 : vector<1x16xf32> to vector<16xf32>
      %swap3A_1310 = vector.shape_cast %mul3A_1306 : vector<16xf32> to vector<1x16xf32>
      tpu.vector_store %arg10[%swap3A, %swap3A_1307], %swap3A_1310 {strides = array<i32>} : memref<512x32xf32, #tpu.memory_space<vmem>>, vector<1x16xf32>,
      %get3A_1311 = arith.index_cast %scan3A_1300 : i32 to index
      %get3A_1312 = arith.constant 16 : index
      %get3A_1313 = tpu.vector_load %arg10[%get3A_1311, %get3A_1312] {strides = array<i32>} : memref<512x32xf32, #tpu.memory_space<vmem>>, vector<1x16xf32>,
      %get3A_1314 = vector.shape_cast %get3A_1313 : vector<1x16xf32> to vector<16xf32>
      %mul3A_1315 = arith.constant 5.65685415 : f32
      %mul3A_1316 = vector.broadcast %mul3A_1315 : f32 to vector<16xf32>
      %mul3A_1317 = arith.mulf %get3A_1314, %mul3A_1316 : vector<16xf32>
      %swap3A_1318 = arith.index_cast %scan3A_1300 : i32 to index
      %swap3A_1319 = arith.constant 16 : index
      %swap3A_1320 = tpu.vector_load %arg10[%swap3A_1318, %swap3A_1319] {strides = array<i32>} : memref<512x32xf32, #tpu.memory_space<vmem>>, vector<1x16xf32>,
      %swap3A_1321 = vector.shape_cast %swap3A_1320 : vector<1x16xf32> to vector<16xf32>
      %swap3A_1322 = vector.shape_cast %mul3A_1317 : vector<16xf32> to vector<1x16xf32>
      tpu.vector_store %arg10[%swap3A_1318, %swap3A_1319], %swap3A_1322 {strides = array<i32>} : memref<512x32xf32, #tpu.memory_space<vmem>>, vector<1x16xf32>,
    }
    %scan3A_1080 = arith.constant 512 : i32
    %add3A_1081 = arith.constant 20480 : i32
    %add3A_1082 = arith.addi %mul3A_2, %add3A_1081 : i32
    %dma_start3A_1083 = arith.constant 0 : i32
    %dma_start3A_1084 = tpu.memref_slice %arg4[%add3A_1082, %dma_start3A_1083] : memref<819200x128xf32, #tpu.memory_space<hbm>> -> memref<512x32xf32, #tpu.memory_space<hbm>>
    %dma_start3A_1085 = arith.constant 0 : i32
    %dma_start3A_1086 = tpu.memref_slice %arg4[%add3A_1082, %dma_start3A_1085] : memref<819200x128xf32, #tpu.memory_space<hbm>> -> memref<512x32xf32, #tpu.memory_space<hbm>>
    tpu.enqueue_dma source(%arg10 : memref<512x32xf32, #tpu.memory_space<vmem>>) target(%dma_start3A_1086 : memref<512x32xf32, #tpu.memory_space<hbm>>) target_semaphore(%arg22 : memref<!tpu.dma_semaphore, #tpu.memory_space<semaphore_mem>>)
    %dma_wait3A_1087 = arith.constant 0 : i32
    %dma_wait3A_1088 = tpu.memref_slice %arg4[%add3A_1082, %dma_wait3A_1087] : memref<819200x128xf32, #tpu.memory_space<hbm>> -> memref<512x32xf32, #tpu.memory_space<hbm>>
    %dma_wait3A_1089 = arith.constant 0 : i32
    %dma_wait3A_1090 = tpu.memref_slice %arg4[%add3A_1082, %dma_wait3A_1089] : memref<819200x128xf32, #tpu.memory_space<hbm>> -> memref<512x32xf32, #tpu.memory_space<hbm>>
    tpu.wait_dma2 semaphore(%arg22 : memref<!tpu.dma_semaphore, #tpu.memory_space<semaphore_mem>>) src(%arg10 : memref<512x32xf32, #tpu.memory_space<vmem>>) dst(%dma_wait3A_1090 : memref<512x32xf32, #tpu.memory_space<hbm>>)
    %dma_start3A_1091 = arith.constant 23552 : i32
    %dma_start3A_1092 = tpu.memref_slice %arg5[%dma_start3A_1091] : memref<25600xi32, #tpu.memory_space<vmem>> -> memref<512xi32, #tpu.memory_space<vmem>>
    %dma_start3A_1093 = arith.constant 0 : i32
    %dma_start3A_1094 = arith.constant 0 : i32
    %dma_start3A_1095 = tpu.memref_slice %arg3[%dma_start3A_1093, %dma_start3A_1094] : memref<1000000x32xf32, #tpu.memory_space<hbm>> -> memref<1000000x32xf32, #tpu.memory_space<hbm>>
    tpu.enqueue_indirect_dma source(%dma_start3A_1095 : memref<1000000x32xf32, #tpu.memory_space<hbm>>) target(%arg10 : memref<512x32xf32, #tpu.memory_space<vmem>>) offsets(%dma_start3A_1092 : memref<512xi32, #tpu.memory_space<vmem>>) semaphore(%arg16 : memref<!tpu.dma_semaphore, #tpu.memory_space<semaphore_mem>>)
    %dma_wait3A_1096 = arith.constant 20992 : i32
    %dma_wait3A_1097 = tpu.memref_slice %arg5[%dma_wait3A_1096] : memref<25600xi32, #tpu.memory_space<vmem>> -> memref<512xi32, #tpu.memory_space<vmem>>
    %dma_wait3A_1098 = arith.constant 0 : i32
    %dma_wait3A_1099 = arith.constant 0 : i32
    %dma_wait3A_1100 = tpu.memref_slice %arg3[%dma_wait3A_1098, %dma_wait3A_1099] : memref<1000000x32xf32, #tpu.memory_space<hbm>> -> memref<1000000x32xf32, #tpu.memory_space<hbm>>
    tpu.wait_indirect_dma semaphore(%arg17 : memref<!tpu.dma_semaphore, #tpu.memory_space<semaphore_mem>>) src(%dma_wait3A_1100 : memref<1000000x32xf32, #tpu.memory_space<hbm>>) dst(%arg11 : memref<512x32xf32, #tpu.memory_space<vmem>>)
    %scan3A_1101 = arith.constant 0 : i32
    %scan3A_1102 = arith.constant 0 : i32
    %scan3A_1103 = arith.constant 512 : i32
    %scan3A_1104 = arith.addi %scan3A_1102, %scan3A_1103 : i32
    %scan3A_1105 = arith.constant 1 : i32
    scf.for %scan3A_1300 = %scan3A_1102 to %scan3A_1104 step %scan3A_1105  : i32 {
      %get3A = arith.index_cast %scan3A_1300 : i32 to index
      %get3A_1301 = arith.constant 0 : index
      %get3A_1302 = tpu.vector_load %arg11[%get3A, %get3A_1301] {strides = array<i32>} : memref<512x32xf32, #tpu.memory_space<vmem>>, vector<1x16xf32>,
      %get3A_1303 = vector.shape_cast %get3A_1302 : vector<1x16xf32> to vector<16xf32>
      %mul3A_1304 = arith.constant 5.65685415 : f32
      %mul3A_1305 = vector.broadcast %mul3A_1304 : f32 to vector<16xf32>
      %mul3A_1306 = arith.mulf %get3A_1303, %mul3A_1305 : vector<16xf32>
      %swap3A = arith.index_cast %scan3A_1300 : i32 to index
      %swap3A_1307 = arith.constant 0 : index
      %swap3A_1308 = tpu.vector_load %arg11[%swap3A, %swap3A_1307] {strides = array<i32>} : memref<512x32xf32, #tpu.memory_space<vmem>>, vector<1x16xf32>,
      %swap3A_1309 = vector.shape_cast %swap3A_1308 : vector<1x16xf32> to vector<16xf32>
      %swap3A_1310 = vector.shape_cast %mul3A_1306 : vector<16xf32> to vector<1x16xf32>
      tpu.vector_store %arg11[%swap3A, %swap3A_1307], %swap3A_1310 {strides = array<i32>} : memref<512x32xf32, #tpu.memory_space<vmem>>, vector<1x16xf32>,
      %get3A_1311 = arith.index_cast %scan3A_1300 : i32 to index
      %get3A_1312 = arith.constant 16 : index
      %get3A_1313 = tpu.vector_load %arg11[%get3A_1311, %get3A_1312] {strides = array<i32>} : memref<512x32xf32, #tpu.memory_space<vmem>>, vector<1x16xf32>,
      %get3A_1314 = vector.shape_cast %get3A_1313 : vector<1x16xf32> to vector<16xf32>
      %mul3A_1315 = arith.constant 5.65685415 : f32
      %mul3A_1316 = vector.broadcast %mul3A_1315 : f32 to vector<16xf32>
      %mul3A_1317 = arith.mulf %get3A_1314, %mul3A_1316 : vector<16xf32>
      %swap3A_1318 = arith.index_cast %scan3A_1300 : i32 to index
      %swap3A_1319 = arith.constant 16 : index
      %swap3A_1320 = tpu.vector_load %arg11[%swap3A_1318, %swap3A_1319] {strides = array<i32>} : memref<512x32xf32, #tpu.memory_space<vmem>>, vector<1x16xf32>,
      %swap3A_1321 = vector.shape_cast %swap3A_1320 : vector<1x16xf32> to vector<16xf32>
      %swap3A_1322 = vector.shape_cast %mul3A_1317 : vector<16xf32> to vector<1x16xf32>
      tpu.vector_store %arg11[%swap3A_1318, %swap3A_1319], %swap3A_1322 {strides = array<i32>} : memref<512x32xf32, #tpu.memory_space<vmem>>, vector<1x16xf32>,
    }
    %scan3A_1106 = arith.constant 512 : i32
    %add3A_1107 = arith.constant 20992 : i32
    %add3A_1108 = arith.addi %mul3A_2, %add3A_1107 : i32
    %dma_start3A_1109 = arith.constant 0 : i32
    %dma_start3A_1110 = tpu.memref_slice %arg4[%add3A_1108, %dma_start3A_1109] : memref<819200x128xf32, #tpu.memory_space<hbm>> -> memref<512x32xf32, #tpu.memory_space<hbm>>
    %dma_start3A_1111 = arith.constant 0 : i32
    %dma_start3A_1112 = tpu.memref_slice %arg4[%add3A_1108, %dma_start3A_1111] : memref<819200x128xf32, #tpu.memory_space<hbm>> -> memref<512x32xf32, #tpu.memory_space<hbm>>
    tpu.enqueue_dma source(%arg11 : memref<512x32xf32, #tpu.memory_space<vmem>>) target(%dma_start3A_1112 : memref<512x32xf32, #tpu.memory_space<hbm>>) target_semaphore(%arg23 : memref<!tpu.dma_semaphore, #tpu.memory_space<semaphore_mem>>)
    %dma_wait3A_1113 = arith.constant 0 : i32
    %dma_wait3A_1114 = tpu.memref_slice %arg4[%add3A_1108, %dma_wait3A_1113] : memref<819200x128xf32, #tpu.memory_space<hbm>> -> memref<512x32xf32, #tpu.memory_space<hbm>>
    %dma_wait3A_1115 = arith.constant 0 : i32
    %dma_wait3A_1116 = tpu.memref_slice %arg4[%add3A_1108, %dma_wait3A_1115] : memref<819200x128xf32, #tpu.memory_space<hbm>> -> memref<512x32xf32, #tpu.memory_space<hbm>>
    tpu.wait_dma2 semaphore(%arg23 : memref<!tpu.dma_semaphore, #tpu.memory_space<semaphore_mem>>) src(%arg11 : memref<512x32xf32, #tpu.memory_space<vmem>>) dst(%dma_wait3A_1116 : memref<512x32xf32, #tpu.memory_space<hbm>>)
    %dma_start3A_1117 = arith.constant 24064 : i32
    %dma_start3A_1118 = tpu.memref_slice %arg5[%dma_start3A_1117] : memref<25600xi32, #tpu.memory_space<vmem>> -> memref<512xi32, #tpu.memory_space<vmem>>
    %dma_start3A_1119 = arith.constant 0 : i32
    %dma_start3A_1120 = arith.constant 0 : i32
    %dma_start3A_1121 = tpu.memref_slice %arg3[%dma_start3A_1119, %dma_start3A_1120] : memref<1000000x32xf32, #tpu.memory_space<hbm>> -> memref<1000000x32xf32, #tpu.memory_space<hbm>>
    tpu.enqueue_indirect_dma source(%dma_start3A_1121 : memref<1000000x32xf32, #tpu.memory_space<hbm>>) target(%arg11 : memref<512x32xf32, #tpu.memory_space<vmem>>) offsets(%dma_start3A_1118 : memref<512xi32, #tpu.memory_space<vmem>>) semaphore(%arg17 : memref<!tpu.dma_semaphore, #tpu.memory_space<semaphore_mem>>)
    %dma_wait3A_1122 = arith.constant 21504 : i32
    %dma_wait3A_1123 = tpu.memref_slice %arg5[%dma_wait3A_1122] : memref<25600xi32, #tpu.memory_space<vmem>> -> memref<512xi32, #tpu.memory_space<vmem>>
    %dma_wait3A_1124 = arith.constant 0 : i32
    %dma_wait3A_1125 = arith.constant 0 : i32
    %dma_wait3A_1126 = tpu.memref_slice %arg3[%dma_wait3A_1124, %dma_wait3A_1125] : memref<1000000x32xf32, #tpu.memory_space<hbm>> -> memref<1000000x32xf32, #tpu.memory_space<hbm>>
    tpu.wait_indirect_dma semaphore(%arg12 : memref<!tpu.dma_semaphore, #tpu.memory_space<semaphore_mem>>) src(%dma_wait3A_1126 : memref<1000000x32xf32, #tpu.memory_space<hbm>>) dst(%arg6 : memref<512x32xf32, #tpu.memory_space<vmem>>)
    %scan3A_1127 = arith.constant 0 : i32
    %scan3A_1128 = arith.constant 0 : i32
    %scan3A_1129 = arith.constant 512 : i32
    %scan3A_1130 = arith.addi %scan3A_1128, %scan3A_1129 : i32
    %scan3A_1131 = arith.constant 1 : i32
    scf.for %scan3A_1300 = %scan3A_1128 to %scan3A_1130 step %scan3A_1131  : i32 {
      %get3A = arith.index_cast %scan3A_1300 : i32 to index
      %get3A_1301 = arith.constant 0 : index
      %get3A_1302 = tpu.vector_load %arg6[%get3A, %get3A_1301] {strides = array<i32>} : memref<512x32xf32, #tpu.memory_space<vmem>>, vector<1x16xf32>,
      %get3A_1303 = vector.shape_cast %get3A_1302 : vector<1x16xf32> to vector<16xf32>
      %mul3A_1304 = arith.constant 5.65685415 : f32
      %mul3A_1305 = vector.broadcast %mul3A_1304 : f32 to vector<16xf32>
      %mul3A_1306 = arith.mulf %get3A_1303, %mul3A_1305 : vector<16xf32>
      %swap3A = arith.index_cast %scan3A_1300 : i32 to index
      %swap3A_1307 = arith.constant 0 : index
      %swap3A_1308 = tpu.vector_load %arg6[%swap3A, %swap3A_1307] {strides = array<i32>} : memref<512x32xf32, #tpu.memory_space<vmem>>, vector<1x16xf32>,
      %swap3A_1309 = vector.shape_cast %swap3A_1308 : vector<1x16xf32> to vector<16xf32>
      %swap3A_1310 = vector.shape_cast %mul3A_1306 : vector<16xf32> to vector<1x16xf32>
      tpu.vector_store %arg6[%swap3A, %swap3A_1307], %swap3A_1310 {strides = array<i32>} : memref<512x32xf32, #tpu.memory_space<vmem>>, vector<1x16xf32>,
      %get3A_1311 = arith.index_cast %scan3A_1300 : i32 to index
      %get3A_1312 = arith.constant 16 : index
      %get3A_1313 = tpu.vector_load %arg6[%get3A_1311, %get3A_1312] {strides = array<i32>} : memref<512x32xf32, #tpu.memory_space<vmem>>, vector<1x16xf32>,
      %get3A_1314 = vector.shape_cast %get3A_1313 : vector<1x16xf32> to vector<16xf32>
      %mul3A_1315 = arith.constant 5.65685415 : f32
      %mul3A_1316 = vector.broadcast %mul3A_1315 : f32 to vector<16xf32>
      %mul3A_1317 = arith.mulf %get3A_1314, %mul3A_1316 : vector<16xf32>
      %swap3A_1318 = arith.index_cast %scan3A_1300 : i32 to index
      %swap3A_1319 = arith.constant 16 : index
      %swap3A_1320 = tpu.vector_load %arg6[%swap3A_1318, %swap3A_1319] {strides = array<i32>} : memref<512x32xf32, #tpu.memory_space<vmem>>, vector<1x16xf32>,
      %swap3A_1321 = vector.shape_cast %swap3A_1320 : vector<1x16xf32> to vector<16xf32>
      %swap3A_1322 = vector.shape_cast %mul3A_1317 : vector<16xf32> to vector<1x16xf32>
      tpu.vector_store %arg6[%swap3A_1318, %swap3A_1319], %swap3A_1322 {strides = array<i32>} : memref<512x32xf32, #tpu.memory_space<vmem>>, vector<1x16xf32>,
    }
    %scan3A_1132 = arith.constant 512 : i32
    %add3A_1133 = arith.constant 21504 : i32
    %add3A_1134 = arith.addi %mul3A_2, %add3A_1133 : i32
    %dma_start3A_1135 = arith.constant 0 : i32
    %dma_start3A_1136 = tpu.memref_slice %arg4[%add3A_1134, %dma_start3A_1135] : memref<819200x128xf32, #tpu.memory_space<hbm>> -> memref<512x32xf32, #tpu.memory_space<hbm>>
    %dma_start3A_1137 = arith.constant 0 : i32
    %dma_start3A_1138 = tpu.memref_slice %arg4[%add3A_1134, %dma_start3A_1137] : memref<819200x128xf32, #tpu.memory_space<hbm>> -> memref<512x32xf32, #tpu.memory_space<hbm>>
    tpu.enqueue_dma source(%arg6 : memref<512x32xf32, #tpu.memory_space<vmem>>) target(%dma_start3A_1138 : memref<512x32xf32, #tpu.memory_space<hbm>>) target_semaphore(%arg18 : memref<!tpu.dma_semaphore, #tpu.memory_space<semaphore_mem>>)
    %dma_wait3A_1139 = arith.constant 0 : i32
    %dma_wait3A_1140 = tpu.memref_slice %arg4[%add3A_1134, %dma_wait3A_1139] : memref<819200x128xf32, #tpu.memory_space<hbm>> -> memref<512x32xf32, #tpu.memory_space<hbm>>
    %dma_wait3A_1141 = arith.constant 0 : i32
    %dma_wait3A_1142 = tpu.memref_slice %arg4[%add3A_1134, %dma_wait3A_1141] : memref<819200x128xf32, #tpu.memory_space<hbm>> -> memref<512x32xf32, #tpu.memory_space<hbm>>
    tpu.wait_dma2 semaphore(%arg18 : memref<!tpu.dma_semaphore, #tpu.memory_space<semaphore_mem>>) src(%arg6 : memref<512x32xf32, #tpu.memory_space<vmem>>) dst(%dma_wait3A_1142 : memref<512x32xf32, #tpu.memory_space<hbm>>)
    %dma_start3A_1143 = arith.constant 24576 : i32
    %dma_start3A_1144 = tpu.memref_slice %arg5[%dma_start3A_1143] : memref<25600xi32, #tpu.memory_space<vmem>> -> memref<512xi32, #tpu.memory_space<vmem>>
    %dma_start3A_1145 = arith.constant 0 : i32
    %dma_start3A_1146 = arith.constant 0 : i32
    %dma_start3A_1147 = tpu.memref_slice %arg3[%dma_start3A_1145, %dma_start3A_1146] : memref<1000000x32xf32, #tpu.memory_space<hbm>> -> memref<1000000x32xf32, #tpu.memory_space<hbm>>
    tpu.enqueue_indirect_dma source(%dma_start3A_1147 : memref<1000000x32xf32, #tpu.memory_space<hbm>>) target(%arg6 : memref<512x32xf32, #tpu.memory_space<vmem>>) offsets(%dma_start3A_1144 : memref<512xi32, #tpu.memory_space<vmem>>) semaphore(%arg12 : memref<!tpu.dma_semaphore, #tpu.memory_space<semaphore_mem>>)
    %dma_wait3A_1148 = arith.constant 22016 : i32
    %dma_wait3A_1149 = tpu.memref_slice %arg5[%dma_wait3A_1148] : memref<25600xi32, #tpu.memory_space<vmem>> -> memref<512xi32, #tpu.memory_space<vmem>>
    %dma_wait3A_1150 = arith.constant 0 : i32
    %dma_wait3A_1151 = arith.constant 0 : i32
    %dma_wait3A_1152 = tpu.memref_slice %arg3[%dma_wait3A_1150, %dma_wait3A_1151] : memref<1000000x32xf32, #tpu.memory_space<hbm>> -> memref<1000000x32xf32, #tpu.memory_space<hbm>>
    tpu.wait_indirect_dma semaphore(%arg13 : memref<!tpu.dma_semaphore, #tpu.memory_space<semaphore_mem>>) src(%dma_wait3A_1152 : memref<1000000x32xf32, #tpu.memory_space<hbm>>) dst(%arg7 : memref<512x32xf32, #tpu.memory_space<vmem>>)
    %scan3A_1153 = arith.constant 0 : i32
    %scan3A_1154 = arith.constant 0 : i32
    %scan3A_1155 = arith.constant 512 : i32
    %scan3A_1156 = arith.addi %scan3A_1154, %scan3A_1155 : i32
    %scan3A_1157 = arith.constant 1 : i32
    scf.for %scan3A_1300 = %scan3A_1154 to %scan3A_1156 step %scan3A_1157  : i32 {
      %get3A = arith.index_cast %scan3A_1300 : i32 to index
      %get3A_1301 = arith.constant 0 : index
      %get3A_1302 = tpu.vector_load %arg7[%get3A, %get3A_1301] {strides = array<i32>} : memref<512x32xf32, #tpu.memory_space<vmem>>, vector<1x16xf32>,
      %get3A_1303 = vector.shape_cast %get3A_1302 : vector<1x16xf32> to vector<16xf32>
      %mul3A_1304 = arith.constant 5.65685415 : f32
      %mul3A_1305 = vector.broadcast %mul3A_1304 : f32 to vector<16xf32>
      %mul3A_1306 = arith.mulf %get3A_1303, %mul3A_1305 : vector<16xf32>
      %swap3A = arith.index_cast %scan3A_1300 : i32 to index
      %swap3A_1307 = arith.constant 0 : index
      %swap3A_1308 = tpu.vector_load %arg7[%swap3A, %swap3A_1307] {strides = array<i32>} : memref<512x32xf32, #tpu.memory_space<vmem>>, vector<1x16xf32>,
      %swap3A_1309 = vector.shape_cast %swap3A_1308 : vector<1x16xf32> to vector<16xf32>
      %swap3A_1310 = vector.shape_cast %mul3A_1306 : vector<16xf32> to vector<1x16xf32>
      tpu.vector_store %arg7[%swap3A, %swap3A_1307], %swap3A_1310 {strides = array<i32>} : memref<512x32xf32, #tpu.memory_space<vmem>>, vector<1x16xf32>,
      %get3A_1311 = arith.index_cast %scan3A_1300 : i32 to index
      %get3A_1312 = arith.constant 16 : index
      %get3A_1313 = tpu.vector_load %arg7[%get3A_1311, %get3A_1312] {strides = array<i32>} : memref<512x32xf32, #tpu.memory_space<vmem>>, vector<1x16xf32>,
      %get3A_1314 = vector.shape_cast %get3A_1313 : vector<1x16xf32> to vector<16xf32>
      %mul3A_1315 = arith.constant 5.65685415 : f32
      %mul3A_1316 = vector.broadcast %mul3A_1315 : f32 to vector<16xf32>
      %mul3A_1317 = arith.mulf %get3A_1314, %mul3A_1316 : vector<16xf32>
      %swap3A_1318 = arith.index_cast %scan3A_1300 : i32 to index
      %swap3A_1319 = arith.constant 16 : index
      %swap3A_1320 = tpu.vector_load %arg7[%swap3A_1318, %swap3A_1319] {strides = array<i32>} : memref<512x32xf32, #tpu.memory_space<vmem>>, vector<1x16xf32>,
      %swap3A_1321 = vector.shape_cast %swap3A_1320 : vector<1x16xf32> to vector<16xf32>
      %swap3A_1322 = vector.shape_cast %mul3A_1317 : vector<16xf32> to vector<1x16xf32>
      tpu.vector_store %arg7[%swap3A_1318, %swap3A_1319], %swap3A_1322 {strides = array<i32>} : memref<512x32xf32, #tpu.memory_space<vmem>>, vector<1x16xf32>,
    }
    %scan3A_1158 = arith.constant 512 : i32
    %add3A_1159 = arith.constant 22016 : i32
    %add3A_1160 = arith.addi %mul3A_2, %add3A_1159 : i32
    %dma_start3A_1161 = arith.constant 0 : i32
    %dma_start3A_1162 = tpu.memref_slice %arg4[%add3A_1160, %dma_start3A_1161] : memref<819200x128xf32, #tpu.memory_space<hbm>> -> memref<512x32xf32, #tpu.memory_space<hbm>>
    %dma_start3A_1163 = arith.constant 0 : i32
    %dma_start3A_1164 = tpu.memref_slice %arg4[%add3A_1160, %dma_start3A_1163] : memref<819200x128xf32, #tpu.memory_space<hbm>> -> memref<512x32xf32, #tpu.memory_space<hbm>>
    tpu.enqueue_dma source(%arg7 : memref<512x32xf32, #tpu.memory_space<vmem>>) target(%dma_start3A_1164 : memref<512x32xf32, #tpu.memory_space<hbm>>) target_semaphore(%arg19 : memref<!tpu.dma_semaphore, #tpu.memory_space<semaphore_mem>>)
    %dma_wait3A_1165 = arith.constant 0 : i32
    %dma_wait3A_1166 = tpu.memref_slice %arg4[%add3A_1160, %dma_wait3A_1165] : memref<819200x128xf32, #tpu.memory_space<hbm>> -> memref<512x32xf32, #tpu.memory_space<hbm>>
    %dma_wait3A_1167 = arith.constant 0 : i32
    %dma_wait3A_1168 = tpu.memref_slice %arg4[%add3A_1160, %dma_wait3A_1167] : memref<819200x128xf32, #tpu.memory_space<hbm>> -> memref<512x32xf32, #tpu.memory_space<hbm>>
    tpu.wait_dma2 semaphore(%arg19 : memref<!tpu.dma_semaphore, #tpu.memory_space<semaphore_mem>>) src(%arg7 : memref<512x32xf32, #tpu.memory_space<vmem>>) dst(%dma_wait3A_1168 : memref<512x32xf32, #tpu.memory_space<hbm>>)
    %dma_start3A_1169 = arith.constant 25088 : i32
    %dma_start3A_1170 = tpu.memref_slice %arg5[%dma_start3A_1169] : memref<25600xi32, #tpu.memory_space<vmem>> -> memref<512xi32, #tpu.memory_space<vmem>>
    %dma_start3A_1171 = arith.constant 0 : i32
    %dma_start3A_1172 = arith.constant 0 : i32
    %dma_start3A_1173 = tpu.memref_slice %arg3[%dma_start3A_1171, %dma_start3A_1172] : memref<1000000x32xf32, #tpu.memory_space<hbm>> -> memref<1000000x32xf32, #tpu.memory_space<hbm>>
    tpu.enqueue_indirect_dma source(%dma_start3A_1173 : memref<1000000x32xf32, #tpu.memory_space<hbm>>) target(%arg7 : memref<512x32xf32, #tpu.memory_space<vmem>>) offsets(%dma_start3A_1170 : memref<512xi32, #tpu.memory_space<vmem>>) semaphore(%arg13 : memref<!tpu.dma_semaphore, #tpu.memory_space<semaphore_mem>>)
    %dma_wait3A_1174 = arith.constant 22528 : i32
    %dma_wait3A_1175 = tpu.memref_slice %arg5[%dma_wait3A_1174] : memref<25600xi32, #tpu.memory_space<vmem>> -> memref<512xi32, #tpu.memory_space<vmem>>
    %dma_wait3A_1176 = arith.constant 0 : i32
    %dma_wait3A_1177 = arith.constant 0 : i32
    %dma_wait3A_1178 = tpu.memref_slice %arg3[%dma_wait3A_1176, %dma_wait3A_1177] : memref<1000000x32xf32, #tpu.memory_space<hbm>> -> memref<1000000x32xf32, #tpu.memory_space<hbm>>
    tpu.wait_indirect_dma semaphore(%arg14 : memref<!tpu.dma_semaphore, #tpu.memory_space<semaphore_mem>>) src(%dma_wait3A_1178 : memref<1000000x32xf32, #tpu.memory_space<hbm>>) dst(%arg8 : memref<512x32xf32, #tpu.memory_space<vmem>>)
    %scan3A_1179 = arith.constant 0 : i32
    %scan3A_1180 = arith.constant 0 : i32
    %scan3A_1181 = arith.constant 512 : i32
    %scan3A_1182 = arith.addi %scan3A_1180, %scan3A_1181 : i32
    %scan3A_1183 = arith.constant 1 : i32
    scf.for %scan3A_1300 = %scan3A_1180 to %scan3A_1182 step %scan3A_1183  : i32 {
      %get3A = arith.index_cast %scan3A_1300 : i32 to index
      %get3A_1301 = arith.constant 0 : index
      %get3A_1302 = tpu.vector_load %arg8[%get3A, %get3A_1301] {strides = array<i32>} : memref<512x32xf32, #tpu.memory_space<vmem>>, vector<1x16xf32>,
      %get3A_1303 = vector.shape_cast %get3A_1302 : vector<1x16xf32> to vector<16xf32>
      %mul3A_1304 = arith.constant 5.65685415 : f32
      %mul3A_1305 = vector.broadcast %mul3A_1304 : f32 to vector<16xf32>
      %mul3A_1306 = arith.mulf %get3A_1303, %mul3A_1305 : vector<16xf32>
      %swap3A = arith.index_cast %scan3A_1300 : i32 to index
      %swap3A_1307 = arith.constant 0 : index
      %swap3A_1308 = tpu.vector_load %arg8[%swap3A, %swap3A_1307] {strides = array<i32>} : memref<512x32xf32, #tpu.memory_space<vmem>>, vector<1x16xf32>,
      %swap3A_1309 = vector.shape_cast %swap3A_1308 : vector<1x16xf32> to vector<16xf32>
      %swap3A_1310 = vector.shape_cast %mul3A_1306 : vector<16xf32> to vector<1x16xf32>
      tpu.vector_store %arg8[%swap3A, %swap3A_1307], %swap3A_1310 {strides = array<i32>} : memref<512x32xf32, #tpu.memory_space<vmem>>, vector<1x16xf32>,
      %get3A_1311 = arith.index_cast %scan3A_1300 : i32 to index
      %get3A_1312 = arith.constant 16 : index
      %get3A_1313 = tpu.vector_load %arg8[%get3A_1311, %get3A_1312] {strides = array<i32>} : memref<512x32xf32, #tpu.memory_space<vmem>>, vector<1x16xf32>,
      %get3A_1314 = vector.shape_cast %get3A_1313 : vector<1x16xf32> to vector<16xf32>
      %mul3A_1315 = arith.constant 5.65685415 : f32
      %mul3A_1316 = vector.broadcast %mul3A_1315 : f32 to vector<16xf32>
      %mul3A_1317 = arith.mulf %get3A_1314, %mul3A_1316 : vector<16xf32>
      %swap3A_1318 = arith.index_cast %scan3A_1300 : i32 to index
      %swap3A_1319 = arith.constant 16 : index
      %swap3A_1320 = tpu.vector_load %arg8[%swap3A_1318, %swap3A_1319] {strides = array<i32>} : memref<512x32xf32, #tpu.memory_space<vmem>>, vector<1x16xf32>,
      %swap3A_1321 = vector.shape_cast %swap3A_1320 : vector<1x16xf32> to vector<16xf32>
      %swap3A_1322 = vector.shape_cast %mul3A_1317 : vector<16xf32> to vector<1x16xf32>
      tpu.vector_store %arg8[%swap3A_1318, %swap3A_1319], %swap3A_1322 {strides = array<i32>} : memref<512x32xf32, #tpu.memory_space<vmem>>, vector<1x16xf32>,
    }
    %scan3A_1184 = arith.constant 512 : i32
    %add3A_1185 = arith.constant 22528 : i32
    %add3A_1186 = arith.addi %mul3A_2, %add3A_1185 : i32
    %dma_start3A_1187 = arith.constant 0 : i32
    %dma_start3A_1188 = tpu.memref_slice %arg4[%add3A_1186, %dma_start3A_1187] : memref<819200x128xf32, #tpu.memory_space<hbm>> -> memref<512x32xf32, #tpu.memory_space<hbm>>
    %dma_start3A_1189 = arith.constant 0 : i32
    %dma_start3A_1190 = tpu.memref_slice %arg4[%add3A_1186, %dma_start3A_1189] : memref<819200x128xf32, #tpu.memory_space<hbm>> -> memref<512x32xf32, #tpu.memory_space<hbm>>
    tpu.enqueue_dma source(%arg8 : memref<512x32xf32, #tpu.memory_space<vmem>>) target(%dma_start3A_1190 : memref<512x32xf32, #tpu.memory_space<hbm>>) target_semaphore(%arg20 : memref<!tpu.dma_semaphore, #tpu.memory_space<semaphore_mem>>)
    %dma_wait3A_1191 = arith.constant 23040 : i32
    %dma_wait3A_1192 = tpu.memref_slice %arg5[%dma_wait3A_1191] : memref<25600xi32, #tpu.memory_space<vmem>> -> memref<512xi32, #tpu.memory_space<vmem>>
    %dma_wait3A_1193 = arith.constant 0 : i32
    %dma_wait3A_1194 = arith.constant 0 : i32
    %dma_wait3A_1195 = tpu.memref_slice %arg3[%dma_wait3A_1193, %dma_wait3A_1194] : memref<1000000x32xf32, #tpu.memory_space<hbm>> -> memref<1000000x32xf32, #tpu.memory_space<hbm>>
    tpu.wait_indirect_dma semaphore(%arg15 : memref<!tpu.dma_semaphore, #tpu.memory_space<semaphore_mem>>) src(%dma_wait3A_1195 : memref<1000000x32xf32, #tpu.memory_space<hbm>>) dst(%arg9 : memref<512x32xf32, #tpu.memory_space<vmem>>)
    %scan3A_1196 = arith.constant 0 : i32
    %scan3A_1197 = arith.constant 0 : i32
    %scan3A_1198 = arith.constant 512 : i32
    %scan3A_1199 = arith.addi %scan3A_1197, %scan3A_1198 : i32
    %scan3A_1200 = arith.constant 1 : i32
    scf.for %scan3A_1300 = %scan3A_1197 to %scan3A_1199 step %scan3A_1200  : i32 {
      %get3A = arith.index_cast %scan3A_1300 : i32 to index
      %get3A_1301 = arith.constant 0 : index
      %get3A_1302 = tpu.vector_load %arg9[%get3A, %get3A_1301] {strides = array<i32>} : memref<512x32xf32, #tpu.memory_space<vmem>>, vector<1x16xf32>,
      %get3A_1303 = vector.shape_cast %get3A_1302 : vector<1x16xf32> to vector<16xf32>
      %mul3A_1304 = arith.constant 5.65685415 : f32
      %mul3A_1305 = vector.broadcast %mul3A_1304 : f32 to vector<16xf32>
      %mul3A_1306 = arith.mulf %get3A_1303, %mul3A_1305 : vector<16xf32>
      %swap3A = arith.index_cast %scan3A_1300 : i32 to index
      %swap3A_1307 = arith.constant 0 : index
      %swap3A_1308 = tpu.vector_load %arg9[%swap3A, %swap3A_1307] {strides = array<i32>} : memref<512x32xf32, #tpu.memory_space<vmem>>, vector<1x16xf32>,
      %swap3A_1309 = vector.shape_cast %swap3A_1308 : vector<1x16xf32> to vector<16xf32>
      %swap3A_1310 = vector.shape_cast %mul3A_1306 : vector<16xf32> to vector<1x16xf32>
      tpu.vector_store %arg9[%swap3A, %swap3A_1307], %swap3A_1310 {strides = array<i32>} : memref<512x32xf32, #tpu.memory_space<vmem>>, vector<1x16xf32>,
      %get3A_1311 = arith.index_cast %scan3A_1300 : i32 to index
      %get3A_1312 = arith.constant 16 : index
      %get3A_1313 = tpu.vector_load %arg9[%get3A_1311, %get3A_1312] {strides = array<i32>} : memref<512x32xf32, #tpu.memory_space<vmem>>, vector<1x16xf32>,
      %get3A_1314 = vector.shape_cast %get3A_1313 : vector<1x16xf32> to vector<16xf32>
      %mul3A_1315 = arith.constant 5.65685415 : f32
      %mul3A_1316 = vector.broadcast %mul3A_1315 : f32 to vector<16xf32>
      %mul3A_1317 = arith.mulf %get3A_1314, %mul3A_1316 : vector<16xf32>
      %swap3A_1318 = arith.index_cast %scan3A_1300 : i32 to index
      %swap3A_1319 = arith.constant 16 : index
      %swap3A_1320 = tpu.vector_load %arg9[%swap3A_1318, %swap3A_1319] {strides = array<i32>} : memref<512x32xf32, #tpu.memory_space<vmem>>, vector<1x16xf32>,
      %swap3A_1321 = vector.shape_cast %swap3A_1320 : vector<1x16xf32> to vector<16xf32>
      %swap3A_1322 = vector.shape_cast %mul3A_1317 : vector<16xf32> to vector<1x16xf32>
      tpu.vector_store %arg9[%swap3A_1318, %swap3A_1319], %swap3A_1322 {strides = array<i32>} : memref<512x32xf32, #tpu.memory_space<vmem>>, vector<1x16xf32>,
    }
    %scan3A_1201 = arith.constant 512 : i32
    %add3A_1202 = arith.constant 23040 : i32
    %add3A_1203 = arith.addi %mul3A_2, %add3A_1202 : i32
    %dma_start3A_1204 = arith.constant 0 : i32
    %dma_start3A_1205 = tpu.memref_slice %arg4[%add3A_1203, %dma_start3A_1204] : memref<819200x128xf32, #tpu.memory_space<hbm>> -> memref<512x32xf32, #tpu.memory_space<hbm>>
    %dma_start3A_1206 = arith.constant 0 : i32
    %dma_start3A_1207 = tpu.memref_slice %arg4[%add3A_1203, %dma_start3A_1206] : memref<819200x128xf32, #tpu.memory_space<hbm>> -> memref<512x32xf32, #tpu.memory_space<hbm>>
    tpu.enqueue_dma source(%arg9 : memref<512x32xf32, #tpu.memory_space<vmem>>) target(%dma_start3A_1207 : memref<512x32xf32, #tpu.memory_space<hbm>>) target_semaphore(%arg21 : memref<!tpu.dma_semaphore, #tpu.memory_space<semaphore_mem>>)
    %dma_wait3A_1208 = arith.constant 23552 : i32
    %dma_wait3A_1209 = tpu.memref_slice %arg5[%dma_wait3A_1208] : memref<25600xi32, #tpu.memory_space<vmem>> -> memref<512xi32, #tpu.memory_space<vmem>>
    %dma_wait3A_1210 = arith.constant 0 : i32
    %dma_wait3A_1211 = arith.constant 0 : i32
    %dma_wait3A_1212 = tpu.memref_slice %arg3[%dma_wait3A_1210, %dma_wait3A_1211] : memref<1000000x32xf32, #tpu.memory_space<hbm>> -> memref<1000000x32xf32, #tpu.memory_space<hbm>>
    tpu.wait_indirect_dma semaphore(%arg16 : memref<!tpu.dma_semaphore, #tpu.memory_space<semaphore_mem>>) src(%dma_wait3A_1212 : memref<1000000x32xf32, #tpu.memory_space<hbm>>) dst(%arg10 : memref<512x32xf32, #tpu.memory_space<vmem>>)
    %scan3A_1213 = arith.constant 0 : i32
    %scan3A_1214 = arith.constant 0 : i32
    %scan3A_1215 = arith.constant 512 : i32
    %scan3A_1216 = arith.addi %scan3A_1214, %scan3A_1215 : i32
    %scan3A_1217 = arith.constant 1 : i32
    scf.for %scan3A_1300 = %scan3A_1214 to %scan3A_1216 step %scan3A_1217  : i32 {
      %get3A = arith.index_cast %scan3A_1300 : i32 to index
      %get3A_1301 = arith.constant 0 : index
      %get3A_1302 = tpu.vector_load %arg10[%get3A, %get3A_1301] {strides = array<i32>} : memref<512x32xf32, #tpu.memory_space<vmem>>, vector<1x16xf32>,
      %get3A_1303 = vector.shape_cast %get3A_1302 : vector<1x16xf32> to vector<16xf32>
      %mul3A_1304 = arith.constant 5.65685415 : f32
      %mul3A_1305 = vector.broadcast %mul3A_1304 : f32 to vector<16xf32>
      %mul3A_1306 = arith.mulf %get3A_1303, %mul3A_1305 : vector<16xf32>
      %swap3A = arith.index_cast %scan3A_1300 : i32 to index
      %swap3A_1307 = arith.constant 0 : index
      %swap3A_1308 = tpu.vector_load %arg10[%swap3A, %swap3A_1307] {strides = array<i32>} : memref<512x32xf32, #tpu.memory_space<vmem>>, vector<1x16xf32>,
      %swap3A_1309 = vector.shape_cast %swap3A_1308 : vector<1x16xf32> to vector<16xf32>
      %swap3A_1310 = vector.shape_cast %mul3A_1306 : vector<16xf32> to vector<1x16xf32>
      tpu.vector_store %arg10[%swap3A, %swap3A_1307], %swap3A_1310 {strides = array<i32>} : memref<512x32xf32, #tpu.memory_space<vmem>>, vector<1x16xf32>,
      %get3A_1311 = arith.index_cast %scan3A_1300 : i32 to index
      %get3A_1312 = arith.constant 16 : index
      %get3A_1313 = tpu.vector_load %arg10[%get3A_1311, %get3A_1312] {strides = array<i32>} : memref<512x32xf32, #tpu.memory_space<vmem>>, vector<1x16xf32>,
      %get3A_1314 = vector.shape_cast %get3A_1313 : vector<1x16xf32> to vector<16xf32>
      %mul3A_1315 = arith.constant 5.65685415 : f32
      %mul3A_1316 = vector.broadcast %mul3A_1315 : f32 to vector<16xf32>
      %mul3A_1317 = arith.mulf %get3A_1314, %mul3A_1316 : vector<16xf32>
      %swap3A_1318 = arith.index_cast %scan3A_1300 : i32 to index
      %swap3A_1319 = arith.constant 16 : index
      %swap3A_1320 = tpu.vector_load %arg10[%swap3A_1318, %swap3A_1319] {strides = array<i32>} : memref<512x32xf32, #tpu.memory_space<vmem>>, vector<1x16xf32>,
      %swap3A_1321 = vector.shape_cast %swap3A_1320 : vector<1x16xf32> to vector<16xf32>
      %swap3A_1322 = vector.shape_cast %mul3A_1317 : vector<16xf32> to vector<1x16xf32>
      tpu.vector_store %arg10[%swap3A_1318, %swap3A_1319], %swap3A_1322 {strides = array<i32>} : memref<512x32xf32, #tpu.memory_space<vmem>>, vector<1x16xf32>,
    }
    %scan3A_1218 = arith.constant 512 : i32
    %add3A_1219 = arith.constant 23552 : i32
    %add3A_1220 = arith.addi %mul3A_2, %add3A_1219 : i32
    %dma_start3A_1221 = arith.constant 0 : i32
    %dma_start3A_1222 = tpu.memref_slice %arg4[%add3A_1220, %dma_start3A_1221] : memref<819200x128xf32, #tpu.memory_space<hbm>> -> memref<512x32xf32, #tpu.memory_space<hbm>>
    %dma_start3A_1223 = arith.constant 0 : i32
    %dma_start3A_1224 = tpu.memref_slice %arg4[%add3A_1220, %dma_start3A_1223] : memref<819200x128xf32, #tpu.memory_space<hbm>> -> memref<512x32xf32, #tpu.memory_space<hbm>>
    tpu.enqueue_dma source(%arg10 : memref<512x32xf32, #tpu.memory_space<vmem>>) target(%dma_start3A_1224 : memref<512x32xf32, #tpu.memory_space<hbm>>) target_semaphore(%arg22 : memref<!tpu.dma_semaphore, #tpu.memory_space<semaphore_mem>>)
    %dma_wait3A_1225 = arith.constant 24064 : i32
    %dma_wait3A_1226 = tpu.memref_slice %arg5[%dma_wait3A_1225] : memref<25600xi32, #tpu.memory_space<vmem>> -> memref<512xi32, #tpu.memory_space<vmem>>
    %dma_wait3A_1227 = arith.constant 0 : i32
    %dma_wait3A_1228 = arith.constant 0 : i32
    %dma_wait3A_1229 = tpu.memref_slice %arg3[%dma_wait3A_1227, %dma_wait3A_1228] : memref<1000000x32xf32, #tpu.memory_space<hbm>> -> memref<1000000x32xf32, #tpu.memory_space<hbm>>
    tpu.wait_indirect_dma semaphore(%arg17 : memref<!tpu.dma_semaphore, #tpu.memory_space<semaphore_mem>>) src(%dma_wait3A_1229 : memref<1000000x32xf32, #tpu.memory_space<hbm>>) dst(%arg11 : memref<512x32xf32, #tpu.memory_space<vmem>>)
    %scan3A_1230 = arith.constant 0 : i32
    %scan3A_1231 = arith.constant 0 : i32
    %scan3A_1232 = arith.constant 512 : i32
    %scan3A_1233 = arith.addi %scan3A_1231, %scan3A_1232 : i32
    %scan3A_1234 = arith.constant 1 : i32
    scf.for %scan3A_1300 = %scan3A_1231 to %scan3A_1233 step %scan3A_1234  : i32 {
      %get3A = arith.index_cast %scan3A_1300 : i32 to index
      %get3A_1301 = arith.constant 0 : index
      %get3A_1302 = tpu.vector_load %arg11[%get3A, %get3A_1301] {strides = array<i32>} : memref<512x32xf32, #tpu.memory_space<vmem>>, vector<1x16xf32>,
      %get3A_1303 = vector.shape_cast %get3A_1302 : vector<1x16xf32> to vector<16xf32>
      %mul3A_1304 = arith.constant 5.65685415 : f32
      %mul3A_1305 = vector.broadcast %mul3A_1304 : f32 to vector<16xf32>
      %mul3A_1306 = arith.mulf %get3A_1303, %mul3A_1305 : vector<16xf32>
      %swap3A = arith.index_cast %scan3A_1300 : i32 to index
      %swap3A_1307 = arith.constant 0 : index
      %swap3A_1308 = tpu.vector_load %arg11[%swap3A, %swap3A_1307] {strides = array<i32>} : memref<512x32xf32, #tpu.memory_space<vmem>>, vector<1x16xf32>,
      %swap3A_1309 = vector.shape_cast %swap3A_1308 : vector<1x16xf32> to vector<16xf32>
      %swap3A_1310 = vector.shape_cast %mul3A_1306 : vector<16xf32> to vector<1x16xf32>
      tpu.vector_store %arg11[%swap3A, %swap3A_1307], %swap3A_1310 {strides = array<i32>} : memref<512x32xf32, #tpu.memory_space<vmem>>, vector<1x16xf32>,
      %get3A_1311 = arith.index_cast %scan3A_1300 : i32 to index
      %get3A_1312 = arith.constant 16 : index
      %get3A_1313 = tpu.vector_load %arg11[%get3A_1311, %get3A_1312] {strides = array<i32>} : memref<512x32xf32, #tpu.memory_space<vmem>>, vector<1x16xf32>,
      %get3A_1314 = vector.shape_cast %get3A_1313 : vector<1x16xf32> to vector<16xf32>
      %mul3A_1315 = arith.constant 5.65685415 : f32
      %mul3A_1316 = vector.broadcast %mul3A_1315 : f32 to vector<16xf32>
      %mul3A_1317 = arith.mulf %get3A_1314, %mul3A_1316 : vector<16xf32>
      %swap3A_1318 = arith.index_cast %scan3A_1300 : i32 to index
      %swap3A_1319 = arith.constant 16 : index
      %swap3A_1320 = tpu.vector_load %arg11[%swap3A_1318, %swap3A_1319] {strides = array<i32>} : memref<512x32xf32, #tpu.memory_space<vmem>>, vector<1x16xf32>,
      %swap3A_1321 = vector.shape_cast %swap3A_1320 : vector<1x16xf32> to vector<16xf32>
      %swap3A_1322 = vector.shape_cast %mul3A_1317 : vector<16xf32> to vector<1x16xf32>
      tpu.vector_store %arg11[%swap3A_1318, %swap3A_1319], %swap3A_1322 {strides = array<i32>} : memref<512x32xf32, #tpu.memory_space<vmem>>, vector<1x16xf32>,
    }
    %scan3A_1235 = arith.constant 512 : i32
    %add3A_1236 = arith.constant 24064 : i32
    %add3A_1237 = arith.addi %mul3A_2, %add3A_1236 : i32
    %dma_start3A_1238 = arith.constant 0 : i32
    %dma_start3A_1239 = tpu.memref_slice %arg4[%add3A_1237, %dma_start3A_1238] : memref<819200x128xf32, #tpu.memory_space<hbm>> -> memref<512x32xf32, #tpu.memory_space<hbm>>
    %dma_start3A_1240 = arith.constant 0 : i32
    %dma_start3A_1241 = tpu.memref_slice %arg4[%add3A_1237, %dma_start3A_1240] : memref<819200x128xf32, #tpu.memory_space<hbm>> -> memref<512x32xf32, #tpu.memory_space<hbm>>
    tpu.enqueue_dma source(%arg11 : memref<512x32xf32, #tpu.memory_space<vmem>>) target(%dma_start3A_1241 : memref<512x32xf32, #tpu.memory_space<hbm>>) target_semaphore(%arg23 : memref<!tpu.dma_semaphore, #tpu.memory_space<semaphore_mem>>)
    %dma_wait3A_1242 = arith.constant 24576 : i32
    %dma_wait3A_1243 = tpu.memref_slice %arg5[%dma_wait3A_1242] : memref<25600xi32, #tpu.memory_space<vmem>> -> memref<512xi32, #tpu.memory_space<vmem>>
    %dma_wait3A_1244 = arith.constant 0 : i32
    %dma_wait3A_1245 = arith.constant 0 : i32
    %dma_wait3A_1246 = tpu.memref_slice %arg3[%dma_wait3A_1244, %dma_wait3A_1245] : memref<1000000x32xf32, #tpu.memory_space<hbm>> -> memref<1000000x32xf32, #tpu.memory_space<hbm>>
    tpu.wait_indirect_dma semaphore(%arg12 : memref<!tpu.dma_semaphore, #tpu.memory_space<semaphore_mem>>) src(%dma_wait3A_1246 : memref<1000000x32xf32, #tpu.memory_space<hbm>>) dst(%arg6 : memref<512x32xf32, #tpu.memory_space<vmem>>)
    %scan3A_1247 = arith.constant 0 : i32
    %scan3A_1248 = arith.constant 0 : i32
    %scan3A_1249 = arith.constant 512 : i32
    %scan3A_1250 = arith.addi %scan3A_1248, %scan3A_1249 : i32
    %scan3A_1251 = arith.constant 1 : i32
    scf.for %scan3A_1300 = %scan3A_1248 to %scan3A_1250 step %scan3A_1251  : i32 {
      %get3A = arith.index_cast %scan3A_1300 : i32 to index
      %get3A_1301 = arith.constant 0 : index
      %get3A_1302 = tpu.vector_load %arg6[%get3A, %get3A_1301] {strides = array<i32>} : memref<512x32xf32, #tpu.memory_space<vmem>>, vector<1x16xf32>,
      %get3A_1303 = vector.shape_cast %get3A_1302 : vector<1x16xf32> to vector<16xf32>
      %mul3A_1304 = arith.constant 5.65685415 : f32
      %mul3A_1305 = vector.broadcast %mul3A_1304 : f32 to vector<16xf32>
      %mul3A_1306 = arith.mulf %get3A_1303, %mul3A_1305 : vector<16xf32>
      %swap3A = arith.index_cast %scan3A_1300 : i32 to index
      %swap3A_1307 = arith.constant 0 : index
      %swap3A_1308 = tpu.vector_load %arg6[%swap3A, %swap3A_1307] {strides = array<i32>} : memref<512x32xf32, #tpu.memory_space<vmem>>, vector<1x16xf32>,
      %swap3A_1309 = vector.shape_cast %swap3A_1308 : vector<1x16xf32> to vector<16xf32>
      %swap3A_1310 = vector.shape_cast %mul3A_1306 : vector<16xf32> to vector<1x16xf32>
      tpu.vector_store %arg6[%swap3A, %swap3A_1307], %swap3A_1310 {strides = array<i32>} : memref<512x32xf32, #tpu.memory_space<vmem>>, vector<1x16xf32>,
      %get3A_1311 = arith.index_cast %scan3A_1300 : i32 to index
      %get3A_1312 = arith.constant 16 : index
      %get3A_1313 = tpu.vector_load %arg6[%get3A_1311, %get3A_1312] {strides = array<i32>} : memref<512x32xf32, #tpu.memory_space<vmem>>, vector<1x16xf32>,
      %get3A_1314 = vector.shape_cast %get3A_1313 : vector<1x16xf32> to vector<16xf32>
      %mul3A_1315 = arith.constant 5.65685415 : f32
      %mul3A_1316 = vector.broadcast %mul3A_1315 : f32 to vector<16xf32>
      %mul3A_1317 = arith.mulf %get3A_1314, %mul3A_1316 : vector<16xf32>
      %swap3A_1318 = arith.index_cast %scan3A_1300 : i32 to index
      %swap3A_1319 = arith.constant 16 : index
      %swap3A_1320 = tpu.vector_load %arg6[%swap3A_1318, %swap3A_1319] {strides = array<i32>} : memref<512x32xf32, #tpu.memory_space<vmem>>, vector<1x16xf32>,
      %swap3A_1321 = vector.shape_cast %swap3A_1320 : vector<1x16xf32> to vector<16xf32>
      %swap3A_1322 = vector.shape_cast %mul3A_1317 : vector<16xf32> to vector<1x16xf32>
      tpu.vector_store %arg6[%swap3A_1318, %swap3A_1319], %swap3A_1322 {strides = array<i32>} : memref<512x32xf32, #tpu.memory_space<vmem>>, vector<1x16xf32>,
    }
    %scan3A_1252 = arith.constant 512 : i32
    %add3A_1253 = arith.constant 24576 : i32
    %add3A_1254 = arith.addi %mul3A_2, %add3A_1253 : i32
    %dma_start3A_1255 = arith.constant 0 : i32
    %dma_start3A_1256 = tpu.memref_slice %arg4[%add3A_1254, %dma_start3A_1255] : memref<819200x128xf32, #tpu.memory_space<hbm>> -> memref<512x32xf32, #tpu.memory_space<hbm>>
    %dma_start3A_1257 = arith.constant 0 : i32
    %dma_start3A_1258 = tpu.memref_slice %arg4[%add3A_1254, %dma_start3A_1257] : memref<819200x128xf32, #tpu.memory_space<hbm>> -> memref<512x32xf32, #tpu.memory_space<hbm>>
    tpu.enqueue_dma source(%arg6 : memref<512x32xf32, #tpu.memory_space<vmem>>) target(%dma_start3A_1258 : memref<512x32xf32, #tpu.memory_space<hbm>>) target_semaphore(%arg18 : memref<!tpu.dma_semaphore, #tpu.memory_space<semaphore_mem>>)
    %dma_wait3A_1259 = arith.constant 25088 : i32
    %dma_wait3A_1260 = tpu.memref_slice %arg5[%dma_wait3A_1259] : memref<25600xi32, #tpu.memory_space<vmem>> -> memref<512xi32, #tpu.memory_space<vmem>>
    %dma_wait3A_1261 = arith.constant 0 : i32
    %dma_wait3A_1262 = arith.constant 0 : i32
    %dma_wait3A_1263 = tpu.memref_slice %arg3[%dma_wait3A_1261, %dma_wait3A_1262] : memref<1000000x32xf32, #tpu.memory_space<hbm>> -> memref<1000000x32xf32, #tpu.memory_space<hbm>>
    tpu.wait_indirect_dma semaphore(%arg13 : memref<!tpu.dma_semaphore, #tpu.memory_space<semaphore_mem>>) src(%dma_wait3A_1263 : memref<1000000x32xf32, #tpu.memory_space<hbm>>) dst(%arg7 : memref<512x32xf32, #tpu.memory_space<vmem>>)
    %scan3A_1264 = arith.constant 0 : i32
    %scan3A_1265 = arith.constant 0 : i32
    %scan3A_1266 = arith.constant 512 : i32
    %scan3A_1267 = arith.addi %scan3A_1265, %scan3A_1266 : i32
    %scan3A_1268 = arith.constant 1 : i32
    scf.for %scan3A_1300 = %scan3A_1265 to %scan3A_1267 step %scan3A_1268  : i32 {
      %get3A = arith.index_cast %scan3A_1300 : i32 to index
      %get3A_1301 = arith.constant 0 : index
      %get3A_1302 = tpu.vector_load %arg7[%get3A, %get3A_1301] {strides = array<i32>} : memref<512x32xf32, #tpu.memory_space<vmem>>, vector<1x16xf32>,
      %get3A_1303 = vector.shape_cast %get3A_1302 : vector<1x16xf32> to vector<16xf32>
      %mul3A_1304 = arith.constant 5.65685415 : f32
      %mul3A_1305 = vector.broadcast %mul3A_1304 : f32 to vector<16xf32>
      %mul3A_1306 = arith.mulf %get3A_1303, %mul3A_1305 : vector<16xf32>
      %swap3A = arith.index_cast %scan3A_1300 : i32 to index
      %swap3A_1307 = arith.constant 0 : index
      %swap3A_1308 = tpu.vector_load %arg7[%swap3A, %swap3A_1307] {strides = array<i32>} : memref<512x32xf32, #tpu.memory_space<vmem>>, vector<1x16xf32>,
      %swap3A_1309 = vector.shape_cast %swap3A_1308 : vector<1x16xf32> to vector<16xf32>
      %swap3A_1310 = vector.shape_cast %mul3A_1306 : vector<16xf32> to vector<1x16xf32>
      tpu.vector_store %arg7[%swap3A, %swap3A_1307], %swap3A_1310 {strides = array<i32>} : memref<512x32xf32, #tpu.memory_space<vmem>>, vector<1x16xf32>,
      %get3A_1311 = arith.index_cast %scan3A_1300 : i32 to index
      %get3A_1312 = arith.constant 16 : index
      %get3A_1313 = tpu.vector_load %arg7[%get3A_1311, %get3A_1312] {strides = array<i32>} : memref<512x32xf32, #tpu.memory_space<vmem>>, vector<1x16xf32>,
      %get3A_1314 = vector.shape_cast %get3A_1313 : vector<1x16xf32> to vector<16xf32>
      %mul3A_1315 = arith.constant 5.65685415 : f32
      %mul3A_1316 = vector.broadcast %mul3A_1315 : f32 to vector<16xf32>
      %mul3A_1317 = arith.mulf %get3A_1314, %mul3A_1316 : vector<16xf32>
      %swap3A_1318 = arith.index_cast %scan3A_1300 : i32 to index
      %swap3A_1319 = arith.constant 16 : index
      %swap3A_1320 = tpu.vector_load %arg7[%swap3A_1318, %swap3A_1319] {strides = array<i32>} : memref<512x32xf32, #tpu.memory_space<vmem>>, vector<1x16xf32>,
      %swap3A_1321 = vector.shape_cast %swap3A_1320 : vector<1x16xf32> to vector<16xf32>
      %swap3A_1322 = vector.shape_cast %mul3A_1317 : vector<16xf32> to vector<1x16xf32>
      tpu.vector_store %arg7[%swap3A_1318, %swap3A_1319], %swap3A_1322 {strides = array<i32>} : memref<512x32xf32, #tpu.memory_space<vmem>>, vector<1x16xf32>,
    }
    %scan3A_1269 = arith.constant 512 : i32
    %add3A_1270 = arith.constant 25088 : i32
    %add3A_1271 = arith.addi %mul3A_2, %add3A_1270 : i32
    %dma_start3A_1272 = arith.constant 0 : i32
    %dma_start3A_1273 = tpu.memref_slice %arg4[%add3A_1271, %dma_start3A_1272] : memref<819200x128xf32, #tpu.memory_space<hbm>> -> memref<512x32xf32, #tpu.memory_space<hbm>>
    %dma_start3A_1274 = arith.constant 0 : i32
    %dma_start3A_1275 = tpu.memref_slice %arg4[%add3A_1271, %dma_start3A_1274] : memref<819200x128xf32, #tpu.memory_space<hbm>> -> memref<512x32xf32, #tpu.memory_space<hbm>>
    tpu.enqueue_dma source(%arg7 : memref<512x32xf32, #tpu.memory_space<vmem>>) target(%dma_start3A_1275 : memref<512x32xf32, #tpu.memory_space<hbm>>) target_semaphore(%arg19 : memref<!tpu.dma_semaphore, #tpu.memory_space<semaphore_mem>>)
    %dma_wait3A_1276 = arith.constant 0 : i32
    %dma_wait3A_1277 = tpu.memref_slice %arg4[%add3A_1254, %dma_wait3A_1276] : memref<819200x128xf32, #tpu.memory_space<hbm>> -> memref<512x32xf32, #tpu.memory_space<hbm>>
    %dma_wait3A_1278 = arith.constant 0 : i32
    %dma_wait3A_1279 = tpu.memref_slice %arg4[%add3A_1254, %dma_wait3A_1278] : memref<819200x128xf32, #tpu.memory_space<hbm>> -> memref<512x32xf32, #tpu.memory_space<hbm>>
    tpu.wait_dma2 semaphore(%arg18 : memref<!tpu.dma_semaphore, #tpu.memory_space<semaphore_mem>>) src(%arg6 : memref<512x32xf32, #tpu.memory_space<vmem>>) dst(%dma_wait3A_1279 : memref<512x32xf32, #tpu.memory_space<hbm>>)
    %dma_wait3A_1280 = arith.constant 0 : i32
    %dma_wait3A_1281 = tpu.memref_slice %arg4[%add3A_1271, %dma_wait3A_1280] : memref<819200x128xf32, #tpu.memory_space<hbm>> -> memref<512x32xf32, #tpu.memory_space<hbm>>
    %dma_wait3A_1282 = arith.constant 0 : i32
    %dma_wait3A_1283 = tpu.memref_slice %arg4[%add3A_1271, %dma_wait3A_1282] : memref<819200x128xf32, #tpu.memory_space<hbm>> -> memref<512x32xf32, #tpu.memory_space<hbm>>
    tpu.wait_dma2 semaphore(%arg19 : memref<!tpu.dma_semaphore, #tpu.memory_space<semaphore_mem>>) src(%arg7 : memref<512x32xf32, #tpu.memory_space<vmem>>) dst(%dma_wait3A_1283 : memref<512x32xf32, #tpu.memory_space<hbm>>)
    %dma_wait3A_1284 = arith.constant 0 : i32
    %dma_wait3A_1285 = tpu.memref_slice %arg4[%add3A_1186, %dma_wait3A_1284] : memref<819200x128xf32, #tpu.memory_space<hbm>> -> memref<512x32xf32, #tpu.memory_space<hbm>>
    %dma_wait3A_1286 = arith.constant 0 : i32
    %dma_wait3A_1287 = tpu.memref_slice %arg4[%add3A_1186, %dma_wait3A_1286] : memref<819200x128xf32, #tpu.memory_space<hbm>> -> memref<512x32xf32, #tpu.memory_space<hbm>>
    tpu.wait_dma2 semaphore(%arg20 : memref<!tpu.dma_semaphore, #tpu.memory_space<semaphore_mem>>) src(%arg8 : memref<512x32xf32, #tpu.memory_space<vmem>>) dst(%dma_wait3A_1287 : memref<512x32xf32, #tpu.memory_space<hbm>>)
    %dma_wait3A_1288 = arith.constant 0 : i32
    %dma_wait3A_1289 = tpu.memref_slice %arg4[%add3A_1203, %dma_wait3A_1288] : memref<819200x128xf32, #tpu.memory_space<hbm>> -> memref<512x32xf32, #tpu.memory_space<hbm>>
    %dma_wait3A_1290 = arith.constant 0 : i32
    %dma_wait3A_1291 = tpu.memref_slice %arg4[%add3A_1203, %dma_wait3A_1290] : memref<819200x128xf32, #tpu.memory_space<hbm>> -> memref<512x32xf32, #tpu.memory_space<hbm>>
    tpu.wait_dma2 semaphore(%arg21 : memref<!tpu.dma_semaphore, #tpu.memory_space<semaphore_mem>>) src(%arg9 : memref<512x32xf32, #tpu.memory_space<vmem>>) dst(%dma_wait3A_1291 : memref<512x32xf32, #tpu.memory_space<hbm>>)
    %dma_wait3A_1292 = arith.constant 0 : i32
    %dma_wait3A_1293 = tpu.memref_slice %arg4[%add3A_1220, %dma_wait3A_1292] : memref<819200x128xf32, #tpu.memory_space<hbm>> -> memref<512x32xf32, #tpu.memory_space<hbm>>
    %dma_wait3A_1294 = arith.constant 0 : i32
    %dma_wait3A_1295 = tpu.memref_slice %arg4[%add3A_1220, %dma_wait3A_1294] : memref<819200x128xf32, #tpu.memory_space<hbm>> -> memref<512x32xf32, #tpu.memory_space<hbm>>
    tpu.wait_dma2 semaphore(%arg22 : memref<!tpu.dma_semaphore, #tpu.memory_space<semaphore_mem>>) src(%arg10 : memref<512x32xf32, #tpu.memory_space<vmem>>) dst(%dma_wait3A_1295 : memref<512x32xf32, #tpu.memory_space<hbm>>)
    %dma_wait3A_1296 = arith.constant 0 : i32
    %dma_wait3A_1297 = tpu.memref_slice %arg4[%add3A_1237, %dma_wait3A_1296] : memref<819200x128xf32, #tpu.memory_space<hbm>> -> memref<512x32xf32, #tpu.memory_space<hbm>>
    %dma_wait3A_1298 = arith.constant 0 : i32
    %dma_wait3A_1299 = tpu.memref_slice %arg4[%add3A_1237, %dma_wait3A_1298] : memref<819200x128xf32, #tpu.memory_space<hbm>> -> memref<512x32xf32, #tpu.memory_space<hbm>>
    tpu.wait_dma2 semaphore(%arg23 : memref<!tpu.dma_semaphore, #tpu.memory_space<semaphore_mem>>) src(%arg11 : memref<512x32xf32, #tpu.memory_space<vmem>>) dst(%dma_wait3A_1299 : memref<512x32xf32, #tpu.memory_space<hbm>>)
    return
  }
}

</mosaic_0001>

<sc_bundles>
// kernel: kernel.3.cloned.1.call-start
scs
__scs_entry_jumppad:
0x0: {  	(pc) =	sbr.rel $0x88, $3  }
0x1: {  	(tag) =	ssettag $0x0;
	lr =	simm.s32 $0x1  }
0x2: {  	[smem:$0x3F9F] =	sst lr;
	_ =	strace $0xD0000000  }
0x3: {  	_ = 	snop  }
0x4: {  	_ = 	snop  }
0x5: {  	_ = 	snop  }
0x6: {  	_ = 	snop  }
0x7: {  	_ = 	snop  }
__scs_overlays_trampoline_lowered:
0x8: {  	[smem:$0x3FAE] =	sst s0  }
0x9: {  	[smem:$0x3FAF] =	sst s1  }
0xa: {  	[smem:$0x3FB0] =	sst s2  }
0xb: {  	[smem:$0x3FB1] =	sst s3  }
0xc: {  	[smem:$0x3FB2] =	sst s4  }
0xd: {  	[smem:$0x3FB3] =	sst s5  }
0xe: {  	[smem:$0x3FB4] =	sst s6  }
0xf: {  	[smem:$0x3FB5] =	sst s7  }
0x10: {  	[smem:$0x3FB6] =	sst s8  }
0x11: {  	[smem:$0x3FB7] =	sst s9;
	s0 =	simm.s32 @!p0 $0x0  }
0x12: {  	s1 =	sld [smem:$0x3F9D];
	s0 =	simm.s32 @p0 $0x1  }
0x13: {  	[smem:$0x3FB8] =	sst s0;
	s0 =	simm.s32 @!p1 $0x0  }
0x14: {  	s2 =	sld [smem:$0x3F9C];
	s0 =	simm.s32 @p1 $0x1  }
0x15: {  	[smem:$0x3FB9] =	sst s0;
	s0 =	simm.s32 @!p2 $0x0  }
0x16: {  	s3 =	sld [smem:$0x3FDB];
	s0 =	simm.s32 @p2 $0x1  }
0x17: {  	s4 =	simm.s32 $0x1BF5;
	[smem:$0x3FBB] =	sst s0  }
0x18: {  	s0 =	sld [smem:$0x3F9E];
	_ =	swait.ge [sflag:s4], $0x0  }
0x19: {  	s7 =	sld [smem:$0x3F9F]  }
0x1a: {  	s8 =	sadd.s32 $0xFFFFE003, lr  }
0x1b: {  	s9 =	sadd.s32 $0xFFFFFEF7, lr;
	s5 =	simm.s32 $0xFFFFFFFF;
	p2 =	slt.u32 s8, $0xFFFFF086  }
0x1c: {  	p1 =	slt.u32 s9, $0xF7A;
	s5 =	simm.s32 @!p2 $0x0  }
0x1d: {  	s5 =	simm.s32 @p1 $0x1;
	p0 =	seq.s32 s7, s2  }
0x1e: {  	s7 =	smul.u32 @!p0 $0xF7A, s2;
	p2 =	seq.s32 @!p0 s5, $0x0  }
0x1f: {  	s9 =	smul.u32 $0xF7A, s1;
	s8 =	simm.s32 @!p0 $0x1BF5;
	p2 =	por !p2, p0  }
0x20: {  	[sflag:s8] =	ssyncset.s32 @!p0 $0xFFFFF086;
	s6 =	sadd.s32 @!p0 s3, s7;
	s7 =	simm.s32 @!p0 $0x108  }
0x21: {  	s3 =	sadd.s32 s3, s9;
	s6 =	sadd.s32 @!p0 $0x88, s6;
	s7 =	simm.s32 @p2 $0x1082  }
0x22: {  	[simem:s7], [sflag:s8] =	dma.local @!p0 [hbm:s6], $0xF7A  }
0x23: {  	s9 =	sor.u32 $0xD0000000, s2;
	s6 =	simm.s32 $0x108;
	_ =	swait.ge @!p0 [sflag:s8], $0x0  }
0x24: {  	s3 =	sadd.s32 $0x88, s3;
	s6 =	simm.s32 @!p1 $0x1082;
	[sflag:s4] =	ssyncset.s32 $0xFFFFF086  }
0x25: {  	[simem:s6], [sflag:s4] =	dma.local [hbm:s3], $0xF7A  }
0x26: {  	[smem:$0x3F9F] =	sst s1;
	(tag) =	ssettag s2;
	_ =	strace s9  }
0x27: {  	s1 =	sld [smem:$0x3FAF]  }
0x28: {  	s2 =	sld [smem:$0x3FB0]  }
0x29: {  	s4 =	sld [smem:$0x3FB2]  }
0x2a: {  	p0 =	seq.s32 s5, $0x0;
	s5 =	sld [smem:$0x3FB3]  }
0x2b: {  	s6 =	sld [smem:$0x3FB4]  }
0x2c: {  	s7 =	sld [smem:$0x3FB5]  }
0x2d: {  	s3 =	simm.s32 $0x108;
	s8 =	sld [smem:$0x3FB6]  }
0x2e: {  	s3 =	simm.s32 @!p0 $0x1082;
	s9 =	sld [smem:$0x3FB7]  }
0x2f: {  	lr =	sadd.s32 s0, s3;
	s0 =	sld [smem:$0x3FAE]  }
0x30: {  	s3 =	sld [smem:$0x3FB1]  }
0x31: {  	[smem:$0x3FBA] =	sst s10  }
0x32: {  	s10 =	sld [smem:$0x3FB8];
	_ =	sdelay $0x3  }
0x33: {  	p0 =	seq.s32 s10, $0x1;
	s10 =	sld [smem:$0x3FBA];
	_ =	sdelay $0x3  }
0x34: {  	[smem:$0x3FBA] =	sst s10  }
0x35: {  	s10 =	sld [smem:$0x3FB9];
	_ =	sdelay $0x3  }
0x36: {  	p1 =	seq.s32 s10, $0x1;
	s10 =	sld [smem:$0x3FBA];
	_ =	sdelay $0x3  }
0x37: {  	[smem:$0x3FBA] =	sst s10  }
0x38: {  	s10 =	sld [smem:$0x3FBB]  }
0x39: {  	_ = 	snop;
	(pc) =	sbr.ind lr, $3  }
0x3a: {  	_ = 	snop  }
0x3b: {  	_ = 	snop  }
0x3c: {  	p2 =	seq.s32 s10, $0x1;
	s10 =	sld [smem:$0x3FBA]  }
0x3d: {  	_ =	shalt  }
0x3e: {  	_ =	shalt  }
0x3f: {  	_ =	shalt  }
0x40: {  	_ =	shalt  }
0x41: {  	_ =	shalt  }
0x42: {  	_ =	shalt  }
0x43: {  	_ =	shalt  }
0x44: {  	_ =	shalt  }
0x45: {  	_ =	shalt  }
0x46: {  	_ =	shalt  }
0x47: {  	_ =	shalt  }
0x48: {  	_ =	shalt  }
0x49: {  	_ =	shalt  }
0x4a: {  	_ =	shalt  }
0x4b: {  	_ =	shalt  }
0x4c: {  	_ =	shalt  }
0x4d: {  	_ =	shalt  }
0x4e: {  	_ =	shalt  }
0x4f: {  	_ =	shalt  }
0x50: {  	_ =	shalt  }
0x51: {  	_ =	shalt  }
0x52: {  	_ =	shalt  }
0x53: {  	_ =	shalt  }
0x54: {  	_ =	shalt  }
0x55: {  	_ =	shalt  }
0x56: {  	_ =	shalt  }
0x57: {  	_ =	shalt  }
0x58: {  	_ =	shalt  }
0x59: {  	_ =	shalt  }
0x5a: {  	_ =	shalt  }
0x5b: {  	_ =	shalt  }
0x5c: {  	_ =	shalt  }
0x5d: {  	_ =	shalt  }
0x5e: {  	_ =	shalt  }
0x5f: {  	_ =	shalt  }
0x60: {  	_ =	shalt  }
0x61: {  	_ =	shalt  }
0x62: {  	_ =	shalt  }
0x63: {  	_ =	shalt  }
0x64: {  	_ =	shalt  }
0x65: {  	_ =	shalt  }
0x66: {  	_ =	shalt  }
0x67: {  	_ =	shalt  }
0x68: {  	_ =	shalt  }
0x69: {  	_ =	shalt  }
0x6a: {  	_ =	shalt  }
0x6b: {  	_ =	shalt  }
0x6c: {  	_ =	shalt  }
0x6d: {  	_ =	shalt  }
0x6e: {  	_ =	shalt  }
0x6f: {  	_ =	shalt  }
0x70: {  	_ =	shalt  }
0x71: {  	_ =	shalt  }
0x72: {  	_ =	shalt  }
0x73: {  	_ =	shalt  }
0x74: {  	_ =	shalt  }
0x75: {  	_ =	shalt  }
0x76: {  	_ =	shalt  }
0x77: {  	_ =	shalt  }
0x78: {  	_ =	shalt  }
0x79: {  	_ =	shalt  }
0x7a: {  	_ =	shalt  }
0x7b: {  	_ =	shalt  }
0x7c: {  	_ =	shalt  }
0x7d: {  	_ =	shalt  }
0x7e: {  	_ =	shalt  }
0x7f: {  	_ =	shalt  }
0x80: {  	_ =	shalt  }
0x81: {  	_ =	shalt  }
0x82: {  	_ =	shalt  }
0x83: {  	_ =	shalt  }
0x84: {  	_ =	shalt  }
0x85: {  	_ =	shalt  }
0x86: {  	_ =	shalt  }
0x87: {  	_ =	shalt  }
.Lfunc_end0:
.L_simem_size_0:
called_computation.1_lowered:
.L_overlay_start_0:
0x88: {  	s2 =	sld [smem:$0x3FD9]  }
0x89: {  	s3 =	sld [smem:$0x3FFE];
	_ =	sdelay $0x1  }
0x8a: {  	s1 =	srdreg.scid  }
0x8b: {  	s0 =	sand.u32 $0x1, s1  }
0x8c: {  	s17 =	sshll.u32 s0, $0xA;
	s2 =	sadd.s32 s3, s2  }
0x8d: {  	s2 =	sadd.s32 s2, s17  }
0x8e: {  	[smem:$0x3FC6] =	sst s2  }
0x8f: {  	_ = 	snop  }
0x90: {  	s2 =	sld [smem:$0x3FD0];
	(tm) =	ssettm $0x1  }
0x91: {  	s18 =	sld [smem:$0x3FFB];
	_ =	sdelay $0x3  }
0x92: {  	_ =	strace s18  }
0x93: {  	s3 =	sld [smem:$0x3FFC];
	_ =	sdelay $0x3  }
0x94: {  	_ =	strace s3  }
0x95: {  	s3 =	sld [smem:$0x3FFD];
	_ =	sdelay $0x3  }
0x96: {  	_ =	strace s3  }
0x97: {  	_ =	strace $0x8FFFFFFF  }
0x98: {  	s19 =	sld [smem:$0x3FDB];
	_ =	sdelay $0x1  }
0x99: {  	s4 =	simm.s32 $_scs_section_size  }
0x9a: {  	s5 =	simm.s32 $_size__tile_overlayer_lowered;
	s6 =	simm.s32 $_tile_overlayer_lowered  }
0x9b: {  	s22 =	simm.s32 $0x1BFF;
	s21 =	sshll.u32 s6, $0x1;
	s3 =	sadd.s32 s4, s19  }
0x9c: {  	s7 =	simm.s32 $0x0;
	s20 =	sshll.u32 s5, $0x1;
	s5 =	sadd.s32 s21, s3  }
0x9d: {  	[timem:s7], [sflag:s22] =	dma.local [hbm:s5], s20  }
0x9e: {  	_ =	swait.ge [sflag:s22], s20  }
0x9f: {  	s4 =	ssub.s32 $0x0, s20;
	[sflag:s22] =	ssyncset.done $0x0  }
0xa0: {  	[sflag:s22] =	ssyncadd.s32 s4;
	_ =	sdelay $0x1  }
0xa1: {  	s23 =	simm.s32 $0x1B8B  }
0xa2: {  	_ =	swait.ge [sflag:s23], $0x1  }
0xa3: {  	[sflag:s23] =	ssyncset.done $0x0  }
0xa4: {  	s25 =	simm.s32 $0x1B8E;
	s24 =	sld [smem:$0x3FFE];
	[sflag:s23] =	ssyncadd.s32 $0xFFFFFFFF  }
0xa5: {  	s26 =	simm.s32 $execute0_lowered;
	[smem:$0x3FD2] =	sst s25  }
0xa6: {  	s5 =	sshll.u32 s26, $0x1;
	_ =	strace $0x80000046;
	[dreg:$0x1] =	wrdreg $0xFFFFFFFF  }
0xa7: {  	s28 =	simm.s32 $_size_execute0_lowered;
	s3 =	sadd.s32 s3, s5;
	[dreg:$0x0] =	wrdreg $0x0  }
0xa8: {  	s5 =	sshll.u32 s28, $0x1;
	[dreg:$0x2] =	wrdreg s3  }
0xa9: {  	[dreg:$0x3] =	wrdreg s5  }
0xaa: {  	[dreg:$0x4] =	wrdreg $0xC0  }
0xab: {  	_ =	task [dreg:s7], $0x5FFFF  }
0xac: {  	[dreg:$0x1] =	wrdreg $0xFFFFFFFF  }
0xad: {  	[dreg:$0x0] =	wrdreg $0x60  }
0xae: {  	[dreg:$0x2] =	wrdreg s2  }
0xaf: {  	[dreg:$0x3] =	wrdreg s24  }
0xb0: {  	[dreg:$0x4] =	wrdreg $0x9  }
0xb1: {  	_ =	task.clear_ibuf [dreg:s7], $0x5FFFF;
	_ =	strace $0x90000046  }
0xb2: {  	s29 =	simm.s32 $0x9;
	_ =	strace $0x80000048  }
0xb3: {  	_ =	swait.ge [sflag:s29], $0x1  }
0xb4: {  	[sflag:s29] =	ssyncadd.s32 $0xFFFFFFFF  }
0xb5: {  	_ =	strace $0x90000048  }
0xb6: {  	_ =	sfence  }
0xb7: {  	s30 =	sld [smem:$0x0];
	_ =	sdelay $0x2  }
0xb8: {  	s31 =	sshll.u32 s1, $0xD;
	s1 =	sshrl.u32 s1, $0x2  }
0xb9: {  	s3 =	sand.u32 $0x4000, s31;
	s1 =	sadd.s32 s1, s30  }
0xba: {  	s0 =	sor.u32 s3, s0;
	s1 =	sshll.u32 s1, $0x11  }
0xbb: {  	s0 =	sor.u32 s1, s0  }
0xbc: {  	s0 =	sadd.s32 $0x8F2B, s0  }
0xbd: {  	[sflag:s0] =	ssyncadd.remote.s32 $0x1  }
0xbe: {  	_ =	sfence.sel $0xFFFF  }
0xbf: {  	[dreg:$0x0] =	wrdreg $0xFFFFFFFF;
	(pc) =	sbr.abs _section_cstart, $3  }
0xc0: {  	[dreg:$0x1] =	wrdreg $0xFFFFFFFF  }
0xc1: {  	_ =	task.clear_ibuf [dreg:s7], $0x2FFFF;
	_ =	strace $0x9FFFFFFF  }
0xc2: {  	(tm) =	ssettm $0x7FFFFFFF  }
0xc3: {  	_ =	shalt  }
tec
execute0_lowered:
.L_overlay_start_1:
0x0: {  	(tag) =	ssettag $0x1  }
0x1: {  	s2 =	srdreg.scid;
	s3 =	stileid.u32  }
0x2: {  	s0 =	rddreg [dreg:$0x0];
	s2 =	sand.u32 $0x1, s2;
	s3 =	sshll.u32 s3, $0x1  }
0x3: {  	s1 =	rddreg [dreg:$0x1];
	s4 =	simm.s32 $0x0;
	s3 =	sor.u32 s2, s3  }
0x4: {  	[smem:$0x7FF] =	sst s4;
	s2 =	ssub.s32 $0x2, s2;
	s23 =	smul.u32 $0x320000, s3  }
0x5: {  	s5 =	sadd.s32 $0xA00, s1;
	s6 =	smul.u32 $0xC80, s3;
	s7 =	sshrl.u32 s2, $0x1  }
0x6: {  	s8 =	smul.u32 $0x64000, s3;
	s3 =	sadd.s32 $0xF42E00, s1;
	s4 =	sshrl.u32 s23, $0x3  }
0x7: {  	s1 =	ssub.s32 s2, s7;
	s0 =	sadd.s32 s0, s6;
	s2 =	sadd.s32 s5, s4  }
0x8: {  	_ =	strace $0x80000047;
	[dreg:$0x3] =	wrdreg s0;
	s24 =	sadd.s32 $0x4000, s2  }
0x9: {  	s25 =	sadd.s32 $0x6000, s2;
	[dreg:$0x4] =	wrdreg s24  }
0xa: {  	s26 =	sadd.s32 $0x8000, s2;
	[dreg:$0x5] =	wrdreg s25  }
0xb: {  	s4 =	sadd.s32 $0xA000, s2;
	[dreg:$0x6] =	wrdreg s26  }
0xc: {  	s6 =	sadd.s32 $0xC000, s2;
	[dreg:$0x7] =	wrdreg s4  }
0xd: {  	s7 =	sadd.s32 $0xE000, s2;
	[dreg:$0x8] =	wrdreg s6  }
0xe: {  	s5 =	sadd.s32 s5, s8;
	s8 =	sadd.s32 $0x10000, s2;
	[dreg:$0x9] =	wrdreg s7  }
0xf: {  	s9 =	sadd.s32 $0x12000, s2;
	[dreg:$0xa] =	wrdreg s8  }
0x10: {  	s10 =	sadd.s32 $0x14000, s2;
	[dreg:$0xb] =	wrdreg s9  }
0x11: {  	s11 =	sadd.s32 $0x16000, s2;
	[dreg:$0xc] =	wrdreg s10  }
0x12: {  	s12 =	sadd.s32 $0x18000, s2;
	[dreg:$0xd] =	wrdreg s11  }
0x13: {  	s13 =	sadd.s32 $0x1A000, s2;
	[dreg:$0xe] =	wrdreg s12  }
0x14: {  	s14 =	sadd.s32 $0x1C000, s2;
	[dreg:$0xf] =	wrdreg s13  }
0x15: {  	s15 =	sadd.s32 $0x1E000, s2;
	[dreg:$0x10] =	wrdreg s14  }
0x16: {  	s16 =	sadd.s32 $0x20000, s2;
	[dreg:$0x11] =	wrdreg s15  }
0x17: {  	s17 =	sadd.s32 $0x22000, s2;
	[dreg:$0x12] =	wrdreg s16  }
0x18: {  	s18 =	sadd.s32 $0x24000, s2;
	[dreg:$0x13] =	wrdreg s17  }
0x19: {  	s19 =	sadd.s32 $0x26000, s2;
	[dreg:$0x14] =	wrdreg s18  }
0x1a: {  	s20 =	sadd.s32 $0x28000, s2;
	[dreg:$0x15] =	wrdreg s19  }
0x1b: {  	s21 =	sadd.s32 $0x2A000, s2;
	[dreg:$0x16] =	wrdreg s20  }
0x1c: {  	s22 =	sadd.s32 $0x2C000, s2;
	[dreg:$0x17] =	wrdreg s21  }
0x1d: {  	s23 =	sadd.s32 $0x2E000, s2;
	[dreg:$0x18] =	wrdreg s22  }
0x1e: {  	[dreg:$0x19] =	wrdreg s23;
	s24 =	sadd.s32 $0x30000, s2  }
0x1f: {  	s25 =	sadd.s32 $0x32000, s2;
	[dreg:$0x1a] =	wrdreg s24  }
0x20: {  	s26 =	sadd.s32 $0x34000, s2;
	[dreg:$0x1b] =	wrdreg s25  }
0x21: {  	s4 =	sadd.s32 $0x36000, s2;
	[dreg:$0x1c] =	wrdreg s26  }
0x22: {  	s6 =	sadd.s32 $0x38000, s2;
	[dreg:$0x1d] =	wrdreg s4  }
0x23: {  	s7 =	sadd.s32 $0x3A000, s2;
	[dreg:$0x1e] =	wrdreg s6  }
0x24: {  	s8 =	sadd.s32 $0x3C000, s2;
	[dreg:$0x1f] =	wrdreg s7  }
0x25: {  	s9 =	sadd.s32 $0x3E000, s2;
	[smem:$0x7EB] =	sst s8  }
0x26: {  	s10 =	sadd.s32 $0x40000, s2;
	[smem:$0x7EC] =	sst s9  }
0x27: {  	s11 =	sadd.s32 $0x42000, s2;
	[smem:$0x7ED] =	sst s10  }
0x28: {  	s12 =	sadd.s32 $0x44000, s2;
	[smem:$0x7EE] =	sst s11  }
0x29: {  	s13 =	sadd.s32 $0x46000, s2;
	[smem:$0x7EF] =	sst s12  }
0x2a: {  	s14 =	sadd.s32 $0x48000, s2;
	[smem:$0x7F0] =	sst s13  }
0x2b: {  	s15 =	sadd.s32 $0x4A000, s2;
	[smem:$0x7F1] =	sst s14  }
0x2c: {  	s16 =	sadd.s32 $0x4C000, s2;
	[smem:$0x7F2] =	sst s15  }
0x2d: {  	s17 =	sadd.s32 $0x4E000, s2;
	[smem:$0x7F3] =	sst s16  }
0x2e: {  	s18 =	sadd.s32 $0x50000, s2;
	[smem:$0x7F4] =	sst s17  }
0x2f: {  	s19 =	sadd.s32 $0x52000, s2;
	[smem:$0x7F5] =	sst s18  }
0x30: {  	s20 =	sadd.s32 $0x54000, s2;
	[smem:$0x7F6] =	sst s19  }
0x31: {  	s28 =	simm.s32 $0xD;
	s21 =	sadd.s32 $0x56000, s2;
	[smem:$0x7F7] =	sst s20  }
0x32: {  	s29 =	simm.s32 $0x200;
	s22 =	sadd.s32 $0x58000, s2;
	[smem:$0x7F8] =	sst s21  }
0x33: {  	s30 =	simm.s32 $0x6400;
	s23 =	sadd.s32 $0x5A000, s2;
	[smem:$0x7F9] =	sst s22  }
0x34: {  	s31 =	simm.s32 $0xA400;
	s0 =	simm.s32 $0xE400;
	[smem:$0x7FA] =	sst s23  }
0x35: {  	s24 =	sadd.s32 $0x5C000, s2;
	s25 =	sadd.s32 $0x5E000, s2;
	s26 =	sadd.s32 $0x60000, s2  }
0x36: {  	s4 =	simm.s32 $0x1A400;
	s6 =	simm.s32 $0x1;
	s7 =	simm.s32 $0x20  }
0x37: {  	s8 =	simm.s32 $0x80;
	s9 =	simm.s32 $0x7;
	s10 =	simm.s32 $0x2  }
0x38: {  	s11 =	simm.s32 $0x8;
	s12 =	simm.s32 $0x3;
	s13 =	simm.s32 $0x9  }
0x39: {  	s14 =	simm.s32 $0x4;
	s15 =	simm.s32 $0xA;
	s16 =	simm.s32 $0x5  }
0x3a: {  	s17 =	simm.s32 $0xB;
	s18 =	simm.s32 $0x6;
	[smem:$0x7FB] =	sst s24  }
0x3b: {  	s19 =	simm.s32 $0xC;
	s20 =	simm.s32 $0x0;
	[smem:$0x7FC] =	sst s25  }
0x3c: {  	[smem:$0x7FD] =	sst s26;
	s24 =	sadd.s32 $0x62000, s2;
	s25 =	smax.u32 s1, $0x1  }
0x3d: {  	s26 =	sadd.s32 $0x2000, s5;
	s1 =	simm.s32 $0x12400;
	s2 =	simm.s32 $0x16400  }
.LBB2_1:
0x3e: {  	s21 =	simm.s32 $0x0;
	s22 =	rddreg [dreg:$0x3]  }
0x3f: {  	[tilespmem:s21], [sflag:$0xD] =	stream.linear.gather [hbm4b:s22+s21], $0x6400, $0x38;
	[tilespmem:$0x1E400] =	vst v63  }
0x40: {  	_ =	swait.ge [sflag:s28], $0x6400  }
0x41: {  	[sflag:s28] =	ssyncset.done $0x0  }
0x42: {  	[sflag:s28] =	ssyncadd.s32 $0xFFFF9C00  }
0x43: {  	[tilespmem:s30], [sflag:$0x1] =	stream.indirect.gather [hbm4b:s3+s29], $0x20, s21, s29, $0xb8;
	[tilespmem:$0x1E400] =	vst v63  }
0x44: {  	_ = 	snop  }
0x45: {  	[tilespmem:s31], [sflag:$0x2] =	stream.indirect.gather [hbm4b:s3+s29], $0x20, s29, s29, $0xb8;
	[tilespmem:$0x1E400] =	vst v63  }
0x46: {  	s22 =	simm.s32 $0x400  }
0x47: {  	[tilespmem:s0], [sflag:$0x3] =	stream.indirect.gather [hbm4b:s3+s29], $0x20, s22, s29, $0xb8;
	[tilespmem:$0x1E400] =	vst v63  }
0x48: {  	s23 =	simm.s32 $0x600  }
0x49: {  	[tilespmem:s1], [sflag:$0x4] =	stream.indirect.gather [hbm4b:s3+s29], $0x20, s23, s29, $0xb8;
	[tilespmem:$0x1E400] =	vst v63  }
0x4a: {  	s22 =	simm.s32 $0x800  }
0x4b: {  	[tilespmem:s2], [sflag:$0x5] =	stream.indirect.gather [hbm4b:s3+s29], $0x20, s22, s29, $0xb8;
	[tilespmem:$0x1E400] =	vst v63  }
0x4c: {  	s23 =	simm.s32 $0xA00  }
0x4d: {  	[tilespmem:s4], [sflag:$0x6] =	stream.indirect.gather [hbm4b:s3+s29], $0x20, s23, s29, $0xb8;
	[tilespmem:$0x1E400] =	vst v63  }
0x4e: {  	_ =	swait.ge [sflag:s6], $0x4000  }
0x4f: {  	[sflag:s6] =	ssyncset.done $0x0  }
0x50: {  	s21 =	simm.s32 $0x0;
	[sflag:s6] =	ssyncadd.s32 $0xFFFFC000  }
0x51: {  	s22 =	simm.s32 $0x80;
	v0 =	vld [tilespmem:s21+$0x6400]  }
.LBB2_2:
0x52: {  	p0 =	sne.s32 s22, $0xFF80;
	v1 =	vld [tilespmem:s21+$0x6410];
	_ =	sdelay $0x2  }
.Ltmp0:
0x53: {  	(pc) =	sbr.rel @p0 .LBB2_2-.Ltmp0, $4  }
0x54: {  	v0 =	vmul.f32 $5.656854150e+00, v0  }
0x55: {  	v1 =	vmul.f32 $5.656854150e+00, v1  }
0x56: {  	s23 =	sshra.s32 s22, $0x2;
	[tilespmem:s21+$0x6400] =	vst v0  }
0x57: {  	s22 =	sadd.s32 $0x80, s22;
	v0 =	vld [tilespmem:s23+$0x6400];
	[tilespmem:s21+$0x6410] =	vst v1;
	s21 =	smov.u32 s23  }
0x58: {  	v1 =	vld [tilespmem:s21+$0x6410];
	_ =	sdelay $0x3  }
0x59: {  	v0 =	vmul.f32 $5.656854150e+00, v0  }
0x5a: {  	v1 =	vmul.f32 $5.656854150e+00, v1  }
0x5b: {  	[tilespmem:s21+$0x6400] =	vst v0  }
0x5c: {  	[tilespmem:s21+$0x6410] =	vst v1  }
0x5d: {  	[hbm4b:s5+s7] =	stream.strided.scatter [tilespmem:s30], [sflag:$0x7], $0x4000, s8, s7, $0x38;
	[tilespmem:$0x1E400] =	vst v63  }
0x5e: {  	_ =	swait.ge [sflag:s9], $0x4000  }
0x5f: {  	[sflag:s9] =	ssyncset.done $0x0  }
0x60: {  	s23 =	simm.s32 $0xC00;
	[sflag:s9] =	ssyncadd.s32 $0xFFFFC000  }
0x61: {  	[tilespmem:s30], [sflag:$0x1] =	stream.indirect.gather [hbm4b:s3+s29], $0x20, s23, s29, $0xb8;
	[tilespmem:$0x1E400] =	vst v63  }
0x62: {  	_ =	swait.ge [sflag:s10], $0x4000  }
0x63: {  	[sflag:s10] =	ssyncset.done $0x0  }
0x64: {  	s21 =	simm.s32 $0x0;
	[sflag:s10] =	ssyncadd.s32 $0xFFFFC000  }
0x65: {  	s22 =	simm.s32 $0x80;
	v0 =	vld [tilespmem:s21+$0xA400]  }
.LBB2_4:
0x66: {  	p0 =	sne.s32 s22, $0xFF80;
	v1 =	vld [tilespmem:s21+$0xA410];
	_ =	sdelay $0x2  }
.Ltmp1:
0x67: {  	(pc) =	sbr.rel @p0 .LBB2_4-.Ltmp1, $4  }
0x68: {  	v0 =	vmul.f32 $5.656854150e+00, v0  }
0x69: {  	v1 =	vmul.f32 $5.656854150e+00, v1  }
0x6a: {  	s23 =	sshra.s32 s22, $0x2;
	[tilespmem:s21+$0xA400] =	vst v0  }
0x6b: {  	s22 =	sadd.s32 $0x80, s22;
	v0 =	vld [tilespmem:s23+$0xA400];
	[tilespmem:s21+$0xA410] =	vst v1;
	s21 =	smov.u32 s23  }
0x6c: {  	v1 =	vld [tilespmem:s21+$0xA410];
	_ =	sdelay $0x3  }
0x6d: {  	v0 =	vmul.f32 $5.656854150e+00, v0  }
0x6e: {  	v1 =	vmul.f32 $5.656854150e+00, v1  }
0x6f: {  	[tilespmem:s21+$0xA400] =	vst v0  }
0x70: {  	[tilespmem:s21+$0xA410] =	vst v1  }
0x71: {  	[hbm4b:s26+s7] =	stream.strided.scatter [tilespmem:s31], [sflag:$0x8], $0x4000, s8, s7, $0x38;
	[tilespmem:$0x1E400] =	vst v63  }
0x72: {  	_ =	swait.ge [sflag:s11], $0x4000  }
0x73: {  	[sflag:s11] =	ssyncset.done $0x0  }
0x74: {  	s23 =	simm.s32 $0xE00;
	[sflag:s11] =	ssyncadd.s32 $0xFFFFC000  }
0x75: {  	[tilespmem:s31], [sflag:$0x2] =	stream.indirect.gather [hbm4b:s3+s29], $0x20, s23, s29, $0xb8;
	[tilespmem:$0x1E400] =	vst v63  }
0x76: {  	_ =	swait.ge [sflag:s12], $0x4000  }
0x77: {  	[sflag:s12] =	ssyncset.done $0x0  }
0x78: {  	s21 =	simm.s32 $0x0;
	[sflag:s12] =	ssyncadd.s32 $0xFFFFC000  }
0x79: {  	s22 =	simm.s32 $0x80;
	v0 =	vld [tilespmem:s21+$0xE400]  }
.LBB2_6:
0x7a: {  	p0 =	sne.s32 s22, $0xFF80;
	v1 =	vld [tilespmem:s21+$0xE410];
	_ =	sdelay $0x2  }
.Ltmp2:
0x7b: {  	(pc) =	sbr.rel @p0 .LBB2_6-.Ltmp2, $4  }
0x7c: {  	v0 =	vmul.f32 $5.656854150e+00, v0  }
0x7d: {  	v1 =	vmul.f32 $5.656854150e+00, v1  }
0x7e: {  	s23 =	sshra.s32 s22, $0x2;
	[tilespmem:s21+$0xE400] =	vst v0  }
0x7f: {  	s22 =	sadd.s32 $0x80, s22;
	v0 =	vld [tilespmem:s23+$0xE400];
	[tilespmem:s21+$0xE410] =	vst v1;
	s21 =	smov.u32 s23  }
0x80: {  	v1 =	vld [tilespmem:s21+$0xE410];
	_ =	sdelay $0x3  }
0x81: {  	v0 =	vmul.f32 $5.656854150e+00, v0  }
0x82: {  	v1 =	vmul.f32 $5.656854150e+00, v1  }
0x83: {  	[tilespmem:s21+$0xE400] =	vst v0  }
0x84: {  	s22 =	rddreg [dreg:$0x4];
	[tilespmem:s21+$0xE410] =	vst v1  }
0x85: {  	[hbm4b:s22+s7] =	stream.strided.scatter [tilespmem:s0], [sflag:$0x9], $0x4000, s8, s7, $0x38;
	[tilespmem:$0x1E400] =	vst v63  }
0x86: {  	_ =	swait.ge [sflag:s13], $0x4000  }
0x87: {  	[sflag:s13] =	ssyncset.done $0x0  }
0x88: {  	s23 =	simm.s32 $0x1000;
	[sflag:s13] =	ssyncadd.s32 $0xFFFFC000  }
0x89: {  	[tilespmem:s0], [sflag:$0x3] =	stream.indirect.gather [hbm4b:s3+s29], $0x20, s23, s29, $0xb8;
	[tilespmem:$0x1E400] =	vst v63  }
0x8a: {  	_ =	swait.ge [sflag:s14], $0x4000  }
0x8b: {  	[sflag:s14] =	ssyncset.done $0x0  }
0x8c: {  	s21 =	simm.s32 $0x0;
	[sflag:s14] =	ssyncadd.s32 $0xFFFFC000  }
0x8d: {  	s22 =	simm.s32 $0x80;
	v0 =	vld [tilespmem:s21+$0x12400]  }
.LBB2_8:
0x8e: {  	p0 =	sne.s32 s22, $0xFF80;
	v1 =	vld [tilespmem:s21+$0x12410];
	_ =	sdelay $0x2  }
.Ltmp3:
0x8f: {  	(pc) =	sbr.rel @p0 .LBB2_8-.Ltmp3, $4  }
0x90: {  	v0 =	vmul.f32 $5.656854150e+00, v0  }
0x91: {  	v1 =	vmul.f32 $5.656854150e+00, v1  }
0x92: {  	s23 =	sshra.s32 s22, $0x2;
	[tilespmem:s21+$0x12400] =	vst v0  }
0x93: {  	s22 =	sadd.s32 $0x80, s22;
	v0 =	vld [tilespmem:s23+$0x12400];
	[tilespmem:s21+$0x12410] =	vst v1;
	s21 =	smov.u32 s23  }
0x94: {  	v1 =	vld [tilespmem:s21+$0x12410];
	_ =	sdelay $0x3  }
0x95: {  	v0 =	vmul.f32 $5.656854150e+00, v0  }
0x96: {  	v1 =	vmul.f32 $5.656854150e+00, v1  }
0x97: {  	[tilespmem:s21+$0x12400] =	vst v0  }
0x98: {  	s22 =	rddreg [dreg:$0x5];
	[tilespmem:s21+$0x12410] =	vst v1  }
0x99: {  	[hbm4b:s22+s7] =	stream.strided.scatter [tilespmem:s1], [sflag:$0xA], $0x4000, s8, s7, $0x38;
	[tilespmem:$0x1E400] =	vst v63  }
0x9a: {  	_ =	swait.ge [sflag:s15], $0x4000  }
0x9b: {  	[sflag:s15] =	ssyncset.done $0x0  }
0x9c: {  	s23 =	simm.s32 $0x1200;
	[sflag:s15] =	ssyncadd.s32 $0xFFFFC000  }
0x9d: {  	[tilespmem:s1], [sflag:$0x4] =	stream.indirect.gather [hbm4b:s3+s29], $0x20, s23, s29, $0xb8;
	[tilespmem:$0x1E400] =	vst v63  }
0x9e: {  	_ =	swait.ge [sflag:s16], $0x4000  }
0x9f: {  	[sflag:s16] =	ssyncset.done $0x0  }
0xa0: {  	s21 =	simm.s32 $0x0;
	[sflag:s16] =	ssyncadd.s32 $0xFFFFC000  }
0xa1: {  	s22 =	simm.s32 $0x80;
	v0 =	vld [tilespmem:s21+$0x16400]  }
.LBB2_10:
0xa2: {  	p0 =	sne.s32 s22, $0xFF80;
	v1 =	vld [tilespmem:s21+$0x16410];
	_ =	sdelay $0x2  }
.Ltmp4:
0xa3: {  	(pc) =	sbr.rel @p0 .LBB2_10-.Ltmp4, $4  }
0xa4: {  	v0 =	vmul.f32 $5.656854150e+00, v0  }
0xa5: {  	v1 =	vmul.f32 $5.656854150e+00, v1  }
0xa6: {  	s23 =	sshra.s32 s22, $0x2;
	[tilespmem:s21+$0x16400] =	vst v0  }
0xa7: {  	s22 =	sadd.s32 $0x80, s22;
	v0 =	vld [tilespmem:s23+$0x16400];
	[tilespmem:s21+$0x16410] =	vst v1;
	s21 =	smov.u32 s23  }
0xa8: {  	v1 =	vld [tilespmem:s21+$0x16410];
	_ =	sdelay $0x3  }
0xa9: {  	v0 =	vmul.f32 $5.656854150e+00, v0  }
0xaa: {  	v1 =	vmul.f32 $5.656854150e+00, v1  }
0xab: {  	[tilespmem:s21+$0x16400] =	vst v0  }
0xac: {  	s22 =	rddreg [dreg:$0x6];
	[tilespmem:s21+$0x16410] =	vst v1  }
0xad: {  	[hbm4b:s22+s7] =	stream.strided.scatter [tilespmem:s2], [sflag:$0xB], $0x4000, s8, s7, $0x38;
	[tilespmem:$0x1E400] =	vst v63  }
0xae: {  	_ =	swait.ge [sflag:s17], $0x4000  }
0xaf: {  	[sflag:s17] =	ssyncset.done $0x0  }
0xb0: {  	s23 =	simm.s32 $0x1400;
	[sflag:s17] =	ssyncadd.s32 $0xFFFFC000  }
0xb1: {  	[tilespmem:s2], [sflag:$0x5] =	stream.indirect.gather [hbm4b:s3+s29], $0x20, s23, s29, $0xb8;
	[tilespmem:$0x1E400] =	vst v63  }
0xb2: {  	_ =	swait.ge [sflag:s18], $0x4000  }
0xb3: {  	[sflag:s18] =	ssyncset.done $0x0  }
0xb4: {  	s21 =	simm.s32 $0x0;
	[sflag:s18] =	ssyncadd.s32 $0xFFFFC000  }
0xb5: {  	s22 =	simm.s32 $0x80;
	v0 =	vld [tilespmem:s21+$0x1A400]  }
.LBB2_12:
0xb6: {  	p0 =	sne.s32 s22, $0xFF80;
	v1 =	vld [tilespmem:s21+$0x1A410];
	_ =	sdelay $0x2  }
.Ltmp5:
0xb7: {  	(pc) =	sbr.rel @p0 .LBB2_12-.Ltmp5, $4  }
0xb8: {  	v0 =	vmul.f32 $5.656854150e+00, v0  }
0xb9: {  	v1 =	vmul.f32 $5.656854150e+00, v1  }
0xba: {  	s23 =	sshra.s32 s22, $0x2;
	[tilespmem:s21+$0x1A400] =	vst v0  }
0xbb: {  	s22 =	sadd.s32 $0x80, s22;
	v0 =	vld [tilespmem:s23+$0x1A400];
	[tilespmem:s21+$0x1A410] =	vst v1;
	s21 =	smov.u32 s23  }
0xbc: {  	v1 =	vld [tilespmem:s21+$0x1A410];
	_ =	sdelay $0x3  }
0xbd: {  	v0 =	vmul.f32 $5.656854150e+00, v0  }
0xbe: {  	v1 =	vmul.f32 $5.656854150e+00, v1  }
0xbf: {  	[tilespmem:s21+$0x1A400] =	vst v0  }
0xc0: {  	s22 =	rddreg [dreg:$0x7];
	[tilespmem:s21+$0x1A410] =	vst v1  }
0xc1: {  	[hbm4b:s22+s7] =	stream.strided.scatter [tilespmem:s4], [sflag:$0xC], $0x4000, s8, s7, $0x38;
	[tilespmem:$0x1E400] =	vst v63  }
0xc2: {  	_ =	swait.ge [sflag:s19], $0x4000  }
0xc3: {  	[sflag:s19] =	ssyncset.done $0x0  }
0xc4: {  	s23 =	simm.s32 $0x1600;
	[sflag:s19] =	ssyncadd.s32 $0xFFFFC000  }
0xc5: {  	[tilespmem:s4], [sflag:$0x6] =	stream.indirect.gather [hbm4b:s3+s29], $0x20, s23, s29, $0xb8;
	[tilespmem:$0x1E400] =	vst v63  }
0xc6: {  	_ =	swait.ge [sflag:s6], $0x4000  }
0xc7: {  	[sflag:s6] =	ssyncset.done $0x0  }
0xc8: {  	s21 =	simm.s32 $0x0;
	[sflag:s6] =	ssyncadd.s32 $0xFFFFC000  }
0xc9: {  	s22 =	simm.s32 $0x80;
	v0 =	vld [tilespmem:s21+$0x6400]  }
.LBB2_14:
0xca: {  	p0 =	sne.s32 s22, $0xFF80;
	v1 =	vld [tilespmem:s21+$0x6410];
	_ =	sdelay $0x2  }
.Ltmp6:
0xcb: {  	(pc) =	sbr.rel @p0 .LBB2_14-.Ltmp6, $4  }
0xcc: {  	v0 =	vmul.f32 $5.656854150e+00, v0  }
0xcd: {  	v1 =	vmul.f32 $5.656854150e+00, v1  }
0xce: {  	s23 =	sshra.s32 s22, $0x2;
	[tilespmem:s21+$0x6400] =	vst v0  }
0xcf: {  	s22 =	sadd.s32 $0x80, s22;
	v0 =	vld [tilespmem:s23+$0x6400];
	[tilespmem:s21+$0x6410] =	vst v1;
	s21 =	smov.u32 s23  }
0xd0: {  	v1 =	vld [tilespmem:s21+$0x6410];
	_ =	sdelay $0x3  }
0xd1: {  	v0 =	vmul.f32 $5.656854150e+00, v0  }
0xd2: {  	v1 =	vmul.f32 $5.656854150e+00, v1  }
0xd3: {  	[tilespmem:s21+$0x6400] =	vst v0  }
0xd4: {  	s22 =	rddreg [dreg:$0x8];
	[tilespmem:s21+$0x6410] =	vst v1  }
0xd5: {  	[hbm4b:s22+s7] =	stream.strided.scatter [tilespmem:s30], [sflag:$0x7], $0x4000, s8, s7, $0x38;
	[tilespmem:$0x1E400] =	vst v63  }
0xd6: {  	_ =	swait.ge [sflag:s9], $0x4000  }
0xd7: {  	[sflag:s9] =	ssyncset.done $0x0  }
0xd8: {  	s23 =	simm.s32 $0x1800;
	[sflag:s9] =	ssyncadd.s32 $0xFFFFC000  }
0xd9: {  	[tilespmem:s30], [sflag:$0x1] =	stream.indirect.gather [hbm4b:s3+s29], $0x20, s23, s29, $0xb8;
	[tilespmem:$0x1E400] =	vst v63  }
0xda: {  	_ =	swait.ge [sflag:s10], $0x4000  }
0xdb: {  	[sflag:s10] =	ssyncset.done $0x0  }
0xdc: {  	s21 =	simm.s32 $0x0;
	[sflag:s10] =	ssyncadd.s32 $0xFFFFC000  }
0xdd: {  	s22 =	simm.s32 $0x80;
	v0 =	vld [tilespmem:s21+$0xA400]  }
.LBB2_16:
0xde: {  	p0 =	sne.s32 s22, $0xFF80;
	v1 =	vld [tilespmem:s21+$0xA410];
	_ =	sdelay $0x2  }
.Ltmp7:
0xdf: {  	(pc) =	sbr.rel @p0 .LBB2_16-.Ltmp7, $4  }
0xe0: {  	v0 =	vmul.f32 $5.656854150e+00, v0  }
0xe1: {  	v1 =	vmul.f32 $5.656854150e+00, v1  }
0xe2: {  	s23 =	sshra.s32 s22, $0x2;
	[tilespmem:s21+$0xA400] =	vst v0  }
0xe3: {  	s22 =	sadd.s32 $0x80, s22;
	v0 =	vld [tilespmem:s23+$0xA400];
	[tilespmem:s21+$0xA410] =	vst v1;
	s21 =	smov.u32 s23  }
0xe4: {  	v1 =	vld [tilespmem:s21+$0xA410];
	_ =	sdelay $0x3  }
0xe5: {  	v0 =	vmul.f32 $5.656854150e+00, v0  }
0xe6: {  	v1 =	vmul.f32 $5.656854150e+00, v1  }
0xe7: {  	[tilespmem:s21+$0xA400] =	vst v0  }
0xe8: {  	s22 =	rddreg [dreg:$0x9];
	[tilespmem:s21+$0xA410] =	vst v1  }
0xe9: {  	[hbm4b:s22+s7] =	stream.strided.scatter [tilespmem:s31], [sflag:$0x8], $0x4000, s8, s7, $0x38;
	[tilespmem:$0x1E400] =	vst v63  }
0xea: {  	_ =	swait.ge [sflag:s11], $0x4000  }
0xeb: {  	[sflag:s11] =	ssyncset.done $0x0  }
0xec: {  	s23 =	simm.s32 $0x1A00;
	[sflag:s11] =	ssyncadd.s32 $0xFFFFC000  }
0xed: {  	[tilespmem:s31], [sflag:$0x2] =	stream.indirect.gather [hbm4b:s3+s29], $0x20, s23, s29, $0xb8;
	[tilespmem:$0x1E400] =	vst v63  }
0xee: {  	_ =	swait.ge [sflag:s12], $0x4000  }
0xef: {  	[sflag:s12] =	ssyncset.done $0x0  }
0xf0: {  	s21 =	simm.s32 $0x0;
	[sflag:s12] =	ssyncadd.s32 $0xFFFFC000  }
0xf1: {  	s22 =	simm.s32 $0x80;
	v0 =	vld [tilespmem:s21+$0xE400]  }
.LBB2_18:
0xf2: {  	p0 =	sne.s32 s22, $0xFF80;
	v1 =	vld [tilespmem:s21+$0xE410];
	_ =	sdelay $0x2  }
.Ltmp8:
0xf3: {  	(pc) =	sbr.rel @p0 .LBB2_18-.Ltmp8, $4  }
0xf4: {  	v0 =	vmul.f32 $5.656854150e+00, v0  }
0xf5: {  	v1 =	vmul.f32 $5.656854150e+00, v1  }
0xf6: {  	s23 =	sshra.s32 s22, $0x2;
	[tilespmem:s21+$0xE400] =	vst v0  }
0xf7: {  	s22 =	sadd.s32 $0x80, s22;
	v0 =	vld [tilespmem:s23+$0xE400];
	[tilespmem:s21+$0xE410] =	vst v1;
	s21 =	smov.u32 s23  }
0xf8: {  	v1 =	vld [tilespmem:s21+$0xE410];
	_ =	sdelay $0x3  }
0xf9: {  	v0 =	vmul.f32 $5.656854150e+00, v0  }
0xfa: {  	v1 =	vmul.f32 $5.656854150e+00, v1  }
0xfb: {  	[tilespmem:s21+$0xE400] =	vst v0  }
0xfc: {  	s22 =	rddreg [dreg:$0xa];
	[tilespmem:s21+$0xE410] =	vst v1  }
0xfd: {  	[hbm4b:s22+s7] =	stream.strided.scatter [tilespmem:s0], [sflag:$0x9], $0x4000, s8, s7, $0x38;
	[tilespmem:$0x1E400] =	vst v63  }
0xfe: {  	_ =	swait.ge [sflag:s13], $0x4000  }
0xff: {  	[sflag:s13] =	ssyncset.done $0x0  }
0x100: {  	s23 =	simm.s32 $0x1C00;
	[sflag:s13] =	ssyncadd.s32 $0xFFFFC000  }
0x101: {  	[tilespmem:s0], [sflag:$0x3] =	stream.indirect.gather [hbm4b:s3+s29], $0x20, s23, s29, $0xb8;
	[tilespmem:$0x1E400] =	vst v63  }
0x102: {  	_ =	swait.ge [sflag:s14], $0x4000  }
0x103: {  	[sflag:s14] =	ssyncset.done $0x0  }
0x104: {  	s21 =	simm.s32 $0x0;
	[sflag:s14] =	ssyncadd.s32 $0xFFFFC000  }
0x105: {  	s22 =	simm.s32 $0x80;
	v0 =	vld [tilespmem:s21+$0x12400]  }
.LBB2_20:
0x106: {  	p0 =	sne.s32 s22, $0xFF80;
	v1 =	vld [tilespmem:s21+$0x12410];
	_ =	sdelay $0x2  }
.Ltmp9:
0x107: {  	(pc) =	sbr.rel @p0 .LBB2_20-.Ltmp9, $4  }
0x108: {  	v0 =	vmul.f32 $5.656854150e+00, v0  }
0x109: {  	v1 =	vmul.f32 $5.656854150e+00, v1  }
0x10a: {  	s23 =	sshra.s32 s22, $0x2;
	[tilespmem:s21+$0x12400] =	vst v0  }
0x10b: {  	s22 =	sadd.s32 $0x80, s22;
	v0 =	vld [tilespmem:s23+$0x12400];
	[tilespmem:s21+$0x12410] =	vst v1;
	s21 =	smov.u32 s23  }
0x10c: {  	v1 =	vld [tilespmem:s21+$0x12410];
	_ =	sdelay $0x3  }
0x10d: {  	v0 =	vmul.f32 $5.656854150e+00, v0  }
0x10e: {  	v1 =	vmul.f32 $5.656854150e+00, v1  }
0x10f: {  	[tilespmem:s21+$0x12400] =	vst v0  }
0x110: {  	s22 =	rddreg [dreg:$0xb];
	[tilespmem:s21+$0x12410] =	vst v1  }
0x111: {  	[hbm4b:s22+s7] =	stream.strided.scatter [tilespmem:s1], [sflag:$0xA], $0x4000, s8, s7, $0x38;
	[tilespmem:$0x1E400] =	vst v63  }
0x112: {  	_ =	swait.ge [sflag:s15], $0x4000  }
0x113: {  	[sflag:s15] =	ssyncset.done $0x0  }
0x114: {  	s23 =	simm.s32 $0x1E00;
	[sflag:s15] =	ssyncadd.s32 $0xFFFFC000  }
0x115: {  	[tilespmem:s1], [sflag:$0x4] =	stream.indirect.gather [hbm4b:s3+s29], $0x20, s23, s29, $0xb8;
	[tilespmem:$0x1E400] =	vst v63  }
0x116: {  	_ =	swait.ge [sflag:s16], $0x4000  }
0x117: {  	[sflag:s16] =	ssyncset.done $0x0  }
0x118: {  	s21 =	simm.s32 $0x0;
	[sflag:s16] =	ssyncadd.s32 $0xFFFFC000  }
0x119: {  	s22 =	simm.s32 $0x80;
	v0 =	vld [tilespmem:s21+$0x16400]  }
.LBB2_22:
0x11a: {  	p0 =	sne.s32 s22, $0xFF80;
	v1 =	vld [tilespmem:s21+$0x16410];
	_ =	sdelay $0x2  }
.Ltmp10:
0x11b: {  	(pc) =	sbr.rel @p0 .LBB2_22-.Ltmp10, $4  }
0x11c: {  	v0 =	vmul.f32 $5.656854150e+00, v0  }
0x11d: {  	v1 =	vmul.f32 $5.656854150e+00, v1  }
0x11e: {  	s23 =	sshra.s32 s22, $0x2;
	[tilespmem:s21+$0x16400] =	vst v0  }
0x11f: {  	s22 =	sadd.s32 $0x80, s22;
	v0 =	vld [tilespmem:s23+$0x16400];
	[tilespmem:s21+$0x16410] =	vst v1;
	s21 =	smov.u32 s23  }
0x120: {  	v1 =	vld [tilespmem:s21+$0x16410];
	_ =	sdelay $0x3  }
0x121: {  	v0 =	vmul.f32 $5.656854150e+00, v0  }
0x122: {  	v1 =	vmul.f32 $5.656854150e+00, v1  }
0x123: {  	[tilespmem:s21+$0x16400] =	vst v0  }
0x124: {  	s22 =	rddreg [dreg:$0xc];
	[tilespmem:s21+$0x16410] =	vst v1  }
0x125: {  	[hbm4b:s22+s7] =	stream.strided.scatter [tilespmem:s2], [sflag:$0xB], $0x4000, s8, s7, $0x38;
	[tilespmem:$0x1E400] =	vst v63  }
0x126: {  	_ =	swait.ge [sflag:s17], $0x4000  }
0x127: {  	[sflag:s17] =	ssyncset.done $0x0  }
0x128: {  	s23 =	simm.s32 $0x2000;
	[sflag:s17] =	ssyncadd.s32 $0xFFFFC000  }
0x129: {  	[tilespmem:s2], [sflag:$0x5] =	stream.indirect.gather [hbm4b:s3+s29], $0x20, s23, s29, $0xb8;
	[tilespmem:$0x1E400] =	vst v63  }
0x12a: {  	_ =	swait.ge [sflag:s18], $0x4000  }
0x12b: {  	[sflag:s18] =	ssyncset.done $0x0  }
0x12c: {  	s21 =	simm.s32 $0x0;
	[sflag:s18] =	ssyncadd.s32 $0xFFFFC000  }
0x12d: {  	s22 =	simm.s32 $0x80;
	v0 =	vld [tilespmem:s21+$0x1A400]  }
.LBB2_24:
0x12e: {  	p0 =	sne.s32 s22, $0xFF80;
	v1 =	vld [tilespmem:s21+$0x1A410];
	_ =	sdelay $0x2  }
.Ltmp11:
0x12f: {  	(pc) =	sbr.rel @p0 .LBB2_24-.Ltmp11, $4  }
0x130: {  	v0 =	vmul.f32 $5.656854150e+00, v0  }
0x131: {  	v1 =	vmul.f32 $5.656854150e+00, v1  }
0x132: {  	s23 =	sshra.s32 s22, $0x2;
	[tilespmem:s21+$0x1A400] =	vst v0  }
0x133: {  	s22 =	sadd.s32 $0x80, s22;
	v0 =	vld [tilespmem:s23+$0x1A400];
	[tilespmem:s21+$0x1A410] =	vst v1;
	s21 =	smov.u32 s23  }
0x134: {  	v1 =	vld [tilespmem:s21+$0x1A410];
	_ =	sdelay $0x3  }
0x135: {  	v0 =	vmul.f32 $5.656854150e+00, v0  }
0x136: {  	v1 =	vmul.f32 $5.656854150e+00, v1  }
0x137: {  	[tilespmem:s21+$0x1A400] =	vst v0  }
0x138: {  	s22 =	rddreg [dreg:$0xd];
	[tilespmem:s21+$0x1A410] =	vst v1  }
0x139: {  	[hbm4b:s22+s7] =	stream.strided.scatter [tilespmem:s4], [sflag:$0xC], $0x4000, s8, s7, $0x38;
	[tilespmem:$0x1E400] =	vst v63  }
0x13a: {  	_ =	swait.ge [sflag:s19], $0x4000  }
0x13b: {  	[sflag:s19] =	ssyncset.done $0x0  }
0x13c: {  	s23 =	simm.s32 $0x2200;
	[sflag:s19] =	ssyncadd.s32 $0xFFFFC000  }
0x13d: {  	[tilespmem:s4], [sflag:$0x6] =	stream.indirect.gather [hbm4b:s3+s29], $0x20, s23, s29, $0xb8;
	[tilespmem:$0x1E400] =	vst v63  }
0x13e: {  	_ =	swait.ge [sflag:s6], $0x4000  }
0x13f: {  	[sflag:s6] =	ssyncset.done $0x0  }
0x140: {  	s21 =	simm.s32 $0x0;
	[sflag:s6] =	ssyncadd.s32 $0xFFFFC000  }
0x141: {  	s22 =	simm.s32 $0x80;
	v0 =	vld [tilespmem:s21+$0x6400]  }
.LBB2_26:
0x142: {  	p0 =	sne.s32 s22, $0xFF80;
	v1 =	vld [tilespmem:s21+$0x6410];
	_ =	sdelay $0x2  }
.Ltmp12:
0x143: {  	(pc) =	sbr.rel @p0 .LBB2_26-.Ltmp12, $4  }
0x144: {  	v0 =	vmul.f32 $5.656854150e+00, v0  }
0x145: {  	v1 =	vmul.f32 $5.656854150e+00, v1  }
0x146: {  	s23 =	sshra.s32 s22, $0x2;
	[tilespmem:s21+$0x6400] =	vst v0  }
0x147: {  	s22 =	sadd.s32 $0x80, s22;
	v0 =	vld [tilespmem:s23+$0x6400];
	[tilespmem:s21+$0x6410] =	vst v1;
	s21 =	smov.u32 s23  }
0x148: {  	v1 =	vld [tilespmem:s21+$0x6410];
	_ =	sdelay $0x3  }
0x149: {  	v0 =	vmul.f32 $5.656854150e+00, v0  }
0x14a: {  	v1 =	vmul.f32 $5.656854150e+00, v1  }
0x14b: {  	[tilespmem:s21+$0x6400] =	vst v0  }
0x14c: {  	s22 =	rddreg [dreg:$0xe];
	[tilespmem:s21+$0x6410] =	vst v1  }
0x14d: {  	[hbm4b:s22+s7] =	stream.strided.scatter [tilespmem:s30], [sflag:$0x7], $0x4000, s8, s7, $0x38;
	[tilespmem:$0x1E400] =	vst v63  }
0x14e: {  	_ =	swait.ge [sflag:s9], $0x4000  }
0x14f: {  	[sflag:s9] =	ssyncset.done $0x0  }
0x150: {  	s23 =	simm.s32 $0x2400;
	[sflag:s9] =	ssyncadd.s32 $0xFFFFC000  }
0x151: {  	[tilespmem:s30], [sflag:$0x1] =	stream.indirect.gather [hbm4b:s3+s29], $0x20, s23, s29, $0xb8;
	[tilespmem:$0x1E400] =	vst v63  }
0x152: {  	_ =	swait.ge [sflag:s10], $0x4000  }
0x153: {  	[sflag:s10] =	ssyncset.done $0x0  }
0x154: {  	s21 =	simm.s32 $0x0;
	[sflag:s10] =	ssyncadd.s32 $0xFFFFC000  }
0x155: {  	s22 =	simm.s32 $0x80;
	v0 =	vld [tilespmem:s21+$0xA400]  }
.LBB2_28:
0x156: {  	p0 =	sne.s32 s22, $0xFF80;
	v1 =	vld [tilespmem:s21+$0xA410];
	_ =	sdelay $0x2  }
.Ltmp13:
0x157: {  	(pc) =	sbr.rel @p0 .LBB2_28-.Ltmp13, $4  }
0x158: {  	v0 =	vmul.f32 $5.656854150e+00, v0  }
0x159: {  	v1 =	vmul.f32 $5.656854150e+00, v1  }
0x15a: {  	s23 =	sshra.s32 s22, $0x2;
	[tilespmem:s21+$0xA400] =	vst v0  }
0x15b: {  	s22 =	sadd.s32 $0x80, s22;
	v0 =	vld [tilespmem:s23+$0xA400];
	[tilespmem:s21+$0xA410] =	vst v1;
	s21 =	smov.u32 s23  }
0x15c: {  	v1 =	vld [tilespmem:s21+$0xA410];
	_ =	sdelay $0x3  }
0x15d: {  	v0 =	vmul.f32 $5.656854150e+00, v0  }
0x15e: {  	v1 =	vmul.f32 $5.656854150e+00, v1  }
0x15f: {  	[tilespmem:s21+$0xA400] =	vst v0  }
0x160: {  	s22 =	rddreg [dreg:$0xf];
	[tilespmem:s21+$0xA410] =	vst v1  }
0x161: {  	[hbm4b:s22+s7] =	stream.strided.scatter [tilespmem:s31], [sflag:$0x8], $0x4000, s8, s7, $0x38;
	[tilespmem:$0x1E400] =	vst v63  }
0x162: {  	_ =	swait.ge [sflag:s11], $0x4000  }
0x163: {  	[sflag:s11] =	ssyncset.done $0x0  }
0x164: {  	s23 =	simm.s32 $0x2600;
	[sflag:s11] =	ssyncadd.s32 $0xFFFFC000  }
0x165: {  	[tilespmem:s31], [sflag:$0x2] =	stream.indirect.gather [hbm4b:s3+s29], $0x20, s23, s29, $0xb8;
	[tilespmem:$0x1E400] =	vst v63  }
0x166: {  	_ =	swait.ge [sflag:s12], $0x4000  }
0x167: {  	[sflag:s12] =	ssyncset.done $0x0  }
0x168: {  	s21 =	simm.s32 $0x0;
	[sflag:s12] =	ssyncadd.s32 $0xFFFFC000  }
0x169: {  	s22 =	simm.s32 $0x80;
	v0 =	vld [tilespmem:s21+$0xE400]  }
.LBB2_30:
0x16a: {  	p0 =	sne.s32 s22, $0xFF80;
	v1 =	vld [tilespmem:s21+$0xE410];
	_ =	sdelay $0x2  }
.Ltmp14:
0x16b: {  	(pc) =	sbr.rel @p0 .LBB2_30-.Ltmp14, $4  }
0x16c: {  	v0 =	vmul.f32 $5.656854150e+00, v0  }
0x16d: {  	v1 =	vmul.f32 $5.656854150e+00, v1  }
0x16e: {  	s23 =	sshra.s32 s22, $0x2;
	[tilespmem:s21+$0xE400] =	vst v0  }
0x16f: {  	s22 =	sadd.s32 $0x80, s22;
	v0 =	vld [tilespmem:s23+$0xE400];
	[tilespmem:s21+$0xE410] =	vst v1;
	s21 =	smov.u32 s23  }
0x170: {  	v1 =	vld [tilespmem:s21+$0xE410];
	_ =	sdelay $0x3  }
0x171: {  	v0 =	vmul.f32 $5.656854150e+00, v0  }
0x172: {  	v1 =	vmul.f32 $5.656854150e+00, v1  }
0x173: {  	[tilespmem:s21+$0xE400] =	vst v0  }
0x174: {  	s22 =	rddreg [dreg:$0x10];
	[tilespmem:s21+$0xE410] =	vst v1  }
0x175: {  	[hbm4b:s22+s7] =	stream.strided.scatter [tilespmem:s0], [sflag:$0x9], $0x4000, s8, s7, $0x38;
	[tilespmem:$0x1E400] =	vst v63  }
0x176: {  	_ =	swait.ge [sflag:s13], $0x4000  }
0x177: {  	[sflag:s13] =	ssyncset.done $0x0  }
0x178: {  	s23 =	simm.s32 $0x2800;
	[sflag:s13] =	ssyncadd.s32 $0xFFFFC000  }
0x179: {  	[tilespmem:s0], [sflag:$0x3] =	stream.indirect.gather [hbm4b:s3+s29], $0x20, s23, s29, $0xb8;
	[tilespmem:$0x1E400] =	vst v63  }
0x17a: {  	_ =	swait.ge [sflag:s14], $0x4000  }
0x17b: {  	[sflag:s14] =	ssyncset.done $0x0  }
0x17c: {  	s21 =	simm.s32 $0x0;
	[sflag:s14] =	ssyncadd.s32 $0xFFFFC000  }
0x17d: {  	s22 =	simm.s32 $0x80;
	v0 =	vld [tilespmem:s21+$0x12400]  }
.LBB2_32:
0x17e: {  	p0 =	sne.s32 s22, $0xFF80;
	v1 =	vld [tilespmem:s21+$0x12410];
	_ =	sdelay $0x2  }
.Ltmp15:
0x17f: {  	(pc) =	sbr.rel @p0 .LBB2_32-.Ltmp15, $4  }
0x180: {  	v0 =	vmul.f32 $5.656854150e+00, v0  }
0x181: {  	v1 =	vmul.f32 $5.656854150e+00, v1  }
0x182: {  	s23 =	sshra.s32 s22, $0x2;
	[tilespmem:s21+$0x12400] =	vst v0  }
0x183: {  	s22 =	sadd.s32 $0x80, s22;
	v0 =	vld [tilespmem:s23+$0x12400];
	[tilespmem:s21+$0x12410] =	vst v1;
	s21 =	smov.u32 s23  }
0x184: {  	v1 =	vld [tilespmem:s21+$0x12410];
	_ =	sdelay $0x3  }
0x185: {  	v0 =	vmul.f32 $5.656854150e+00, v0  }
0x186: {  	v1 =	vmul.f32 $5.656854150e+00, v1  }
0x187: {  	[tilespmem:s21+$0x12400] =	vst v0  }
0x188: {  	s22 =	rddreg [dreg:$0x11];
	[tilespmem:s21+$0x12410] =	vst v1  }
0x189: {  	[hbm4b:s22+s7] =	stream.strided.scatter [tilespmem:s1], [sflag:$0xA], $0x4000, s8, s7, $0x38;
	[tilespmem:$0x1E400] =	vst v63  }
0x18a: {  	_ =	swait.ge [sflag:s15], $0x4000  }
0x18b: {  	[sflag:s15] =	ssyncset.done $0x0  }
0x18c: {  	s23 =	simm.s32 $0x2A00;
	[sflag:s15] =	ssyncadd.s32 $0xFFFFC000  }
0x18d: {  	[tilespmem:s1], [sflag:$0x4] =	stream.indirect.gather [hbm4b:s3+s29], $0x20, s23, s29, $0xb8;
	[tilespmem:$0x1E400] =	vst v63  }
0x18e: {  	_ =	swait.ge [sflag:s16], $0x4000  }
0x18f: {  	[sflag:s16] =	ssyncset.done $0x0  }
0x190: {  	s21 =	simm.s32 $0x0;
	[sflag:s16] =	ssyncadd.s32 $0xFFFFC000  }
0x191: {  	s22 =	simm.s32 $0x80;
	v0 =	vld [tilespmem:s21+$0x16400]  }
.LBB2_34:
0x192: {  	p0 =	sne.s32 s22, $0xFF80;
	v1 =	vld [tilespmem:s21+$0x16410];
	_ =	sdelay $0x2  }
.Ltmp16:
0x193: {  	(pc) =	sbr.rel @p0 .LBB2_34-.Ltmp16, $4  }
0x194: {  	v0 =	vmul.f32 $5.656854150e+00, v0  }
0x195: {  	v1 =	vmul.f32 $5.656854150e+00, v1  }
0x196: {  	s23 =	sshra.s32 s22, $0x2;
	[tilespmem:s21+$0x16400] =	vst v0  }
0x197: {  	s22 =	sadd.s32 $0x80, s22;
	v0 =	vld [tilespmem:s23+$0x16400];
	[tilespmem:s21+$0x16410] =	vst v1;
	s21 =	smov.u32 s23  }
0x198: {  	v1 =	vld [tilespmem:s21+$0x16410];
	_ =	sdelay $0x3  }
0x199: {  	v0 =	vmul.f32 $5.656854150e+00, v0  }
0x19a: {  	v1 =	vmul.f32 $5.656854150e+00, v1  }
0x19b: {  	[tilespmem:s21+$0x16400] =	vst v0  }
0x19c: {  	s22 =	rddreg [dreg:$0x12];
	[tilespmem:s21+$0x16410] =	vst v1  }
0x19d: {  	[hbm4b:s22+s7] =	stream.strided.scatter [tilespmem:s2], [sflag:$0xB], $0x4000, s8, s7, $0x38;
	[tilespmem:$0x1E400] =	vst v63  }
0x19e: {  	_ =	swait.ge [sflag:s17], $0x4000  }
0x19f: {  	[sflag:s17] =	ssyncset.done $0x0  }
0x1a0: {  	s23 =	simm.s32 $0x2C00;
	[sflag:s17] =	ssyncadd.s32 $0xFFFFC000  }
0x1a1: {  	[tilespmem:s2], [sflag:$0x5] =	stream.indirect.gather [hbm4b:s3+s29], $0x20, s23, s29, $0xb8;
	[tilespmem:$0x1E400] =	vst v63  }
0x1a2: {  	_ =	swait.ge [sflag:s18], $0x4000  }
0x1a3: {  	[sflag:s18] =	ssyncset.done $0x0  }
0x1a4: {  	s21 =	simm.s32 $0x0;
	[sflag:s18] =	ssyncadd.s32 $0xFFFFC000  }
0x1a5: {  	s22 =	simm.s32 $0x80;
	v0 =	vld [tilespmem:s21+$0x1A400]  }
.LBB2_36:
0x1a6: {  	p0 =	sne.s32 s22, $0xFF80;
	v1 =	vld [tilespmem:s21+$0x1A410];
	_ =	sdelay $0x2  }
.Ltmp17:
0x1a7: {  	(pc) =	sbr.rel @p0 .LBB2_36-.Ltmp17, $4  }
0x1a8: {  	v0 =	vmul.f32 $5.656854150e+00, v0  }
0x1a9: {  	v1 =	vmul.f32 $5.656854150e+00, v1  }
0x1aa: {  	s23 =	sshra.s32 s22, $0x2;
	[tilespmem:s21+$0x1A400] =	vst v0  }
0x1ab: {  	s22 =	sadd.s32 $0x80, s22;
	v0 =	vld [tilespmem:s23+$0x1A400];
	[tilespmem:s21+$0x1A410] =	vst v1;
	s21 =	smov.u32 s23  }
0x1ac: {  	v1 =	vld [tilespmem:s21+$0x1A410];
	_ =	sdelay $0x3  }
0x1ad: {  	v0 =	vmul.f32 $5.656854150e+00, v0  }
0x1ae: {  	v1 =	vmul.f32 $5.656854150e+00, v1  }
0x1af: {  	[tilespmem:s21+$0x1A400] =	vst v0  }
0x1b0: {  	s22 =	rddreg [dreg:$0x13];
	[tilespmem:s21+$0x1A410] =	vst v1  }
0x1b1: {  	[hbm4b:s22+s7] =	stream.strided.scatter [tilespmem:s4], [sflag:$0xC], $0x4000, s8, s7, $0x38;
	[tilespmem:$0x1E400] =	vst v63  }
0x1b2: {  	_ =	swait.ge [sflag:s19], $0x4000  }
0x1b3: {  	[sflag:s19] =	ssyncset.done $0x0  }
0x1b4: {  	s23 =	simm.s32 $0x2E00;
	[sflag:s19] =	ssyncadd.s32 $0xFFFFC000  }
0x1b5: {  	[tilespmem:s4], [sflag:$0x6] =	stream.indirect.gather [hbm4b:s3+s29], $0x20, s23, s29, $0xb8;
	[tilespmem:$0x1E400] =	vst v63  }
0x1b6: {  	_ =	swait.ge [sflag:s6], $0x4000  }
0x1b7: {  	[sflag:s6] =	ssyncset.done $0x0  }
0x1b8: {  	s21 =	simm.s32 $0x0;
	[sflag:s6] =	ssyncadd.s32 $0xFFFFC000  }
0x1b9: {  	s22 =	simm.s32 $0x80;
	v0 =	vld [tilespmem:s21+$0x6400]  }
.LBB2_38:
0x1ba: {  	p0 =	sne.s32 s22, $0xFF80;
	v1 =	vld [tilespmem:s21+$0x6410];
	_ =	sdelay $0x2  }
.Ltmp18:
0x1bb: {  	(pc) =	sbr.rel @p0 .LBB2_38-.Ltmp18, $4  }
0x1bc: {  	v0 =	vmul.f32 $5.656854150e+00, v0  }
0x1bd: {  	v1 =	vmul.f32 $5.656854150e+00, v1  }
0x1be: {  	s23 =	sshra.s32 s22, $0x2;
	[tilespmem:s21+$0x6400] =	vst v0  }
0x1bf: {  	s22 =	sadd.s32 $0x80, s22;
	v0 =	vld [tilespmem:s23+$0x6400];
	[tilespmem:s21+$0x6410] =	vst v1;
	s21 =	smov.u32 s23  }
0x1c0: {  	v1 =	vld [tilespmem:s21+$0x6410];
	_ =	sdelay $0x3  }
0x1c1: {  	v0 =	vmul.f32 $5.656854150e+00, v0  }
0x1c2: {  	v1 =	vmul.f32 $5.656854150e+00, v1  }
0x1c3: {  	[tilespmem:s21+$0x6400] =	vst v0  }
0x1c4: {  	s22 =	rddreg [dreg:$0x14];
	[tilespmem:s21+$0x6410] =	vst v1  }
0x1c5: {  	[hbm4b:s22+s7] =	stream.strided.scatter [tilespmem:s30], [sflag:$0x7], $0x4000, s8, s7, $0x38;
	[tilespmem:$0x1E400] =	vst v63  }
0x1c6: {  	_ =	swait.ge [sflag:s9], $0x4000  }
0x1c7: {  	[sflag:s9] =	ssyncset.done $0x0  }
0x1c8: {  	s23 =	simm.s32 $0x3000;
	[sflag:s9] =	ssyncadd.s32 $0xFFFFC000  }
0x1c9: {  	[tilespmem:s30], [sflag:$0x1] =	stream.indirect.gather [hbm4b:s3+s29], $0x20, s23, s29, $0xb8;
	[tilespmem:$0x1E400] =	vst v63  }
0x1ca: {  	_ =	swait.ge [sflag:s10], $0x4000  }
0x1cb: {  	[sflag:s10] =	ssyncset.done $0x0  }
0x1cc: {  	s21 =	simm.s32 $0x0;
	[sflag:s10] =	ssyncadd.s32 $0xFFFFC000  }
0x1cd: {  	s22 =	simm.s32 $0x80;
	v0 =	vld [tilespmem:s21+$0xA400]  }
.LBB2_40:
0x1ce: {  	p0 =	sne.s32 s22, $0xFF80;
	v1 =	vld [tilespmem:s21+$0xA410];
	_ =	sdelay $0x2  }
.Ltmp19:
0x1cf: {  	(pc) =	sbr.rel @p0 .LBB2_40-.Ltmp19, $4  }
0x1d0: {  	v0 =	vmul.f32 $5.656854150e+00, v0  }
0x1d1: {  	v1 =	vmul.f32 $5.656854150e+00, v1  }
0x1d2: {  	s23 =	sshra.s32 s22, $0x2;
	[tilespmem:s21+$0xA400] =	vst v0  }
0x1d3: {  	s22 =	sadd.s32 $0x80, s22;
	v0 =	vld [tilespmem:s23+$0xA400];
	[tilespmem:s21+$0xA410] =	vst v1;
	s21 =	smov.u32 s23  }
0x1d4: {  	v1 =	vld [tilespmem:s21+$0xA410];
	_ =	sdelay $0x3  }
0x1d5: {  	v0 =	vmul.f32 $5.656854150e+00, v0  }
0x1d6: {  	v1 =	vmul.f32 $5.656854150e+00, v1  }
0x1d7: {  	[tilespmem:s21+$0xA400] =	vst v0  }
0x1d8: {  	s22 =	rddreg [dreg:$0x15];
	[tilespmem:s21+$0xA410] =	vst v1  }
0x1d9: {  	[hbm4b:s22+s7] =	stream.strided.scatter [tilespmem:s31], [sflag:$0x8], $0x4000, s8, s7, $0x38;
	[tilespmem:$0x1E400] =	vst v63  }
0x1da: {  	_ =	swait.ge [sflag:s11], $0x4000  }
0x1db: {  	[sflag:s11] =	ssyncset.done $0x0  }
0x1dc: {  	s23 =	simm.s32 $0x3200;
	[sflag:s11] =	ssyncadd.s32 $0xFFFFC000  }
0x1dd: {  	[tilespmem:s31], [sflag:$0x2] =	stream.indirect.gather [hbm4b:s3+s29], $0x20, s23, s29, $0xb8;
	[tilespmem:$0x1E400] =	vst v63  }
0x1de: {  	_ =	swait.ge [sflag:s12], $0x4000  }
0x1df: {  	[sflag:s12] =	ssyncset.done $0x0  }
0x1e0: {  	s21 =	simm.s32 $0x0;
	[sflag:s12] =	ssyncadd.s32 $0xFFFFC000  }
0x1e1: {  	s22 =	simm.s32 $0x80;
	v0 =	vld [tilespmem:s21+$0xE400]  }
.LBB2_42:
0x1e2: {  	p0 =	sne.s32 s22, $0xFF80;
	v1 =	vld [tilespmem:s21+$0xE410];
	_ =	sdelay $0x2  }
.Ltmp20:
0x1e3: {  	(pc) =	sbr.rel @p0 .LBB2_42-.Ltmp20, $4  }
0x1e4: {  	v0 =	vmul.f32 $5.656854150e+00, v0  }
0x1e5: {  	v1 =	vmul.f32 $5.656854150e+00, v1  }
0x1e6: {  	s23 =	sshra.s32 s22, $0x2;
	[tilespmem:s21+$0xE400] =	vst v0  }
0x1e7: {  	s22 =	sadd.s32 $0x80, s22;
	v0 =	vld [tilespmem:s23+$0xE400];
	[tilespmem:s21+$0xE410] =	vst v1;
	s21 =	smov.u32 s23  }
0x1e8: {  	v1 =	vld [tilespmem:s21+$0xE410];
	_ =	sdelay $0x3  }
0x1e9: {  	v0 =	vmul.f32 $5.656854150e+00, v0  }
0x1ea: {  	v1 =	vmul.f32 $5.656854150e+00, v1  }
0x1eb: {  	[tilespmem:s21+$0xE400] =	vst v0  }
0x1ec: {  	s22 =	rddreg [dreg:$0x16];
	[tilespmem:s21+$0xE410] =	vst v1  }
0x1ed: {  	[hbm4b:s22+s7] =	stream.strided.scatter [tilespmem:s0], [sflag:$0x9], $0x4000, s8, s7, $0x38;
	[tilespmem:$0x1E400] =	vst v63  }
0x1ee: {  	_ =	swait.ge [sflag:s13], $0x4000  }
0x1ef: {  	[sflag:s13] =	ssyncset.done $0x0  }
0x1f0: {  	s23 =	simm.s32 $0x3400;
	[sflag:s13] =	ssyncadd.s32 $0xFFFFC000  }
0x1f1: {  	[tilespmem:s0], [sflag:$0x3] =	stream.indirect.gather [hbm4b:s3+s29], $0x20, s23, s29, $0xb8;
	[tilespmem:$0x1E400] =	vst v63  }
0x1f2: {  	_ =	swait.ge [sflag:s14], $0x4000  }
0x1f3: {  	[sflag:s14] =	ssyncset.done $0x0  }
0x1f4: {  	s21 =	simm.s32 $0x0;
	[sflag:s14] =	ssyncadd.s32 $0xFFFFC000  }
0x1f5: {  	s22 =	simm.s32 $0x80;
	v0 =	vld [tilespmem:s21+$0x12400]  }
.LBB2_44:
0x1f6: {  	p0 =	sne.s32 s22, $0xFF80;
	v1 =	vld [tilespmem:s21+$0x12410];
	_ =	sdelay $0x2  }
.Ltmp21:
0x1f7: {  	(pc) =	sbr.rel @p0 .LBB2_44-.Ltmp21, $4  }
0x1f8: {  	v0 =	vmul.f32 $5.656854150e+00, v0  }
0x1f9: {  	v1 =	vmul.f32 $5.656854150e+00, v1  }
0x1fa: {  	s23 =	sshra.s32 s22, $0x2;
	[tilespmem:s21+$0x12400] =	vst v0  }
0x1fb: {  	s22 =	sadd.s32 $0x80, s22;
	v0 =	vld [tilespmem:s23+$0x12400];
	[tilespmem:s21+$0x12410] =	vst v1;
	s21 =	smov.u32 s23  }
0x1fc: {  	v1 =	vld [tilespmem:s21+$0x12410];
	_ =	sdelay $0x3  }
0x1fd: {  	v0 =	vmul.f32 $5.656854150e+00, v0  }
0x1fe: {  	v1 =	vmul.f32 $5.656854150e+00, v1  }
0x1ff: {  	[tilespmem:s21+$0x12400] =	vst v0  }
0x200: {  	s22 =	rddreg [dreg:$0x17];
	[tilespmem:s21+$0x12410] =	vst v1  }
0x201: {  	[hbm4b:s22+s7] =	stream.strided.scatter [tilespmem:s1], [sflag:$0xA], $0x4000, s8, s7, $0x38;
	[tilespmem:$0x1E400] =	vst v63  }
0x202: {  	_ =	swait.ge [sflag:s15], $0x4000  }
0x203: {  	[sflag:s15] =	ssyncset.done $0x0  }
0x204: {  	s23 =	simm.s32 $0x3600;
	[sflag:s15] =	ssyncadd.s32 $0xFFFFC000  }
0x205: {  	[tilespmem:s1], [sflag:$0x4] =	stream.indirect.gather [hbm4b:s3+s29], $0x20, s23, s29, $0xb8;
	[tilespmem:$0x1E400] =	vst v63  }
0x206: {  	_ =	swait.ge [sflag:s16], $0x4000  }
0x207: {  	[sflag:s16] =	ssyncset.done $0x0  }
0x208: {  	s21 =	simm.s32 $0x0;
	[sflag:s16] =	ssyncadd.s32 $0xFFFFC000  }
0x209: {  	s22 =	simm.s32 $0x80;
	v0 =	vld [tilespmem:s21+$0x16400]  }
.LBB2_46:
0x20a: {  	p0 =	sne.s32 s22, $0xFF80;
	v1 =	vld [tilespmem:s21+$0x16410];
	_ =	sdelay $0x2  }
.Ltmp22:
0x20b: {  	(pc) =	sbr.rel @p0 .LBB2_46-.Ltmp22, $4  }
0x20c: {  	v0 =	vmul.f32 $5.656854150e+00, v0  }
0x20d: {  	v1 =	vmul.f32 $5.656854150e+00, v1  }
0x20e: {  	s23 =	sshra.s32 s22, $0x2;
	[tilespmem:s21+$0x16400] =	vst v0  }
0x20f: {  	s22 =	sadd.s32 $0x80, s22;
	v0 =	vld [tilespmem:s23+$0x16400];
	[tilespmem:s21+$0x16410] =	vst v1;
	s21 =	smov.u32 s23  }
0x210: {  	v1 =	vld [tilespmem:s21+$0x16410];
	_ =	sdelay $0x3  }
0x211: {  	v0 =	vmul.f32 $5.656854150e+00, v0  }
0x212: {  	v1 =	vmul.f32 $5.656854150e+00, v1  }
0x213: {  	[tilespmem:s21+$0x16400] =	vst v0  }
0x214: {  	s22 =	rddreg [dreg:$0x18];
	[tilespmem:s21+$0x16410] =	vst v1  }
0x215: {  	[hbm4b:s22+s7] =	stream.strided.scatter [tilespmem:s2], [sflag:$0xB], $0x4000, s8, s7, $0x38;
	[tilespmem:$0x1E400] =	vst v63  }
0x216: {  	_ =	swait.ge [sflag:s17], $0x4000  }
0x217: {  	[sflag:s17] =	ssyncset.done $0x0  }
0x218: {  	s23 =	simm.s32 $0x3800;
	[sflag:s17] =	ssyncadd.s32 $0xFFFFC000  }
0x219: {  	[tilespmem:s2], [sflag:$0x5] =	stream.indirect.gather [hbm4b:s3+s29], $0x20, s23, s29, $0xb8;
	[tilespmem:$0x1E400] =	vst v63  }
0x21a: {  	_ =	swait.ge [sflag:s18], $0x4000  }
0x21b: {  	[sflag:s18] =	ssyncset.done $0x0  }
0x21c: {  	s21 =	simm.s32 $0x0;
	[sflag:s18] =	ssyncadd.s32 $0xFFFFC000  }
0x21d: {  	s22 =	simm.s32 $0x80;
	v0 =	vld [tilespmem:s21+$0x1A400]  }
.LBB2_48:
0x21e: {  	p0 =	sne.s32 s22, $0xFF80;
	v1 =	vld [tilespmem:s21+$0x1A410];
	_ =	sdelay $0x2  }
.Ltmp23:
0x21f: {  	(pc) =	sbr.rel @p0 .LBB2_48-.Ltmp23, $4  }
0x220: {  	v0 =	vmul.f32 $5.656854150e+00, v0  }
0x221: {  	v1 =	vmul.f32 $5.656854150e+00, v1  }
0x222: {  	s23 =	sshra.s32 s22, $0x2;
	[tilespmem:s21+$0x1A400] =	vst v0  }
0x223: {  	s22 =	sadd.s32 $0x80, s22;
	v0 =	vld [tilespmem:s23+$0x1A400];
	[tilespmem:s21+$0x1A410] =	vst v1;
	s21 =	smov.u32 s23  }
0x224: {  	v1 =	vld [tilespmem:s21+$0x1A410];
	_ =	sdelay $0x3  }
0x225: {  	v0 =	vmul.f32 $5.656854150e+00, v0  }
0x226: {  	v1 =	vmul.f32 $5.656854150e+00, v1  }
0x227: {  	[tilespmem:s21+$0x1A400] =	vst v0  }
0x228: {  	s22 =	rddreg [dreg:$0x19];
	[tilespmem:s21+$0x1A410] =	vst v1  }
0x229: {  	[hbm4b:s22+s7] =	stream.strided.scatter [tilespmem:s4], [sflag:$0xC], $0x4000, s8, s7, $0x38;
	[tilespmem:$0x1E400] =	vst v63  }
0x22a: {  	_ =	swait.ge [sflag:s19], $0x4000  }
0x22b: {  	[sflag:s19] =	ssyncset.done $0x0  }
0x22c: {  	s23 =	simm.s32 $0x3A00;
	[sflag:s19] =	ssyncadd.s32 $0xFFFFC000  }
0x22d: {  	[tilespmem:s4], [sflag:$0x6] =	stream.indirect.gather [hbm4b:s3+s29], $0x20, s23, s29, $0xb8;
	[tilespmem:$0x1E400] =	vst v63  }
0x22e: {  	_ =	swait.ge [sflag:s6], $0x4000  }
0x22f: {  	[sflag:s6] =	ssyncset.done $0x0  }
0x230: {  	s21 =	simm.s32 $0x0;
	[sflag:s6] =	ssyncadd.s32 $0xFFFFC000  }
0x231: {  	s22 =	simm.s32 $0x80;
	v0 =	vld [tilespmem:s21+$0x6400]  }
.LBB2_50:
0x232: {  	p0 =	sne.s32 s22, $0xFF80;
	v1 =	vld [tilespmem:s21+$0x6410];
	_ =	sdelay $0x2  }
.Ltmp24:
0x233: {  	(pc) =	sbr.rel @p0 .LBB2_50-.Ltmp24, $4  }
0x234: {  	v0 =	vmul.f32 $5.656854150e+00, v0  }
0x235: {  	v1 =	vmul.f32 $5.656854150e+00, v1  }
0x236: {  	s23 =	sshra.s32 s22, $0x2;
	[tilespmem:s21+$0x6400] =	vst v0  }
0x237: {  	s22 =	sadd.s32 $0x80, s22;
	v0 =	vld [tilespmem:s23+$0x6400];
	[tilespmem:s21+$0x6410] =	vst v1;
	s21 =	smov.u32 s23  }
0x238: {  	v1 =	vld [tilespmem:s21+$0x6410];
	_ =	sdelay $0x3  }
0x239: {  	v0 =	vmul.f32 $5.656854150e+00, v0  }
0x23a: {  	v1 =	vmul.f32 $5.656854150e+00, v1  }
0x23b: {  	[tilespmem:s21+$0x6400] =	vst v0  }
0x23c: {  	s22 =	rddreg [dreg:$0x1a];
	[tilespmem:s21+$0x6410] =	vst v1  }
0x23d: {  	[hbm4b:s22+s7] =	stream.strided.scatter [tilespmem:s30], [sflag:$0x7], $0x4000, s8, s7, $0x38;
	[tilespmem:$0x1E400] =	vst v63  }
0x23e: {  	_ =	swait.ge [sflag:s9], $0x4000  }
0x23f: {  	[sflag:s9] =	ssyncset.done $0x0  }
0x240: {  	s23 =	simm.s32 $0x3C00;
	[sflag:s9] =	ssyncadd.s32 $0xFFFFC000  }
0x241: {  	[tilespmem:s30], [sflag:$0x1] =	stream.indirect.gather [hbm4b:s3+s29], $0x20, s23, s29, $0xb8;
	[tilespmem:$0x1E400] =	vst v63  }
0x242: {  	_ =	swait.ge [sflag:s10], $0x4000  }
0x243: {  	[sflag:s10] =	ssyncset.done $0x0  }
0x244: {  	s21 =	simm.s32 $0x0;
	[sflag:s10] =	ssyncadd.s32 $0xFFFFC000  }
0x245: {  	s22 =	simm.s32 $0x80;
	v0 =	vld [tilespmem:s21+$0xA400]  }
.LBB2_52:
0x246: {  	p0 =	sne.s32 s22, $0xFF80;
	v1 =	vld [tilespmem:s21+$0xA410];
	_ =	sdelay $0x2  }
.Ltmp25:
0x247: {  	(pc) =	sbr.rel @p0 .LBB2_52-.Ltmp25, $4  }
0x248: {  	v0 =	vmul.f32 $5.656854150e+00, v0  }
0x249: {  	v1 =	vmul.f32 $5.656854150e+00, v1  }
0x24a: {  	s23 =	sshra.s32 s22, $0x2;
	[tilespmem:s21+$0xA400] =	vst v0  }
0x24b: {  	s22 =	sadd.s32 $0x80, s22;
	v0 =	vld [tilespmem:s23+$0xA400];
	[tilespmem:s21+$0xA410] =	vst v1;
	s21 =	smov.u32 s23  }
0x24c: {  	v1 =	vld [tilespmem:s21+$0xA410];
	_ =	sdelay $0x3  }
0x24d: {  	v0 =	vmul.f32 $5.656854150e+00, v0  }
0x24e: {  	v1 =	vmul.f32 $5.656854150e+00, v1  }
0x24f: {  	[tilespmem:s21+$0xA400] =	vst v0  }
0x250: {  	s22 =	rddreg [dreg:$0x1b];
	[tilespmem:s21+$0xA410] =	vst v1  }
0x251: {  	[hbm4b:s22+s7] =	stream.strided.scatter [tilespmem:s31], [sflag:$0x8], $0x4000, s8, s7, $0x38;
	[tilespmem:$0x1E400] =	vst v63  }
0x252: {  	_ =	swait.ge [sflag:s11], $0x4000  }
0x253: {  	[sflag:s11] =	ssyncset.done $0x0  }
0x254: {  	s23 =	simm.s32 $0x3E00;
	[sflag:s11] =	ssyncadd.s32 $0xFFFFC000  }
0x255: {  	[tilespmem:s31], [sflag:$0x2] =	stream.indirect.gather [hbm4b:s3+s29], $0x20, s23, s29, $0xb8;
	[tilespmem:$0x1E400] =	vst v63  }
0x256: {  	_ =	swait.ge [sflag:s12], $0x4000  }
0x257: {  	[sflag:s12] =	ssyncset.done $0x0  }
0x258: {  	s21 =	simm.s32 $0x0;
	[sflag:s12] =	ssyncadd.s32 $0xFFFFC000  }
0x259: {  	s22 =	simm.s32 $0x80;
	v0 =	vld [tilespmem:s21+$0xE400]  }
.LBB2_54:
0x25a: {  	p0 =	sne.s32 s22, $0xFF80;
	v1 =	vld [tilespmem:s21+$0xE410];
	_ =	sdelay $0x2  }
.Ltmp26:
0x25b: {  	(pc) =	sbr.rel @p0 .LBB2_54-.Ltmp26, $4  }
0x25c: {  	v0 =	vmul.f32 $5.656854150e+00, v0  }
0x25d: {  	v1 =	vmul.f32 $5.656854150e+00, v1  }
0x25e: {  	s23 =	sshra.s32 s22, $0x2;
	[tilespmem:s21+$0xE400] =	vst v0  }
0x25f: {  	s22 =	sadd.s32 $0x80, s22;
	v0 =	vld [tilespmem:s23+$0xE400];
	[tilespmem:s21+$0xE410] =	vst v1;
	s21 =	smov.u32 s23  }
0x260: {  	v1 =	vld [tilespmem:s21+$0xE410];
	_ =	sdelay $0x3  }
0x261: {  	v0 =	vmul.f32 $5.656854150e+00, v0  }
0x262: {  	v1 =	vmul.f32 $5.656854150e+00, v1  }
0x263: {  	[tilespmem:s21+$0xE400] =	vst v0  }
0x264: {  	s22 =	rddreg [dreg:$0x1c];
	[tilespmem:s21+$0xE410] =	vst v1  }
0x265: {  	[hbm4b:s22+s7] =	stream.strided.scatter [tilespmem:s0], [sflag:$0x9], $0x4000, s8, s7, $0x38;
	[tilespmem:$0x1E400] =	vst v63  }
0x266: {  	_ =	swait.ge [sflag:s13], $0x4000  }
0x267: {  	[sflag:s13] =	ssyncset.done $0x0  }
0x268: {  	s23 =	simm.s32 $0x4000;
	[sflag:s13] =	ssyncadd.s32 $0xFFFFC000  }
0x269: {  	[tilespmem:s0], [sflag:$0x3] =	stream.indirect.gather [hbm4b:s3+s29], $0x20, s23, s29, $0xb8;
	[tilespmem:$0x1E400] =	vst v63  }
0x26a: {  	_ =	swait.ge [sflag:s14], $0x4000  }
0x26b: {  	[sflag:s14] =	ssyncset.done $0x0  }
0x26c: {  	s21 =	simm.s32 $0x0;
	[sflag:s14] =	ssyncadd.s32 $0xFFFFC000  }
0x26d: {  	s22 =	simm.s32 $0x80;
	v0 =	vld [tilespmem:s21+$0x12400]  }
.LBB2_56:
0x26e: {  	p0 =	sne.s32 s22, $0xFF80;
	v1 =	vld [tilespmem:s21+$0x12410];
	_ =	sdelay $0x2  }
.Ltmp27:
0x26f: {  	(pc) =	sbr.rel @p0 .LBB2_56-.Ltmp27, $4  }
0x270: {  	v0 =	vmul.f32 $5.656854150e+00, v0  }
0x271: {  	v1 =	vmul.f32 $5.656854150e+00, v1  }
0x272: {  	s23 =	sshra.s32 s22, $0x2;
	[tilespmem:s21+$0x12400] =	vst v0  }
0x273: {  	s22 =	sadd.s32 $0x80, s22;
	v0 =	vld [tilespmem:s23+$0x12400];
	[tilespmem:s21+$0x12410] =	vst v1;
	s21 =	smov.u32 s23  }
0x274: {  	v1 =	vld [tilespmem:s21+$0x12410];
	_ =	sdelay $0x3  }
0x275: {  	v0 =	vmul.f32 $5.656854150e+00, v0  }
0x276: {  	v1 =	vmul.f32 $5.656854150e+00, v1  }
0x277: {  	[tilespmem:s21+$0x12400] =	vst v0  }
0x278: {  	s22 =	rddreg [dreg:$0x1d];
	[tilespmem:s21+$0x12410] =	vst v1  }
0x279: {  	[hbm4b:s22+s7] =	stream.strided.scatter [tilespmem:s1], [sflag:$0xA], $0x4000, s8, s7, $0x38;
	[tilespmem:$0x1E400] =	vst v63  }
0x27a: {  	_ =	swait.ge [sflag:s15], $0x4000  }
0x27b: {  	[sflag:s15] =	ssyncset.done $0x0  }
0x27c: {  	s23 =	simm.s32 $0x4200;
	[sflag:s15] =	ssyncadd.s32 $0xFFFFC000  }
0x27d: {  	[tilespmem:s1], [sflag:$0x4] =	stream.indirect.gather [hbm4b:s3+s29], $0x20, s23, s29, $0xb8;
	[tilespmem:$0x1E400] =	vst v63  }
0x27e: {  	_ =	swait.ge [sflag:s16], $0x4000  }
0x27f: {  	[sflag:s16] =	ssyncset.done $0x0  }
0x280: {  	s21 =	simm.s32 $0x0;
	[sflag:s16] =	ssyncadd.s32 $0xFFFFC000  }
0x281: {  	s22 =	simm.s32 $0x80;
	v0 =	vld [tilespmem:s21+$0x16400]  }
.LBB2_58:
0x282: {  	p0 =	sne.s32 s22, $0xFF80;
	v1 =	vld [tilespmem:s21+$0x16410];
	_ =	sdelay $0x2  }
.Ltmp28:
0x283: {  	(pc) =	sbr.rel @p0 .LBB2_58-.Ltmp28, $4  }
0x284: {  	v0 =	vmul.f32 $5.656854150e+00, v0  }
0x285: {  	v1 =	vmul.f32 $5.656854150e+00, v1  }
0x286: {  	s23 =	sshra.s32 s22, $0x2;
	[tilespmem:s21+$0x16400] =	vst v0  }
0x287: {  	s22 =	sadd.s32 $0x80, s22;
	v0 =	vld [tilespmem:s23+$0x16400];
	[tilespmem:s21+$0x16410] =	vst v1;
	s21 =	smov.u32 s23  }
0x288: {  	v1 =	vld [tilespmem:s21+$0x16410];
	_ =	sdelay $0x3  }
0x289: {  	v0 =	vmul.f32 $5.656854150e+00, v0  }
0x28a: {  	v1 =	vmul.f32 $5.656854150e+00, v1  }
0x28b: {  	[tilespmem:s21+$0x16400] =	vst v0  }
0x28c: {  	s22 =	rddreg [dreg:$0x1e];
	[tilespmem:s21+$0x16410] =	vst v1  }
0x28d: {  	[hbm4b:s22+s7] =	stream.strided.scatter [tilespmem:s2], [sflag:$0xB], $0x4000, s8, s7, $0x38;
	[tilespmem:$0x1E400] =	vst v63  }
0x28e: {  	_ =	swait.ge [sflag:s17], $0x4000  }
0x28f: {  	[sflag:s17] =	ssyncset.done $0x0  }
0x290: {  	s23 =	simm.s32 $0x4400;
	[sflag:s17] =	ssyncadd.s32 $0xFFFFC000  }
0x291: {  	[tilespmem:s2], [sflag:$0x5] =	stream.indirect.gather [hbm4b:s3+s29], $0x20, s23, s29, $0xb8;
	[tilespmem:$0x1E400] =	vst v63  }
0x292: {  	_ =	swait.ge [sflag:s18], $0x4000  }
0x293: {  	[sflag:s18] =	ssyncset.done $0x0  }
0x294: {  	s21 =	simm.s32 $0x0;
	[sflag:s18] =	ssyncadd.s32 $0xFFFFC000  }
0x295: {  	s22 =	simm.s32 $0x80;
	v0 =	vld [tilespmem:s21+$0x1A400]  }
.LBB2_60:
0x296: {  	p0 =	sne.s32 s22, $0xFF80;
	v1 =	vld [tilespmem:s21+$0x1A410];
	_ =	sdelay $0x2  }
.Ltmp29:
0x297: {  	(pc) =	sbr.rel @p0 .LBB2_60-.Ltmp29, $4  }
0x298: {  	v0 =	vmul.f32 $5.656854150e+00, v0  }
0x299: {  	v1 =	vmul.f32 $5.656854150e+00, v1  }
0x29a: {  	s23 =	sshra.s32 s22, $0x2;
	[tilespmem:s21+$0x1A400] =	vst v0  }
0x29b: {  	s22 =	sadd.s32 $0x80, s22;
	v0 =	vld [tilespmem:s23+$0x1A400];
	[tilespmem:s21+$0x1A410] =	vst v1;
	s21 =	smov.u32 s23  }
0x29c: {  	v1 =	vld [tilespmem:s21+$0x1A410];
	_ =	sdelay $0x3  }
0x29d: {  	v0 =	vmul.f32 $5.656854150e+00, v0  }
0x29e: {  	v1 =	vmul.f32 $5.656854150e+00, v1  }
0x29f: {  	[tilespmem:s21+$0x1A400] =	vst v0  }
0x2a0: {  	s22 =	rddreg [dreg:$0x1f];
	[tilespmem:s21+$0x1A410] =	vst v1  }
0x2a1: {  	[hbm4b:s22+s7] =	stream.strided.scatter [tilespmem:s4], [sflag:$0xC], $0x4000, s8, s7, $0x38;
	[tilespmem:$0x1E400] =	vst v63  }
0x2a2: {  	_ =	swait.ge [sflag:s19], $0x4000  }
0x2a3: {  	[sflag:s19] =	ssyncset.done $0x0  }
0x2a4: {  	s23 =	simm.s32 $0x4600;
	[sflag:s19] =	ssyncadd.s32 $0xFFFFC000  }
0x2a5: {  	[tilespmem:s4], [sflag:$0x6] =	stream.indirect.gather [hbm4b:s3+s29], $0x20, s23, s29, $0xb8;
	[tilespmem:$0x1E400] =	vst v63  }
0x2a6: {  	_ =	swait.ge [sflag:s6], $0x4000  }
0x2a7: {  	[sflag:s6] =	ssyncset.done $0x0  }
0x2a8: {  	s21 =	simm.s32 $0x0;
	[sflag:s6] =	ssyncadd.s32 $0xFFFFC000  }
0x2a9: {  	s22 =	simm.s32 $0x80;
	v0 =	vld [tilespmem:s21+$0x6400]  }
.LBB2_62:
0x2aa: {  	p0 =	sne.s32 s22, $0xFF80;
	v1 =	vld [tilespmem:s21+$0x6410];
	_ =	sdelay $0x2  }
.Ltmp30:
0x2ab: {  	(pc) =	sbr.rel @p0 .LBB2_62-.Ltmp30, $4  }
0x2ac: {  	v0 =	vmul.f32 $5.656854150e+00, v0  }
0x2ad: {  	v1 =	vmul.f32 $5.656854150e+00, v1  }
0x2ae: {  	s23 =	sshra.s32 s22, $0x2;
	[tilespmem:s21+$0x6400] =	vst v0  }
0x2af: {  	s22 =	sadd.s32 $0x80, s22;
	v0 =	vld [tilespmem:s23+$0x6400];
	[tilespmem:s21+$0x6410] =	vst v1;
	s21 =	smov.u32 s23  }
0x2b0: {  	v1 =	vld [tilespmem:s21+$0x6410];
	_ =	sdelay $0x3  }
0x2b1: {  	v0 =	vmul.f32 $5.656854150e+00, v0  }
0x2b2: {  	s22 =	sld [smem:$0x7EB];
	v1 =	vmul.f32 $5.656854150e+00, v1  }
0x2b3: {  	[tilespmem:s21+$0x6400] =	vst v0  }
0x2b4: {  	[tilespmem:s21+$0x6410] =	vst v1  }
0x2b5: {  	[hbm4b:s22+s7] =	stream.strided.scatter [tilespmem:s30], [sflag:$0x7], $0x4000, s8, s7, $0x38;
	[tilespmem:$0x1E400] =	vst v63  }
0x2b6: {  	_ =	swait.ge [sflag:s9], $0x4000  }
0x2b7: {  	[sflag:s9] =	ssyncset.done $0x0  }
0x2b8: {  	s23 =	simm.s32 $0x4800;
	[sflag:s9] =	ssyncadd.s32 $0xFFFFC000  }
0x2b9: {  	[tilespmem:s30], [sflag:$0x1] =	stream.indirect.gather [hbm4b:s3+s29], $0x20, s23, s29, $0xb8;
	[tilespmem:$0x1E400] =	vst v63  }
0x2ba: {  	_ =	swait.ge [sflag:s10], $0x4000  }
0x2bb: {  	[sflag:s10] =	ssyncset.done $0x0  }
0x2bc: {  	s21 =	simm.s32 $0x0;
	[sflag:s10] =	ssyncadd.s32 $0xFFFFC000  }
0x2bd: {  	s22 =	simm.s32 $0x80;
	v0 =	vld [tilespmem:s21+$0xA400]  }
.LBB2_64:
0x2be: {  	p0 =	sne.s32 s22, $0xFF80;
	v1 =	vld [tilespmem:s21+$0xA410];
	_ =	sdelay $0x2  }
.Ltmp31:
0x2bf: {  	(pc) =	sbr.rel @p0 .LBB2_64-.Ltmp31, $4  }
0x2c0: {  	v0 =	vmul.f32 $5.656854150e+00, v0  }
0x2c1: {  	v1 =	vmul.f32 $5.656854150e+00, v1  }
0x2c2: {  	s23 =	sshra.s32 s22, $0x2;
	[tilespmem:s21+$0xA400] =	vst v0  }
0x2c3: {  	s22 =	sadd.s32 $0x80, s22;
	v0 =	vld [tilespmem:s23+$0xA400];
	[tilespmem:s21+$0xA410] =	vst v1;
	s21 =	smov.u32 s23  }
0x2c4: {  	v1 =	vld [tilespmem:s21+$0xA410];
	_ =	sdelay $0x3  }
0x2c5: {  	v0 =	vmul.f32 $5.656854150e+00, v0  }
0x2c6: {  	s22 =	sld [smem:$0x7EC];
	v1 =	vmul.f32 $5.656854150e+00, v1  }
0x2c7: {  	[tilespmem:s21+$0xA400] =	vst v0  }
0x2c8: {  	[tilespmem:s21+$0xA410] =	vst v1  }
0x2c9: {  	[hbm4b:s22+s7] =	stream.strided.scatter [tilespmem:s31], [sflag:$0x8], $0x4000, s8, s7, $0x38;
	[tilespmem:$0x1E400] =	vst v63  }
0x2ca: {  	_ =	swait.ge [sflag:s11], $0x4000  }
0x2cb: {  	[sflag:s11] =	ssyncset.done $0x0  }
0x2cc: {  	s23 =	simm.s32 $0x4A00;
	[sflag:s11] =	ssyncadd.s32 $0xFFFFC000  }
0x2cd: {  	[tilespmem:s31], [sflag:$0x2] =	stream.indirect.gather [hbm4b:s3+s29], $0x20, s23, s29, $0xb8;
	[tilespmem:$0x1E400] =	vst v63  }
0x2ce: {  	_ =	swait.ge [sflag:s12], $0x4000  }
0x2cf: {  	[sflag:s12] =	ssyncset.done $0x0  }
0x2d0: {  	s21 =	simm.s32 $0x0;
	[sflag:s12] =	ssyncadd.s32 $0xFFFFC000  }
0x2d1: {  	s22 =	simm.s32 $0x80;
	v0 =	vld [tilespmem:s21+$0xE400]  }
.LBB2_66:
0x2d2: {  	p0 =	sne.s32 s22, $0xFF80;
	v1 =	vld [tilespmem:s21+$0xE410];
	_ =	sdelay $0x2  }
.Ltmp32:
0x2d3: {  	(pc) =	sbr.rel @p0 .LBB2_66-.Ltmp32, $4  }
0x2d4: {  	v0 =	vmul.f32 $5.656854150e+00, v0  }
0x2d5: {  	v1 =	vmul.f32 $5.656854150e+00, v1  }
0x2d6: {  	s23 =	sshra.s32 s22, $0x2;
	[tilespmem:s21+$0xE400] =	vst v0  }
0x2d7: {  	s22 =	sadd.s32 $0x80, s22;
	v0 =	vld [tilespmem:s23+$0xE400];
	[tilespmem:s21+$0xE410] =	vst v1;
	s21 =	smov.u32 s23  }
0x2d8: {  	v1 =	vld [tilespmem:s21+$0xE410];
	_ =	sdelay $0x3  }
0x2d9: {  	v0 =	vmul.f32 $5.656854150e+00, v0  }
0x2da: {  	s22 =	sld [smem:$0x7ED];
	v1 =	vmul.f32 $5.656854150e+00, v1  }
0x2db: {  	[tilespmem:s21+$0xE400] =	vst v0  }
0x2dc: {  	[tilespmem:s21+$0xE410] =	vst v1  }
0x2dd: {  	[hbm4b:s22+s7] =	stream.strided.scatter [tilespmem:s0], [sflag:$0x9], $0x4000, s8, s7, $0x38;
	[tilespmem:$0x1E400] =	vst v63  }
0x2de: {  	_ =	swait.ge [sflag:s13], $0x4000  }
0x2df: {  	[sflag:s13] =	ssyncset.done $0x0  }
0x2e0: {  	s23 =	simm.s32 $0x4C00;
	[sflag:s13] =	ssyncadd.s32 $0xFFFFC000  }
0x2e1: {  	[tilespmem:s0], [sflag:$0x3] =	stream.indirect.gather [hbm4b:s3+s29], $0x20, s23, s29, $0xb8;
	[tilespmem:$0x1E400] =	vst v63  }
0x2e2: {  	_ =	swait.ge [sflag:s14], $0x4000  }
0x2e3: {  	[sflag:s14] =	ssyncset.done $0x0  }
0x2e4: {  	s21 =	simm.s32 $0x0;
	[sflag:s14] =	ssyncadd.s32 $0xFFFFC000  }
0x2e5: {  	s22 =	simm.s32 $0x80;
	v0 =	vld [tilespmem:s21+$0x12400]  }
.LBB2_68:
0x2e6: {  	p0 =	sne.s32 s22, $0xFF80;
	v1 =	vld [tilespmem:s21+$0x12410];
	_ =	sdelay $0x2  }
.Ltmp33:
0x2e7: {  	(pc) =	sbr.rel @p0 .LBB2_68-.Ltmp33, $4  }
0x2e8: {  	v0 =	vmul.f32 $5.656854150e+00, v0  }
0x2e9: {  	v1 =	vmul.f32 $5.656854150e+00, v1  }
0x2ea: {  	s23 =	sshra.s32 s22, $0x2;
	[tilespmem:s21+$0x12400] =	vst v0  }
0x2eb: {  	s22 =	sadd.s32 $0x80, s22;
	v0 =	vld [tilespmem:s23+$0x12400];
	[tilespmem:s21+$0x12410] =	vst v1;
	s21 =	smov.u32 s23  }
0x2ec: {  	v1 =	vld [tilespmem:s21+$0x12410];
	_ =	sdelay $0x3  }
0x2ed: {  	v0 =	vmul.f32 $5.656854150e+00, v0  }
0x2ee: {  	s22 =	sld [smem:$0x7EE];
	v1 =	vmul.f32 $5.656854150e+00, v1  }
0x2ef: {  	[tilespmem:s21+$0x12400] =	vst v0  }
0x2f0: {  	[tilespmem:s21+$0x12410] =	vst v1  }
0x2f1: {  	[hbm4b:s22+s7] =	stream.strided.scatter [tilespmem:s1], [sflag:$0xA], $0x4000, s8, s7, $0x38;
	[tilespmem:$0x1E400] =	vst v63  }
0x2f2: {  	_ =	swait.ge [sflag:s15], $0x4000  }
0x2f3: {  	[sflag:s15] =	ssyncset.done $0x0  }
0x2f4: {  	s23 =	simm.s32 $0x4E00;
	[sflag:s15] =	ssyncadd.s32 $0xFFFFC000  }
0x2f5: {  	[tilespmem:s1], [sflag:$0x4] =	stream.indirect.gather [hbm4b:s3+s29], $0x20, s23, s29, $0xb8;
	[tilespmem:$0x1E400] =	vst v63  }
0x2f6: {  	_ =	swait.ge [sflag:s16], $0x4000  }
0x2f7: {  	[sflag:s16] =	ssyncset.done $0x0  }
0x2f8: {  	s21 =	simm.s32 $0x0;
	[sflag:s16] =	ssyncadd.s32 $0xFFFFC000  }
0x2f9: {  	s22 =	simm.s32 $0x80;
	v0 =	vld [tilespmem:s21+$0x16400]  }
.LBB2_70:
0x2fa: {  	p0 =	sne.s32 s22, $0xFF80;
	v1 =	vld [tilespmem:s21+$0x16410];
	_ =	sdelay $0x2  }
.Ltmp34:
0x2fb: {  	(pc) =	sbr.rel @p0 .LBB2_70-.Ltmp34, $4  }
0x2fc: {  	v0 =	vmul.f32 $5.656854150e+00, v0  }
0x2fd: {  	v1 =	vmul.f32 $5.656854150e+00, v1  }
0x2fe: {  	s23 =	sshra.s32 s22, $0x2;
	[tilespmem:s21+$0x16400] =	vst v0  }
0x2ff: {  	s22 =	sadd.s32 $0x80, s22;
	v0 =	vld [tilespmem:s23+$0x16400];
	[tilespmem:s21+$0x16410] =	vst v1;
	s21 =	smov.u32 s23  }
0x300: {  	v1 =	vld [tilespmem:s21+$0x16410];
	_ =	sdelay $0x3  }
0x301: {  	v0 =	vmul.f32 $5.656854150e+00, v0  }
0x302: {  	s22 =	sld [smem:$0x7EF];
	v1 =	vmul.f32 $5.656854150e+00, v1  }
0x303: {  	[tilespmem:s21+$0x16400] =	vst v0  }
0x304: {  	[tilespmem:s21+$0x16410] =	vst v1  }
0x305: {  	[hbm4b:s22+s7] =	stream.strided.scatter [tilespmem:s2], [sflag:$0xB], $0x4000, s8, s7, $0x38;
	[tilespmem:$0x1E400] =	vst v63  }
0x306: {  	_ =	swait.ge [sflag:s17], $0x4000  }
0x307: {  	[sflag:s17] =	ssyncset.done $0x0  }
0x308: {  	s23 =	simm.s32 $0x5000;
	[sflag:s17] =	ssyncadd.s32 $0xFFFFC000  }
0x309: {  	[tilespmem:s2], [sflag:$0x5] =	stream.indirect.gather [hbm4b:s3+s29], $0x20, s23, s29, $0xb8;
	[tilespmem:$0x1E400] =	vst v63  }
0x30a: {  	_ =	swait.ge [sflag:s18], $0x4000  }
0x30b: {  	[sflag:s18] =	ssyncset.done $0x0  }
0x30c: {  	s21 =	simm.s32 $0x0;
	[sflag:s18] =	ssyncadd.s32 $0xFFFFC000  }
0x30d: {  	s22 =	simm.s32 $0x80;
	v0 =	vld [tilespmem:s21+$0x1A400]  }
.LBB2_72:
0x30e: {  	p0 =	sne.s32 s22, $0xFF80;
	v1 =	vld [tilespmem:s21+$0x1A410];
	_ =	sdelay $0x2  }
.Ltmp35:
0x30f: {  	(pc) =	sbr.rel @p0 .LBB2_72-.Ltmp35, $4  }
0x310: {  	v0 =	vmul.f32 $5.656854150e+00, v0  }
0x311: {  	v1 =	vmul.f32 $5.656854150e+00, v1  }
0x312: {  	s23 =	sshra.s32 s22, $0x2;
	[tilespmem:s21+$0x1A400] =	vst v0  }
0x313: {  	s22 =	sadd.s32 $0x80, s22;
	v0 =	vld [tilespmem:s23+$0x1A400];
	[tilespmem:s21+$0x1A410] =	vst v1;
	s21 =	smov.u32 s23  }
0x314: {  	v1 =	vld [tilespmem:s21+$0x1A410];
	_ =	sdelay $0x3  }
0x315: {  	v0 =	vmul.f32 $5.656854150e+00, v0  }
0x316: {  	s22 =	sld [smem:$0x7F0];
	v1 =	vmul.f32 $5.656854150e+00, v1  }
0x317: {  	[tilespmem:s21+$0x1A400] =	vst v0  }
0x318: {  	[tilespmem:s21+$0x1A410] =	vst v1  }
0x319: {  	[hbm4b:s22+s7] =	stream.strided.scatter [tilespmem:s4], [sflag:$0xC], $0x4000, s8, s7, $0x38;
	[tilespmem:$0x1E400] =	vst v63  }
0x31a: {  	_ =	swait.ge [sflag:s19], $0x4000  }
0x31b: {  	[sflag:s19] =	ssyncset.done $0x0  }
0x31c: {  	s23 =	simm.s32 $0x5200;
	[sflag:s19] =	ssyncadd.s32 $0xFFFFC000  }
0x31d: {  	[tilespmem:s4], [sflag:$0x6] =	stream.indirect.gather [hbm4b:s3+s29], $0x20, s23, s29, $0xb8;
	[tilespmem:$0x1E400] =	vst v63  }
0x31e: {  	_ =	swait.ge [sflag:s6], $0x4000  }
0x31f: {  	[sflag:s6] =	ssyncset.done $0x0  }
0x320: {  	s21 =	simm.s32 $0x0;
	[sflag:s6] =	ssyncadd.s32 $0xFFFFC000  }
0x321: {  	s22 =	simm.s32 $0x80;
	v0 =	vld [tilespmem:s21+$0x6400]  }
.LBB2_74:
0x322: {  	p0 =	sne.s32 s22, $0xFF80;
	v1 =	vld [tilespmem:s21+$0x6410];
	_ =	sdelay $0x2  }
.Ltmp36:
0x323: {  	(pc) =	sbr.rel @p0 .LBB2_74-.Ltmp36, $4  }
0x324: {  	v0 =	vmul.f32 $5.656854150e+00, v0  }
0x325: {  	v1 =	vmul.f32 $5.656854150e+00, v1  }
0x326: {  	s23 =	sshra.s32 s22, $0x2;
	[tilespmem:s21+$0x6400] =	vst v0  }
0x327: {  	s22 =	sadd.s32 $0x80, s22;
	v0 =	vld [tilespmem:s23+$0x6400];
	[tilespmem:s21+$0x6410] =	vst v1;
	s21 =	smov.u32 s23  }
0x328: {  	v1 =	vld [tilespmem:s21+$0x6410];
	_ =	sdelay $0x3  }
0x329: {  	v0 =	vmul.f32 $5.656854150e+00, v0  }
0x32a: {  	s22 =	sld [smem:$0x7F1];
	v1 =	vmul.f32 $5.656854150e+00, v1  }
0x32b: {  	[tilespmem:s21+$0x6400] =	vst v0  }
0x32c: {  	[tilespmem:s21+$0x6410] =	vst v1  }
0x32d: {  	[hbm4b:s22+s7] =	stream.strided.scatter [tilespmem:s30], [sflag:$0x7], $0x4000, s8, s7, $0x38;
	[tilespmem:$0x1E400] =	vst v63  }
0x32e: {  	_ =	swait.ge [sflag:s9], $0x4000  }
0x32f: {  	[sflag:s9] =	ssyncset.done $0x0  }
0x330: {  	s23 =	simm.s32 $0x5400;
	[sflag:s9] =	ssyncadd.s32 $0xFFFFC000  }
0x331: {  	[tilespmem:s30], [sflag:$0x1] =	stream.indirect.gather [hbm4b:s3+s29], $0x20, s23, s29, $0xb8;
	[tilespmem:$0x1E400] =	vst v63  }
0x332: {  	_ =	swait.ge [sflag:s10], $0x4000  }
0x333: {  	[sflag:s10] =	ssyncset.done $0x0  }
0x334: {  	s21 =	simm.s32 $0x0;
	[sflag:s10] =	ssyncadd.s32 $0xFFFFC000  }
0x335: {  	s22 =	simm.s32 $0x80;
	v0 =	vld [tilespmem:s21+$0xA400]  }
.LBB2_76:
0x336: {  	p0 =	sne.s32 s22, $0xFF80;
	v1 =	vld [tilespmem:s21+$0xA410];
	_ =	sdelay $0x2  }
.Ltmp37:
0x337: {  	(pc) =	sbr.rel @p0 .LBB2_76-.Ltmp37, $4  }
0x338: {  	v0 =	vmul.f32 $5.656854150e+00, v0  }
0x339: {  	v1 =	vmul.f32 $5.656854150e+00, v1  }
0x33a: {  	s23 =	sshra.s32 s22, $0x2;
	[tilespmem:s21+$0xA400] =	vst v0  }
0x33b: {  	s22 =	sadd.s32 $0x80, s22;
	v0 =	vld [tilespmem:s23+$0xA400];
	[tilespmem:s21+$0xA410] =	vst v1;
	s21 =	smov.u32 s23  }
0x33c: {  	v1 =	vld [tilespmem:s21+$0xA410];
	_ =	sdelay $0x3  }
0x33d: {  	v0 =	vmul.f32 $5.656854150e+00, v0  }
0x33e: {  	s22 =	sld [smem:$0x7F2];
	v1 =	vmul.f32 $5.656854150e+00, v1  }
0x33f: {  	[tilespmem:s21+$0xA400] =	vst v0  }
0x340: {  	[tilespmem:s21+$0xA410] =	vst v1  }
0x341: {  	[hbm4b:s22+s7] =	stream.strided.scatter [tilespmem:s31], [sflag:$0x8], $0x4000, s8, s7, $0x38;
	[tilespmem:$0x1E400] =	vst v63  }
0x342: {  	_ =	swait.ge [sflag:s11], $0x4000  }
0x343: {  	[sflag:s11] =	ssyncset.done $0x0  }
0x344: {  	s23 =	simm.s32 $0x5600;
	[sflag:s11] =	ssyncadd.s32 $0xFFFFC000  }
0x345: {  	[tilespmem:s31], [sflag:$0x2] =	stream.indirect.gather [hbm4b:s3+s29], $0x20, s23, s29, $0xb8;
	[tilespmem:$0x1E400] =	vst v63  }
0x346: {  	_ =	swait.ge [sflag:s12], $0x4000  }
0x347: {  	[sflag:s12] =	ssyncset.done $0x0  }
0x348: {  	s21 =	simm.s32 $0x0;
	[sflag:s12] =	ssyncadd.s32 $0xFFFFC000  }
0x349: {  	s22 =	simm.s32 $0x80;
	v0 =	vld [tilespmem:s21+$0xE400]  }
.LBB2_78:
0x34a: {  	p0 =	sne.s32 s22, $0xFF80;
	v1 =	vld [tilespmem:s21+$0xE410];
	_ =	sdelay $0x2  }
.Ltmp38:
0x34b: {  	(pc) =	sbr.rel @p0 .LBB2_78-.Ltmp38, $4  }
0x34c: {  	v0 =	vmul.f32 $5.656854150e+00, v0  }
0x34d: {  	v1 =	vmul.f32 $5.656854150e+00, v1  }
0x34e: {  	s23 =	sshra.s32 s22, $0x2;
	[tilespmem:s21+$0xE400] =	vst v0  }
0x34f: {  	s22 =	sadd.s32 $0x80, s22;
	v0 =	vld [tilespmem:s23+$0xE400];
	[tilespmem:s21+$0xE410] =	vst v1;
	s21 =	smov.u32 s23  }
0x350: {  	v1 =	vld [tilespmem:s21+$0xE410];
	_ =	sdelay $0x3  }
0x351: {  	v0 =	vmul.f32 $5.656854150e+00, v0  }
0x352: {  	s22 =	sld [smem:$0x7F3];
	v1 =	vmul.f32 $5.656854150e+00, v1  }
0x353: {  	[tilespmem:s21+$0xE400] =	vst v0  }
0x354: {  	[tilespmem:s21+$0xE410] =	vst v1  }
0x355: {  	[hbm4b:s22+s7] =	stream.strided.scatter [tilespmem:s0], [sflag:$0x9], $0x4000, s8, s7, $0x38;
	[tilespmem:$0x1E400] =	vst v63  }
0x356: {  	_ =	swait.ge [sflag:s13], $0x4000  }
0x357: {  	[sflag:s13] =	ssyncset.done $0x0  }
0x358: {  	s23 =	simm.s32 $0x5800;
	[sflag:s13] =	ssyncadd.s32 $0xFFFFC000  }
0x359: {  	[tilespmem:s0], [sflag:$0x3] =	stream.indirect.gather [hbm4b:s3+s29], $0x20, s23, s29, $0xb8;
	[tilespmem:$0x1E400] =	vst v63  }
0x35a: {  	_ =	swait.ge [sflag:s14], $0x4000  }
0x35b: {  	[sflag:s14] =	ssyncset.done $0x0  }
0x35c: {  	s21 =	simm.s32 $0x0;
	[sflag:s14] =	ssyncadd.s32 $0xFFFFC000  }
0x35d: {  	s22 =	simm.s32 $0x80;
	v0 =	vld [tilespmem:s21+$0x12400]  }
.LBB2_80:
0x35e: {  	p0 =	sne.s32 s22, $0xFF80;
	v1 =	vld [tilespmem:s21+$0x12410];
	_ =	sdelay $0x2  }
.Ltmp39:
0x35f: {  	(pc) =	sbr.rel @p0 .LBB2_80-.Ltmp39, $4  }
0x360: {  	v0 =	vmul.f32 $5.656854150e+00, v0  }
0x361: {  	v1 =	vmul.f32 $5.656854150e+00, v1  }
0x362: {  	s23 =	sshra.s32 s22, $0x2;
	[tilespmem:s21+$0x12400] =	vst v0  }
0x363: {  	s22 =	sadd.s32 $0x80, s22;
	v0 =	vld [tilespmem:s23+$0x12400];
	[tilespmem:s21+$0x12410] =	vst v1;
	s21 =	smov.u32 s23  }
0x364: {  	v1 =	vld [tilespmem:s21+$0x12410];
	_ =	sdelay $0x3  }
0x365: {  	v0 =	vmul.f32 $5.656854150e+00, v0  }
0x366: {  	s22 =	sld [smem:$0x7F4];
	v1 =	vmul.f32 $5.656854150e+00, v1  }
0x367: {  	[tilespmem:s21+$0x12400] =	vst v0  }
0x368: {  	[tilespmem:s21+$0x12410] =	vst v1  }
0x369: {  	[hbm4b:s22+s7] =	stream.strided.scatter [tilespmem:s1], [sflag:$0xA], $0x4000, s8, s7, $0x38;
	[tilespmem:$0x1E400] =	vst v63  }
0x36a: {  	_ =	swait.ge [sflag:s15], $0x4000  }
0x36b: {  	[sflag:s15] =	ssyncset.done $0x0  }
0x36c: {  	s23 =	simm.s32 $0x5A00;
	[sflag:s15] =	ssyncadd.s32 $0xFFFFC000  }
0x36d: {  	[tilespmem:s1], [sflag:$0x4] =	stream.indirect.gather [hbm4b:s3+s29], $0x20, s23, s29, $0xb8;
	[tilespmem:$0x1E400] =	vst v63  }
0x36e: {  	_ =	swait.ge [sflag:s16], $0x4000  }
0x36f: {  	[sflag:s16] =	ssyncset.done $0x0  }
0x370: {  	s21 =	simm.s32 $0x0;
	[sflag:s16] =	ssyncadd.s32 $0xFFFFC000  }
0x371: {  	s22 =	simm.s32 $0x80;
	v0 =	vld [tilespmem:s21+$0x16400]  }
.LBB2_82:
0x372: {  	p0 =	sne.s32 s22, $0xFF80;
	v1 =	vld [tilespmem:s21+$0x16410];
	_ =	sdelay $0x2  }
.Ltmp40:
0x373: {  	(pc) =	sbr.rel @p0 .LBB2_82-.Ltmp40, $4  }
0x374: {  	v0 =	vmul.f32 $5.656854150e+00, v0  }
0x375: {  	v1 =	vmul.f32 $5.656854150e+00, v1  }
0x376: {  	s23 =	sshra.s32 s22, $0x2;
	[tilespmem:s21+$0x16400] =	vst v0  }
0x377: {  	s22 =	sadd.s32 $0x80, s22;
	v0 =	vld [tilespmem:s23+$0x16400];
	[tilespmem:s21+$0x16410] =	vst v1;
	s21 =	smov.u32 s23  }
0x378: {  	v1 =	vld [tilespmem:s21+$0x16410];
	_ =	sdelay $0x3  }
0x379: {  	v0 =	vmul.f32 $5.656854150e+00, v0  }
0x37a: {  	s22 =	sld [smem:$0x7F5];
	v1 =	vmul.f32 $5.656854150e+00, v1  }
0x37b: {  	[tilespmem:s21+$0x16400] =	vst v0  }
0x37c: {  	[tilespmem:s21+$0x16410] =	vst v1  }
0x37d: {  	[hbm4b:s22+s7] =	stream.strided.scatter [tilespmem:s2], [sflag:$0xB], $0x4000, s8, s7, $0x38;
	[tilespmem:$0x1E400] =	vst v63  }
0x37e: {  	_ =	swait.ge [sflag:s17], $0x4000  }
0x37f: {  	[sflag:s17] =	ssyncset.done $0x0  }
0x380: {  	s23 =	simm.s32 $0x5C00;
	[sflag:s17] =	ssyncadd.s32 $0xFFFFC000  }
0x381: {  	[tilespmem:s2], [sflag:$0x5] =	stream.indirect.gather [hbm4b:s3+s29], $0x20, s23, s29, $0xb8;
	[tilespmem:$0x1E400] =	vst v63  }
0x382: {  	_ =	swait.ge [sflag:s18], $0x4000  }
0x383: {  	[sflag:s18] =	ssyncset.done $0x0  }
0x384: {  	s21 =	simm.s32 $0x0;
	[sflag:s18] =	ssyncadd.s32 $0xFFFFC000  }
0x385: {  	s22 =	simm.s32 $0x80;
	v0 =	vld [tilespmem:s21+$0x1A400]  }
.LBB2_84:
0x386: {  	p0 =	sne.s32 s22, $0xFF80;
	v1 =	vld [tilespmem:s21+$0x1A410];
	_ =	sdelay $0x2  }
.Ltmp41:
0x387: {  	(pc) =	sbr.rel @p0 .LBB2_84-.Ltmp41, $4  }
0x388: {  	v0 =	vmul.f32 $5.656854150e+00, v0  }
0x389: {  	v1 =	vmul.f32 $5.656854150e+00, v1  }
0x38a: {  	s23 =	sshra.s32 s22, $0x2;
	[tilespmem:s21+$0x1A400] =	vst v0  }
0x38b: {  	s22 =	sadd.s32 $0x80, s22;
	v0 =	vld [tilespmem:s23+$0x1A400];
	[tilespmem:s21+$0x1A410] =	vst v1;
	s21 =	smov.u32 s23  }
0x38c: {  	v1 =	vld [tilespmem:s21+$0x1A410];
	_ =	sdelay $0x3  }
0x38d: {  	v0 =	vmul.f32 $5.656854150e+00, v0  }
0x38e: {  	s22 =	sld [smem:$0x7F6];
	v1 =	vmul.f32 $5.656854150e+00, v1  }
0x38f: {  	[tilespmem:s21+$0x1A400] =	vst v0  }
0x390: {  	[tilespmem:s21+$0x1A410] =	vst v1  }
0x391: {  	[hbm4b:s22+s7] =	stream.strided.scatter [tilespmem:s4], [sflag:$0xC], $0x4000, s8, s7, $0x38;
	[tilespmem:$0x1E400] =	vst v63  }
0x392: {  	_ =	swait.ge [sflag:s19], $0x4000  }
0x393: {  	[sflag:s19] =	ssyncset.done $0x0  }
0x394: {  	s23 =	simm.s32 $0x5E00;
	[sflag:s19] =	ssyncadd.s32 $0xFFFFC000  }
0x395: {  	[tilespmem:s4], [sflag:$0x6] =	stream.indirect.gather [hbm4b:s3+s29], $0x20, s23, s29, $0xb8;
	[tilespmem:$0x1E400] =	vst v63  }
0x396: {  	_ =	swait.ge [sflag:s6], $0x4000  }
0x397: {  	[sflag:s6] =	ssyncset.done $0x0  }
0x398: {  	s21 =	simm.s32 $0x0;
	[sflag:s6] =	ssyncadd.s32 $0xFFFFC000  }
0x399: {  	s22 =	simm.s32 $0x80;
	v0 =	vld [tilespmem:s21+$0x6400]  }
.LBB2_86:
0x39a: {  	p0 =	sne.s32 s22, $0xFF80;
	v1 =	vld [tilespmem:s21+$0x6410];
	_ =	sdelay $0x2  }
.Ltmp42:
0x39b: {  	(pc) =	sbr.rel @p0 .LBB2_86-.Ltmp42, $4  }
0x39c: {  	v0 =	vmul.f32 $5.656854150e+00, v0  }
0x39d: {  	v1 =	vmul.f32 $5.656854150e+00, v1  }
0x39e: {  	s23 =	sshra.s32 s22, $0x2;
	[tilespmem:s21+$0x6400] =	vst v0  }
0x39f: {  	s22 =	sadd.s32 $0x80, s22;
	v0 =	vld [tilespmem:s23+$0x6400];
	[tilespmem:s21+$0x6410] =	vst v1;
	s21 =	smov.u32 s23  }
0x3a0: {  	v1 =	vld [tilespmem:s21+$0x6410];
	_ =	sdelay $0x3  }
0x3a1: {  	v0 =	vmul.f32 $5.656854150e+00, v0  }
0x3a2: {  	s22 =	sld [smem:$0x7F7];
	v1 =	vmul.f32 $5.656854150e+00, v1  }
0x3a3: {  	[tilespmem:s21+$0x6400] =	vst v0  }
0x3a4: {  	[tilespmem:s21+$0x6410] =	vst v1  }
0x3a5: {  	[hbm4b:s22+s7] =	stream.strided.scatter [tilespmem:s30], [sflag:$0x7], $0x4000, s8, s7, $0x38;
	[tilespmem:$0x1E400] =	vst v63  }
0x3a6: {  	_ =	swait.ge [sflag:s9], $0x4000  }
0x3a7: {  	[sflag:s9] =	ssyncset.done $0x0  }
0x3a8: {  	s23 =	simm.s32 $0x6000;
	[sflag:s9] =	ssyncadd.s32 $0xFFFFC000  }
0x3a9: {  	[tilespmem:s30], [sflag:$0x1] =	stream.indirect.gather [hbm4b:s3+s29], $0x20, s23, s29, $0xb8;
	[tilespmem:$0x1E400] =	vst v63  }
0x3aa: {  	_ =	swait.ge [sflag:s10], $0x4000  }
0x3ab: {  	[sflag:s10] =	ssyncset.done $0x0  }
0x3ac: {  	s21 =	simm.s32 $0x0;
	[sflag:s10] =	ssyncadd.s32 $0xFFFFC000  }
0x3ad: {  	s22 =	simm.s32 $0x80;
	v0 =	vld [tilespmem:s21+$0xA400]  }
.LBB2_88:
0x3ae: {  	p0 =	sne.s32 s22, $0xFF80;
	v1 =	vld [tilespmem:s21+$0xA410];
	_ =	sdelay $0x2  }
.Ltmp43:
0x3af: {  	(pc) =	sbr.rel @p0 .LBB2_88-.Ltmp43, $4  }
0x3b0: {  	v0 =	vmul.f32 $5.656854150e+00, v0  }
0x3b1: {  	v1 =	vmul.f32 $5.656854150e+00, v1  }
0x3b2: {  	s23 =	sshra.s32 s22, $0x2;
	[tilespmem:s21+$0xA400] =	vst v0  }
0x3b3: {  	s22 =	sadd.s32 $0x80, s22;
	v0 =	vld [tilespmem:s23+$0xA400];
	[tilespmem:s21+$0xA410] =	vst v1;
	s21 =	smov.u32 s23  }
0x3b4: {  	v1 =	vld [tilespmem:s21+$0xA410];
	_ =	sdelay $0x3  }
0x3b5: {  	v0 =	vmul.f32 $5.656854150e+00, v0  }
0x3b6: {  	s22 =	sld [smem:$0x7F8];
	v1 =	vmul.f32 $5.656854150e+00, v1  }
0x3b7: {  	[tilespmem:s21+$0xA400] =	vst v0  }
0x3b8: {  	[tilespmem:s21+$0xA410] =	vst v1  }
0x3b9: {  	[hbm4b:s22+s7] =	stream.strided.scatter [tilespmem:s31], [sflag:$0x8], $0x4000, s8, s7, $0x38;
	[tilespmem:$0x1E400] =	vst v63  }
0x3ba: {  	_ =	swait.ge [sflag:s11], $0x4000  }
0x3bb: {  	[sflag:s11] =	ssyncset.done $0x0  }
0x3bc: {  	s23 =	simm.s32 $0x6200;
	[sflag:s11] =	ssyncadd.s32 $0xFFFFC000  }
0x3bd: {  	[tilespmem:s31], [sflag:$0x2] =	stream.indirect.gather [hbm4b:s3+s29], $0x20, s23, s29, $0xb8;
	[tilespmem:$0x1E400] =	vst v63  }
0x3be: {  	_ =	swait.ge [sflag:s12], $0x4000  }
0x3bf: {  	[sflag:s12] =	ssyncset.done $0x0  }
0x3c0: {  	s21 =	simm.s32 $0x0;
	[sflag:s12] =	ssyncadd.s32 $0xFFFFC000  }
0x3c1: {  	s22 =	simm.s32 $0x80;
	v0 =	vld [tilespmem:s21+$0xE400]  }
.LBB2_90:
0x3c2: {  	p0 =	sne.s32 s22, $0xFF80;
	v1 =	vld [tilespmem:s21+$0xE410];
	_ =	sdelay $0x2  }
.Ltmp44:
0x3c3: {  	(pc) =	sbr.rel @p0 .LBB2_90-.Ltmp44, $4  }
0x3c4: {  	v0 =	vmul.f32 $5.656854150e+00, v0  }
0x3c5: {  	v1 =	vmul.f32 $5.656854150e+00, v1  }
0x3c6: {  	s23 =	sshra.s32 s22, $0x2;
	[tilespmem:s21+$0xE400] =	vst v0  }
0x3c7: {  	s22 =	sadd.s32 $0x80, s22;
	v0 =	vld [tilespmem:s23+$0xE400];
	[tilespmem:s21+$0xE410] =	vst v1;
	s21 =	smov.u32 s23  }
0x3c8: {  	v1 =	vld [tilespmem:s21+$0xE410];
	_ =	sdelay $0x3  }
0x3c9: {  	v0 =	vmul.f32 $5.656854150e+00, v0  }
0x3ca: {  	s23 =	sld [smem:$0x7F9];
	v1 =	vmul.f32 $5.656854150e+00, v1  }
0x3cb: {  	[tilespmem:s21+$0xE400] =	vst v0  }
0x3cc: {  	[tilespmem:s21+$0xE410] =	vst v1  }
0x3cd: {  	[hbm4b:s23+s7] =	stream.strided.scatter [tilespmem:s0], [sflag:$0x9], $0x4000, s8, s7, $0x38;
	[tilespmem:$0x1E400] =	vst v63  }
0x3ce: {  	_ =	swait.ge [sflag:s14], $0x4000  }
0x3cf: {  	[sflag:s14] =	ssyncset.done $0x0  }
0x3d0: {  	s21 =	simm.s32 $0x0;
	[sflag:s14] =	ssyncadd.s32 $0xFFFFC000  }
0x3d1: {  	s22 =	simm.s32 $0x80;
	v0 =	vld [tilespmem:s21+$0x12400]  }
.LBB2_92:
0x3d2: {  	p0 =	sne.s32 s22, $0xFF80;
	v1 =	vld [tilespmem:s21+$0x12410];
	_ =	sdelay $0x2  }
.Ltmp45:
0x3d3: {  	(pc) =	sbr.rel @p0 .LBB2_92-.Ltmp45, $4  }
0x3d4: {  	v0 =	vmul.f32 $5.656854150e+00, v0  }
0x3d5: {  	v1 =	vmul.f32 $5.656854150e+00, v1  }
0x3d6: {  	s23 =	sshra.s32 s22, $0x2;
	[tilespmem:s21+$0x12400] =	vst v0  }
0x3d7: {  	s22 =	sadd.s32 $0x80, s22;
	v0 =	vld [tilespmem:s23+$0x12400];
	[tilespmem:s21+$0x12410] =	vst v1;
	s21 =	smov.u32 s23  }
0x3d8: {  	v1 =	vld [tilespmem:s21+$0x12410];
	_ =	sdelay $0x3  }
0x3d9: {  	v0 =	vmul.f32 $5.656854150e+00, v0  }
0x3da: {  	s23 =	sld [smem:$0x7FA];
	v1 =	vmul.f32 $5.656854150e+00, v1  }
0x3db: {  	[tilespmem:s21+$0x12400] =	vst v0  }
0x3dc: {  	[tilespmem:s21+$0x12410] =	vst v1  }
0x3dd: {  	[hbm4b:s23+s7] =	stream.strided.scatter [tilespmem:s1], [sflag:$0xA], $0x4000, s8, s7, $0x38;
	[tilespmem:$0x1E400] =	vst v63  }
0x3de: {  	_ =	swait.ge [sflag:s16], $0x4000  }
0x3df: {  	[sflag:s16] =	ssyncset.done $0x0  }
0x3e0: {  	s21 =	simm.s32 $0x0;
	[sflag:s16] =	ssyncadd.s32 $0xFFFFC000  }
0x3e1: {  	s22 =	simm.s32 $0x80;
	v0 =	vld [tilespmem:s21+$0x16400]  }
.LBB2_94:
0x3e2: {  	p0 =	sne.s32 s22, $0xFF80;
	v1 =	vld [tilespmem:s21+$0x16410];
	_ =	sdelay $0x2  }
.Ltmp46:
0x3e3: {  	(pc) =	sbr.rel @p0 .LBB2_94-.Ltmp46, $4  }
0x3e4: {  	v0 =	vmul.f32 $5.656854150e+00, v0  }
0x3e5: {  	v1 =	vmul.f32 $5.656854150e+00, v1  }
0x3e6: {  	s23 =	sshra.s32 s22, $0x2;
	[tilespmem:s21+$0x16400] =	vst v0  }
0x3e7: {  	s22 =	sadd.s32 $0x80, s22;
	v0 =	vld [tilespmem:s23+$0x16400];
	[tilespmem:s21+$0x16410] =	vst v1;
	s21 =	smov.u32 s23  }
0x3e8: {  	v1 =	vld [tilespmem:s21+$0x16410];
	_ =	sdelay $0x3  }
0x3e9: {  	v0 =	vmul.f32 $5.656854150e+00, v0  }
0x3ea: {  	s23 =	sld [smem:$0x7FB];
	v1 =	vmul.f32 $5.656854150e+00, v1  }
0x3eb: {  	[tilespmem:s21+$0x16400] =	vst v0  }
0x3ec: {  	[tilespmem:s21+$0x16410] =	vst v1  }
0x3ed: {  	[hbm4b:s23+s7] =	stream.strided.scatter [tilespmem:s2], [sflag:$0xB], $0x4000, s8, s7, $0x38;
	[tilespmem:$0x1E400] =	vst v63  }
0x3ee: {  	_ =	swait.ge [sflag:s18], $0x4000  }
0x3ef: {  	[sflag:s18] =	ssyncset.done $0x0  }
0x3f0: {  	s21 =	simm.s32 $0x0;
	[sflag:s18] =	ssyncadd.s32 $0xFFFFC000  }
0x3f1: {  	s22 =	simm.s32 $0x80;
	v0 =	vld [tilespmem:s21+$0x1A400]  }
.LBB2_96:
0x3f2: {  	p0 =	sne.s32 s22, $0xFF80;
	v1 =	vld [tilespmem:s21+$0x1A410];
	_ =	sdelay $0x2  }
.Ltmp47:
0x3f3: {  	(pc) =	sbr.rel @p0 .LBB2_96-.Ltmp47, $4  }
0x3f4: {  	v0 =	vmul.f32 $5.656854150e+00, v0  }
0x3f5: {  	v1 =	vmul.f32 $5.656854150e+00, v1  }
0x3f6: {  	s23 =	sshra.s32 s22, $0x2;
	[tilespmem:s21+$0x1A400] =	vst v0  }
0x3f7: {  	s22 =	sadd.s32 $0x80, s22;
	v0 =	vld [tilespmem:s23+$0x1A400];
	[tilespmem:s21+$0x1A410] =	vst v1;
	s21 =	smov.u32 s23  }
0x3f8: {  	v1 =	vld [tilespmem:s21+$0x1A410];
	_ =	sdelay $0x3  }
0x3f9: {  	v0 =	vmul.f32 $5.656854150e+00, v0  }
0x3fa: {  	s23 =	sld [smem:$0x7FC];
	v1 =	vmul.f32 $5.656854150e+00, v1  }
0x3fb: {  	[tilespmem:s21+$0x1A400] =	vst v0  }
0x3fc: {  	[tilespmem:s21+$0x1A410] =	vst v1  }
0x3fd: {  	[hbm4b:s23+s7] =	stream.strided.scatter [tilespmem:s4], [sflag:$0xC], $0x4000, s8, s7, $0x38;
	[tilespmem:$0x1E400] =	vst v63  }
0x3fe: {  	_ =	swait.ge [sflag:s6], $0x4000  }
0x3ff: {  	[sflag:s6] =	ssyncset.done $0x0  }
0x400: {  	s21 =	simm.s32 $0x0;
	[sflag:s6] =	ssyncadd.s32 $0xFFFFC000  }
0x401: {  	s22 =	simm.s32 $0x80;
	v0 =	vld [tilespmem:s21+$0x6400]  }
.LBB2_98:
0x402: {  	p0 =	sne.s32 s22, $0xFF80;
	v1 =	vld [tilespmem:s21+$0x6410];
	_ =	sdelay $0x2  }
.Ltmp48:
0x403: {  	(pc) =	sbr.rel @p0 .LBB2_98-.Ltmp48, $4  }
0x404: {  	v0 =	vmul.f32 $5.656854150e+00, v0  }
0x405: {  	v1 =	vmul.f32 $5.656854150e+00, v1  }
0x406: {  	s23 =	sshra.s32 s22, $0x2;
	[tilespmem:s21+$0x6400] =	vst v0  }
0x407: {  	s22 =	sadd.s32 $0x80, s22;
	v0 =	vld [tilespmem:s23+$0x6400];
	[tilespmem:s21+$0x6410] =	vst v1;
	s21 =	smov.u32 s23  }
0x408: {  	v1 =	vld [tilespmem:s21+$0x6410];
	_ =	sdelay $0x3  }
0x409: {  	v0 =	vmul.f32 $5.656854150e+00, v0  }
0x40a: {  	s23 =	sld [smem:$0x7FD];
	v1 =	vmul.f32 $5.656854150e+00, v1  }
0x40b: {  	[tilespmem:s21+$0x6400] =	vst v0  }
0x40c: {  	[tilespmem:s21+$0x6410] =	vst v1  }
0x40d: {  	[hbm4b:s23+s7] =	stream.strided.scatter [tilespmem:s30], [sflag:$0x7], $0x4000, s8, s7, $0x38;
	[tilespmem:$0x1E400] =	vst v63  }
0x40e: {  	_ =	swait.ge [sflag:s10], $0x4000  }
0x40f: {  	[sflag:s10] =	ssyncset.done $0x0  }
0x410: {  	s21 =	simm.s32 $0x0;
	[sflag:s10] =	ssyncadd.s32 $0xFFFFC000  }
0x411: {  	s22 =	simm.s32 $0x80;
	v0 =	vld [tilespmem:s21+$0xA400]  }
.LBB2_100:
0x412: {  	p0 =	sne.s32 s22, $0xFF80;
	v1 =	vld [tilespmem:s21+$0xA410];
	_ =	sdelay $0x2  }
.Ltmp49:
0x413: {  	(pc) =	sbr.rel @p0 .LBB2_100-.Ltmp49, $4  }
0x414: {  	v0 =	vmul.f32 $5.656854150e+00, v0  }
0x415: {  	v1 =	vmul.f32 $5.656854150e+00, v1  }
0x416: {  	s23 =	sshra.s32 s22, $0x2;
	[tilespmem:s21+$0xA400] =	vst v0  }
0x417: {  	s22 =	sadd.s32 $0x80, s22;
	v0 =	vld [tilespmem:s23+$0xA400];
	[tilespmem:s21+$0xA410] =	vst v1;
	s21 =	smov.u32 s23  }
0x418: {  	v1 =	vld [tilespmem:s21+$0xA410];
	_ =	sdelay $0x3  }
0x419: {  	v0 =	vmul.f32 $5.656854150e+00, v0  }
0x41a: {  	v1 =	vmul.f32 $5.656854150e+00, v1  }
0x41b: {  	[tilespmem:s21+$0xA400] =	vst v0  }
0x41c: {  	[tilespmem:s21+$0xA410] =	vst v1  }
0x41d: {  	[hbm4b:s24+s7] =	stream.strided.scatter [tilespmem:s31], [sflag:$0x8], $0x4000, s8, s7, $0x38;
	[tilespmem:$0x1E400] =	vst v63  }
0x41e: {  	_ =	swait.ge [sflag:s9], $0x4000  }
0x41f: {  	[sflag:s9] =	ssyncset.done $0x0  }
0x420: {  	[sflag:s9] =	ssyncadd.s32 $0xFFFFC000  }
0x421: {  	_ =	swait.ge [sflag:s11], $0x4000  }
0x422: {  	[sflag:s11] =	ssyncset.done $0x0  }
0x423: {  	[sflag:s11] =	ssyncadd.s32 $0xFFFFC000  }
0x424: {  	_ =	swait.ge [sflag:s13], $0x4000  }
0x425: {  	[sflag:s13] =	ssyncset.done $0x0  }
0x426: {  	[sflag:s13] =	ssyncadd.s32 $0xFFFFC000  }
0x427: {  	_ =	swait.ge [sflag:s15], $0x4000  }
0x428: {  	[sflag:s15] =	ssyncset.done $0x0  }
0x429: {  	s20 =	sadd.s32 $0x1, s20;
	[sflag:s15] =	ssyncadd.s32 $0xFFFFC000  }
0x42a: {  	p0 =	sne.s32 s20, s25;
	_ =	swait.ge [sflag:s17], $0x4000  }
.Ltmp50:
0x42b: {  	[sflag:s17] =	ssyncset.done $0x0;
	(pc) =	sbr.rel @p0 .LBB2_1-.Ltmp50, $4  }
0x42c: {  	[sflag:s17] =	ssyncadd.s32 $0xFFFFC000  }
0x42d: {  	_ =	swait.ge [sflag:s19], $0x4000  }
0x42e: {  	[sflag:s19] =	ssyncset.done $0x0  }
0x42f: {  	[sflag:s19] =	ssyncadd.s32 $0xFFFFC000  }
0x430: {  	_ =	sfence.sel $0x180000  }
0x431: {  	[bflag:$0x0] =	sbarrier.arrive $0xFFFF  }
0x432: {  	_ =	strace $0x90000047  }
0x433: {  	s0 =	stileid.u32;
	[bflag:$0x2] =	sbarrier.arrive $0xFFFF  }
0x434: {  	p0 =	sne.s32 s0, $0x0;
	s0 =	rddreg [dreg:$0x2]  }
0x435: {  	s0 =	sadd.s32 @!p0 $0x100000, s0  }
0x436: {  	[sflag:s0] =	ssyncadd.tile.s32 @!p0 $0x1;
	_ =	shalt  }
.Lfunc_end2:
_tile_overlayer_lowered:
.L_overlay_start_2:
0x437: {  	(tag) =	ssettag $0x2  }
0x438: {  	s0 =	rddreg [dreg:$0x0];
	s2 =	stileid.u32  }
0x439: {  	s1 =	rddreg [dreg:$0x1];
	p0 =	sne.s32 s2, $0x0  }
0x43a: {  	s3 =	rddreg [dreg:$0x2];
	[bflag:$0x3] =	sbarrier.arrive $0xFFFF;
	s2 =	simm.s32 @!p0 $0x1C0D  }
0x43b: {  	[timem:s3], [sflag:s2] =	dma.local @!p0 [hbm:s0], s1  }
0x43c: {  	s0 =	simm.s32 @!p0 $0xD  }
0x43d: {  	_ =	swait.ge @!p0 [sflag:s0], s1  }
0x43e: {  	s1 =	ssub.s32 @!p0 $0x0, s1;
	[sflag:s0] =	ssyncset.done @!p0 $0x0  }
0x43f: {  	[sflag:s0] =	ssyncadd.s32 @!p0 s1  }
0x440: {  	[bflag:$0x3] =	sbarrier.arrive $0xFFFF  }
0x441: {  	_ =	shalt  }

// kernel: sparse-core-data-format-call.cloned.1.call-start
scs
called_computation_lowered:
.L_overlay_start_0:
0x0: {  	s2 =	sld [smem:$0x3FD9]  }
0x1: {  	s3 =	sld [smem:$0x3FFE];
	_ =	sdelay $0x1  }
0x2: {  	s1 =	srdreg.scid  }
0x3: {  	s0 =	sand.u32 $0x1, s1  }
0x4: {  	s18 =	sshll.u32 s0, $0xA;
	s2 =	sadd.s32 s3, s2  }
0x5: {  	s2 =	sadd.s32 s2, s18  }
0x6: {  	[smem:$0x3FC6] =	sst s2  }
0x7: {  	_ = 	snop  }
0x8: {  	s2 =	sld [smem:$0x3FD0];
	(tm) =	ssettm $0x1  }
0x9: {  	s19 =	sld [smem:$0x3FFB];
	_ =	sdelay $0x3  }
0xa: {  	_ =	strace s19  }
0xb: {  	s3 =	sld [smem:$0x3FFC];
	_ =	sdelay $0x3  }
0xc: {  	_ =	strace s3  }
0xd: {  	s3 =	sld [smem:$0x3FFD];
	_ =	sdelay $0x3  }
0xe: {  	_ =	strace s3  }
0xf: {  	_ =	strace $0x8FFFFFFF  }
0x10: {  	s20 =	sld [smem:$0x3FDB];
	_ =	sdelay $0x1  }
0x11: {  	s4 =	simm.s32 $_scs_section_size  }
0x12: {  	s5 =	simm.s32 $_size__tile_overlayer_lowered;
	s6 =	simm.s32 $_tile_overlayer_lowered  }
0x13: {  	s23 =	simm.s32 $0x1BFF;
	s22 =	sshll.u32 s6, $0x1;
	s3 =	sadd.s32 s4, s20  }
0x14: {  	s7 =	simm.s32 $0x0;
	s21 =	sshll.u32 s5, $0x1;
	s5 =	sadd.s32 s22, s3  }
0x15: {  	[timem:s7], [sflag:s23] =	dma.local [hbm:s5], s21  }
0x16: {  	_ =	swait.ge [sflag:s23], s21  }
0x17: {  	s4 =	ssub.s32 $0x0, s21;
	[sflag:s23] =	ssyncset.done $0x0  }
0x18: {  	[sflag:s23] =	ssyncadd.s32 s4;
	_ =	sdelay $0x1  }
0x19: {  	s24 =	simm.s32 $0x1B8B  }
0x1a: {  	_ =	swait.ge [sflag:s24], $0x1  }
0x1b: {  	[sflag:s24] =	ssyncset.done $0x0  }
0x1c: {  	s26 =	simm.s32 $0x1B8E;
	s25 =	sld [smem:$0x3FFE];
	[sflag:s24] =	ssyncadd.s32 $0xFFFFFFFF  }
0x1d: {  	s27 =	simm.s32 $execute0_lowered;
	[smem:$0x3FD2] =	sst s26  }
0x1e: {  	s5 =	sshll.u32 s27, $0x1;
	_ =	strace $0x80000049;
	[dreg:$0x1] =	wrdreg $0xFFFFFFFF  }
0x1f: {  	s28 =	simm.s32 $_size_execute0_lowered;
	s3 =	sadd.s32 s3, s5;
	[dreg:$0x0] =	wrdreg $0x0  }
0x20: {  	s5 =	sshll.u32 s28, $0x1;
	[dreg:$0x2] =	wrdreg s3  }
0x21: {  	[dreg:$0x3] =	wrdreg s5  }
0x22: {  	[dreg:$0x4] =	wrdreg $0xC0  }
0x23: {  	_ =	task [dreg:s7], $0x5FFFF  }
0x24: {  	[dreg:$0x1] =	wrdreg $0xFFFFFFFF  }
0x25: {  	[dreg:$0x0] =	wrdreg $0x60  }
0x26: {  	[dreg:$0x2] =	wrdreg s25  }
0x27: {  	[dreg:$0x3] =	wrdreg s2  }
0x28: {  	[dreg:$0x4] =	wrdreg $0x9  }
0x29: {  	_ =	task.clear_ibuf [dreg:s7], $0x5FFFF;
	_ =	strace $0x90000049  }
0x2a: {  	s29 =	simm.s32 $0x9;
	_ =	strace $0x8000004B  }
0x2b: {  	_ =	swait.ge [sflag:s29], $0x1  }
0x2c: {  	[sflag:s29] =	ssyncadd.s32 $0xFFFFFFFF  }
0x2d: {  	_ =	strace $0x9000004B  }
0x2e: {  	_ =	sfence  }
0x2f: {  	s30 =	sld [smem:$0x0];
	_ =	sdelay $0x2  }
0x30: {  	s31 =	sshll.u32 s1, $0xD;
	s1 =	sshrl.u32 s1, $0x2  }
0x31: {  	s3 =	sand.u32 $0x4000, s31;
	s1 =	sadd.s32 s1, s30  }
0x32: {  	s0 =	sor.u32 s3, s0;
	s1 =	sshll.u32 s1, $0x11  }
0x33: {  	s0 =	sor.u32 s1, s0  }
0x34: {  	s0 =	sadd.s32 $0x8F2B, s0  }
0x35: {  	[sflag:s0] =	ssyncadd.remote.s32 $0x1  }
0x36: {  	_ =	sfence.sel $0xFFFF  }
0x37: {  	[dreg:$0x0] =	wrdreg $0xFFFFFFFF;
	(pc) =	sbr.abs _section_cstart, $3  }
0x38: {  	[dreg:$0x1] =	wrdreg $0xFFFFFFFF  }
0x39: {  	_ =	task.clear_ibuf [dreg:s7], $0x2FFFF;
	_ =	strace $0x9FFFFFFF  }
0x3a: {  	(tm) =	ssettm $0x7FFFFFFF  }
0x3b: {  	_ =	shalt  }
tec
execute0_lowered:
.L_overlay_start_1:
0x0: {  	(tag) =	ssettag $0x1  }
0x1: {  	s0 =	srdreg.scid  }
0x2: {  	s1 =	sshll.u32 s0, $0x4  }
0x3: {  	s0 =	stileid.u32;
	s1 =	sand.u32 $0x10, s1  }
0x4: {  	s1 =	sor.u32 s0, s1  }
0x5: {  	s6 =	rddreg [dreg:$0x0];
	s4 =	simm.s32 $0x1;
	s2 =	sshll.u32 s1, $0x7  }
0x6: {  	s7 =	simm.s32 $0x2;
	s12 =	simm.s32 $0x0;
	s1 =	ssub.s32 $0x1000, s2  }
0x7: {  	s8 =	simm.s32 $0x8000;
	s13 =	simm.s32 $0x0;
	s3 =	sand.u32 $0xF80, s1  }
0x8: {  	s9 =	simm.s32 $0x0;
	s5 =	sshrl.u32 s1, $0xC;
	p0 =	sne.s32 s3, $0x0  }
.Ltmp0:
0x9: {  	s1 =	rddreg [dreg:$0x2];
	s4 =	simm.s32 @!p0 $0x0;
	(pc) =	sbr.rel .LBB1_1-.Ltmp0, $4  }
0xa: {  	s11 =	simm.s32 $0x0;
	s3 =	rddreg [dreg:$0x1];
	s5 =	sadd.s32 s4, s5  }
0xb: {  	_ =	strace $0x8000004A;
	s4 =	simm.s32 $0x1;
	s5 =	smul.u32 $0xC8, s5  }
0xc: {  	s6 =	sadd.s32 $0xA00, s6;
	s10 =	smov.u32 s2;
	[sflag:s4] =	ssyncpa.u1 $0x0  }
0xd: {  	p0 =	por $0x0, $0x0;
	[sflag:s7] =	ssyncpa.u1 $0x0;
	s7 =	sor.u32 $0x1, s5  }
.LBB1_4:
0xe: {  	s16 =	sshll.u32 s13, $0x3;
	s17 =	sand.u32 $0x78, s13  }
0xf: {  	s30 =	sand.u32 $0x3E00, s13;
	s12 =	sshll.u32 s12, $0xE;
	s16 =	sand.u32 $0xC00, s16  }
0x10: {  	s31 =	sand.u32 $0x7, s13;
	s16 =	sor.u32 s17, s16;
	s17 =	sadd.s32 s3, s30  }
0x11: {  	s13 =	sshll.u32 s31, $0x12;
	s16 =	sshrl.u32 s16, $0x3;
	s12 =	sadd.s32 s12, s17  }
0x12: {  	[tilespmem:s15+$0x0 ss:$0x81] =	vst.msk $0xffff, v0;
	s13 =	sor.u32 $0x400, s13;
	s12 =	sadd.s32 s16, s12  }
0x13: {  	[hbm4b:s12+s13] =	stream.strided.scatter [tilespmem:s14], [sflag:$0x2], $0x1000, s8, s13, $0x20;
	[tilespmem:$0x4040] =	vst v63  }
.LBB1_5:
0x14: {  	s14 =	sadd.s32 $0x1, s9  }
0x15: {  	s12 =	sadd.s32 $0x1000, s10;
	s16 =	smov.u32 s10;
	p2 =	sgt.s32 s14, $0xC7  }
0x16: {  	s16 =	smov.u32 @p2 s12  }
0x17: {  	s14 =	simm.s32 @p2 $0x0;
	p2 =	sgt.s32 s16, $0xFFF  }
0x18: {  	s16 =	smov.u32 @p2 s2;
	p2 =	sne.s32 s11, s7  }
.Ltmp1:
0x19: {  	p1 =	slt.u32 s11, $0x2;
	(pc) =	sbr.rel @!p2 .LBB1_6-.Ltmp1, $4  }
0x1a: {  	s15 =	simm.s32 @!p1 $0x2  }
0x1b: {  	s13 =	smov.u32 s10;
	p0 =	por !p0, !p0;
	_ =	swait.ge @!p1 [sflag:s15], $0x1000  }
0x1c: {  	s12 =	smov.u32 s9;
	[sflag:s15] =	ssyncset.done @!p1 $0x0;
	s9 =	smov.u32 s14  }
0x1d: {  	s11 =	sadd.s32 $0x1, s11;
	[sflag:s15] =	ssyncadd.s32 @!p1 $0xFFFFF000;
	s10 =	smov.u32 s16  }
.LBB1_1:
0x1e: {  	p1 =	sge.u32 s11, s5  }
0x1f: {  	s14 =	sand.u32 @!p1 $0x1FFFFFF, s9  }
0x20: {  	s15 =	smulhi.u32 @!p1 $0x147AE15, s14;
	_ =	sdelay $0x1  }
0x21: {  	s15 =	smul.u32 @!p1 $0xC8, s15  }
0x22: {  	s16 =	sxor.u32 @!p1 $0xFFFFFFFF, s11;
	s17 =	smul.u32 @!p1 $0xC80, s10  }
0x23: {  	s31 =	sadd.s32 $0xFFFFFFFF, s11;
	s16 =	sshll.u32 @!p1 s16, $0xC;
	s14 =	ssub.s32 @!p1 s14, s15  }
0x24: {  	s15 =	sand.u32 @!p1 $0x1000, s16;
	s16 =	sadd.s32 @!p1 s6, s17;
	s14 =	sshll.u32 @!p1 s14, $0x4  }
0x25: {  	s17 =	simm.s32 @!p1 $0x6400;
	s14 =	sadd.s32 @!p1 s14, s16;
	s16 =	simm.s32 @!p1 $0x20  }
0x26: {  	[tilespmem:s15], [sflag:$0x1] =	stream.strided.gather @!p1 [hbm4b:s14+s16], $0x1000, s17, s16, $0x38;
	[tilespmem:$0x4040] =	vst v63  }
0x27: {  	p1 =	sge.u32 s31, s5  }
.Ltmp2:
0x28: {  	_ = 	snop;
	(pc) =	sbr.rel @p1 .LBB1_5-.Ltmp2, $1  }
0x29: {  	_ =	sdelay $0x3  }
0x2a: {  	s14 =	simm.s32 $0x1  }
0x2b: {  	_ =	swait.ge [sflag:s4], $0x1000;
	s14 =	simm.s32 @!p0 $0x0  }
0x2c: {  	[sflag:s4] =	ssyncset.done $0x0;
	s15 =	sshll.u32 s14, $0xC  }
0x2d: {  	[sflag:s4] =	ssyncadd.s32 $0xFFFFF000;
	s18 =	sor.u32 $0x10, s15  }
0x2e: {  	s14 =	smul.u32 $0x4080, s14;
	v1 =	vld [tilespmem:s18+$0x0]  }
0x2f: {  	s30 =	sand.u32 $0x1, s11;
	v0 =	vld [tilespmem:s18+$0xFFFFFFF0]  }
0x30: {  	s15 =	smul.u32 $0x4080, s30;
	s14 =	sshrl.u32 s14, $0x2  }
0x31: {  	s16 =	sor.u32 $0x2000, s14  }
0x32: {  	s31 =	sshrl.u32 s15, $0x2;
	s15 =	sadd.s32 $0x0, s16  }
0x33: {  	s17 =	simm.s32 $0x4;
	s18 =	sadd.s32 $0x20, s18;
	s14 =	sor.u32 $0x2000, s31;
	[tilespmem:s15+$0x810 ss:$0x81] =	vst.msk $0xffff, v1  }
.LBB1_3:
0x34: {  	v1 =	vld [tilespmem:s18+$0x0];
	p1 =	sne.s32 s17, $0x1FC;
	[tilespmem:s15+$0x0 ss:$0x81] =	vst.msk $0xffff, v0;
	s15 =	smov.u32 s17;
	s17 =	sadd.s32 $0x4, s17  }
.Ltmp3:
0x35: {  	v0 =	vld [tilespmem:s18+$0xFFFFFFF0];
	(pc) =	sbr.rel @p1 .LBB1_3-.Ltmp3, $4  }
0x36: {  	_ = 	snop  }
0x37: {  	s15 =	sshra.s32 s15, $0x2  }
0x38: {  	s15 =	sadd.s32 s15, s16  }
0x39: {  	s18 =	sadd.s32 $0x20, s18;
	[tilespmem:s15+$0x810 ss:$0x81] =	vst.msk $0xffff, v1  }
.Ltmp4:
0x3a: {  	_ = 	snop;
	(pc) =	sbr.rel .LBB1_4-.Ltmp4, $1  }
0x3b: {  	_ =	sdelay $0x3  }
.LBB1_6:
0x3c: {  	_ =	sfence.sel $0x180000  }
0x3d: {  	s2 =	simm.s32 $0x1;
	[bflag:$0x0] =	sbarrier.arrive $0xFFFF  }
0x3e: {  	s31 =	simm.s32 $0x2;
	[sflag:s2] =	ssyncpa.u1 $0x1  }
0x3f: {  	[sflag:s31] =	ssyncpa.u1 $0x1  }
0x40: {  	p0 =	sne.s32 s0, $0x0;
	_ =	strace $0x9000004A  }
0x41: {  	s0 =	sadd.s32 @!p0 $0x100000, s1;
	[bflag:$0x2] =	sbarrier.arrive $0xFFFF  }
0x42: {  	[sflag:s0] =	ssyncadd.tile.s32 @!p0 $0x1;
	_ =	shalt  }
.Lfunc_end1:
_tile_overlayer_lowered:
.L_overlay_start_2:
0x43: {  	(tag) =	ssettag $0x2  }
0x44: {  	s0 =	rddreg [dreg:$0x0];
	s2 =	stileid.u32  }
0x45: {  	s1 =	rddreg [dreg:$0x1];
	p0 =	sne.s32 s2, $0x0  }
0x46: {  	s3 =	rddreg [dreg:$0x2];
	[bflag:$0x3] =	sbarrier.arrive $0xFFFF;
	s2 =	simm.s32 @!p0 $0x1C01  }
0x47: {  	[timem:s3], [sflag:s2] =	dma.local @!p0 [hbm:s0], s1  }
0x48: {  	s0 =	simm.s32 @!p0 $0x1  }
0x49: {  	_ =	swait.ge @!p0 [sflag:s0], s1  }
0x4a: {  	s1 =	ssub.s32 @!p0 $0x0, s1;
	[sflag:s0] =	ssyncset.done @!p0 $0x0  }
0x4b: {  	[sflag:s0] =	ssyncadd.s32 @!p0 s1  }
0x4c: {  	[bflag:$0x3] =	sbarrier.arrive $0xFFFF  }
0x4d: {  	_ =	shalt  }

</sc_bundles>
